<compile_context>
chip_gen: v7x
topology: tpu7x:2x2x1
jax: 0.10.2.dev20260603
libtpu: 0.0.44.dev20260713+nightly
codegen_flags: <defaults>
</compile_context>

<pallas_src>
import jax
import jax.numpy as jnp
import numpy as np
from jax import lax
from jax.experimental import pallas as pl
from jax.experimental.pallas import tpu as pltpu
from jax.experimental.pallas import tpu_sc as plsc

B, D, L = 16, 64, 4096
HEAD = 64
HPAD = 128
TAIL = L - HPAD
NC, NS = 2, 16
LANES = 16
SB = 8
RPW = 16
NBAND = RPW // 8

_ZTAIL = np.zeros((8, TAIL), np.float32)


def _heads_chunk(logits_v, schemas_v, starts_v, zone, iota):
    idxv = jnp.full((LANES,), zone, jnp.int32)
    nd = plsc.load_gather(schemas_v, [idxv])
    sd = plsc.load_gather(starts_v, [idxv])
    out = []
    for c4 in range(HEAD // LANES):
        j = iota + (c4 * LANES)
        m = j < nd
        gi = jnp.where(m, sd + j, 0)
        vals = plsc.load_gather(logits_v, [gi])
        out.append(jnp.where(m, vals, 0.0))
    return out


def _cumsum64(schemas_v, starts_v):
    carry = jnp.int32(0)
    for ci in range(D // LANES):
        seg = schemas_v[pl.ds(ci * LANES, LANES)]
        inc = plsc.cumsum(seg)
        starts_v[pl.ds(ci * LANES, LANES)] = inc - seg + carry
        carry = carry + jnp.sum(seg)


def _sc_body(schemas_hbm, logits_hbm, ztail_hbm, out_hbm, heads_hbm,
             logits_v, schemas_v, starts_v, logits2_v, schemas2_v, starts2_v,
             htile_v, hbuf2_v, zsem, sem):
    cid = lax.axis_index("c")
    sid = lax.axis_index("s")
    wid = sid * NC + cid
    b = wid // 4
    q = wid % 4
    r0 = q * RPW
    bs = b + SB

    pltpu.sync_copy(schemas_hbm.at[b], schemas_v)
    pltpu.sync_copy(logits_hbm.at[b], logits_v)
    tails = [
        pltpu.async_copy(
            ztail_hbm, out_hbm.at[b, pl.ds(r0 + 8 * t, 8), pl.ds(HPAD, TAIL)], zsem)
        for t in range(NBAND)
    ]
    pltpu.sync_copy(schemas_hbm.at[bs], schemas2_v)
    pltpu.sync_copy(logits_hbm.at[bs], logits2_v)

    zv = jnp.zeros((LANES,), jnp.float32)
    for buf in range(2):
        for r in range(8):
            for c4 in range(HEAD // LANES):
                htile_v[buf, r, pl.ds(HEAD + c4 * LANES, LANES)] = zv
    for i in range(RPW):
        for c4 in range(HEAD // LANES):
            hbuf2_v[pl.ds(i * HPAD + HEAD + c4 * LANES, LANES)] = zv

    _cumsum64(schemas_v, starts_v)
    _cumsum64(schemas2_v, starts2_v)

    iota = lax.iota(jnp.int32, LANES)
    heads = []
    for t in range(NBAND):
        buf = t % 2
        for r in range(8):
            qtr = _heads_chunk(logits_v, schemas_v, starts_v, r0 + t * 8 + r, iota)
            for c4, vals in enumerate(qtr):
                htile_v[buf, r, pl.ds(c4 * LANES, LANES)] = vals
        heads.append(pltpu.async_copy(
            htile_v.at[buf], out_hbm.at[b, pl.ds(r0 + 8 * t, 8), pl.ds(0, HPAD)],
            sem))
    for i in range(RPW):
        qtr = _heads_chunk(logits2_v, schemas2_v, starts2_v, r0 + i, iota)
        for c4, vals in enumerate(qtr):
            hbuf2_v[pl.ds(i * HPAD + c4 * LANES, LANES)] = vals
    pltpu.sync_copy(
        hbuf2_v, heads_hbm.at[pl.ds((b * D + r0) * HPAD, RPW * HPAD)])
    for cp in heads:
        cp.wait()
    for cp in tails:
        cp.wait()


def _tc_mask_body(schemas_ref, outm_ref):
    col = lax.broadcasted_iota(jnp.int32, (B, D, HPAD), 2)
    n = schemas_ref[...]
    outm_ref[...] = (col < n[:, :, None]).astype(jnp.int8)


def _tc_assemble_body(aliased_ref, heads_ref, outl_ref):
    del aliased_ref
    outl_ref[0, :, pl.ds(0, HPAD)] = heads_ref[0]
    outl_ref[0, :, pl.ds(HPAD, TAIL)] = jnp.zeros((D, TAIL), jnp.float32)


def kernel(schemas, logits):
    schemas = schemas.astype(jnp.int32)
    logits = logits.astype(jnp.float32)

    mesh = plsc.VectorSubcoreMesh(core_axis_name="c", subcore_axis_name="s",
                                  num_cores=NC, num_subcores=NS)
    sc_out = pl.kernel(
        _sc_body,
        out_type=[jax.ShapeDtypeStruct((B, D, L), jnp.float32),
                  jax.ShapeDtypeStruct(((B - SB) * D * HPAD,), jnp.float32)],
        mesh=mesh,
        compiler_params=pltpu.CompilerParams(use_tc_tiling_on_sc=True,
                                             needs_layout_passes=False),
        scratch_types=[
            pltpu.VMEM((L,), jnp.float32),
            pltpu.VMEM((D,), jnp.int32),
            pltpu.VMEM((D,), jnp.int32),
            pltpu.VMEM((L,), jnp.float32),
            pltpu.VMEM((D,), jnp.int32),
            pltpu.VMEM((D,), jnp.int32),
            pltpu.VMEM((2, 8, HPAD), jnp.float32),
            pltpu.VMEM((RPW * HPAD,), jnp.float32),
            pltpu.SemaphoreType.DMA,
            pltpu.SemaphoreType.DMA,
        ],
    )
    part_l, heads_hi = sc_out(schemas, logits, jnp.asarray(_ZTAIL))
    heads_hi = heads_hi.reshape(B - SB, D, HPAD)

    out_l = pl.pallas_call(
        _tc_assemble_body,
        grid=(B - SB,),
        in_specs=[
            pl.BlockSpec((1, D, HPAD), lambda i: (i + SB, 0, 0)),
            pl.BlockSpec((1, D, HPAD), lambda i: (i, 0, 0)),
        ],
        out_specs=pl.BlockSpec((1, D, L), lambda i: (i + SB, 0, 0)),
        out_shape=jax.ShapeDtypeStruct((B, D, L), jnp.float32),
        input_output_aliases={0: 0},
    )(part_l, heads_hi)

    mask_head = pl.pallas_call(
        _tc_mask_body,
        out_shape=jax.ShapeDtypeStruct((B, D, HPAD), jnp.int8),
    )(schemas)
    out_m = jnp.concatenate(
        [mask_head.astype(jnp.bool_),
         jnp.zeros((B, D, L - HPAD), jnp.bool_)], axis=-1)
    return out_l, out_m

# --- scband reference (transcript-rebuilt; emitter-appended) ---
"""Pipeline reference for scband-logit-separator-30992484008164 (READ-ONLY COPY).

The authoritative reference and input builder live on the scoring server;
editing this copy changes nothing except your own understanding.
"""

import jax, jax.numpy as jnp
import numpy as np


def setup_inputs(seed: int = 0) -> dict:
    key = jax.random.key(seed)
    k1, k2 = jax.random.split(key)
    schemas = jax.random.randint(k1, (16, 64), 0, 64)
    logits = jax.random.normal(k2, (16, 4096), dtype=jnp.float32)
    return {"schemas": schemas, "logits": logits}


def _compute_zone_edges(schemas):
    start_of_zone = jnp.cumsum(schemas, axis=-1)
    start_of_zone = jnp.roll(start_of_zone, 1, axis=-1)
    start_of_zone = start_of_zone.at[..., 0].set(0)
    end_of_zone = start_of_zone + schemas
    return start_of_zone, end_of_zone


def _create_separation_mask(schemas, logits):
    start_of_zone, end_of_zone = _compute_zone_edges(schemas)
    L = logits.shape[-1]
    logit_indices = jnp.arange(L)
    # shape (..., 1, L) broadcastable against (..., D, 1)
    logit_indices = logit_indices.reshape((1,) * (logits.ndim - 1) + (1, L))
    start_e = start_of_zone[..., :, None]
    end_e = end_of_zone[..., :, None]
    mask = jnp.logical_and(logit_indices >= start_e, logit_indices < end_e)
    return mask


def reference(schemas, logits):
    separation_mask = _create_separation_mask(schemas, logits)
    sep_logits = logits[..., None, :] * separation_mask
    # torch.argsort(mask, descending=True, stable=True) == stable ascending argsort of -mask
    order = jnp.argsort(-separation_mask.astype(jnp.int32), axis=-1)
    sep_logits = jnp.take_along_axis(sep_logits, order, axis=-1)
    mask_out = jnp.take_along_axis(separation_mask, order, axis=-1)
    return (sep_logits, mask_out)

if __name__ == "__main__":
    import jax
    _d = setup_inputs()
    print(jax.jit(kernel)(*tuple(_d.values())))

</pallas_src>

<mosaic_0001>
#map = affine_map<(d0, d1) -> (0, 0)>
#map1 = affine_map<(d0, d1) -> (0, 0, 0)>
#map2 = affine_map<(d0, d1) -> (0)>
module attributes {stable_mosaic.version = 14 : i64} {
  func.func @_sc_body(%arg0: i32, %arg1: i32, %arg2: memref<16x64xi32, #tpu.memory_space<hbm>>, %arg3: memref<16x4096xf32, #tpu.memory_space<hbm>>, %arg4: memref<8x3968xf32, #tpu.memory_space<hbm>>, %arg5: memref<16x64x4096xf32, #tpu.memory_space<hbm>>, %arg6: memref<65536xf32, #tpu.memory_space<hbm>>, %arg7: memref<4096xf32, #tpu.memory_space<vmem>>, %arg8: memref<64xi32, #tpu.memory_space<vmem>>, %arg9: memref<64xi32, #tpu.memory_space<vmem>>, %arg10: memref<4096xf32, #tpu.memory_space<vmem>>, %arg11: memref<64xi32, #tpu.memory_space<vmem>>, %arg12: memref<64xi32, #tpu.memory_space<vmem>>, %arg13: memref<2x8x128xf32, #tpu.memory_space<vmem>>, %arg14: memref<2048xf32, #tpu.memory_space<vmem>>, %arg15: memref<!tpu.dma_semaphore, #tpu.memory_space<semaphore_mem>>, %arg16: memref<!tpu.dma_semaphore, #tpu.memory_space<semaphore_mem>>) attributes {dimension_semantics = [#tpu.dimension_semantics<core_parallel>, #tpu.dimension_semantics<subcore_parallel>], iteration_bounds = array<i64: 2, 16>, scalar_prefetch = 0 : i64, scratch_operands = 10 : i64, tpu.core_type = #tpu.core_type<sc_vector_subcore>, window_params = [{transform_indices = #map}, {transform_indices = #map}, {transform_indices = #map}, {transform_indices = #map1}, {transform_indices = #map2}]} {
    %mul3A = arith.constant 2 : i32
    %mul3A_0 = arith.muli %arg1, %mul3A : i32
    %add3A = arith.addi %mul3A_0, %arg0 : i32
    %jit3A = arith.constant 4 : i32
    %div3A = arith.divsi %add3A, %jit3A : i32
    %sign3A = arith.constant 0 : i32
    %sign3A_1 = arith.cmpi sgt, %add3A, %sign3A : i32
    %sign3A_2 = arith.extui %sign3A_1 : i1 to i32
    %sign3A_3 = arith.constant 0 : i32
    %sign3A_4 = arith.cmpi slt, %add3A, %sign3A_3 : i32
    %sign3A_5 = arith.extui %sign3A_4 : i1 to i32
    %sign3A_6 = arith.subi %sign3A_2, %sign3A_5 : i32
    %sign3A_7 = arith.constant 0 : i32
    %sign3A_8 = arith.cmpi sgt, %jit3A, %sign3A_7 : i32
    %sign3A_9 = arith.extui %sign3A_8 : i1 to i32
    %sign3A_10 = arith.constant 0 : i32
    %sign3A_11 = arith.cmpi slt, %jit3A, %sign3A_10 : i32
    %sign3A_12 = arith.extui %sign3A_11 : i1 to i32
    %sign3A_13 = arith.subi %sign3A_9, %sign3A_12 : i32
    %ne3A = arith.cmpi ne, %sign3A_6, %sign3A_13 : i32
    %rem3A = arith.remsi %add3A, %jit3A : i32
    %ne3A_14 = arith.constant 0 : i32
    %ne3A_15 = arith.cmpi ne, %rem3A, %ne3A_14 : i32
    %and3A = arith.andi %ne3A, %ne3A_15 : i1
    %sub3A = arith.constant 1 : i32
    %sub3A_16 = arith.subi %div3A, %sub3A : i32
    %select_n3A = arith.select %and3A, %sub3A_16, %div3A : i32
    %jit3A_17 = arith.constant 4 : i32
    %eq3A = arith.constant 0 : i32
    %eq3A_18 = arith.cmpi eq, %jit3A_17, %eq3A : i32
    %jit3A_19 = arith.constant 1 : i32
    %select_n3A_20 = arith.select %eq3A_18, %jit3A_19, %jit3A_17 : i32
    %rem3A_21 = arith.remsi %add3A, %select_n3A_20 : i32
    %ne3A_22 = arith.constant 0 : i32
    %ne3A_23 = arith.cmpi ne, %rem3A_21, %ne3A_22 : i32
    %lt3A = arith.constant 0 : i32
    %lt3A_24 = arith.cmpi slt, %rem3A_21, %lt3A : i32
    %lt3A_25 = arith.constant 0 : i32
    %lt3A_26 = arith.cmpi slt, %select_n3A_20, %lt3A_25 : i32
    %ne3A_27 = arith.xori %lt3A_24, %lt3A_26 : i1
    %and3A_28 = arith.andi %ne3A_27, %ne3A_23 : i1
    %add3A_29 = arith.addi %rem3A_21, %select_n3A_20 : i32
    %select_n3A_30 = arith.select %and3A_28, %add3A_29, %rem3A_21 : i32
    %mul3A_31 = arith.constant 16 : i32
    %mul3A_32 = arith.muli %select_n3A_30, %mul3A_31 : i32
    %add3A_33 = arith.constant 8 : i32
    %add3A_34 = arith.addi %select_n3A, %add3A_33 : i32
    "tpu.region"() ({
      %run_scoped3A = tpu.sem_alloc : memref<!tpu.dma_semaphore, #tpu.memory_space<semaphore_mem>>
      %dma_start3A_2990 = arith.constant 0 : i32
      %dma_start3A_2991 = tpu.memref_slice %arg2[%select_n3A, %dma_start3A_2990] : memref<16x64xi32, #tpu.memory_space<hbm>> -> memref<1x64xi32, #tpu.memory_space<hbm>>
      %dma_start3A_2992 = tpu.memref_squeeze %dma_start3A_2991 : memref<1x64xi32, #tpu.memory_space<hbm>> -> memref<64xi32, #tpu.memory_space<hbm>>
      %dma_start3A_2993 = arith.constant 0 : i32
      %dma_start3A_2994 = tpu.memref_slice %arg2[%select_n3A, %dma_start3A_2993] : memref<16x64xi32, #tpu.memory_space<hbm>> -> memref<1x64xi32, #tpu.memory_space<hbm>>
      %dma_start3A_2995 = tpu.memref_squeeze %dma_start3A_2994 : memref<1x64xi32, #tpu.memory_space<hbm>> -> memref<64xi32, #tpu.memory_space<hbm>>
      tpu.enqueue_dma source(%dma_start3A_2995 : memref<64xi32, #tpu.memory_space<hbm>>) target(%arg8 : memref<64xi32, #tpu.memory_space<vmem>>) target_semaphore(%run_scoped3A : memref<!tpu.dma_semaphore, #tpu.memory_space<semaphore_mem>>)
      %dma_wait3A_2996 = arith.constant 0 : i32
      %dma_wait3A_2997 = tpu.memref_slice %arg2[%select_n3A, %dma_wait3A_2996] : memref<16x64xi32, #tpu.memory_space<hbm>> -> memref<1x64xi32, #tpu.memory_space<hbm>>
      %dma_wait3A_2998 = tpu.memref_squeeze %dma_wait3A_2997 : memref<1x64xi32, #tpu.memory_space<hbm>> -> memref<64xi32, #tpu.memory_space<hbm>>
      %dma_wait3A_2999 = arith.constant 0 : i32
      %dma_wait3A_3000 = tpu.memref_slice %arg2[%select_n3A, %dma_wait3A_2999] : memref<16x64xi32, #tpu.memory_space<hbm>> -> memref<1x64xi32, #tpu.memory_space<hbm>>
      %dma_wait3A_3001 = tpu.memref_squeeze %dma_wait3A_3000 : memref<1x64xi32, #tpu.memory_space<hbm>> -> memref<64xi32, #tpu.memory_space<hbm>>
      tpu.wait_dma2 semaphore(%run_scoped3A : memref<!tpu.dma_semaphore, #tpu.memory_space<semaphore_mem>>) src(%dma_wait3A_3001 : memref<64xi32, #tpu.memory_space<hbm>>) dst(%arg8 : memref<64xi32, #tpu.memory_space<vmem>>)
      tpu.yield
    }) : () -> ()
    "tpu.region"() ({
      %run_scoped3A = tpu.sem_alloc : memref<!tpu.dma_semaphore, #tpu.memory_space<semaphore_mem>>
      %dma_start3A_2990 = arith.constant 0 : i32
      %dma_start3A_2991 = tpu.memref_slice %arg3[%select_n3A, %dma_start3A_2990] : memref<16x4096xf32, #tpu.memory_space<hbm>> -> memref<1x4096xf32, #tpu.memory_space<hbm>>
      %dma_start3A_2992 = tpu.memref_squeeze %dma_start3A_2991 : memref<1x4096xf32, #tpu.memory_space<hbm>> -> memref<4096xf32, #tpu.memory_space<hbm>>
      %dma_start3A_2993 = arith.constant 0 : i32
      %dma_start3A_2994 = tpu.memref_slice %arg3[%select_n3A, %dma_start3A_2993] : memref<16x4096xf32, #tpu.memory_space<hbm>> -> memref<1x4096xf32, #tpu.memory_space<hbm>>
      %dma_start3A_2995 = tpu.memref_squeeze %dma_start3A_2994 : memref<1x4096xf32, #tpu.memory_space<hbm>> -> memref<4096xf32, #tpu.memory_space<hbm>>
      tpu.enqueue_dma source(%dma_start3A_2995 : memref<4096xf32, #tpu.memory_space<hbm>>) target(%arg7 : memref<4096xf32, #tpu.memory_space<vmem>>) target_semaphore(%run_scoped3A : memref<!tpu.dma_semaphore, #tpu.memory_space<semaphore_mem>>)
      %dma_wait3A_2996 = arith.constant 0 : i32
      %dma_wait3A_2997 = tpu.memref_slice %arg3[%select_n3A, %dma_wait3A_2996] : memref<16x4096xf32, #tpu.memory_space<hbm>> -> memref<1x4096xf32, #tpu.memory_space<hbm>>
      %dma_wait3A_2998 = tpu.memref_squeeze %dma_wait3A_2997 : memref<1x4096xf32, #tpu.memory_space<hbm>> -> memref<4096xf32, #tpu.memory_space<hbm>>
      %dma_wait3A_2999 = arith.constant 0 : i32
      %dma_wait3A_3000 = tpu.memref_slice %arg3[%select_n3A, %dma_wait3A_2999] : memref<16x4096xf32, #tpu.memory_space<hbm>> -> memref<1x4096xf32, #tpu.memory_space<hbm>>
      %dma_wait3A_3001 = tpu.memref_squeeze %dma_wait3A_3000 : memref<1x4096xf32, #tpu.memory_space<hbm>> -> memref<4096xf32, #tpu.memory_space<hbm>>
      tpu.wait_dma2 semaphore(%run_scoped3A : memref<!tpu.dma_semaphore, #tpu.memory_space<semaphore_mem>>) src(%dma_wait3A_3001 : memref<4096xf32, #tpu.memory_space<hbm>>) dst(%arg7 : memref<4096xf32, #tpu.memory_space<vmem>>)
      tpu.yield
    }) : () -> ()
    %add3A_35 = arith.constant 0 : i32
    %add3A_36 = arith.addi %mul3A_32, %add3A_35 : i32
    %dma_start3A = arith.constant 128 : i32
    %dma_start3A_37 = tpu.memref_slice %arg5[%select_n3A, %add3A_36, %dma_start3A] : memref<16x64x4096xf32, #tpu.memory_space<hbm>> -> memref<1x8x3968xf32, #tpu.memory_space<hbm>>
    %dma_start3A_38 = tpu.memref_squeeze %dma_start3A_37 : memref<1x8x3968xf32, #tpu.memory_space<hbm>> -> memref<8x3968xf32, #tpu.memory_space<hbm>>
    tpu.enqueue_dma source(%arg4 : memref<8x3968xf32, #tpu.memory_space<hbm>>) target(%dma_start3A_38 : memref<8x3968xf32, #tpu.memory_space<hbm>>) target_semaphore(%arg15 : memref<!tpu.dma_semaphore, #tpu.memory_space<semaphore_mem>>)
    %add3A_39 = arith.constant 8 : i32
    %add3A_40 = arith.addi %mul3A_32, %add3A_39 : i32
    %dma_start3A_41 = arith.constant 128 : i32
    %dma_start3A_42 = tpu.memref_slice %arg5[%select_n3A, %add3A_40, %dma_start3A_41] : memref<16x64x4096xf32, #tpu.memory_space<hbm>> -> memref<1x8x3968xf32, #tpu.memory_space<hbm>>
    %dma_start3A_43 = tpu.memref_squeeze %dma_start3A_42 : memref<1x8x3968xf32, #tpu.memory_space<hbm>> -> memref<8x3968xf32, #tpu.memory_space<hbm>>
    tpu.enqueue_dma source(%arg4 : memref<8x3968xf32, #tpu.memory_space<hbm>>) target(%dma_start3A_43 : memref<8x3968xf32, #tpu.memory_space<hbm>>) target_semaphore(%arg15 : memref<!tpu.dma_semaphore, #tpu.memory_space<semaphore_mem>>)
    "tpu.region"() ({
      %run_scoped3A = tpu.sem_alloc : memref<!tpu.dma_semaphore, #tpu.memory_space<semaphore_mem>>
      %dma_start3A_2990 = arith.constant 0 : i32
      %dma_start3A_2991 = tpu.memref_slice %arg2[%add3A_34, %dma_start3A_2990] : memref<16x64xi32, #tpu.memory_space<hbm>> -> memref<1x64xi32, #tpu.memory_space<hbm>>
      %dma_start3A_2992 = tpu.memref_squeeze %dma_start3A_2991 : memref<1x64xi32, #tpu.memory_space<hbm>> -> memref<64xi32, #tpu.memory_space<hbm>>
      %dma_start3A_2993 = arith.constant 0 : i32
      %dma_start3A_2994 = tpu.memref_slice %arg2[%add3A_34, %dma_start3A_2993] : memref<16x64xi32, #tpu.memory_space<hbm>> -> memref<1x64xi32, #tpu.memory_space<hbm>>
      %dma_start3A_2995 = tpu.memref_squeeze %dma_start3A_2994 : memref<1x64xi32, #tpu.memory_space<hbm>> -> memref<64xi32, #tpu.memory_space<hbm>>
      tpu.enqueue_dma source(%dma_start3A_2995 : memref<64xi32, #tpu.memory_space<hbm>>) target(%arg11 : memref<64xi32, #tpu.memory_space<vmem>>) target_semaphore(%run_scoped3A : memref<!tpu.dma_semaphore, #tpu.memory_space<semaphore_mem>>)
      %dma_wait3A_2996 = arith.constant 0 : i32
      %dma_wait3A_2997 = tpu.memref_slice %arg2[%add3A_34, %dma_wait3A_2996] : memref<16x64xi32, #tpu.memory_space<hbm>> -> memref<1x64xi32, #tpu.memory_space<hbm>>
      %dma_wait3A_2998 = tpu.memref_squeeze %dma_wait3A_2997 : memref<1x64xi32, #tpu.memory_space<hbm>> -> memref<64xi32, #tpu.memory_space<hbm>>
      %dma_wait3A_2999 = arith.constant 0 : i32
      %dma_wait3A_3000 = tpu.memref_slice %arg2[%add3A_34, %dma_wait3A_2999] : memref<16x64xi32, #tpu.memory_space<hbm>> -> memref<1x64xi32, #tpu.memory_space<hbm>>
      %dma_wait3A_3001 = tpu.memref_squeeze %dma_wait3A_3000 : memref<1x64xi32, #tpu.memory_space<hbm>> -> memref<64xi32, #tpu.memory_space<hbm>>
      tpu.wait_dma2 semaphore(%run_scoped3A : memref<!tpu.dma_semaphore, #tpu.memory_space<semaphore_mem>>) src(%dma_wait3A_3001 : memref<64xi32, #tpu.memory_space<hbm>>) dst(%arg11 : memref<64xi32, #tpu.memory_space<vmem>>)
      tpu.yield
    }) : () -> ()
    "tpu.region"() ({
      %run_scoped3A = tpu.sem_alloc : memref<!tpu.dma_semaphore, #tpu.memory_space<semaphore_mem>>
      %dma_start3A_2990 = arith.constant 0 : i32
      %dma_start3A_2991 = tpu.memref_slice %arg3[%add3A_34, %dma_start3A_2990] : memref<16x4096xf32, #tpu.memory_space<hbm>> -> memref<1x4096xf32, #tpu.memory_space<hbm>>
      %dma_start3A_2992 = tpu.memref_squeeze %dma_start3A_2991 : memref<1x4096xf32, #tpu.memory_space<hbm>> -> memref<4096xf32, #tpu.memory_space<hbm>>
      %dma_start3A_2993 = arith.constant 0 : i32
      %dma_start3A_2994 = tpu.memref_slice %arg3[%add3A_34, %dma_start3A_2993] : memref<16x4096xf32, #tpu.memory_space<hbm>> -> memref<1x4096xf32, #tpu.memory_space<hbm>>
      %dma_start3A_2995 = tpu.memref_squeeze %dma_start3A_2994 : memref<1x4096xf32, #tpu.memory_space<hbm>> -> memref<4096xf32, #tpu.memory_space<hbm>>
      tpu.enqueue_dma source(%dma_start3A_2995 : memref<4096xf32, #tpu.memory_space<hbm>>) target(%arg10 : memref<4096xf32, #tpu.memory_space<vmem>>) target_semaphore(%run_scoped3A : memref<!tpu.dma_semaphore, #tpu.memory_space<semaphore_mem>>)
      %dma_wait3A_2996 = arith.constant 0 : i32
      %dma_wait3A_2997 = tpu.memref_slice %arg3[%add3A_34, %dma_wait3A_2996] : memref<16x4096xf32, #tpu.memory_space<hbm>> -> memref<1x4096xf32, #tpu.memory_space<hbm>>
      %dma_wait3A_2998 = tpu.memref_squeeze %dma_wait3A_2997 : memref<1x4096xf32, #tpu.memory_space<hbm>> -> memref<4096xf32, #tpu.memory_space<hbm>>
      %dma_wait3A_2999 = arith.constant 0 : i32
      %dma_wait3A_3000 = tpu.memref_slice %arg3[%add3A_34, %dma_wait3A_2999] : memref<16x4096xf32, #tpu.memory_space<hbm>> -> memref<1x4096xf32, #tpu.memory_space<hbm>>
      %dma_wait3A_3001 = tpu.memref_squeeze %dma_wait3A_3000 : memref<1x4096xf32, #tpu.memory_space<hbm>> -> memref<4096xf32, #tpu.memory_space<hbm>>
      tpu.wait_dma2 semaphore(%run_scoped3A : memref<!tpu.dma_semaphore, #tpu.memory_space<semaphore_mem>>) src(%dma_wait3A_3001 : memref<4096xf32, #tpu.memory_space<hbm>>) dst(%arg10 : memref<4096xf32, #tpu.memory_space<vmem>>)
      tpu.yield
    }) : () -> ()
    %broadcast_in_dim3A = arith.constant 0.000000e+00 : f32
    %broadcast_in_dim3A_44 = vector.broadcast %broadcast_in_dim3A : f32 to vector<16xf32>
    %swap3A = arith.constant 0 : i32
    %swap3A_45 = arith.constant 0 : i32
    %swap3A_46 = arith.index_cast %swap3A : i32 to index
    %swap3A_47 = arith.index_cast %swap3A_45 : i32 to index
    %swap3A_48 = arith.constant 64 : index
    %swap3A_49 = tpu.vector_load %arg13[%swap3A_46, %swap3A_47, %swap3A_48] {strides = array<i32>} : memref<2x8x128xf32, #tpu.memory_space<vmem>>, vector<16xf32>,
    tpu.vector_store %arg13[%swap3A_46, %swap3A_47, %swap3A_48], %broadcast_in_dim3A_44 {strides = array<i32>} : memref<2x8x128xf32, #tpu.memory_space<vmem>>, vector<16xf32>,
    %swap3A_50 = arith.constant 0 : i32
    %swap3A_51 = arith.constant 0 : i32
    %swap3A_52 = arith.index_cast %swap3A_50 : i32 to index
    %swap3A_53 = arith.index_cast %swap3A_51 : i32 to index
    %swap3A_54 = arith.constant 80 : index
    %swap3A_55 = tpu.vector_load %arg13[%swap3A_52, %swap3A_53, %swap3A_54] {strides = array<i32>} : memref<2x8x128xf32, #tpu.memory_space<vmem>>, vector<16xf32>,
    tpu.vector_store %arg13[%swap3A_52, %swap3A_53, %swap3A_54], %broadcast_in_dim3A_44 {strides = array<i32>} : memref<2x8x128xf32, #tpu.memory_space<vmem>>, vector<16xf32>,
    %swap3A_56 = arith.constant 0 : i32
    %swap3A_57 = arith.constant 0 : i32
    %swap3A_58 = arith.index_cast %swap3A_56 : i32 to index
    %swap3A_59 = arith.index_cast %swap3A_57 : i32 to index
    %swap3A_60 = arith.constant 96 : index
    %swap3A_61 = tpu.vector_load %arg13[%swap3A_58, %swap3A_59, %swap3A_60] {strides = array<i32>} : memref<2x8x128xf32, #tpu.memory_space<vmem>>, vector<16xf32>,
    tpu.vector_store %arg13[%swap3A_58, %swap3A_59, %swap3A_60], %broadcast_in_dim3A_44 {strides = array<i32>} : memref<2x8x128xf32, #tpu.memory_space<vmem>>, vector<16xf32>,
    %swap3A_62 = arith.constant 0 : i32
    %swap3A_63 = arith.constant 0 : i32
    %swap3A_64 = arith.index_cast %swap3A_62 : i32 to index
    %swap3A_65 = arith.index_cast %swap3A_63 : i32 to index
    %swap3A_66 = arith.constant 112 : index
    %swap3A_67 = tpu.vector_load %arg13[%swap3A_64, %swap3A_65, %swap3A_66] {strides = array<i32>} : memref<2x8x128xf32, #tpu.memory_space<vmem>>, vector<16xf32>,
    tpu.vector_store %arg13[%swap3A_64, %swap3A_65, %swap3A_66], %broadcast_in_dim3A_44 {strides = array<i32>} : memref<2x8x128xf32, #tpu.memory_space<vmem>>, vector<16xf32>,
    %swap3A_68 = arith.constant 0 : i32
    %swap3A_69 = arith.constant 1 : i32
    %swap3A_70 = arith.index_cast %swap3A_68 : i32 to index
    %swap3A_71 = arith.index_cast %swap3A_69 : i32 to index
    %swap3A_72 = arith.constant 64 : index
    %swap3A_73 = tpu.vector_load %arg13[%swap3A_70, %swap3A_71, %swap3A_72] {strides = array<i32>} : memref<2x8x128xf32, #tpu.memory_space<vmem>>, vector<16xf32>,
    tpu.vector_store %arg13[%swap3A_70, %swap3A_71, %swap3A_72], %broadcast_in_dim3A_44 {strides = array<i32>} : memref<2x8x128xf32, #tpu.memory_space<vmem>>, vector<16xf32>,
    %swap3A_74 = arith.constant 0 : i32
    %swap3A_75 = arith.constant 1 : i32
    %swap3A_76 = arith.index_cast %swap3A_74 : i32 to index
    %swap3A_77 = arith.index_cast %swap3A_75 : i32 to index
    %swap3A_78 = arith.constant 80 : index
    %swap3A_79 = tpu.vector_load %arg13[%swap3A_76, %swap3A_77, %swap3A_78] {strides = array<i32>} : memref<2x8x128xf32, #tpu.memory_space<vmem>>, vector<16xf32>,
    tpu.vector_store %arg13[%swap3A_76, %swap3A_77, %swap3A_78], %broadcast_in_dim3A_44 {strides = array<i32>} : memref<2x8x128xf32, #tpu.memory_space<vmem>>, vector<16xf32>,
    %swap3A_80 = arith.constant 0 : i32
    %swap3A_81 = arith.constant 1 : i32
    %swap3A_82 = arith.index_cast %swap3A_80 : i32 to index
    %swap3A_83 = arith.index_cast %swap3A_81 : i32 to index
    %swap3A_84 = arith.constant 96 : index
    %swap3A_85 = tpu.vector_load %arg13[%swap3A_82, %swap3A_83, %swap3A_84] {strides = array<i32>} : memref<2x8x128xf32, #tpu.memory_space<vmem>>, vector<16xf32>,
    tpu.vector_store %arg13[%swap3A_82, %swap3A_83, %swap3A_84], %broadcast_in_dim3A_44 {strides = array<i32>} : memref<2x8x128xf32, #tpu.memory_space<vmem>>, vector<16xf32>,
    %swap3A_86 = arith.constant 0 : i32
    %swap3A_87 = arith.constant 1 : i32
    %swap3A_88 = arith.index_cast %swap3A_86 : i32 to index
    %swap3A_89 = arith.index_cast %swap3A_87 : i32 to index
    %swap3A_90 = arith.constant 112 : index
    %swap3A_91 = tpu.vector_load %arg13[%swap3A_88, %swap3A_89, %swap3A_90] {strides = array<i32>} : memref<2x8x128xf32, #tpu.memory_space<vmem>>, vector<16xf32>,
    tpu.vector_store %arg13[%swap3A_88, %swap3A_89, %swap3A_90], %broadcast_in_dim3A_44 {strides = array<i32>} : memref<2x8x128xf32, #tpu.memory_space<vmem>>, vector<16xf32>,
    %swap3A_92 = arith.constant 0 : i32
    %swap3A_93 = arith.constant 2 : i32
    %swap3A_94 = arith.index_cast %swap3A_92 : i32 to index
    %swap3A_95 = arith.index_cast %swap3A_93 : i32 to index
    %swap3A_96 = arith.constant 64 : index
    %swap3A_97 = tpu.vector_load %arg13[%swap3A_94, %swap3A_95, %swap3A_96] {strides = array<i32>} : memref<2x8x128xf32, #tpu.memory_space<vmem>>, vector<16xf32>,
    tpu.vector_store %arg13[%swap3A_94, %swap3A_95, %swap3A_96], %broadcast_in_dim3A_44 {strides = array<i32>} : memref<2x8x128xf32, #tpu.memory_space<vmem>>, vector<16xf32>,
    %swap3A_98 = arith.constant 0 : i32
    %swap3A_99 = arith.constant 2 : i32
    %swap3A_100 = arith.index_cast %swap3A_98 : i32 to index
    %swap3A_101 = arith.index_cast %swap3A_99 : i32 to index
    %swap3A_102 = arith.constant 80 : index
    %swap3A_103 = tpu.vector_load %arg13[%swap3A_100, %swap3A_101, %swap3A_102] {strides = array<i32>} : memref<2x8x128xf32, #tpu.memory_space<vmem>>, vector<16xf32>,
    tpu.vector_store %arg13[%swap3A_100, %swap3A_101, %swap3A_102], %broadcast_in_dim3A_44 {strides = array<i32>} : memref<2x8x128xf32, #tpu.memory_space<vmem>>, vector<16xf32>,
    %swap3A_104 = arith.constant 0 : i32
    %swap3A_105 = arith.constant 2 : i32
    %swap3A_106 = arith.index_cast %swap3A_104 : i32 to index
    %swap3A_107 = arith.index_cast %swap3A_105 : i32 to index
    %swap3A_108 = arith.constant 96 : index
    %swap3A_109 = tpu.vector_load %arg13[%swap3A_106, %swap3A_107, %swap3A_108] {strides = array<i32>} : memref<2x8x128xf32, #tpu.memory_space<vmem>>, vector<16xf32>,
    tpu.vector_store %arg13[%swap3A_106, %swap3A_107, %swap3A_108], %broadcast_in_dim3A_44 {strides = array<i32>} : memref<2x8x128xf32, #tpu.memory_space<vmem>>, vector<16xf32>,
    %swap3A_110 = arith.constant 0 : i32
    %swap3A_111 = arith.constant 2 : i32
    %swap3A_112 = arith.index_cast %swap3A_110 : i32 to index
    %swap3A_113 = arith.index_cast %swap3A_111 : i32 to index
    %swap3A_114 = arith.constant 112 : index
    %swap3A_115 = tpu.vector_load %arg13[%swap3A_112, %swap3A_113, %swap3A_114] {strides = array<i32>} : memref<2x8x128xf32, #tpu.memory_space<vmem>>, vector<16xf32>,
    tpu.vector_store %arg13[%swap3A_112, %swap3A_113, %swap3A_114], %broadcast_in_dim3A_44 {strides = array<i32>} : memref<2x8x128xf32, #tpu.memory_space<vmem>>, vector<16xf32>,
    %swap3A_116 = arith.constant 0 : i32
    %swap3A_117 = arith.constant 3 : i32
    %swap3A_118 = arith.index_cast %swap3A_116 : i32 to index
    %swap3A_119 = arith.index_cast %swap3A_117 : i32 to index
    %swap3A_120 = arith.constant 64 : index
    %swap3A_121 = tpu.vector_load %arg13[%swap3A_118, %swap3A_119, %swap3A_120] {strides = array<i32>} : memref<2x8x128xf32, #tpu.memory_space<vmem>>, vector<16xf32>,
    tpu.vector_store %arg13[%swap3A_118, %swap3A_119, %swap3A_120], %broadcast_in_dim3A_44 {strides = array<i32>} : memref<2x8x128xf32, #tpu.memory_space<vmem>>, vector<16xf32>,
    %swap3A_122 = arith.constant 0 : i32
    %swap3A_123 = arith.constant 3 : i32
    %swap3A_124 = arith.index_cast %swap3A_122 : i32 to index
    %swap3A_125 = arith.index_cast %swap3A_123 : i32 to index
    %swap3A_126 = arith.constant 80 : index
    %swap3A_127 = tpu.vector_load %arg13[%swap3A_124, %swap3A_125, %swap3A_126] {strides = array<i32>} : memref<2x8x128xf32, #tpu.memory_space<vmem>>, vector<16xf32>,
    tpu.vector_store %arg13[%swap3A_124, %swap3A_125, %swap3A_126], %broadcast_in_dim3A_44 {strides = array<i32>} : memref<2x8x128xf32, #tpu.memory_space<vmem>>, vector<16xf32>,
    %swap3A_128 = arith.constant 0 : i32
    %swap3A_129 = arith.constant 3 : i32
    %swap3A_130 = arith.index_cast %swap3A_128 : i32 to index
    %swap3A_131 = arith.index_cast %swap3A_129 : i32 to index
    %swap3A_132 = arith.constant 96 : index
    %swap3A_133 = tpu.vector_load %arg13[%swap3A_130, %swap3A_131, %swap3A_132] {strides = array<i32>} : memref<2x8x128xf32, #tpu.memory_space<vmem>>, vector<16xf32>,
    tpu.vector_store %arg13[%swap3A_130, %swap3A_131, %swap3A_132], %broadcast_in_dim3A_44 {strides = array<i32>} : memref<2x8x128xf32, #tpu.memory_space<vmem>>, vector<16xf32>,
    %swap3A_134 = arith.constant 0 : i32
    %swap3A_135 = arith.constant 3 : i32
    %swap3A_136 = arith.index_cast %swap3A_134 : i32 to index
    %swap3A_137 = arith.index_cast %swap3A_135 : i32 to index
    %swap3A_138 = arith.constant 112 : index
    %swap3A_139 = tpu.vector_load %arg13[%swap3A_136, %swap3A_137, %swap3A_138] {strides = array<i32>} : memref<2x8x128xf32, #tpu.memory_space<vmem>>, vector<16xf32>,
    tpu.vector_store %arg13[%swap3A_136, %swap3A_137, %swap3A_138], %broadcast_in_dim3A_44 {strides = array<i32>} : memref<2x8x128xf32, #tpu.memory_space<vmem>>, vector<16xf32>,
    %swap3A_140 = arith.constant 0 : i32
    %swap3A_141 = arith.constant 4 : i32
    %swap3A_142 = arith.index_cast %swap3A_140 : i32 to index
    %swap3A_143 = arith.index_cast %swap3A_141 : i32 to index
    %swap3A_144 = arith.constant 64 : index
    %swap3A_145 = tpu.vector_load %arg13[%swap3A_142, %swap3A_143, %swap3A_144] {strides = array<i32>} : memref<2x8x128xf32, #tpu.memory_space<vmem>>, vector<16xf32>,
    tpu.vector_store %arg13[%swap3A_142, %swap3A_143, %swap3A_144], %broadcast_in_dim3A_44 {strides = array<i32>} : memref<2x8x128xf32, #tpu.memory_space<vmem>>, vector<16xf32>,
    %swap3A_146 = arith.constant 0 : i32
    %swap3A_147 = arith.constant 4 : i32
    %swap3A_148 = arith.index_cast %swap3A_146 : i32 to index
    %swap3A_149 = arith.index_cast %swap3A_147 : i32 to index
    %swap3A_150 = arith.constant 80 : index
    %swap3A_151 = tpu.vector_load %arg13[%swap3A_148, %swap3A_149, %swap3A_150] {strides = array<i32>} : memref<2x8x128xf32, #tpu.memory_space<vmem>>, vector<16xf32>,
    tpu.vector_store %arg13[%swap3A_148, %swap3A_149, %swap3A_150], %broadcast_in_dim3A_44 {strides = array<i32>} : memref<2x8x128xf32, #tpu.memory_space<vmem>>, vector<16xf32>,
    %swap3A_152 = arith.constant 0 : i32
    %swap3A_153 = arith.constant 4 : i32
    %swap3A_154 = arith.index_cast %swap3A_152 : i32 to index
    %swap3A_155 = arith.index_cast %swap3A_153 : i32 to index
    %swap3A_156 = arith.constant 96 : index
    %swap3A_157 = tpu.vector_load %arg13[%swap3A_154, %swap3A_155, %swap3A_156] {strides = array<i32>} : memref<2x8x128xf32, #tpu.memory_space<vmem>>, vector<16xf32>,
    tpu.vector_store %arg13[%swap3A_154, %swap3A_155, %swap3A_156], %broadcast_in_dim3A_44 {strides = array<i32>} : memref<2x8x128xf32, #tpu.memory_space<vmem>>, vector<16xf32>,
    %swap3A_158 = arith.constant 0 : i32
    %swap3A_159 = arith.constant 4 : i32
    %swap3A_160 = arith.index_cast %swap3A_158 : i32 to index
    %swap3A_161 = arith.index_cast %swap3A_159 : i32 to index
    %swap3A_162 = arith.constant 112 : index
    %swap3A_163 = tpu.vector_load %arg13[%swap3A_160, %swap3A_161, %swap3A_162] {strides = array<i32>} : memref<2x8x128xf32, #tpu.memory_space<vmem>>, vector<16xf32>,
    tpu.vector_store %arg13[%swap3A_160, %swap3A_161, %swap3A_162], %broadcast_in_dim3A_44 {strides = array<i32>} : memref<2x8x128xf32, #tpu.memory_space<vmem>>, vector<16xf32>,
    %swap3A_164 = arith.constant 0 : i32
    %swap3A_165 = arith.constant 5 : i32
    %swap3A_166 = arith.index_cast %swap3A_164 : i32 to index
    %swap3A_167 = arith.index_cast %swap3A_165 : i32 to index
    %swap3A_168 = arith.constant 64 : index
    %swap3A_169 = tpu.vector_load %arg13[%swap3A_166, %swap3A_167, %swap3A_168] {strides = array<i32>} : memref<2x8x128xf32, #tpu.memory_space<vmem>>, vector<16xf32>,
    tpu.vector_store %arg13[%swap3A_166, %swap3A_167, %swap3A_168], %broadcast_in_dim3A_44 {strides = array<i32>} : memref<2x8x128xf32, #tpu.memory_space<vmem>>, vector<16xf32>,
    %swap3A_170 = arith.constant 0 : i32
    %swap3A_171 = arith.constant 5 : i32
    %swap3A_172 = arith.index_cast %swap3A_170 : i32 to index
    %swap3A_173 = arith.index_cast %swap3A_171 : i32 to index
    %swap3A_174 = arith.constant 80 : index
    %swap3A_175 = tpu.vector_load %arg13[%swap3A_172, %swap3A_173, %swap3A_174] {strides = array<i32>} : memref<2x8x128xf32, #tpu.memory_space<vmem>>, vector<16xf32>,
    tpu.vector_store %arg13[%swap3A_172, %swap3A_173, %swap3A_174], %broadcast_in_dim3A_44 {strides = array<i32>} : memref<2x8x128xf32, #tpu.memory_space<vmem>>, vector<16xf32>,
    %swap3A_176 = arith.constant 0 : i32
    %swap3A_177 = arith.constant 5 : i32
    %swap3A_178 = arith.index_cast %swap3A_176 : i32 to index
    %swap3A_179 = arith.index_cast %swap3A_177 : i32 to index
    %swap3A_180 = arith.constant 96 : index
    %swap3A_181 = tpu.vector_load %arg13[%swap3A_178, %swap3A_179, %swap3A_180] {strides = array<i32>} : memref<2x8x128xf32, #tpu.memory_space<vmem>>, vector<16xf32>,
    tpu.vector_store %arg13[%swap3A_178, %swap3A_179, %swap3A_180], %broadcast_in_dim3A_44 {strides = array<i32>} : memref<2x8x128xf32, #tpu.memory_space<vmem>>, vector<16xf32>,
    %swap3A_182 = arith.constant 0 : i32
    %swap3A_183 = arith.constant 5 : i32
    %swap3A_184 = arith.index_cast %swap3A_182 : i32 to index
    %swap3A_185 = arith.index_cast %swap3A_183 : i32 to index
    %swap3A_186 = arith.constant 112 : index
    %swap3A_187 = tpu.vector_load %arg13[%swap3A_184, %swap3A_185, %swap3A_186] {strides = array<i32>} : memref<2x8x128xf32, #tpu.memory_space<vmem>>, vector<16xf32>,
    tpu.vector_store %arg13[%swap3A_184, %swap3A_185, %swap3A_186], %broadcast_in_dim3A_44 {strides = array<i32>} : memref<2x8x128xf32, #tpu.memory_space<vmem>>, vector<16xf32>,
    %swap3A_188 = arith.constant 0 : i32
    %swap3A_189 = arith.constant 6 : i32
    %swap3A_190 = arith.index_cast %swap3A_188 : i32 to index
    %swap3A_191 = arith.index_cast %swap3A_189 : i32 to index
    %swap3A_192 = arith.constant 64 : index
    %swap3A_193 = tpu.vector_load %arg13[%swap3A_190, %swap3A_191, %swap3A_192] {strides = array<i32>} : memref<2x8x128xf32, #tpu.memory_space<vmem>>, vector<16xf32>,
    tpu.vector_store %arg13[%swap3A_190, %swap3A_191, %swap3A_192], %broadcast_in_dim3A_44 {strides = array<i32>} : memref<2x8x128xf32, #tpu.memory_space<vmem>>, vector<16xf32>,
    %swap3A_194 = arith.constant 0 : i32
    %swap3A_195 = arith.constant 6 : i32
    %swap3A_196 = arith.index_cast %swap3A_194 : i32 to index
    %swap3A_197 = arith.index_cast %swap3A_195 : i32 to index
    %swap3A_198 = arith.constant 80 : index
    %swap3A_199 = tpu.vector_load %arg13[%swap3A_196, %swap3A_197, %swap3A_198] {strides = array<i32>} : memref<2x8x128xf32, #tpu.memory_space<vmem>>, vector<16xf32>,
    tpu.vector_store %arg13[%swap3A_196, %swap3A_197, %swap3A_198], %broadcast_in_dim3A_44 {strides = array<i32>} : memref<2x8x128xf32, #tpu.memory_space<vmem>>, vector<16xf32>,
    %swap3A_200 = arith.constant 0 : i32
    %swap3A_201 = arith.constant 6 : i32
    %swap3A_202 = arith.index_cast %swap3A_200 : i32 to index
    %swap3A_203 = arith.index_cast %swap3A_201 : i32 to index
    %swap3A_204 = arith.constant 96 : index
    %swap3A_205 = tpu.vector_load %arg13[%swap3A_202, %swap3A_203, %swap3A_204] {strides = array<i32>} : memref<2x8x128xf32, #tpu.memory_space<vmem>>, vector<16xf32>,
    tpu.vector_store %arg13[%swap3A_202, %swap3A_203, %swap3A_204], %broadcast_in_dim3A_44 {strides = array<i32>} : memref<2x8x128xf32, #tpu.memory_space<vmem>>, vector<16xf32>,
    %swap3A_206 = arith.constant 0 : i32
    %swap3A_207 = arith.constant 6 : i32
    %swap3A_208 = arith.index_cast %swap3A_206 : i32 to index
    %swap3A_209 = arith.index_cast %swap3A_207 : i32 to index
    %swap3A_210 = arith.constant 112 : index
    %swap3A_211 = tpu.vector_load %arg13[%swap3A_208, %swap3A_209, %swap3A_210] {strides = array<i32>} : memref<2x8x128xf32, #tpu.memory_space<vmem>>, vector<16xf32>,
    tpu.vector_store %arg13[%swap3A_208, %swap3A_209, %swap3A_210], %broadcast_in_dim3A_44 {strides = array<i32>} : memref<2x8x128xf32, #tpu.memory_space<vmem>>, vector<16xf32>,
    %swap3A_212 = arith.constant 0 : i32
    %swap3A_213 = arith.constant 7 : i32
    %swap3A_214 = arith.index_cast %swap3A_212 : i32 to index
    %swap3A_215 = arith.index_cast %swap3A_213 : i32 to index
    %swap3A_216 = arith.constant 64 : index
    %swap3A_217 = tpu.vector_load %arg13[%swap3A_214, %swap3A_215, %swap3A_216] {strides = array<i32>} : memref<2x8x128xf32, #tpu.memory_space<vmem>>, vector<16xf32>,
    tpu.vector_store %arg13[%swap3A_214, %swap3A_215, %swap3A_216], %broadcast_in_dim3A_44 {strides = array<i32>} : memref<2x8x128xf32, #tpu.memory_space<vmem>>, vector<16xf32>,
    %swap3A_218 = arith.constant 0 : i32
    %swap3A_219 = arith.constant 7 : i32
    %swap3A_220 = arith.index_cast %swap3A_218 : i32 to index
    %swap3A_221 = arith.index_cast %swap3A_219 : i32 to index
    %swap3A_222 = arith.constant 80 : index
    %swap3A_223 = tpu.vector_load %arg13[%swap3A_220, %swap3A_221, %swap3A_222] {strides = array<i32>} : memref<2x8x128xf32, #tpu.memory_space<vmem>>, vector<16xf32>,
    tpu.vector_store %arg13[%swap3A_220, %swap3A_221, %swap3A_222], %broadcast_in_dim3A_44 {strides = array<i32>} : memref<2x8x128xf32, #tpu.memory_space<vmem>>, vector<16xf32>,
    %swap3A_224 = arith.constant 0 : i32
    %swap3A_225 = arith.constant 7 : i32
    %swap3A_226 = arith.index_cast %swap3A_224 : i32 to index
    %swap3A_227 = arith.index_cast %swap3A_225 : i32 to index
    %swap3A_228 = arith.constant 96 : index
    %swap3A_229 = tpu.vector_load %arg13[%swap3A_226, %swap3A_227, %swap3A_228] {strides = array<i32>} : memref<2x8x128xf32, #tpu.memory_space<vmem>>, vector<16xf32>,
    tpu.vector_store %arg13[%swap3A_226, %swap3A_227, %swap3A_228], %broadcast_in_dim3A_44 {strides = array<i32>} : memref<2x8x128xf32, #tpu.memory_space<vmem>>, vector<16xf32>,
    %swap3A_230 = arith.constant 0 : i32
    %swap3A_231 = arith.constant 7 : i32
    %swap3A_232 = arith.index_cast %swap3A_230 : i32 to index
    %swap3A_233 = arith.index_cast %swap3A_231 : i32 to index
    %swap3A_234 = arith.constant 112 : index
    %swap3A_235 = tpu.vector_load %arg13[%swap3A_232, %swap3A_233, %swap3A_234] {strides = array<i32>} : memref<2x8x128xf32, #tpu.memory_space<vmem>>, vector<16xf32>,
    tpu.vector_store %arg13[%swap3A_232, %swap3A_233, %swap3A_234], %broadcast_in_dim3A_44 {strides = array<i32>} : memref<2x8x128xf32, #tpu.memory_space<vmem>>, vector<16xf32>,
    %swap3A_236 = arith.constant 1 : i32
    %swap3A_237 = arith.constant 0 : i32
    %swap3A_238 = arith.index_cast %swap3A_236 : i32 to index
    %swap3A_239 = arith.index_cast %swap3A_237 : i32 to index
    %swap3A_240 = arith.constant 64 : index
    %swap3A_241 = tpu.vector_load %arg13[%swap3A_238, %swap3A_239, %swap3A_240] {strides = array<i32>} : memref<2x8x128xf32, #tpu.memory_space<vmem>>, vector<16xf32>,
    tpu.vector_store %arg13[%swap3A_238, %swap3A_239, %swap3A_240], %broadcast_in_dim3A_44 {strides = array<i32>} : memref<2x8x128xf32, #tpu.memory_space<vmem>>, vector<16xf32>,
    %swap3A_242 = arith.constant 1 : i32
    %swap3A_243 = arith.constant 0 : i32
    %swap3A_244 = arith.index_cast %swap3A_242 : i32 to index
    %swap3A_245 = arith.index_cast %swap3A_243 : i32 to index
    %swap3A_246 = arith.constant 80 : index
    %swap3A_247 = tpu.vector_load %arg13[%swap3A_244, %swap3A_245, %swap3A_246] {strides = array<i32>} : memref<2x8x128xf32, #tpu.memory_space<vmem>>, vector<16xf32>,
    tpu.vector_store %arg13[%swap3A_244, %swap3A_245, %swap3A_246], %broadcast_in_dim3A_44 {strides = array<i32>} : memref<2x8x128xf32, #tpu.memory_space<vmem>>, vector<16xf32>,
    %swap3A_248 = arith.constant 1 : i32
    %swap3A_249 = arith.constant 0 : i32
    %swap3A_250 = arith.index_cast %swap3A_248 : i32 to index
    %swap3A_251 = arith.index_cast %swap3A_249 : i32 to index
    %swap3A_252 = arith.constant 96 : index
    %swap3A_253 = tpu.vector_load %arg13[%swap3A_250, %swap3A_251, %swap3A_252] {strides = array<i32>} : memref<2x8x128xf32, #tpu.memory_space<vmem>>, vector<16xf32>,
    tpu.vector_store %arg13[%swap3A_250, %swap3A_251, %swap3A_252], %broadcast_in_dim3A_44 {strides = array<i32>} : memref<2x8x128xf32, #tpu.memory_space<vmem>>, vector<16xf32>,
    %swap3A_254 = arith.constant 1 : i32
    %swap3A_255 = arith.constant 0 : i32
    %swap3A_256 = arith.index_cast %swap3A_254 : i32 to index
    %swap3A_257 = arith.index_cast %swap3A_255 : i32 to index
    %swap3A_258 = arith.constant 112 : index
    %swap3A_259 = tpu.vector_load %arg13[%swap3A_256, %swap3A_257, %swap3A_258] {strides = array<i32>} : memref<2x8x128xf32, #tpu.memory_space<vmem>>, vector<16xf32>,
    tpu.vector_store %arg13[%swap3A_256, %swap3A_257, %swap3A_258], %broadcast_in_dim3A_44 {strides = array<i32>} : memref<2x8x128xf32, #tpu.memory_space<vmem>>, vector<16xf32>,
    %swap3A_260 = arith.constant 1 : i32
    %swap3A_261 = arith.constant 1 : i32
    %swap3A_262 = arith.index_cast %swap3A_260 : i32 to index
    %swap3A_263 = arith.index_cast %swap3A_261 : i32 to index
    %swap3A_264 = arith.constant 64 : index
    %swap3A_265 = tpu.vector_load %arg13[%swap3A_262, %swap3A_263, %swap3A_264] {strides = array<i32>} : memref<2x8x128xf32, #tpu.memory_space<vmem>>, vector<16xf32>,
    tpu.vector_store %arg13[%swap3A_262, %swap3A_263, %swap3A_264], %broadcast_in_dim3A_44 {strides = array<i32>} : memref<2x8x128xf32, #tpu.memory_space<vmem>>, vector<16xf32>,
    %swap3A_266 = arith.constant 1 : i32
    %swap3A_267 = arith.constant 1 : i32
    %swap3A_268 = arith.index_cast %swap3A_266 : i32 to index
    %swap3A_269 = arith.index_cast %swap3A_267 : i32 to index
    %swap3A_270 = arith.constant 80 : index
    %swap3A_271 = tpu.vector_load %arg13[%swap3A_268, %swap3A_269, %swap3A_270] {strides = array<i32>} : memref<2x8x128xf32, #tpu.memory_space<vmem>>, vector<16xf32>,
    tpu.vector_store %arg13[%swap3A_268, %swap3A_269, %swap3A_270], %broadcast_in_dim3A_44 {strides = array<i32>} : memref<2x8x128xf32, #tpu.memory_space<vmem>>, vector<16xf32>,
    %swap3A_272 = arith.constant 1 : i32
    %swap3A_273 = arith.constant 1 : i32
    %swap3A_274 = arith.index_cast %swap3A_272 : i32 to index
    %swap3A_275 = arith.index_cast %swap3A_273 : i32 to index
    %swap3A_276 = arith.constant 96 : index
    %swap3A_277 = tpu.vector_load %arg13[%swap3A_274, %swap3A_275, %swap3A_276] {strides = array<i32>} : memref<2x8x128xf32, #tpu.memory_space<vmem>>, vector<16xf32>,
    tpu.vector_store %arg13[%swap3A_274, %swap3A_275, %swap3A_276], %broadcast_in_dim3A_44 {strides = array<i32>} : memref<2x8x128xf32, #tpu.memory_space<vmem>>, vector<16xf32>,
    %swap3A_278 = arith.constant 1 : i32
    %swap3A_279 = arith.constant 1 : i32
    %swap3A_280 = arith.index_cast %swap3A_278 : i32 to index
    %swap3A_281 = arith.index_cast %swap3A_279 : i32 to index
    %swap3A_282 = arith.constant 112 : index
    %swap3A_283 = tpu.vector_load %arg13[%swap3A_280, %swap3A_281, %swap3A_282] {strides = array<i32>} : memref<2x8x128xf32, #tpu.memory_space<vmem>>, vector<16xf32>,
    tpu.vector_store %arg13[%swap3A_280, %swap3A_281, %swap3A_282], %broadcast_in_dim3A_44 {strides = array<i32>} : memref<2x8x128xf32, #tpu.memory_space<vmem>>, vector<16xf32>,
    %swap3A_284 = arith.constant 1 : i32
    %swap3A_285 = arith.constant 2 : i32
    %swap3A_286 = arith.index_cast %swap3A_284 : i32 to index
    %swap3A_287 = arith.index_cast %swap3A_285 : i32 to index
    %swap3A_288 = arith.constant 64 : index
    %swap3A_289 = tpu.vector_load %arg13[%swap3A_286, %swap3A_287, %swap3A_288] {strides = array<i32>} : memref<2x8x128xf32, #tpu.memory_space<vmem>>, vector<16xf32>,
    tpu.vector_store %arg13[%swap3A_286, %swap3A_287, %swap3A_288], %broadcast_in_dim3A_44 {strides = array<i32>} : memref<2x8x128xf32, #tpu.memory_space<vmem>>, vector<16xf32>,
    %swap3A_290 = arith.constant 1 : i32
    %swap3A_291 = arith.constant 2 : i32
    %swap3A_292 = arith.index_cast %swap3A_290 : i32 to index
    %swap3A_293 = arith.index_cast %swap3A_291 : i32 to index
    %swap3A_294 = arith.constant 80 : index
    %swap3A_295 = tpu.vector_load %arg13[%swap3A_292, %swap3A_293, %swap3A_294] {strides = array<i32>} : memref<2x8x128xf32, #tpu.memory_space<vmem>>, vector<16xf32>,
    tpu.vector_store %arg13[%swap3A_292, %swap3A_293, %swap3A_294], %broadcast_in_dim3A_44 {strides = array<i32>} : memref<2x8x128xf32, #tpu.memory_space<vmem>>, vector<16xf32>,
    %swap3A_296 = arith.constant 1 : i32
    %swap3A_297 = arith.constant 2 : i32
    %swap3A_298 = arith.index_cast %swap3A_296 : i32 to index
    %swap3A_299 = arith.index_cast %swap3A_297 : i32 to index
    %swap3A_300 = arith.constant 96 : index
    %swap3A_301 = tpu.vector_load %arg13[%swap3A_298, %swap3A_299, %swap3A_300] {strides = array<i32>} : memref<2x8x128xf32, #tpu.memory_space<vmem>>, vector<16xf32>,
    tpu.vector_store %arg13[%swap3A_298, %swap3A_299, %swap3A_300], %broadcast_in_dim3A_44 {strides = array<i32>} : memref<2x8x128xf32, #tpu.memory_space<vmem>>, vector<16xf32>,
    %swap3A_302 = arith.constant 1 : i32
    %swap3A_303 = arith.constant 2 : i32
    %swap3A_304 = arith.index_cast %swap3A_302 : i32 to index
    %swap3A_305 = arith.index_cast %swap3A_303 : i32 to index
    %swap3A_306 = arith.constant 112 : index
    %swap3A_307 = tpu.vector_load %arg13[%swap3A_304, %swap3A_305, %swap3A_306] {strides = array<i32>} : memref<2x8x128xf32, #tpu.memory_space<vmem>>, vector<16xf32>,
    tpu.vector_store %arg13[%swap3A_304, %swap3A_305, %swap3A_306], %broadcast_in_dim3A_44 {strides = array<i32>} : memref<2x8x128xf32, #tpu.memory_space<vmem>>, vector<16xf32>,
    %swap3A_308 = arith.constant 1 : i32
    %swap3A_309 = arith.constant 3 : i32
    %swap3A_310 = arith.index_cast %swap3A_308 : i32 to index
    %swap3A_311 = arith.index_cast %swap3A_309 : i32 to index
    %swap3A_312 = arith.constant 64 : index
    %swap3A_313 = tpu.vector_load %arg13[%swap3A_310, %swap3A_311, %swap3A_312] {strides = array<i32>} : memref<2x8x128xf32, #tpu.memory_space<vmem>>, vector<16xf32>,
    tpu.vector_store %arg13[%swap3A_310, %swap3A_311, %swap3A_312], %broadcast_in_dim3A_44 {strides = array<i32>} : memref<2x8x128xf32, #tpu.memory_space<vmem>>, vector<16xf32>,
    %swap3A_314 = arith.constant 1 : i32
    %swap3A_315 = arith.constant 3 : i32
    %swap3A_316 = arith.index_cast %swap3A_314 : i32 to index
    %swap3A_317 = arith.index_cast %swap3A_315 : i32 to index
    %swap3A_318 = arith.constant 80 : index
    %swap3A_319 = tpu.vector_load %arg13[%swap3A_316, %swap3A_317, %swap3A_318] {strides = array<i32>} : memref<2x8x128xf32, #tpu.memory_space<vmem>>, vector<16xf32>,
    tpu.vector_store %arg13[%swap3A_316, %swap3A_317, %swap3A_318], %broadcast_in_dim3A_44 {strides = array<i32>} : memref<2x8x128xf32, #tpu.memory_space<vmem>>, vector<16xf32>,
    %swap3A_320 = arith.constant 1 : i32
    %swap3A_321 = arith.constant 3 : i32
    %swap3A_322 = arith.index_cast %swap3A_320 : i32 to index
    %swap3A_323 = arith.index_cast %swap3A_321 : i32 to index
    %swap3A_324 = arith.constant 96 : index
    %swap3A_325 = tpu.vector_load %arg13[%swap3A_322, %swap3A_323, %swap3A_324] {strides = array<i32>} : memref<2x8x128xf32, #tpu.memory_space<vmem>>, vector<16xf32>,
    tpu.vector_store %arg13[%swap3A_322, %swap3A_323, %swap3A_324], %broadcast_in_dim3A_44 {strides = array<i32>} : memref<2x8x128xf32, #tpu.memory_space<vmem>>, vector<16xf32>,
    %swap3A_326 = arith.constant 1 : i32
    %swap3A_327 = arith.constant 3 : i32
    %swap3A_328 = arith.index_cast %swap3A_326 : i32 to index
    %swap3A_329 = arith.index_cast %swap3A_327 : i32 to index
    %swap3A_330 = arith.constant 112 : index
    %swap3A_331 = tpu.vector_load %arg13[%swap3A_328, %swap3A_329, %swap3A_330] {strides = array<i32>} : memref<2x8x128xf32, #tpu.memory_space<vmem>>, vector<16xf32>,
    tpu.vector_store %arg13[%swap3A_328, %swap3A_329, %swap3A_330], %broadcast_in_dim3A_44 {strides = array<i32>} : memref<2x8x128xf32, #tpu.memory_space<vmem>>, vector<16xf32>,
    %swap3A_332 = arith.constant 1 : i32
    %swap3A_333 = arith.constant 4 : i32
    %swap3A_334 = arith.index_cast %swap3A_332 : i32 to index
    %swap3A_335 = arith.index_cast %swap3A_333 : i32 to index
    %swap3A_336 = arith.constant 64 : index
    %swap3A_337 = tpu.vector_load %arg13[%swap3A_334, %swap3A_335, %swap3A_336] {strides = array<i32>} : memref<2x8x128xf32, #tpu.memory_space<vmem>>, vector<16xf32>,
    tpu.vector_store %arg13[%swap3A_334, %swap3A_335, %swap3A_336], %broadcast_in_dim3A_44 {strides = array<i32>} : memref<2x8x128xf32, #tpu.memory_space<vmem>>, vector<16xf32>,
    %swap3A_338 = arith.constant 1 : i32
    %swap3A_339 = arith.constant 4 : i32
    %swap3A_340 = arith.index_cast %swap3A_338 : i32 to index
    %swap3A_341 = arith.index_cast %swap3A_339 : i32 to index
    %swap3A_342 = arith.constant 80 : index
    %swap3A_343 = tpu.vector_load %arg13[%swap3A_340, %swap3A_341, %swap3A_342] {strides = array<i32>} : memref<2x8x128xf32, #tpu.memory_space<vmem>>, vector<16xf32>,
    tpu.vector_store %arg13[%swap3A_340, %swap3A_341, %swap3A_342], %broadcast_in_dim3A_44 {strides = array<i32>} : memref<2x8x128xf32, #tpu.memory_space<vmem>>, vector<16xf32>,
    %swap3A_344 = arith.constant 1 : i32
    %swap3A_345 = arith.constant 4 : i32
    %swap3A_346 = arith.index_cast %swap3A_344 : i32 to index
    %swap3A_347 = arith.index_cast %swap3A_345 : i32 to index
    %swap3A_348 = arith.constant 96 : index
    %swap3A_349 = tpu.vector_load %arg13[%swap3A_346, %swap3A_347, %swap3A_348] {strides = array<i32>} : memref<2x8x128xf32, #tpu.memory_space<vmem>>, vector<16xf32>,
    tpu.vector_store %arg13[%swap3A_346, %swap3A_347, %swap3A_348], %broadcast_in_dim3A_44 {strides = array<i32>} : memref<2x8x128xf32, #tpu.memory_space<vmem>>, vector<16xf32>,
    %swap3A_350 = arith.constant 1 : i32
    %swap3A_351 = arith.constant 4 : i32
    %swap3A_352 = arith.index_cast %swap3A_350 : i32 to index
    %swap3A_353 = arith.index_cast %swap3A_351 : i32 to index
    %swap3A_354 = arith.constant 112 : index
    %swap3A_355 = tpu.vector_load %arg13[%swap3A_352, %swap3A_353, %swap3A_354] {strides = array<i32>} : memref<2x8x128xf32, #tpu.memory_space<vmem>>, vector<16xf32>,
    tpu.vector_store %arg13[%swap3A_352, %swap3A_353, %swap3A_354], %broadcast_in_dim3A_44 {strides = array<i32>} : memref<2x8x128xf32, #tpu.memory_space<vmem>>, vector<16xf32>,
    %swap3A_356 = arith.constant 1 : i32
    %swap3A_357 = arith.constant 5 : i32
    %swap3A_358 = arith.index_cast %swap3A_356 : i32 to index
    %swap3A_359 = arith.index_cast %swap3A_357 : i32 to index
    %swap3A_360 = arith.constant 64 : index
    %swap3A_361 = tpu.vector_load %arg13[%swap3A_358, %swap3A_359, %swap3A_360] {strides = array<i32>} : memref<2x8x128xf32, #tpu.memory_space<vmem>>, vector<16xf32>,
    tpu.vector_store %arg13[%swap3A_358, %swap3A_359, %swap3A_360], %broadcast_in_dim3A_44 {strides = array<i32>} : memref<2x8x128xf32, #tpu.memory_space<vmem>>, vector<16xf32>,
    %swap3A_362 = arith.constant 1 : i32
    %swap3A_363 = arith.constant 5 : i32
    %swap3A_364 = arith.index_cast %swap3A_362 : i32 to index
    %swap3A_365 = arith.index_cast %swap3A_363 : i32 to index
    %swap3A_366 = arith.constant 80 : index
    %swap3A_367 = tpu.vector_load %arg13[%swap3A_364, %swap3A_365, %swap3A_366] {strides = array<i32>} : memref<2x8x128xf32, #tpu.memory_space<vmem>>, vector<16xf32>,
    tpu.vector_store %arg13[%swap3A_364, %swap3A_365, %swap3A_366], %broadcast_in_dim3A_44 {strides = array<i32>} : memref<2x8x128xf32, #tpu.memory_space<vmem>>, vector<16xf32>,
    %swap3A_368 = arith.constant 1 : i32
    %swap3A_369 = arith.constant 5 : i32
    %swap3A_370 = arith.index_cast %swap3A_368 : i32 to index
    %swap3A_371 = arith.index_cast %swap3A_369 : i32 to index
    %swap3A_372 = arith.constant 96 : index
    %swap3A_373 = tpu.vector_load %arg13[%swap3A_370, %swap3A_371, %swap3A_372] {strides = array<i32>} : memref<2x8x128xf32, #tpu.memory_space<vmem>>, vector<16xf32>,
    tpu.vector_store %arg13[%swap3A_370, %swap3A_371, %swap3A_372], %broadcast_in_dim3A_44 {strides = array<i32>} : memref<2x8x128xf32, #tpu.memory_space<vmem>>, vector<16xf32>,
    %swap3A_374 = arith.constant 1 : i32
    %swap3A_375 = arith.constant 5 : i32
    %swap3A_376 = arith.index_cast %swap3A_374 : i32 to index
    %swap3A_377 = arith.index_cast %swap3A_375 : i32 to index
    %swap3A_378 = arith.constant 112 : index
    %swap3A_379 = tpu.vector_load %arg13[%swap3A_376, %swap3A_377, %swap3A_378] {strides = array<i32>} : memref<2x8x128xf32, #tpu.memory_space<vmem>>, vector<16xf32>,
    tpu.vector_store %arg13[%swap3A_376, %swap3A_377, %swap3A_378], %broadcast_in_dim3A_44 {strides = array<i32>} : memref<2x8x128xf32, #tpu.memory_space<vmem>>, vector<16xf32>,
    %swap3A_380 = arith.constant 1 : i32
    %swap3A_381 = arith.constant 6 : i32
    %swap3A_382 = arith.index_cast %swap3A_380 : i32 to index
    %swap3A_383 = arith.index_cast %swap3A_381 : i32 to index
    %swap3A_384 = arith.constant 64 : index
    %swap3A_385 = tpu.vector_load %arg13[%swap3A_382, %swap3A_383, %swap3A_384] {strides = array<i32>} : memref<2x8x128xf32, #tpu.memory_space<vmem>>, vector<16xf32>,
    tpu.vector_store %arg13[%swap3A_382, %swap3A_383, %swap3A_384], %broadcast_in_dim3A_44 {strides = array<i32>} : memref<2x8x128xf32, #tpu.memory_space<vmem>>, vector<16xf32>,
    %swap3A_386 = arith.constant 1 : i32
    %swap3A_387 = arith.constant 6 : i32
    %swap3A_388 = arith.index_cast %swap3A_386 : i32 to index
    %swap3A_389 = arith.index_cast %swap3A_387 : i32 to index
    %swap3A_390 = arith.constant 80 : index
    %swap3A_391 = tpu.vector_load %arg13[%swap3A_388, %swap3A_389, %swap3A_390] {strides = array<i32>} : memref<2x8x128xf32, #tpu.memory_space<vmem>>, vector<16xf32>,
    tpu.vector_store %arg13[%swap3A_388, %swap3A_389, %swap3A_390], %broadcast_in_dim3A_44 {strides = array<i32>} : memref<2x8x128xf32, #tpu.memory_space<vmem>>, vector<16xf32>,
    %swap3A_392 = arith.constant 1 : i32
    %swap3A_393 = arith.constant 6 : i32
    %swap3A_394 = arith.index_cast %swap3A_392 : i32 to index
    %swap3A_395 = arith.index_cast %swap3A_393 : i32 to index
    %swap3A_396 = arith.constant 96 : index
    %swap3A_397 = tpu.vector_load %arg13[%swap3A_394, %swap3A_395, %swap3A_396] {strides = array<i32>} : memref<2x8x128xf32, #tpu.memory_space<vmem>>, vector<16xf32>,
    tpu.vector_store %arg13[%swap3A_394, %swap3A_395, %swap3A_396], %broadcast_in_dim3A_44 {strides = array<i32>} : memref<2x8x128xf32, #tpu.memory_space<vmem>>, vector<16xf32>,
    %swap3A_398 = arith.constant 1 : i32
    %swap3A_399 = arith.constant 6 : i32
    %swap3A_400 = arith.index_cast %swap3A_398 : i32 to index
    %swap3A_401 = arith.index_cast %swap3A_399 : i32 to index
    %swap3A_402 = arith.constant 112 : index
    %swap3A_403 = tpu.vector_load %arg13[%swap3A_400, %swap3A_401, %swap3A_402] {strides = array<i32>} : memref<2x8x128xf32, #tpu.memory_space<vmem>>, vector<16xf32>,
    tpu.vector_store %arg13[%swap3A_400, %swap3A_401, %swap3A_402], %broadcast_in_dim3A_44 {strides = array<i32>} : memref<2x8x128xf32, #tpu.memory_space<vmem>>, vector<16xf32>,
    %swap3A_404 = arith.constant 1 : i32
    %swap3A_405 = arith.constant 7 : i32
    %swap3A_406 = arith.index_cast %swap3A_404 : i32 to index
    %swap3A_407 = arith.index_cast %swap3A_405 : i32 to index
    %swap3A_408 = arith.constant 64 : index
    %swap3A_409 = tpu.vector_load %arg13[%swap3A_406, %swap3A_407, %swap3A_408] {strides = array<i32>} : memref<2x8x128xf32, #tpu.memory_space<vmem>>, vector<16xf32>,
    tpu.vector_store %arg13[%swap3A_406, %swap3A_407, %swap3A_408], %broadcast_in_dim3A_44 {strides = array<i32>} : memref<2x8x128xf32, #tpu.memory_space<vmem>>, vector<16xf32>,
    %swap3A_410 = arith.constant 1 : i32
    %swap3A_411 = arith.constant 7 : i32
    %swap3A_412 = arith.index_cast %swap3A_410 : i32 to index
    %swap3A_413 = arith.index_cast %swap3A_411 : i32 to index
    %swap3A_414 = arith.constant 80 : index
    %swap3A_415 = tpu.vector_load %arg13[%swap3A_412, %swap3A_413, %swap3A_414] {strides = array<i32>} : memref<2x8x128xf32, #tpu.memory_space<vmem>>, vector<16xf32>,
    tpu.vector_store %arg13[%swap3A_412, %swap3A_413, %swap3A_414], %broadcast_in_dim3A_44 {strides = array<i32>} : memref<2x8x128xf32, #tpu.memory_space<vmem>>, vector<16xf32>,
    %swap3A_416 = arith.constant 1 : i32
    %swap3A_417 = arith.constant 7 : i32
    %swap3A_418 = arith.index_cast %swap3A_416 : i32 to index
    %swap3A_419 = arith.index_cast %swap3A_417 : i32 to index
    %swap3A_420 = arith.constant 96 : index
    %swap3A_421 = tpu.vector_load %arg13[%swap3A_418, %swap3A_419, %swap3A_420] {strides = array<i32>} : memref<2x8x128xf32, #tpu.memory_space<vmem>>, vector<16xf32>,
    tpu.vector_store %arg13[%swap3A_418, %swap3A_419, %swap3A_420], %broadcast_in_dim3A_44 {strides = array<i32>} : memref<2x8x128xf32, #tpu.memory_space<vmem>>, vector<16xf32>,
    %swap3A_422 = arith.constant 1 : i32
    %swap3A_423 = arith.constant 7 : i32
    %swap3A_424 = arith.index_cast %swap3A_422 : i32 to index
    %swap3A_425 = arith.index_cast %swap3A_423 : i32 to index
    %swap3A_426 = arith.constant 112 : index
    %swap3A_427 = tpu.vector_load %arg13[%swap3A_424, %swap3A_425, %swap3A_426] {strides = array<i32>} : memref<2x8x128xf32, #tpu.memory_space<vmem>>, vector<16xf32>,
    tpu.vector_store %arg13[%swap3A_424, %swap3A_425, %swap3A_426], %broadcast_in_dim3A_44 {strides = array<i32>} : memref<2x8x128xf32, #tpu.memory_space<vmem>>, vector<16xf32>,
    %swap3A_428 = arith.constant 64 : index
    %swap3A_429 = tpu.vector_load %arg14[%swap3A_428] {strides = array<i32>} : memref<2048xf32, #tpu.memory_space<vmem>>, vector<16xf32>,
    tpu.vector_store %arg14[%swap3A_428], %broadcast_in_dim3A_44 {strides = array<i32>} : memref<2048xf32, #tpu.memory_space<vmem>>, vector<16xf32>,
    %swap3A_430 = arith.constant 80 : index
    %swap3A_431 = tpu.vector_load %arg14[%swap3A_430] {strides = array<i32>} : memref<2048xf32, #tpu.memory_space<vmem>>, vector<16xf32>,
    tpu.vector_store %arg14[%swap3A_430], %broadcast_in_dim3A_44 {strides = array<i32>} : memref<2048xf32, #tpu.memory_space<vmem>>, vector<16xf32>,
    %swap3A_432 = arith.constant 96 : index
    %swap3A_433 = tpu.vector_load %arg14[%swap3A_432] {strides = array<i32>} : memref<2048xf32, #tpu.memory_space<vmem>>, vector<16xf32>,
    tpu.vector_store %arg14[%swap3A_432], %broadcast_in_dim3A_44 {strides = array<i32>} : memref<2048xf32, #tpu.memory_space<vmem>>, vector<16xf32>,
    %swap3A_434 = arith.constant 112 : index
    %swap3A_435 = tpu.vector_load %arg14[%swap3A_434] {strides = array<i32>} : memref<2048xf32, #tpu.memory_space<vmem>>, vector<16xf32>,
    tpu.vector_store %arg14[%swap3A_434], %broadcast_in_dim3A_44 {strides = array<i32>} : memref<2048xf32, #tpu.memory_space<vmem>>, vector<16xf32>,
    %swap3A_436 = arith.constant 192 : index
    %swap3A_437 = tpu.vector_load %arg14[%swap3A_436] {strides = array<i32>} : memref<2048xf32, #tpu.memory_space<vmem>>, vector<16xf32>,
    tpu.vector_store %arg14[%swap3A_436], %broadcast_in_dim3A_44 {strides = array<i32>} : memref<2048xf32, #tpu.memory_space<vmem>>, vector<16xf32>,
    %swap3A_438 = arith.constant 208 : index
    %swap3A_439 = tpu.vector_load %arg14[%swap3A_438] {strides = array<i32>} : memref<2048xf32, #tpu.memory_space<vmem>>, vector<16xf32>,
    tpu.vector_store %arg14[%swap3A_438], %broadcast_in_dim3A_44 {strides = array<i32>} : memref<2048xf32, #tpu.memory_space<vmem>>, vector<16xf32>,
    %swap3A_440 = arith.constant 224 : index
    %swap3A_441 = tpu.vector_load %arg14[%swap3A_440] {strides = array<i32>} : memref<2048xf32, #tpu.memory_space<vmem>>, vector<16xf32>,
    tpu.vector_store %arg14[%swap3A_440], %broadcast_in_dim3A_44 {strides = array<i32>} : memref<2048xf32, #tpu.memory_space<vmem>>, vector<16xf32>,
    %swap3A_442 = arith.constant 240 : index
    %swap3A_443 = tpu.vector_load %arg14[%swap3A_442] {strides = array<i32>} : memref<2048xf32, #tpu.memory_space<vmem>>, vector<16xf32>,
    tpu.vector_store %arg14[%swap3A_442], %broadcast_in_dim3A_44 {strides = array<i32>} : memref<2048xf32, #tpu.memory_space<vmem>>, vector<16xf32>,
    %swap3A_444 = arith.constant 320 : index
    %swap3A_445 = tpu.vector_load %arg14[%swap3A_444] {strides = array<i32>} : memref<2048xf32, #tpu.memory_space<vmem>>, vector<16xf32>,
    tpu.vector_store %arg14[%swap3A_444], %broadcast_in_dim3A_44 {strides = array<i32>} : memref<2048xf32, #tpu.memory_space<vmem>>, vector<16xf32>,
    %swap3A_446 = arith.constant 336 : index
    %swap3A_447 = tpu.vector_load %arg14[%swap3A_446] {strides = array<i32>} : memref<2048xf32, #tpu.memory_space<vmem>>, vector<16xf32>,
    tpu.vector_store %arg14[%swap3A_446], %broadcast_in_dim3A_44 {strides = array<i32>} : memref<2048xf32, #tpu.memory_space<vmem>>, vector<16xf32>,
    %swap3A_448 = arith.constant 352 : index
    %swap3A_449 = tpu.vector_load %arg14[%swap3A_448] {strides = array<i32>} : memref<2048xf32, #tpu.memory_space<vmem>>, vector<16xf32>,
    tpu.vector_store %arg14[%swap3A_448], %broadcast_in_dim3A_44 {strides = array<i32>} : memref<2048xf32, #tpu.memory_space<vmem>>, vector<16xf32>,
    %swap3A_450 = arith.constant 368 : index
    %swap3A_451 = tpu.vector_load %arg14[%swap3A_450] {strides = array<i32>} : memref<2048xf32, #tpu.memory_space<vmem>>, vector<16xf32>,
    tpu.vector_store %arg14[%swap3A_450], %broadcast_in_dim3A_44 {strides = array<i32>} : memref<2048xf32, #tpu.memory_space<vmem>>, vector<16xf32>,
    %swap3A_452 = arith.constant 448 : index
    %swap3A_453 = tpu.vector_load %arg14[%swap3A_452] {strides = array<i32>} : memref<2048xf32, #tpu.memory_space<vmem>>, vector<16xf32>,
    tpu.vector_store %arg14[%swap3A_452], %broadcast_in_dim3A_44 {strides = array<i32>} : memref<2048xf32, #tpu.memory_space<vmem>>, vector<16xf32>,
    %swap3A_454 = arith.constant 464 : index
    %swap3A_455 = tpu.vector_load %arg14[%swap3A_454] {strides = array<i32>} : memref<2048xf32, #tpu.memory_space<vmem>>, vector<16xf32>,
    tpu.vector_store %arg14[%swap3A_454], %broadcast_in_dim3A_44 {strides = array<i32>} : memref<2048xf32, #tpu.memory_space<vmem>>, vector<16xf32>,
    %swap3A_456 = arith.constant 480 : index
    %swap3A_457 = tpu.vector_load %arg14[%swap3A_456] {strides = array<i32>} : memref<2048xf32, #tpu.memory_space<vmem>>, vector<16xf32>,
    tpu.vector_store %arg14[%swap3A_456], %broadcast_in_dim3A_44 {strides = array<i32>} : memref<2048xf32, #tpu.memory_space<vmem>>, vector<16xf32>,
    %swap3A_458 = arith.constant 496 : index
    %swap3A_459 = tpu.vector_load %arg14[%swap3A_458] {strides = array<i32>} : memref<2048xf32, #tpu.memory_space<vmem>>, vector<16xf32>,
    tpu.vector_store %arg14[%swap3A_458], %broadcast_in_dim3A_44 {strides = array<i32>} : memref<2048xf32, #tpu.memory_space<vmem>>, vector<16xf32>,
    %swap3A_460 = arith.constant 576 : index
    %swap3A_461 = tpu.vector_load %arg14[%swap3A_460] {strides = array<i32>} : memref<2048xf32, #tpu.memory_space<vmem>>, vector<16xf32>,
    tpu.vector_store %arg14[%swap3A_460], %broadcast_in_dim3A_44 {strides = array<i32>} : memref<2048xf32, #tpu.memory_space<vmem>>, vector<16xf32>,
    %swap3A_462 = arith.constant 592 : index
    %swap3A_463 = tpu.vector_load %arg14[%swap3A_462] {strides = array<i32>} : memref<2048xf32, #tpu.memory_space<vmem>>, vector<16xf32>,
    tpu.vector_store %arg14[%swap3A_462], %broadcast_in_dim3A_44 {strides = array<i32>} : memref<2048xf32, #tpu.memory_space<vmem>>, vector<16xf32>,
    %swap3A_464 = arith.constant 608 : index
    %swap3A_465 = tpu.vector_load %arg14[%swap3A_464] {strides = array<i32>} : memref<2048xf32, #tpu.memory_space<vmem>>, vector<16xf32>,
    tpu.vector_store %arg14[%swap3A_464], %broadcast_in_dim3A_44 {strides = array<i32>} : memref<2048xf32, #tpu.memory_space<vmem>>, vector<16xf32>,
    %swap3A_466 = arith.constant 624 : index
    %swap3A_467 = tpu.vector_load %arg14[%swap3A_466] {strides = array<i32>} : memref<2048xf32, #tpu.memory_space<vmem>>, vector<16xf32>,
    tpu.vector_store %arg14[%swap3A_466], %broadcast_in_dim3A_44 {strides = array<i32>} : memref<2048xf32, #tpu.memory_space<vmem>>, vector<16xf32>,
    %swap3A_468 = arith.constant 704 : index
    %swap3A_469 = tpu.vector_load %arg14[%swap3A_468] {strides = array<i32>} : memref<2048xf32, #tpu.memory_space<vmem>>, vector<16xf32>,
    tpu.vector_store %arg14[%swap3A_468], %broadcast_in_dim3A_44 {strides = array<i32>} : memref<2048xf32, #tpu.memory_space<vmem>>, vector<16xf32>,
    %swap3A_470 = arith.constant 720 : index
    %swap3A_471 = tpu.vector_load %arg14[%swap3A_470] {strides = array<i32>} : memref<2048xf32, #tpu.memory_space<vmem>>, vector<16xf32>,
    tpu.vector_store %arg14[%swap3A_470], %broadcast_in_dim3A_44 {strides = array<i32>} : memref<2048xf32, #tpu.memory_space<vmem>>, vector<16xf32>,
    %swap3A_472 = arith.constant 736 : index
    %swap3A_473 = tpu.vector_load %arg14[%swap3A_472] {strides = array<i32>} : memref<2048xf32, #tpu.memory_space<vmem>>, vector<16xf32>,
    tpu.vector_store %arg14[%swap3A_472], %broadcast_in_dim3A_44 {strides = array<i32>} : memref<2048xf32, #tpu.memory_space<vmem>>, vector<16xf32>,
    %swap3A_474 = arith.constant 752 : index
    %swap3A_475 = tpu.vector_load %arg14[%swap3A_474] {strides = array<i32>} : memref<2048xf32, #tpu.memory_space<vmem>>, vector<16xf32>,
    tpu.vector_store %arg14[%swap3A_474], %broadcast_in_dim3A_44 {strides = array<i32>} : memref<2048xf32, #tpu.memory_space<vmem>>, vector<16xf32>,
    %swap3A_476 = arith.constant 832 : index
    %swap3A_477 = tpu.vector_load %arg14[%swap3A_476] {strides = array<i32>} : memref<2048xf32, #tpu.memory_space<vmem>>, vector<16xf32>,
    tpu.vector_store %arg14[%swap3A_476], %broadcast_in_dim3A_44 {strides = array<i32>} : memref<2048xf32, #tpu.memory_space<vmem>>, vector<16xf32>,
    %swap3A_478 = arith.constant 848 : index
    %swap3A_479 = tpu.vector_load %arg14[%swap3A_478] {strides = array<i32>} : memref<2048xf32, #tpu.memory_space<vmem>>, vector<16xf32>,
    tpu.vector_store %arg14[%swap3A_478], %broadcast_in_dim3A_44 {strides = array<i32>} : memref<2048xf32, #tpu.memory_space<vmem>>, vector<16xf32>,
    %swap3A_480 = arith.constant 864 : index
    %swap3A_481 = tpu.vector_load %arg14[%swap3A_480] {strides = array<i32>} : memref<2048xf32, #tpu.memory_space<vmem>>, vector<16xf32>,
    tpu.vector_store %arg14[%swap3A_480], %broadcast_in_dim3A_44 {strides = array<i32>} : memref<2048xf32, #tpu.memory_space<vmem>>, vector<16xf32>,
    %swap3A_482 = arith.constant 880 : index
    %swap3A_483 = tpu.vector_load %arg14[%swap3A_482] {strides = array<i32>} : memref<2048xf32, #tpu.memory_space<vmem>>, vector<16xf32>,
    tpu.vector_store %arg14[%swap3A_482], %broadcast_in_dim3A_44 {strides = array<i32>} : memref<2048xf32, #tpu.memory_space<vmem>>, vector<16xf32>,
    %swap3A_484 = arith.constant 960 : index
    %swap3A_485 = tpu.vector_load %arg14[%swap3A_484] {strides = array<i32>} : memref<2048xf32, #tpu.memory_space<vmem>>, vector<16xf32>,
    tpu.vector_store %arg14[%swap3A_484], %broadcast_in_dim3A_44 {strides = array<i32>} : memref<2048xf32, #tpu.memory_space<vmem>>, vector<16xf32>,
    %swap3A_486 = arith.constant 976 : index
    %swap3A_487 = tpu.vector_load %arg14[%swap3A_486] {strides = array<i32>} : memref<2048xf32, #tpu.memory_space<vmem>>, vector<16xf32>,
    tpu.vector_store %arg14[%swap3A_486], %broadcast_in_dim3A_44 {strides = array<i32>} : memref<2048xf32, #tpu.memory_space<vmem>>, vector<16xf32>,
    %swap3A_488 = arith.constant 992 : index
    %swap3A_489 = tpu.vector_load %arg14[%swap3A_488] {strides = array<i32>} : memref<2048xf32, #tpu.memory_space<vmem>>, vector<16xf32>,
    tpu.vector_store %arg14[%swap3A_488], %broadcast_in_dim3A_44 {strides = array<i32>} : memref<2048xf32, #tpu.memory_space<vmem>>, vector<16xf32>,
    %swap3A_490 = arith.constant 1008 : index
    %swap3A_491 = tpu.vector_load %arg14[%swap3A_490] {strides = array<i32>} : memref<2048xf32, #tpu.memory_space<vmem>>, vector<16xf32>,
    tpu.vector_store %arg14[%swap3A_490], %broadcast_in_dim3A_44 {strides = array<i32>} : memref<2048xf32, #tpu.memory_space<vmem>>, vector<16xf32>,
    %swap3A_492 = arith.constant 1088 : index
    %swap3A_493 = tpu.vector_load %arg14[%swap3A_492] {strides = array<i32>} : memref<2048xf32, #tpu.memory_space<vmem>>, vector<16xf32>,
    tpu.vector_store %arg14[%swap3A_492], %broadcast_in_dim3A_44 {strides = array<i32>} : memref<2048xf32, #tpu.memory_space<vmem>>, vector<16xf32>,
    %swap3A_494 = arith.constant 1104 : index
    %swap3A_495 = tpu.vector_load %arg14[%swap3A_494] {strides = array<i32>} : memref<2048xf32, #tpu.memory_space<vmem>>, vector<16xf32>,
    tpu.vector_store %arg14[%swap3A_494], %broadcast_in_dim3A_44 {strides = array<i32>} : memref<2048xf32, #tpu.memory_space<vmem>>, vector<16xf32>,
    %swap3A_496 = arith.constant 1120 : index
    %swap3A_497 = tpu.vector_load %arg14[%swap3A_496] {strides = array<i32>} : memref<2048xf32, #tpu.memory_space<vmem>>, vector<16xf32>,
    tpu.vector_store %arg14[%swap3A_496], %broadcast_in_dim3A_44 {strides = array<i32>} : memref<2048xf32, #tpu.memory_space<vmem>>, vector<16xf32>,
    %swap3A_498 = arith.constant 1136 : index
    %swap3A_499 = tpu.vector_load %arg14[%swap3A_498] {strides = array<i32>} : memref<2048xf32, #tpu.memory_space<vmem>>, vector<16xf32>,
    tpu.vector_store %arg14[%swap3A_498], %broadcast_in_dim3A_44 {strides = array<i32>} : memref<2048xf32, #tpu.memory_space<vmem>>, vector<16xf32>,
    %swap3A_500 = arith.constant 1216 : index
    %swap3A_501 = tpu.vector_load %arg14[%swap3A_500] {strides = array<i32>} : memref<2048xf32, #tpu.memory_space<vmem>>, vector<16xf32>,
    tpu.vector_store %arg14[%swap3A_500], %broadcast_in_dim3A_44 {strides = array<i32>} : memref<2048xf32, #tpu.memory_space<vmem>>, vector<16xf32>,
    %swap3A_502 = arith.constant 1232 : index
    %swap3A_503 = tpu.vector_load %arg14[%swap3A_502] {strides = array<i32>} : memref<2048xf32, #tpu.memory_space<vmem>>, vector<16xf32>,
    tpu.vector_store %arg14[%swap3A_502], %broadcast_in_dim3A_44 {strides = array<i32>} : memref<2048xf32, #tpu.memory_space<vmem>>, vector<16xf32>,
    %swap3A_504 = arith.constant 1248 : index
    %swap3A_505 = tpu.vector_load %arg14[%swap3A_504] {strides = array<i32>} : memref<2048xf32, #tpu.memory_space<vmem>>, vector<16xf32>,
    tpu.vector_store %arg14[%swap3A_504], %broadcast_in_dim3A_44 {strides = array<i32>} : memref<2048xf32, #tpu.memory_space<vmem>>, vector<16xf32>,
    %swap3A_506 = arith.constant 1264 : index
    %swap3A_507 = tpu.vector_load %arg14[%swap3A_506] {strides = array<i32>} : memref<2048xf32, #tpu.memory_space<vmem>>, vector<16xf32>,
    tpu.vector_store %arg14[%swap3A_506], %broadcast_in_dim3A_44 {strides = array<i32>} : memref<2048xf32, #tpu.memory_space<vmem>>, vector<16xf32>,
    %swap3A_508 = arith.constant 1344 : index
    %swap3A_509 = tpu.vector_load %arg14[%swap3A_508] {strides = array<i32>} : memref<2048xf32, #tpu.memory_space<vmem>>, vector<16xf32>,
    tpu.vector_store %arg14[%swap3A_508], %broadcast_in_dim3A_44 {strides = array<i32>} : memref<2048xf32, #tpu.memory_space<vmem>>, vector<16xf32>,
    %swap3A_510 = arith.constant 1360 : index
    %swap3A_511 = tpu.vector_load %arg14[%swap3A_510] {strides = array<i32>} : memref<2048xf32, #tpu.memory_space<vmem>>, vector<16xf32>,
    tpu.vector_store %arg14[%swap3A_510], %broadcast_in_dim3A_44 {strides = array<i32>} : memref<2048xf32, #tpu.memory_space<vmem>>, vector<16xf32>,
    %swap3A_512 = arith.constant 1376 : index
    %swap3A_513 = tpu.vector_load %arg14[%swap3A_512] {strides = array<i32>} : memref<2048xf32, #tpu.memory_space<vmem>>, vector<16xf32>,
    tpu.vector_store %arg14[%swap3A_512], %broadcast_in_dim3A_44 {strides = array<i32>} : memref<2048xf32, #tpu.memory_space<vmem>>, vector<16xf32>,
    %swap3A_514 = arith.constant 1392 : index
    %swap3A_515 = tpu.vector_load %arg14[%swap3A_514] {strides = array<i32>} : memref<2048xf32, #tpu.memory_space<vmem>>, vector<16xf32>,
    tpu.vector_store %arg14[%swap3A_514], %broadcast_in_dim3A_44 {strides = array<i32>} : memref<2048xf32, #tpu.memory_space<vmem>>, vector<16xf32>,
    %swap3A_516 = arith.constant 1472 : index
    %swap3A_517 = tpu.vector_load %arg14[%swap3A_516] {strides = array<i32>} : memref<2048xf32, #tpu.memory_space<vmem>>, vector<16xf32>,
    tpu.vector_store %arg14[%swap3A_516], %broadcast_in_dim3A_44 {strides = array<i32>} : memref<2048xf32, #tpu.memory_space<vmem>>, vector<16xf32>,
    %swap3A_518 = arith.constant 1488 : index
    %swap3A_519 = tpu.vector_load %arg14[%swap3A_518] {strides = array<i32>} : memref<2048xf32, #tpu.memory_space<vmem>>, vector<16xf32>,
    tpu.vector_store %arg14[%swap3A_518], %broadcast_in_dim3A_44 {strides = array<i32>} : memref<2048xf32, #tpu.memory_space<vmem>>, vector<16xf32>,
    %swap3A_520 = arith.constant 1504 : index
    %swap3A_521 = tpu.vector_load %arg14[%swap3A_520] {strides = array<i32>} : memref<2048xf32, #tpu.memory_space<vmem>>, vector<16xf32>,
    tpu.vector_store %arg14[%swap3A_520], %broadcast_in_dim3A_44 {strides = array<i32>} : memref<2048xf32, #tpu.memory_space<vmem>>, vector<16xf32>,
    %swap3A_522 = arith.constant 1520 : index
    %swap3A_523 = tpu.vector_load %arg14[%swap3A_522] {strides = array<i32>} : memref<2048xf32, #tpu.memory_space<vmem>>, vector<16xf32>,
    tpu.vector_store %arg14[%swap3A_522], %broadcast_in_dim3A_44 {strides = array<i32>} : memref<2048xf32, #tpu.memory_space<vmem>>, vector<16xf32>,
    %swap3A_524 = arith.constant 1600 : index
    %swap3A_525 = tpu.vector_load %arg14[%swap3A_524] {strides = array<i32>} : memref<2048xf32, #tpu.memory_space<vmem>>, vector<16xf32>,
    tpu.vector_store %arg14[%swap3A_524], %broadcast_in_dim3A_44 {strides = array<i32>} : memref<2048xf32, #tpu.memory_space<vmem>>, vector<16xf32>,
    %swap3A_526 = arith.constant 1616 : index
    %swap3A_527 = tpu.vector_load %arg14[%swap3A_526] {strides = array<i32>} : memref<2048xf32, #tpu.memory_space<vmem>>, vector<16xf32>,
    tpu.vector_store %arg14[%swap3A_526], %broadcast_in_dim3A_44 {strides = array<i32>} : memref<2048xf32, #tpu.memory_space<vmem>>, vector<16xf32>,
    %swap3A_528 = arith.constant 1632 : index
    %swap3A_529 = tpu.vector_load %arg14[%swap3A_528] {strides = array<i32>} : memref<2048xf32, #tpu.memory_space<vmem>>, vector<16xf32>,
    tpu.vector_store %arg14[%swap3A_528], %broadcast_in_dim3A_44 {strides = array<i32>} : memref<2048xf32, #tpu.memory_space<vmem>>, vector<16xf32>,
    %swap3A_530 = arith.constant 1648 : index
    %swap3A_531 = tpu.vector_load %arg14[%swap3A_530] {strides = array<i32>} : memref<2048xf32, #tpu.memory_space<vmem>>, vector<16xf32>,
    tpu.vector_store %arg14[%swap3A_530], %broadcast_in_dim3A_44 {strides = array<i32>} : memref<2048xf32, #tpu.memory_space<vmem>>, vector<16xf32>,
    %swap3A_532 = arith.constant 1728 : index
    %swap3A_533 = tpu.vector_load %arg14[%swap3A_532] {strides = array<i32>} : memref<2048xf32, #tpu.memory_space<vmem>>, vector<16xf32>,
    tpu.vector_store %arg14[%swap3A_532], %broadcast_in_dim3A_44 {strides = array<i32>} : memref<2048xf32, #tpu.memory_space<vmem>>, vector<16xf32>,
    %swap3A_534 = arith.constant 1744 : index
    %swap3A_535 = tpu.vector_load %arg14[%swap3A_534] {strides = array<i32>} : memref<2048xf32, #tpu.memory_space<vmem>>, vector<16xf32>,
    tpu.vector_store %arg14[%swap3A_534], %broadcast_in_dim3A_44 {strides = array<i32>} : memref<2048xf32, #tpu.memory_space<vmem>>, vector<16xf32>,
    %swap3A_536 = arith.constant 1760 : index
    %swap3A_537 = tpu.vector_load %arg14[%swap3A_536] {strides = array<i32>} : memref<2048xf32, #tpu.memory_space<vmem>>, vector<16xf32>,
    tpu.vector_store %arg14[%swap3A_536], %broadcast_in_dim3A_44 {strides = array<i32>} : memref<2048xf32, #tpu.memory_space<vmem>>, vector<16xf32>,
    %swap3A_538 = arith.constant 1776 : index
    %swap3A_539 = tpu.vector_load %arg14[%swap3A_538] {strides = array<i32>} : memref<2048xf32, #tpu.memory_space<vmem>>, vector<16xf32>,
    tpu.vector_store %arg14[%swap3A_538], %broadcast_in_dim3A_44 {strides = array<i32>} : memref<2048xf32, #tpu.memory_space<vmem>>, vector<16xf32>,
    %swap3A_540 = arith.constant 1856 : index
    %swap3A_541 = tpu.vector_load %arg14[%swap3A_540] {strides = array<i32>} : memref<2048xf32, #tpu.memory_space<vmem>>, vector<16xf32>,
    tpu.vector_store %arg14[%swap3A_540], %broadcast_in_dim3A_44 {strides = array<i32>} : memref<2048xf32, #tpu.memory_space<vmem>>, vector<16xf32>,
    %swap3A_542 = arith.constant 1872 : index
    %swap3A_543 = tpu.vector_load %arg14[%swap3A_542] {strides = array<i32>} : memref<2048xf32, #tpu.memory_space<vmem>>, vector<16xf32>,
    tpu.vector_store %arg14[%swap3A_542], %broadcast_in_dim3A_44 {strides = array<i32>} : memref<2048xf32, #tpu.memory_space<vmem>>, vector<16xf32>,
    %swap3A_544 = arith.constant 1888 : index
    %swap3A_545 = tpu.vector_load %arg14[%swap3A_544] {strides = array<i32>} : memref<2048xf32, #tpu.memory_space<vmem>>, vector<16xf32>,
    tpu.vector_store %arg14[%swap3A_544], %broadcast_in_dim3A_44 {strides = array<i32>} : memref<2048xf32, #tpu.memory_space<vmem>>, vector<16xf32>,
    %swap3A_546 = arith.constant 1904 : index
    %swap3A_547 = tpu.vector_load %arg14[%swap3A_546] {strides = array<i32>} : memref<2048xf32, #tpu.memory_space<vmem>>, vector<16xf32>,
    tpu.vector_store %arg14[%swap3A_546], %broadcast_in_dim3A_44 {strides = array<i32>} : memref<2048xf32, #tpu.memory_space<vmem>>, vector<16xf32>,
    %swap3A_548 = arith.constant 1984 : index
    %swap3A_549 = tpu.vector_load %arg14[%swap3A_548] {strides = array<i32>} : memref<2048xf32, #tpu.memory_space<vmem>>, vector<16xf32>,
    tpu.vector_store %arg14[%swap3A_548], %broadcast_in_dim3A_44 {strides = array<i32>} : memref<2048xf32, #tpu.memory_space<vmem>>, vector<16xf32>,
    %swap3A_550 = arith.constant 2000 : index
    %swap3A_551 = tpu.vector_load %arg14[%swap3A_550] {strides = array<i32>} : memref<2048xf32, #tpu.memory_space<vmem>>, vector<16xf32>,
    tpu.vector_store %arg14[%swap3A_550], %broadcast_in_dim3A_44 {strides = array<i32>} : memref<2048xf32, #tpu.memory_space<vmem>>, vector<16xf32>,
    %swap3A_552 = arith.constant 2016 : index
    %swap3A_553 = tpu.vector_load %arg14[%swap3A_552] {strides = array<i32>} : memref<2048xf32, #tpu.memory_space<vmem>>, vector<16xf32>,
    tpu.vector_store %arg14[%swap3A_552], %broadcast_in_dim3A_44 {strides = array<i32>} : memref<2048xf32, #tpu.memory_space<vmem>>, vector<16xf32>,
    %swap3A_554 = arith.constant 2032 : index
    %swap3A_555 = tpu.vector_load %arg14[%swap3A_554] {strides = array<i32>} : memref<2048xf32, #tpu.memory_space<vmem>>, vector<16xf32>,
    tpu.vector_store %arg14[%swap3A_554], %broadcast_in_dim3A_44 {strides = array<i32>} : memref<2048xf32, #tpu.memory_space<vmem>>, vector<16xf32>,
    %get3A = arith.constant 0 : index
    %get3A_556 = tpu.vector_load %arg8[%get3A] {strides = array<i32>} : memref<64xi32, #tpu.memory_space<vmem>>, vector<16xi32>,
    %broadcast_in_dim3A_557 = arith.constant true
    %broadcast_in_dim3A_558 = vector.broadcast %broadcast_in_dim3A_557 : i1 to vector<16xi1>
    %masked_cumsum3A = tpu.scan <sum>, %get3A_556 masked %broadcast_in_dim3A_558 : vector<16xi32>, vector<16xi1> -> vector<16xi32>
    %sub3A_559 = arith.subi %masked_cumsum3A, %get3A_556 : vector<16xi32>
    %add3A_560 = arith.constant 0 : i32
    %add3A_561 = vector.broadcast %add3A_560 : i32 to vector<16xi32>
    %add3A_562 = arith.addi %sub3A_559, %add3A_561 : vector<16xi32>
    %swap3A_563 = arith.constant 0 : index
    %swap3A_564 = tpu.vector_load %arg9[%swap3A_563] {strides = array<i32>} : memref<64xi32, #tpu.memory_space<vmem>>, vector<16xi32>,
    tpu.vector_store %arg9[%swap3A_563], %add3A_562 {strides = array<i32>} : memref<64xi32, #tpu.memory_space<vmem>>, vector<16xi32>,
    %reduce_sum3A = arith.constant true
    %reduce_sum3A_565 = vector.broadcast %reduce_sum3A : i1 to vector<16xi1>
    %reduce_sum3A_566 = tpu.scan <sum>, %get3A_556 masked %reduce_sum3A_565 : vector<16xi32>, vector<16xi1> -> vector<16xi32>
    %reduce_sum3A_567 = vector.extract %reduce_sum3A_566[15] : i32 from vector<16xi32>
    %add3A_568 = arith.constant 0 : i32
    %add3A_569 = arith.addi %add3A_568, %reduce_sum3A_567 : i32
    %get3A_570 = arith.constant 16 : index
    %get3A_571 = tpu.vector_load %arg8[%get3A_570] {strides = array<i32>} : memref<64xi32, #tpu.memory_space<vmem>>, vector<16xi32>,
    %broadcast_in_dim3A_572 = arith.constant true
    %broadcast_in_dim3A_573 = vector.broadcast %broadcast_in_dim3A_572 : i1 to vector<16xi1>
    %masked_cumsum3A_574 = tpu.scan <sum>, %get3A_571 masked %broadcast_in_dim3A_573 : vector<16xi32>, vector<16xi1> -> vector<16xi32>
    %sub3A_575 = arith.subi %masked_cumsum3A_574, %get3A_571 : vector<16xi32>
    %add3A_576 = vector.broadcast %add3A_569 : i32 to vector<16xi32>
    %add3A_577 = arith.addi %sub3A_575, %add3A_576 : vector<16xi32>
    %swap3A_578 = arith.constant 16 : index
    %swap3A_579 = tpu.vector_load %arg9[%swap3A_578] {strides = array<i32>} : memref<64xi32, #tpu.memory_space<vmem>>, vector<16xi32>,
    tpu.vector_store %arg9[%swap3A_578], %add3A_577 {strides = array<i32>} : memref<64xi32, #tpu.memory_space<vmem>>, vector<16xi32>,
    %reduce_sum3A_580 = arith.constant true
    %reduce_sum3A_581 = vector.broadcast %reduce_sum3A_580 : i1 to vector<16xi1>
    %reduce_sum3A_582 = tpu.scan <sum>, %get3A_571 masked %reduce_sum3A_581 : vector<16xi32>, vector<16xi1> -> vector<16xi32>
    %reduce_sum3A_583 = vector.extract %reduce_sum3A_582[15] : i32 from vector<16xi32>
    %add3A_584 = arith.addi %add3A_569, %reduce_sum3A_583 : i32
    %get3A_585 = arith.constant 32 : index
    %get3A_586 = tpu.vector_load %arg8[%get3A_585] {strides = array<i32>} : memref<64xi32, #tpu.memory_space<vmem>>, vector<16xi32>,
    %broadcast_in_dim3A_587 = arith.constant true
    %broadcast_in_dim3A_588 = vector.broadcast %broadcast_in_dim3A_587 : i1 to vector<16xi1>
    %masked_cumsum3A_589 = tpu.scan <sum>, %get3A_586 masked %broadcast_in_dim3A_588 : vector<16xi32>, vector<16xi1> -> vector<16xi32>
    %sub3A_590 = arith.subi %masked_cumsum3A_589, %get3A_586 : vector<16xi32>
    %add3A_591 = vector.broadcast %add3A_584 : i32 to vector<16xi32>
    %add3A_592 = arith.addi %sub3A_590, %add3A_591 : vector<16xi32>
    %swap3A_593 = arith.constant 32 : index
    %swap3A_594 = tpu.vector_load %arg9[%swap3A_593] {strides = array<i32>} : memref<64xi32, #tpu.memory_space<vmem>>, vector<16xi32>,
    tpu.vector_store %arg9[%swap3A_593], %add3A_592 {strides = array<i32>} : memref<64xi32, #tpu.memory_space<vmem>>, vector<16xi32>,
    %reduce_sum3A_595 = arith.constant true
    %reduce_sum3A_596 = vector.broadcast %reduce_sum3A_595 : i1 to vector<16xi1>
    %reduce_sum3A_597 = tpu.scan <sum>, %get3A_586 masked %reduce_sum3A_596 : vector<16xi32>, vector<16xi1> -> vector<16xi32>
    %reduce_sum3A_598 = vector.extract %reduce_sum3A_597[15] : i32 from vector<16xi32>
    %add3A_599 = arith.addi %add3A_584, %reduce_sum3A_598 : i32
    %get3A_600 = arith.constant 48 : index
    %get3A_601 = tpu.vector_load %arg8[%get3A_600] {strides = array<i32>} : memref<64xi32, #tpu.memory_space<vmem>>, vector<16xi32>,
    %broadcast_in_dim3A_602 = arith.constant true
    %broadcast_in_dim3A_603 = vector.broadcast %broadcast_in_dim3A_602 : i1 to vector<16xi1>
    %masked_cumsum3A_604 = tpu.scan <sum>, %get3A_601 masked %broadcast_in_dim3A_603 : vector<16xi32>, vector<16xi1> -> vector<16xi32>
    %sub3A_605 = arith.subi %masked_cumsum3A_604, %get3A_601 : vector<16xi32>
    %add3A_606 = vector.broadcast %add3A_599 : i32 to vector<16xi32>
    %add3A_607 = arith.addi %sub3A_605, %add3A_606 : vector<16xi32>
    %swap3A_608 = arith.constant 48 : index
    %swap3A_609 = tpu.vector_load %arg9[%swap3A_608] {strides = array<i32>} : memref<64xi32, #tpu.memory_space<vmem>>, vector<16xi32>,
    tpu.vector_store %arg9[%swap3A_608], %add3A_607 {strides = array<i32>} : memref<64xi32, #tpu.memory_space<vmem>>, vector<16xi32>,
    %reduce_sum3A_610 = arith.constant true
    %reduce_sum3A_611 = vector.broadcast %reduce_sum3A_610 : i1 to vector<16xi1>
    %reduce_sum3A_612 = tpu.scan <sum>, %get3A_601 masked %reduce_sum3A_611 : vector<16xi32>, vector<16xi1> -> vector<16xi32>
    %reduce_sum3A_613 = vector.extract %reduce_sum3A_612[15] : i32 from vector<16xi32>
    %add3A_614 = arith.addi %add3A_599, %reduce_sum3A_613 : i32
    %get3A_615 = arith.constant 0 : index
    %get3A_616 = tpu.vector_load %arg11[%get3A_615] {strides = array<i32>} : memref<64xi32, #tpu.memory_space<vmem>>, vector<16xi32>,
    %broadcast_in_dim3A_617 = arith.constant true
    %broadcast_in_dim3A_618 = vector.broadcast %broadcast_in_dim3A_617 : i1 to vector<16xi1>
    %masked_cumsum3A_619 = tpu.scan <sum>, %get3A_616 masked %broadcast_in_dim3A_618 : vector<16xi32>, vector<16xi1> -> vector<16xi32>
    %sub3A_620 = arith.subi %masked_cumsum3A_619, %get3A_616 : vector<16xi32>
    %add3A_621 = arith.constant 0 : i32
    %add3A_622 = vector.broadcast %add3A_621 : i32 to vector<16xi32>
    %add3A_623 = arith.addi %sub3A_620, %add3A_622 : vector<16xi32>
    %swap3A_624 = arith.constant 0 : index
    %swap3A_625 = tpu.vector_load %arg12[%swap3A_624] {strides = array<i32>} : memref<64xi32, #tpu.memory_space<vmem>>, vector<16xi32>,
    tpu.vector_store %arg12[%swap3A_624], %add3A_623 {strides = array<i32>} : memref<64xi32, #tpu.memory_space<vmem>>, vector<16xi32>,
    %reduce_sum3A_626 = arith.constant true
    %reduce_sum3A_627 = vector.broadcast %reduce_sum3A_626 : i1 to vector<16xi1>
    %reduce_sum3A_628 = tpu.scan <sum>, %get3A_616 masked %reduce_sum3A_627 : vector<16xi32>, vector<16xi1> -> vector<16xi32>
    %reduce_sum3A_629 = vector.extract %reduce_sum3A_628[15] : i32 from vector<16xi32>
    %add3A_630 = arith.constant 0 : i32
    %add3A_631 = arith.addi %add3A_630, %reduce_sum3A_629 : i32
    %get3A_632 = arith.constant 16 : index
    %get3A_633 = tpu.vector_load %arg11[%get3A_632] {strides = array<i32>} : memref<64xi32, #tpu.memory_space<vmem>>, vector<16xi32>,
    %broadcast_in_dim3A_634 = arith.constant true
    %broadcast_in_dim3A_635 = vector.broadcast %broadcast_in_dim3A_634 : i1 to vector<16xi1>
    %masked_cumsum3A_636 = tpu.scan <sum>, %get3A_633 masked %broadcast_in_dim3A_635 : vector<16xi32>, vector<16xi1> -> vector<16xi32>
    %sub3A_637 = arith.subi %masked_cumsum3A_636, %get3A_633 : vector<16xi32>
    %add3A_638 = vector.broadcast %add3A_631 : i32 to vector<16xi32>
    %add3A_639 = arith.addi %sub3A_637, %add3A_638 : vector<16xi32>
    %swap3A_640 = arith.constant 16 : index
    %swap3A_641 = tpu.vector_load %arg12[%swap3A_640] {strides = array<i32>} : memref<64xi32, #tpu.memory_space<vmem>>, vector<16xi32>,
    tpu.vector_store %arg12[%swap3A_640], %add3A_639 {strides = array<i32>} : memref<64xi32, #tpu.memory_space<vmem>>, vector<16xi32>,
    %reduce_sum3A_642 = arith.constant true
    %reduce_sum3A_643 = vector.broadcast %reduce_sum3A_642 : i1 to vector<16xi1>
    %reduce_sum3A_644 = tpu.scan <sum>, %get3A_633 masked %reduce_sum3A_643 : vector<16xi32>, vector<16xi1> -> vector<16xi32>
    %reduce_sum3A_645 = vector.extract %reduce_sum3A_644[15] : i32 from vector<16xi32>
    %add3A_646 = arith.addi %add3A_631, %reduce_sum3A_645 : i32
    %get3A_647 = arith.constant 32 : index
    %get3A_648 = tpu.vector_load %arg11[%get3A_647] {strides = array<i32>} : memref<64xi32, #tpu.memory_space<vmem>>, vector<16xi32>,
    %broadcast_in_dim3A_649 = arith.constant true
    %broadcast_in_dim3A_650 = vector.broadcast %broadcast_in_dim3A_649 : i1 to vector<16xi1>
    %masked_cumsum3A_651 = tpu.scan <sum>, %get3A_648 masked %broadcast_in_dim3A_650 : vector<16xi32>, vector<16xi1> -> vector<16xi32>
    %sub3A_652 = arith.subi %masked_cumsum3A_651, %get3A_648 : vector<16xi32>
    %add3A_653 = vector.broadcast %add3A_646 : i32 to vector<16xi32>
    %add3A_654 = arith.addi %sub3A_652, %add3A_653 : vector<16xi32>
    %swap3A_655 = arith.constant 32 : index
    %swap3A_656 = tpu.vector_load %arg12[%swap3A_655] {strides = array<i32>} : memref<64xi32, #tpu.memory_space<vmem>>, vector<16xi32>,
    tpu.vector_store %arg12[%swap3A_655], %add3A_654 {strides = array<i32>} : memref<64xi32, #tpu.memory_space<vmem>>, vector<16xi32>,
    %reduce_sum3A_657 = arith.constant true
    %reduce_sum3A_658 = vector.broadcast %reduce_sum3A_657 : i1 to vector<16xi1>
    %reduce_sum3A_659 = tpu.scan <sum>, %get3A_648 masked %reduce_sum3A_658 : vector<16xi32>, vector<16xi1> -> vector<16xi32>
    %reduce_sum3A_660 = vector.extract %reduce_sum3A_659[15] : i32 from vector<16xi32>
    %add3A_661 = arith.addi %add3A_646, %reduce_sum3A_660 : i32
    %get3A_662 = arith.constant 48 : index
    %get3A_663 = tpu.vector_load %arg11[%get3A_662] {strides = array<i32>} : memref<64xi32, #tpu.memory_space<vmem>>, vector<16xi32>,
    %broadcast_in_dim3A_664 = arith.constant true
    %broadcast_in_dim3A_665 = vector.broadcast %broadcast_in_dim3A_664 : i1 to vector<16xi1>
    %masked_cumsum3A_666 = tpu.scan <sum>, %get3A_663 masked %broadcast_in_dim3A_665 : vector<16xi32>, vector<16xi1> -> vector<16xi32>
    %sub3A_667 = arith.subi %masked_cumsum3A_666, %get3A_663 : vector<16xi32>
    %add3A_668 = vector.broadcast %add3A_661 : i32 to vector<16xi32>
    %add3A_669 = arith.addi %sub3A_667, %add3A_668 : vector<16xi32>
    %swap3A_670 = arith.constant 48 : index
    %swap3A_671 = tpu.vector_load %arg12[%swap3A_670] {strides = array<i32>} : memref<64xi32, #tpu.memory_space<vmem>>, vector<16xi32>,
    tpu.vector_store %arg12[%swap3A_670], %add3A_669 {strides = array<i32>} : memref<64xi32, #tpu.memory_space<vmem>>, vector<16xi32>,
    %reduce_sum3A_672 = arith.constant true
    %reduce_sum3A_673 = vector.broadcast %reduce_sum3A_672 : i1 to vector<16xi1>
    %reduce_sum3A_674 = tpu.scan <sum>, %get3A_663 masked %reduce_sum3A_673 : vector<16xi32>, vector<16xi1> -> vector<16xi32>
    %reduce_sum3A_675 = vector.extract %reduce_sum3A_674[15] : i32 from vector<16xi32>
    %add3A_676 = arith.addi %add3A_661, %reduce_sum3A_675 : i32
    %iota3A = tpu.iota {dimensions = array<i32: 0>} : vector<16xi32>
    %add3A_677 = arith.constant 0 : i32
    %add3A_678 = arith.addi %mul3A_32, %add3A_677 : i32
    %add3A_679 = arith.constant 0 : i32
    %add3A_680 = arith.addi %add3A_678, %add3A_679 : i32
    %broadcast_in_dim3A_681 = vector.broadcast %add3A_680 : i32 to vector<16xi32>
    %gather3A = tpu.vector_load_idx %arg8[%broadcast_in_dim3A_681] : memref<64xi32, #tpu.memory_space<vmem>>[vector<16xi32>], vector<16xi32>,
    %gather3A_682 = tpu.vector_load_idx %arg9[%broadcast_in_dim3A_681] : memref<64xi32, #tpu.memory_space<vmem>>[vector<16xi32>], vector<16xi32>,
    %add3A_683 = arith.constant 0 : i32
    %add3A_684 = vector.broadcast %add3A_683 : i32 to vector<16xi32>
    %add3A_685 = arith.addi %iota3A, %add3A_684 : vector<16xi32>
    %lt3A_686 = arith.cmpi slt, %add3A_685, %gather3A : vector<16xi32>
    %add3A_687 = arith.addi %gather3A_682, %add3A_685 : vector<16xi32>
    %jit3A_688 = arith.constant 0 : i32
    %broadcast_in_dim3A_689 = vector.broadcast %jit3A_688 : i32 to vector<16xi32>
    %select_n3A_690 = arith.select %lt3A_686, %add3A_687, %broadcast_in_dim3A_689 : vector<16xi1>, vector<16xi32>
    %gather3A_691 = tpu.vector_load_idx %arg7[%select_n3A_690] : memref<4096xf32, #tpu.memory_space<vmem>>[vector<16xi32>], vector<16xf32>,
    %jit3A_692 = arith.constant 0.000000e+00 : f32
    %broadcast_in_dim3A_693 = vector.broadcast %jit3A_692 : f32 to vector<16xf32>
    %select_n3A_694 = arith.select %lt3A_686, %gather3A_691, %broadcast_in_dim3A_693 : vector<16xi1>, vector<16xf32>
    %add3A_695 = arith.constant 16 : i32
    %add3A_696 = vector.broadcast %add3A_695 : i32 to vector<16xi32>
    %add3A_697 = arith.addi %iota3A, %add3A_696 : vector<16xi32>
    %lt3A_698 = arith.cmpi slt, %add3A_697, %gather3A : vector<16xi32>
    %add3A_699 = arith.addi %gather3A_682, %add3A_697 : vector<16xi32>
    %jit3A_700 = arith.constant 0 : i32
    %broadcast_in_dim3A_701 = vector.broadcast %jit3A_700 : i32 to vector<16xi32>
    %select_n3A_702 = arith.select %lt3A_698, %add3A_699, %broadcast_in_dim3A_701 : vector<16xi1>, vector<16xi32>
    %gather3A_703 = tpu.vector_load_idx %arg7[%select_n3A_702] : memref<4096xf32, #tpu.memory_space<vmem>>[vector<16xi32>], vector<16xf32>,
    %jit3A_704 = arith.constant 0.000000e+00 : f32
    %broadcast_in_dim3A_705 = vector.broadcast %jit3A_704 : f32 to vector<16xf32>
    %select_n3A_706 = arith.select %lt3A_698, %gather3A_703, %broadcast_in_dim3A_705 : vector<16xi1>, vector<16xf32>
    %add3A_707 = arith.constant 32 : i32
    %add3A_708 = vector.broadcast %add3A_707 : i32 to vector<16xi32>
    %add3A_709 = arith.addi %iota3A, %add3A_708 : vector<16xi32>
    %lt3A_710 = arith.cmpi slt, %add3A_709, %gather3A : vector<16xi32>
    %add3A_711 = arith.addi %gather3A_682, %add3A_709 : vector<16xi32>
    %jit3A_712 = arith.constant 0 : i32
    %broadcast_in_dim3A_713 = vector.broadcast %jit3A_712 : i32 to vector<16xi32>
    %select_n3A_714 = arith.select %lt3A_710, %add3A_711, %broadcast_in_dim3A_713 : vector<16xi1>, vector<16xi32>
    %gather3A_715 = tpu.vector_load_idx %arg7[%select_n3A_714] : memref<4096xf32, #tpu.memory_space<vmem>>[vector<16xi32>], vector<16xf32>,
    %jit3A_716 = arith.constant 0.000000e+00 : f32
    %broadcast_in_dim3A_717 = vector.broadcast %jit3A_716 : f32 to vector<16xf32>
    %select_n3A_718 = arith.select %lt3A_710, %gather3A_715, %broadcast_in_dim3A_717 : vector<16xi1>, vector<16xf32>
    %add3A_719 = arith.constant 48 : i32
    %add3A_720 = vector.broadcast %add3A_719 : i32 to vector<16xi32>
    %add3A_721 = arith.addi %iota3A, %add3A_720 : vector<16xi32>
    %lt3A_722 = arith.cmpi slt, %add3A_721, %gather3A : vector<16xi32>
    %add3A_723 = arith.addi %gather3A_682, %add3A_721 : vector<16xi32>
    %jit3A_724 = arith.constant 0 : i32
    %broadcast_in_dim3A_725 = vector.broadcast %jit3A_724 : i32 to vector<16xi32>
    %select_n3A_726 = arith.select %lt3A_722, %add3A_723, %broadcast_in_dim3A_725 : vector<16xi1>, vector<16xi32>
    %gather3A_727 = tpu.vector_load_idx %arg7[%select_n3A_726] : memref<4096xf32, #tpu.memory_space<vmem>>[vector<16xi32>], vector<16xf32>,
    %jit3A_728 = arith.constant 0.000000e+00 : f32
    %broadcast_in_dim3A_729 = vector.broadcast %jit3A_728 : f32 to vector<16xf32>
    %select_n3A_730 = arith.select %lt3A_722, %gather3A_727, %broadcast_in_dim3A_729 : vector<16xi1>, vector<16xf32>
    %swap3A_731 = arith.constant 0 : i32
    %swap3A_732 = arith.constant 0 : i32
    %swap3A_733 = arith.index_cast %swap3A_731 : i32 to index
    %swap3A_734 = arith.index_cast %swap3A_732 : i32 to index
    %swap3A_735 = arith.constant 0 : index
    %swap3A_736 = tpu.vector_load %arg13[%swap3A_733, %swap3A_734, %swap3A_735] {strides = array<i32>} : memref<2x8x128xf32, #tpu.memory_space<vmem>>, vector<16xf32>,
    tpu.vector_store %arg13[%swap3A_733, %swap3A_734, %swap3A_735], %select_n3A_694 {strides = array<i32>} : memref<2x8x128xf32, #tpu.memory_space<vmem>>, vector<16xf32>,
    %swap3A_737 = arith.constant 0 : i32
    %swap3A_738 = arith.constant 0 : i32
    %swap3A_739 = arith.index_cast %swap3A_737 : i32 to index
    %swap3A_740 = arith.index_cast %swap3A_738 : i32 to index
    %swap3A_741 = arith.constant 16 : index
    %swap3A_742 = tpu.vector_load %arg13[%swap3A_739, %swap3A_740, %swap3A_741] {strides = array<i32>} : memref<2x8x128xf32, #tpu.memory_space<vmem>>, vector<16xf32>,
    tpu.vector_store %arg13[%swap3A_739, %swap3A_740, %swap3A_741], %select_n3A_706 {strides = array<i32>} : memref<2x8x128xf32, #tpu.memory_space<vmem>>, vector<16xf32>,
    %swap3A_743 = arith.constant 0 : i32
    %swap3A_744 = arith.constant 0 : i32
    %swap3A_745 = arith.index_cast %swap3A_743 : i32 to index
    %swap3A_746 = arith.index_cast %swap3A_744 : i32 to index
    %swap3A_747 = arith.constant 32 : index
    %swap3A_748 = tpu.vector_load %arg13[%swap3A_745, %swap3A_746, %swap3A_747] {strides = array<i32>} : memref<2x8x128xf32, #tpu.memory_space<vmem>>, vector<16xf32>,
    tpu.vector_store %arg13[%swap3A_745, %swap3A_746, %swap3A_747], %select_n3A_718 {strides = array<i32>} : memref<2x8x128xf32, #tpu.memory_space<vmem>>, vector<16xf32>,
    %swap3A_749 = arith.constant 0 : i32
    %swap3A_750 = arith.constant 0 : i32
    %swap3A_751 = arith.index_cast %swap3A_749 : i32 to index
    %swap3A_752 = arith.index_cast %swap3A_750 : i32 to index
    %swap3A_753 = arith.constant 48 : index
    %swap3A_754 = tpu.vector_load %arg13[%swap3A_751, %swap3A_752, %swap3A_753] {strides = array<i32>} : memref<2x8x128xf32, #tpu.memory_space<vmem>>, vector<16xf32>,
    tpu.vector_store %arg13[%swap3A_751, %swap3A_752, %swap3A_753], %select_n3A_730 {strides = array<i32>} : memref<2x8x128xf32, #tpu.memory_space<vmem>>, vector<16xf32>,
    %add3A_755 = arith.constant 0 : i32
    %add3A_756 = arith.addi %mul3A_32, %add3A_755 : i32
    %add3A_757 = arith.constant 1 : i32
    %add3A_758 = arith.addi %add3A_756, %add3A_757 : i32
    %broadcast_in_dim3A_759 = vector.broadcast %add3A_758 : i32 to vector<16xi32>
    %gather3A_760 = tpu.vector_load_idx %arg8[%broadcast_in_dim3A_759] : memref<64xi32, #tpu.memory_space<vmem>>[vector<16xi32>], vector<16xi32>,
    %gather3A_761 = tpu.vector_load_idx %arg9[%broadcast_in_dim3A_759] : memref<64xi32, #tpu.memory_space<vmem>>[vector<16xi32>], vector<16xi32>,
    %add3A_762 = arith.constant 0 : i32
    %add3A_763 = vector.broadcast %add3A_762 : i32 to vector<16xi32>
    %add3A_764 = arith.addi %iota3A, %add3A_763 : vector<16xi32>
    %lt3A_765 = arith.cmpi slt, %add3A_764, %gather3A_760 : vector<16xi32>
    %add3A_766 = arith.addi %gather3A_761, %add3A_764 : vector<16xi32>
    %jit3A_767 = arith.constant 0 : i32
    %broadcast_in_dim3A_768 = vector.broadcast %jit3A_767 : i32 to vector<16xi32>
    %select_n3A_769 = arith.select %lt3A_765, %add3A_766, %broadcast_in_dim3A_768 : vector<16xi1>, vector<16xi32>
    %gather3A_770 = tpu.vector_load_idx %arg7[%select_n3A_769] : memref<4096xf32, #tpu.memory_space<vmem>>[vector<16xi32>], vector<16xf32>,
    %jit3A_771 = arith.constant 0.000000e+00 : f32
    %broadcast_in_dim3A_772 = vector.broadcast %jit3A_771 : f32 to vector<16xf32>
    %select_n3A_773 = arith.select %lt3A_765, %gather3A_770, %broadcast_in_dim3A_772 : vector<16xi1>, vector<16xf32>
    %add3A_774 = arith.constant 16 : i32
    %add3A_775 = vector.broadcast %add3A_774 : i32 to vector<16xi32>
    %add3A_776 = arith.addi %iota3A, %add3A_775 : vector<16xi32>
    %lt3A_777 = arith.cmpi slt, %add3A_776, %gather3A_760 : vector<16xi32>
    %add3A_778 = arith.addi %gather3A_761, %add3A_776 : vector<16xi32>
    %jit3A_779 = arith.constant 0 : i32
    %broadcast_in_dim3A_780 = vector.broadcast %jit3A_779 : i32 to vector<16xi32>
    %select_n3A_781 = arith.select %lt3A_777, %add3A_778, %broadcast_in_dim3A_780 : vector<16xi1>, vector<16xi32>
    %gather3A_782 = tpu.vector_load_idx %arg7[%select_n3A_781] : memref<4096xf32, #tpu.memory_space<vmem>>[vector<16xi32>], vector<16xf32>,
    %jit3A_783 = arith.constant 0.000000e+00 : f32
    %broadcast_in_dim3A_784 = vector.broadcast %jit3A_783 : f32 to vector<16xf32>
    %select_n3A_785 = arith.select %lt3A_777, %gather3A_782, %broadcast_in_dim3A_784 : vector<16xi1>, vector<16xf32>
    %add3A_786 = arith.constant 32 : i32
    %add3A_787 = vector.broadcast %add3A_786 : i32 to vector<16xi32>
    %add3A_788 = arith.addi %iota3A, %add3A_787 : vector<16xi32>
    %lt3A_789 = arith.cmpi slt, %add3A_788, %gather3A_760 : vector<16xi32>
    %add3A_790 = arith.addi %gather3A_761, %add3A_788 : vector<16xi32>
    %jit3A_791 = arith.constant 0 : i32
    %broadcast_in_dim3A_792 = vector.broadcast %jit3A_791 : i32 to vector<16xi32>
    %select_n3A_793 = arith.select %lt3A_789, %add3A_790, %broadcast_in_dim3A_792 : vector<16xi1>, vector<16xi32>
    %gather3A_794 = tpu.vector_load_idx %arg7[%select_n3A_793] : memref<4096xf32, #tpu.memory_space<vmem>>[vector<16xi32>], vector<16xf32>,
    %jit3A_795 = arith.constant 0.000000e+00 : f32
    %broadcast_in_dim3A_796 = vector.broadcast %jit3A_795 : f32 to vector<16xf32>
    %select_n3A_797 = arith.select %lt3A_789, %gather3A_794, %broadcast_in_dim3A_796 : vector<16xi1>, vector<16xf32>
    %add3A_798 = arith.constant 48 : i32
    %add3A_799 = vector.broadcast %add3A_798 : i32 to vector<16xi32>
    %add3A_800 = arith.addi %iota3A, %add3A_799 : vector<16xi32>
    %lt3A_801 = arith.cmpi slt, %add3A_800, %gather3A_760 : vector<16xi32>
    %add3A_802 = arith.addi %gather3A_761, %add3A_800 : vector<16xi32>
    %jit3A_803 = arith.constant 0 : i32
    %broadcast_in_dim3A_804 = vector.broadcast %jit3A_803 : i32 to vector<16xi32>
    %select_n3A_805 = arith.select %lt3A_801, %add3A_802, %broadcast_in_dim3A_804 : vector<16xi1>, vector<16xi32>
    %gather3A_806 = tpu.vector_load_idx %arg7[%select_n3A_805] : memref<4096xf32, #tpu.memory_space<vmem>>[vector<16xi32>], vector<16xf32>,
    %jit3A_807 = arith.constant 0.000000e+00 : f32
    %broadcast_in_dim3A_808 = vector.broadcast %jit3A_807 : f32 to vector<16xf32>
    %select_n3A_809 = arith.select %lt3A_801, %gather3A_806, %broadcast_in_dim3A_808 : vector<16xi1>, vector<16xf32>
    %swap3A_810 = arith.constant 0 : i32
    %swap3A_811 = arith.constant 1 : i32
    %swap3A_812 = arith.index_cast %swap3A_810 : i32 to index
    %swap3A_813 = arith.index_cast %swap3A_811 : i32 to index
    %swap3A_814 = arith.constant 0 : index
    %swap3A_815 = tpu.vector_load %arg13[%swap3A_812, %swap3A_813, %swap3A_814] {strides = array<i32>} : memref<2x8x128xf32, #tpu.memory_space<vmem>>, vector<16xf32>,
    tpu.vector_store %arg13[%swap3A_812, %swap3A_813, %swap3A_814], %select_n3A_773 {strides = array<i32>} : memref<2x8x128xf32, #tpu.memory_space<vmem>>, vector<16xf32>,
    %swap3A_816 = arith.constant 0 : i32
    %swap3A_817 = arith.constant 1 : i32
    %swap3A_818 = arith.index_cast %swap3A_816 : i32 to index
    %swap3A_819 = arith.index_cast %swap3A_817 : i32 to index
    %swap3A_820 = arith.constant 16 : index
    %swap3A_821 = tpu.vector_load %arg13[%swap3A_818, %swap3A_819, %swap3A_820] {strides = array<i32>} : memref<2x8x128xf32, #tpu.memory_space<vmem>>, vector<16xf32>,
    tpu.vector_store %arg13[%swap3A_818, %swap3A_819, %swap3A_820], %select_n3A_785 {strides = array<i32>} : memref<2x8x128xf32, #tpu.memory_space<vmem>>, vector<16xf32>,
    %swap3A_822 = arith.constant 0 : i32
    %swap3A_823 = arith.constant 1 : i32
    %swap3A_824 = arith.index_cast %swap3A_822 : i32 to index
    %swap3A_825 = arith.index_cast %swap3A_823 : i32 to index
    %swap3A_826 = arith.constant 32 : index
    %swap3A_827 = tpu.vector_load %arg13[%swap3A_824, %swap3A_825, %swap3A_826] {strides = array<i32>} : memref<2x8x128xf32, #tpu.memory_space<vmem>>, vector<16xf32>,
    tpu.vector_store %arg13[%swap3A_824, %swap3A_825, %swap3A_826], %select_n3A_797 {strides = array<i32>} : memref<2x8x128xf32, #tpu.memory_space<vmem>>, vector<16xf32>,
    %swap3A_828 = arith.constant 0 : i32
    %swap3A_829 = arith.constant 1 : i32
    %swap3A_830 = arith.index_cast %swap3A_828 : i32 to index
    %swap3A_831 = arith.index_cast %swap3A_829 : i32 to index
    %swap3A_832 = arith.constant 48 : index
    %swap3A_833 = tpu.vector_load %arg13[%swap3A_830, %swap3A_831, %swap3A_832] {strides = array<i32>} : memref<2x8x128xf32, #tpu.memory_space<vmem>>, vector<16xf32>,
    tpu.vector_store %arg13[%swap3A_830, %swap3A_831, %swap3A_832], %select_n3A_809 {strides = array<i32>} : memref<2x8x128xf32, #tpu.memory_space<vmem>>, vector<16xf32>,
    %add3A_834 = arith.constant 0 : i32
    %add3A_835 = arith.addi %mul3A_32, %add3A_834 : i32
    %add3A_836 = arith.constant 2 : i32
    %add3A_837 = arith.addi %add3A_835, %add3A_836 : i32
    %broadcast_in_dim3A_838 = vector.broadcast %add3A_837 : i32 to vector<16xi32>
    %gather3A_839 = tpu.vector_load_idx %arg8[%broadcast_in_dim3A_838] : memref<64xi32, #tpu.memory_space<vmem>>[vector<16xi32>], vector<16xi32>,
    %gather3A_840 = tpu.vector_load_idx %arg9[%broadcast_in_dim3A_838] : memref<64xi32, #tpu.memory_space<vmem>>[vector<16xi32>], vector<16xi32>,
    %add3A_841 = arith.constant 0 : i32
    %add3A_842 = vector.broadcast %add3A_841 : i32 to vector<16xi32>
    %add3A_843 = arith.addi %iota3A, %add3A_842 : vector<16xi32>
    %lt3A_844 = arith.cmpi slt, %add3A_843, %gather3A_839 : vector<16xi32>
    %add3A_845 = arith.addi %gather3A_840, %add3A_843 : vector<16xi32>
    %jit3A_846 = arith.constant 0 : i32
    %broadcast_in_dim3A_847 = vector.broadcast %jit3A_846 : i32 to vector<16xi32>
    %select_n3A_848 = arith.select %lt3A_844, %add3A_845, %broadcast_in_dim3A_847 : vector<16xi1>, vector<16xi32>
    %gather3A_849 = tpu.vector_load_idx %arg7[%select_n3A_848] : memref<4096xf32, #tpu.memory_space<vmem>>[vector<16xi32>], vector<16xf32>,
    %jit3A_850 = arith.constant 0.000000e+00 : f32
    %broadcast_in_dim3A_851 = vector.broadcast %jit3A_850 : f32 to vector<16xf32>
    %select_n3A_852 = arith.select %lt3A_844, %gather3A_849, %broadcast_in_dim3A_851 : vector<16xi1>, vector<16xf32>
    %add3A_853 = arith.constant 16 : i32
    %add3A_854 = vector.broadcast %add3A_853 : i32 to vector<16xi32>
    %add3A_855 = arith.addi %iota3A, %add3A_854 : vector<16xi32>
    %lt3A_856 = arith.cmpi slt, %add3A_855, %gather3A_839 : vector<16xi32>
    %add3A_857 = arith.addi %gather3A_840, %add3A_855 : vector<16xi32>
    %jit3A_858 = arith.constant 0 : i32
    %broadcast_in_dim3A_859 = vector.broadcast %jit3A_858 : i32 to vector<16xi32>
    %select_n3A_860 = arith.select %lt3A_856, %add3A_857, %broadcast_in_dim3A_859 : vector<16xi1>, vector<16xi32>
    %gather3A_861 = tpu.vector_load_idx %arg7[%select_n3A_860] : memref<4096xf32, #tpu.memory_space<vmem>>[vector<16xi32>], vector<16xf32>,
    %jit3A_862 = arith.constant 0.000000e+00 : f32
    %broadcast_in_dim3A_863 = vector.broadcast %jit3A_862 : f32 to vector<16xf32>
    %select_n3A_864 = arith.select %lt3A_856, %gather3A_861, %broadcast_in_dim3A_863 : vector<16xi1>, vector<16xf32>
    %add3A_865 = arith.constant 32 : i32
    %add3A_866 = vector.broadcast %add3A_865 : i32 to vector<16xi32>
    %add3A_867 = arith.addi %iota3A, %add3A_866 : vector<16xi32>
    %lt3A_868 = arith.cmpi slt, %add3A_867, %gather3A_839 : vector<16xi32>
    %add3A_869 = arith.addi %gather3A_840, %add3A_867 : vector<16xi32>
    %jit3A_870 = arith.constant 0 : i32
    %broadcast_in_dim3A_871 = vector.broadcast %jit3A_870 : i32 to vector<16xi32>
    %select_n3A_872 = arith.select %lt3A_868, %add3A_869, %broadcast_in_dim3A_871 : vector<16xi1>, vector<16xi32>
    %gather3A_873 = tpu.vector_load_idx %arg7[%select_n3A_872] : memref<4096xf32, #tpu.memory_space<vmem>>[vector<16xi32>], vector<16xf32>,
    %jit3A_874 = arith.constant 0.000000e+00 : f32
    %broadcast_in_dim3A_875 = vector.broadcast %jit3A_874 : f32 to vector<16xf32>
    %select_n3A_876 = arith.select %lt3A_868, %gather3A_873, %broadcast_in_dim3A_875 : vector<16xi1>, vector<16xf32>
    %add3A_877 = arith.constant 48 : i32
    %add3A_878 = vector.broadcast %add3A_877 : i32 to vector<16xi32>
    %add3A_879 = arith.addi %iota3A, %add3A_878 : vector<16xi32>
    %lt3A_880 = arith.cmpi slt, %add3A_879, %gather3A_839 : vector<16xi32>
    %add3A_881 = arith.addi %gather3A_840, %add3A_879 : vector<16xi32>
    %jit3A_882 = arith.constant 0 : i32
    %broadcast_in_dim3A_883 = vector.broadcast %jit3A_882 : i32 to vector<16xi32>
    %select_n3A_884 = arith.select %lt3A_880, %add3A_881, %broadcast_in_dim3A_883 : vector<16xi1>, vector<16xi32>
    %gather3A_885 = tpu.vector_load_idx %arg7[%select_n3A_884] : memref<4096xf32, #tpu.memory_space<vmem>>[vector<16xi32>], vector<16xf32>,
    %jit3A_886 = arith.constant 0.000000e+00 : f32
    %broadcast_in_dim3A_887 = vector.broadcast %jit3A_886 : f32 to vector<16xf32>
    %select_n3A_888 = arith.select %lt3A_880, %gather3A_885, %broadcast_in_dim3A_887 : vector<16xi1>, vector<16xf32>
    %swap3A_889 = arith.constant 0 : i32
    %swap3A_890 = arith.constant 2 : i32
    %swap3A_891 = arith.index_cast %swap3A_889 : i32 to index
    %swap3A_892 = arith.index_cast %swap3A_890 : i32 to index
    %swap3A_893 = arith.constant 0 : index
    %swap3A_894 = tpu.vector_load %arg13[%swap3A_891, %swap3A_892, %swap3A_893] {strides = array<i32>} : memref<2x8x128xf32, #tpu.memory_space<vmem>>, vector<16xf32>,
    tpu.vector_store %arg13[%swap3A_891, %swap3A_892, %swap3A_893], %select_n3A_852 {strides = array<i32>} : memref<2x8x128xf32, #tpu.memory_space<vmem>>, vector<16xf32>,
    %swap3A_895 = arith.constant 0 : i32
    %swap3A_896 = arith.constant 2 : i32
    %swap3A_897 = arith.index_cast %swap3A_895 : i32 to index
    %swap3A_898 = arith.index_cast %swap3A_896 : i32 to index
    %swap3A_899 = arith.constant 16 : index
    %swap3A_900 = tpu.vector_load %arg13[%swap3A_897, %swap3A_898, %swap3A_899] {strides = array<i32>} : memref<2x8x128xf32, #tpu.memory_space<vmem>>, vector<16xf32>,
    tpu.vector_store %arg13[%swap3A_897, %swap3A_898, %swap3A_899], %select_n3A_864 {strides = array<i32>} : memref<2x8x128xf32, #tpu.memory_space<vmem>>, vector<16xf32>,
    %swap3A_901 = arith.constant 0 : i32
    %swap3A_902 = arith.constant 2 : i32
    %swap3A_903 = arith.index_cast %swap3A_901 : i32 to index
    %swap3A_904 = arith.index_cast %swap3A_902 : i32 to index
    %swap3A_905 = arith.constant 32 : index
    %swap3A_906 = tpu.vector_load %arg13[%swap3A_903, %swap3A_904, %swap3A_905] {strides = array<i32>} : memref<2x8x128xf32, #tpu.memory_space<vmem>>, vector<16xf32>,
    tpu.vector_store %arg13[%swap3A_903, %swap3A_904, %swap3A_905], %select_n3A_876 {strides = array<i32>} : memref<2x8x128xf32, #tpu.memory_space<vmem>>, vector<16xf32>,
    %swap3A_907 = arith.constant 0 : i32
    %swap3A_908 = arith.constant 2 : i32
    %swap3A_909 = arith.index_cast %swap3A_907 : i32 to index
    %swap3A_910 = arith.index_cast %swap3A_908 : i32 to index
    %swap3A_911 = arith.constant 48 : index
    %swap3A_912 = tpu.vector_load %arg13[%swap3A_909, %swap3A_910, %swap3A_911] {strides = array<i32>} : memref<2x8x128xf32, #tpu.memory_space<vmem>>, vector<16xf32>,
    tpu.vector_store %arg13[%swap3A_909, %swap3A_910, %swap3A_911], %select_n3A_888 {strides = array<i32>} : memref<2x8x128xf32, #tpu.memory_space<vmem>>, vector<16xf32>,
    %add3A_913 = arith.constant 0 : i32
    %add3A_914 = arith.addi %mul3A_32, %add3A_913 : i32
    %add3A_915 = arith.constant 3 : i32
    %add3A_916 = arith.addi %add3A_914, %add3A_915 : i32
    %broadcast_in_dim3A_917 = vector.broadcast %add3A_916 : i32 to vector<16xi32>
    %gather3A_918 = tpu.vector_load_idx %arg8[%broadcast_in_dim3A_917] : memref<64xi32, #tpu.memory_space<vmem>>[vector<16xi32>], vector<16xi32>,
    %gather3A_919 = tpu.vector_load_idx %arg9[%broadcast_in_dim3A_917] : memref<64xi32, #tpu.memory_space<vmem>>[vector<16xi32>], vector<16xi32>,
    %add3A_920 = arith.constant 0 : i32
    %add3A_921 = vector.broadcast %add3A_920 : i32 to vector<16xi32>
    %add3A_922 = arith.addi %iota3A, %add3A_921 : vector<16xi32>
    %lt3A_923 = arith.cmpi slt, %add3A_922, %gather3A_918 : vector<16xi32>
    %add3A_924 = arith.addi %gather3A_919, %add3A_922 : vector<16xi32>
    %jit3A_925 = arith.constant 0 : i32
    %broadcast_in_dim3A_926 = vector.broadcast %jit3A_925 : i32 to vector<16xi32>
    %select_n3A_927 = arith.select %lt3A_923, %add3A_924, %broadcast_in_dim3A_926 : vector<16xi1>, vector<16xi32>
    %gather3A_928 = tpu.vector_load_idx %arg7[%select_n3A_927] : memref<4096xf32, #tpu.memory_space<vmem>>[vector<16xi32>], vector<16xf32>,
    %jit3A_929 = arith.constant 0.000000e+00 : f32
    %broadcast_in_dim3A_930 = vector.broadcast %jit3A_929 : f32 to vector<16xf32>
    %select_n3A_931 = arith.select %lt3A_923, %gather3A_928, %broadcast_in_dim3A_930 : vector<16xi1>, vector<16xf32>
    %add3A_932 = arith.constant 16 : i32
    %add3A_933 = vector.broadcast %add3A_932 : i32 to vector<16xi32>
    %add3A_934 = arith.addi %iota3A, %add3A_933 : vector<16xi32>
    %lt3A_935 = arith.cmpi slt, %add3A_934, %gather3A_918 : vector<16xi32>
    %add3A_936 = arith.addi %gather3A_919, %add3A_934 : vector<16xi32>
    %jit3A_937 = arith.constant 0 : i32
    %broadcast_in_dim3A_938 = vector.broadcast %jit3A_937 : i32 to vector<16xi32>
    %select_n3A_939 = arith.select %lt3A_935, %add3A_936, %broadcast_in_dim3A_938 : vector<16xi1>, vector<16xi32>
    %gather3A_940 = tpu.vector_load_idx %arg7[%select_n3A_939] : memref<4096xf32, #tpu.memory_space<vmem>>[vector<16xi32>], vector<16xf32>,
    %jit3A_941 = arith.constant 0.000000e+00 : f32
    %broadcast_in_dim3A_942 = vector.broadcast %jit3A_941 : f32 to vector<16xf32>
    %select_n3A_943 = arith.select %lt3A_935, %gather3A_940, %broadcast_in_dim3A_942 : vector<16xi1>, vector<16xf32>
    %add3A_944 = arith.constant 32 : i32
    %add3A_945 = vector.broadcast %add3A_944 : i32 to vector<16xi32>
    %add3A_946 = arith.addi %iota3A, %add3A_945 : vector<16xi32>
    %lt3A_947 = arith.cmpi slt, %add3A_946, %gather3A_918 : vector<16xi32>
    %add3A_948 = arith.addi %gather3A_919, %add3A_946 : vector<16xi32>
    %jit3A_949 = arith.constant 0 : i32
    %broadcast_in_dim3A_950 = vector.broadcast %jit3A_949 : i32 to vector<16xi32>
    %select_n3A_951 = arith.select %lt3A_947, %add3A_948, %broadcast_in_dim3A_950 : vector<16xi1>, vector<16xi32>
    %gather3A_952 = tpu.vector_load_idx %arg7[%select_n3A_951] : memref<4096xf32, #tpu.memory_space<vmem>>[vector<16xi32>], vector<16xf32>,
    %jit3A_953 = arith.constant 0.000000e+00 : f32
    %broadcast_in_dim3A_954 = vector.broadcast %jit3A_953 : f32 to vector<16xf32>
    %select_n3A_955 = arith.select %lt3A_947, %gather3A_952, %broadcast_in_dim3A_954 : vector<16xi1>, vector<16xf32>
    %add3A_956 = arith.constant 48 : i32
    %add3A_957 = vector.broadcast %add3A_956 : i32 to vector<16xi32>
    %add3A_958 = arith.addi %iota3A, %add3A_957 : vector<16xi32>
    %lt3A_959 = arith.cmpi slt, %add3A_958, %gather3A_918 : vector<16xi32>
    %add3A_960 = arith.addi %gather3A_919, %add3A_958 : vector<16xi32>
    %jit3A_961 = arith.constant 0 : i32
    %broadcast_in_dim3A_962 = vector.broadcast %jit3A_961 : i32 to vector<16xi32>
    %select_n3A_963 = arith.select %lt3A_959, %add3A_960, %broadcast_in_dim3A_962 : vector<16xi1>, vector<16xi32>
    %gather3A_964 = tpu.vector_load_idx %arg7[%select_n3A_963] : memref<4096xf32, #tpu.memory_space<vmem>>[vector<16xi32>], vector<16xf32>,
    %jit3A_965 = arith.constant 0.000000e+00 : f32
    %broadcast_in_dim3A_966 = vector.broadcast %jit3A_965 : f32 to vector<16xf32>
    %select_n3A_967 = arith.select %lt3A_959, %gather3A_964, %broadcast_in_dim3A_966 : vector<16xi1>, vector<16xf32>
    %swap3A_968 = arith.constant 0 : i32
    %swap3A_969 = arith.constant 3 : i32
    %swap3A_970 = arith.index_cast %swap3A_968 : i32 to index
    %swap3A_971 = arith.index_cast %swap3A_969 : i32 to index
    %swap3A_972 = arith.constant 0 : index
    %swap3A_973 = tpu.vector_load %arg13[%swap3A_970, %swap3A_971, %swap3A_972] {strides = array<i32>} : memref<2x8x128xf32, #tpu.memory_space<vmem>>, vector<16xf32>,
    tpu.vector_store %arg13[%swap3A_970, %swap3A_971, %swap3A_972], %select_n3A_931 {strides = array<i32>} : memref<2x8x128xf32, #tpu.memory_space<vmem>>, vector<16xf32>,
    %swap3A_974 = arith.constant 0 : i32
    %swap3A_975 = arith.constant 3 : i32
    %swap3A_976 = arith.index_cast %swap3A_974 : i32 to index
    %swap3A_977 = arith.index_cast %swap3A_975 : i32 to index
    %swap3A_978 = arith.constant 16 : index
    %swap3A_979 = tpu.vector_load %arg13[%swap3A_976, %swap3A_977, %swap3A_978] {strides = array<i32>} : memref<2x8x128xf32, #tpu.memory_space<vmem>>, vector<16xf32>,
    tpu.vector_store %arg13[%swap3A_976, %swap3A_977, %swap3A_978], %select_n3A_943 {strides = array<i32>} : memref<2x8x128xf32, #tpu.memory_space<vmem>>, vector<16xf32>,
    %swap3A_980 = arith.constant 0 : i32
    %swap3A_981 = arith.constant 3 : i32
    %swap3A_982 = arith.index_cast %swap3A_980 : i32 to index
    %swap3A_983 = arith.index_cast %swap3A_981 : i32 to index
    %swap3A_984 = arith.constant 32 : index
    %swap3A_985 = tpu.vector_load %arg13[%swap3A_982, %swap3A_983, %swap3A_984] {strides = array<i32>} : memref<2x8x128xf32, #tpu.memory_space<vmem>>, vector<16xf32>,
    tpu.vector_store %arg13[%swap3A_982, %swap3A_983, %swap3A_984], %select_n3A_955 {strides = array<i32>} : memref<2x8x128xf32, #tpu.memory_space<vmem>>, vector<16xf32>,
    %swap3A_986 = arith.constant 0 : i32
    %swap3A_987 = arith.constant 3 : i32
    %swap3A_988 = arith.index_cast %swap3A_986 : i32 to index
    %swap3A_989 = arith.index_cast %swap3A_987 : i32 to index
    %swap3A_990 = arith.constant 48 : index
    %swap3A_991 = tpu.vector_load %arg13[%swap3A_988, %swap3A_989, %swap3A_990] {strides = array<i32>} : memref<2x8x128xf32, #tpu.memory_space<vmem>>, vector<16xf32>,
    tpu.vector_store %arg13[%swap3A_988, %swap3A_989, %swap3A_990], %select_n3A_967 {strides = array<i32>} : memref<2x8x128xf32, #tpu.memory_space<vmem>>, vector<16xf32>,
    %add3A_992 = arith.constant 0 : i32
    %add3A_993 = arith.addi %mul3A_32, %add3A_992 : i32
    %add3A_994 = arith.constant 4 : i32
    %add3A_995 = arith.addi %add3A_993, %add3A_994 : i32
    %broadcast_in_dim3A_996 = vector.broadcast %add3A_995 : i32 to vector<16xi32>
    %gather3A_997 = tpu.vector_load_idx %arg8[%broadcast_in_dim3A_996] : memref<64xi32, #tpu.memory_space<vmem>>[vector<16xi32>], vector<16xi32>,
    %gather3A_998 = tpu.vector_load_idx %arg9[%broadcast_in_dim3A_996] : memref<64xi32, #tpu.memory_space<vmem>>[vector<16xi32>], vector<16xi32>,
    %add3A_999 = arith.constant 0 : i32
    %add3A_1000 = vector.broadcast %add3A_999 : i32 to vector<16xi32>
    %add3A_1001 = arith.addi %iota3A, %add3A_1000 : vector<16xi32>
    %lt3A_1002 = arith.cmpi slt, %add3A_1001, %gather3A_997 : vector<16xi32>
    %add3A_1003 = arith.addi %gather3A_998, %add3A_1001 : vector<16xi32>
    %jit3A_1004 = arith.constant 0 : i32
    %broadcast_in_dim3A_1005 = vector.broadcast %jit3A_1004 : i32 to vector<16xi32>
    %select_n3A_1006 = arith.select %lt3A_1002, %add3A_1003, %broadcast_in_dim3A_1005 : vector<16xi1>, vector<16xi32>
    %gather3A_1007 = tpu.vector_load_idx %arg7[%select_n3A_1006] : memref<4096xf32, #tpu.memory_space<vmem>>[vector<16xi32>], vector<16xf32>,
    %jit3A_1008 = arith.constant 0.000000e+00 : f32
    %broadcast_in_dim3A_1009 = vector.broadcast %jit3A_1008 : f32 to vector<16xf32>
    %select_n3A_1010 = arith.select %lt3A_1002, %gather3A_1007, %broadcast_in_dim3A_1009 : vector<16xi1>, vector<16xf32>
    %add3A_1011 = arith.constant 16 : i32
    %add3A_1012 = vector.broadcast %add3A_1011 : i32 to vector<16xi32>
    %add3A_1013 = arith.addi %iota3A, %add3A_1012 : vector<16xi32>
    %lt3A_1014 = arith.cmpi slt, %add3A_1013, %gather3A_997 : vector<16xi32>
    %add3A_1015 = arith.addi %gather3A_998, %add3A_1013 : vector<16xi32>
    %jit3A_1016 = arith.constant 0 : i32
    %broadcast_in_dim3A_1017 = vector.broadcast %jit3A_1016 : i32 to vector<16xi32>
    %select_n3A_1018 = arith.select %lt3A_1014, %add3A_1015, %broadcast_in_dim3A_1017 : vector<16xi1>, vector<16xi32>
    %gather3A_1019 = tpu.vector_load_idx %arg7[%select_n3A_1018] : memref<4096xf32, #tpu.memory_space<vmem>>[vector<16xi32>], vector<16xf32>,
    %jit3A_1020 = arith.constant 0.000000e+00 : f32
    %broadcast_in_dim3A_1021 = vector.broadcast %jit3A_1020 : f32 to vector<16xf32>
    %select_n3A_1022 = arith.select %lt3A_1014, %gather3A_1019, %broadcast_in_dim3A_1021 : vector<16xi1>, vector<16xf32>
    %add3A_1023 = arith.constant 32 : i32
    %add3A_1024 = vector.broadcast %add3A_1023 : i32 to vector<16xi32>
    %add3A_1025 = arith.addi %iota3A, %add3A_1024 : vector<16xi32>
    %lt3A_1026 = arith.cmpi slt, %add3A_1025, %gather3A_997 : vector<16xi32>
    %add3A_1027 = arith.addi %gather3A_998, %add3A_1025 : vector<16xi32>
    %jit3A_1028 = arith.constant 0 : i32
    %broadcast_in_dim3A_1029 = vector.broadcast %jit3A_1028 : i32 to vector<16xi32>
    %select_n3A_1030 = arith.select %lt3A_1026, %add3A_1027, %broadcast_in_dim3A_1029 : vector<16xi1>, vector<16xi32>
    %gather3A_1031 = tpu.vector_load_idx %arg7[%select_n3A_1030] : memref<4096xf32, #tpu.memory_space<vmem>>[vector<16xi32>], vector<16xf32>,
    %jit3A_1032 = arith.constant 0.000000e+00 : f32
    %broadcast_in_dim3A_1033 = vector.broadcast %jit3A_1032 : f32 to vector<16xf32>
    %select_n3A_1034 = arith.select %lt3A_1026, %gather3A_1031, %broadcast_in_dim3A_1033 : vector<16xi1>, vector<16xf32>
    %add3A_1035 = arith.constant 48 : i32
    %add3A_1036 = vector.broadcast %add3A_1035 : i32 to vector<16xi32>
    %add3A_1037 = arith.addi %iota3A, %add3A_1036 : vector<16xi32>
    %lt3A_1038 = arith.cmpi slt, %add3A_1037, %gather3A_997 : vector<16xi32>
    %add3A_1039 = arith.addi %gather3A_998, %add3A_1037 : vector<16xi32>
    %jit3A_1040 = arith.constant 0 : i32
    %broadcast_in_dim3A_1041 = vector.broadcast %jit3A_1040 : i32 to vector<16xi32>
    %select_n3A_1042 = arith.select %lt3A_1038, %add3A_1039, %broadcast_in_dim3A_1041 : vector<16xi1>, vector<16xi32>
    %gather3A_1043 = tpu.vector_load_idx %arg7[%select_n3A_1042] : memref<4096xf32, #tpu.memory_space<vmem>>[vector<16xi32>], vector<16xf32>,
    %jit3A_1044 = arith.constant 0.000000e+00 : f32
    %broadcast_in_dim3A_1045 = vector.broadcast %jit3A_1044 : f32 to vector<16xf32>
    %select_n3A_1046 = arith.select %lt3A_1038, %gather3A_1043, %broadcast_in_dim3A_1045 : vector<16xi1>, vector<16xf32>
    %swap3A_1047 = arith.constant 0 : i32
    %swap3A_1048 = arith.constant 4 : i32
    %swap3A_1049 = arith.index_cast %swap3A_1047 : i32 to index
    %swap3A_1050 = arith.index_cast %swap3A_1048 : i32 to index
    %swap3A_1051 = arith.constant 0 : index
    %swap3A_1052 = tpu.vector_load %arg13[%swap3A_1049, %swap3A_1050, %swap3A_1051] {strides = array<i32>} : memref<2x8x128xf32, #tpu.memory_space<vmem>>, vector<16xf32>,
    tpu.vector_store %arg13[%swap3A_1049, %swap3A_1050, %swap3A_1051], %select_n3A_1010 {strides = array<i32>} : memref<2x8x128xf32, #tpu.memory_space<vmem>>, vector<16xf32>,
    %swap3A_1053 = arith.constant 0 : i32
    %swap3A_1054 = arith.constant 4 : i32
    %swap3A_1055 = arith.index_cast %swap3A_1053 : i32 to index
    %swap3A_1056 = arith.index_cast %swap3A_1054 : i32 to index
    %swap3A_1057 = arith.constant 16 : index
    %swap3A_1058 = tpu.vector_load %arg13[%swap3A_1055, %swap3A_1056, %swap3A_1057] {strides = array<i32>} : memref<2x8x128xf32, #tpu.memory_space<vmem>>, vector<16xf32>,
    tpu.vector_store %arg13[%swap3A_1055, %swap3A_1056, %swap3A_1057], %select_n3A_1022 {strides = array<i32>} : memref<2x8x128xf32, #tpu.memory_space<vmem>>, vector<16xf32>,
    %swap3A_1059 = arith.constant 0 : i32
    %swap3A_1060 = arith.constant 4 : i32
    %swap3A_1061 = arith.index_cast %swap3A_1059 : i32 to index
    %swap3A_1062 = arith.index_cast %swap3A_1060 : i32 to index
    %swap3A_1063 = arith.constant 32 : index
    %swap3A_1064 = tpu.vector_load %arg13[%swap3A_1061, %swap3A_1062, %swap3A_1063] {strides = array<i32>} : memref<2x8x128xf32, #tpu.memory_space<vmem>>, vector<16xf32>,
    tpu.vector_store %arg13[%swap3A_1061, %swap3A_1062, %swap3A_1063], %select_n3A_1034 {strides = array<i32>} : memref<2x8x128xf32, #tpu.memory_space<vmem>>, vector<16xf32>,
    %swap3A_1065 = arith.constant 0 : i32
    %swap3A_1066 = arith.constant 4 : i32
    %swap3A_1067 = arith.index_cast %swap3A_1065 : i32 to index
    %swap3A_1068 = arith.index_cast %swap3A_1066 : i32 to index
    %swap3A_1069 = arith.constant 48 : index
    %swap3A_1070 = tpu.vector_load %arg13[%swap3A_1067, %swap3A_1068, %swap3A_1069] {strides = array<i32>} : memref<2x8x128xf32, #tpu.memory_space<vmem>>, vector<16xf32>,
    tpu.vector_store %arg13[%swap3A_1067, %swap3A_1068, %swap3A_1069], %select_n3A_1046 {strides = array<i32>} : memref<2x8x128xf32, #tpu.memory_space<vmem>>, vector<16xf32>,
    %add3A_1071 = arith.constant 0 : i32
    %add3A_1072 = arith.addi %mul3A_32, %add3A_1071 : i32
    %add3A_1073 = arith.constant 5 : i32
    %add3A_1074 = arith.addi %add3A_1072, %add3A_1073 : i32
    %broadcast_in_dim3A_1075 = vector.broadcast %add3A_1074 : i32 to vector<16xi32>
    %gather3A_1076 = tpu.vector_load_idx %arg8[%broadcast_in_dim3A_1075] : memref<64xi32, #tpu.memory_space<vmem>>[vector<16xi32>], vector<16xi32>,
    %gather3A_1077 = tpu.vector_load_idx %arg9[%broadcast_in_dim3A_1075] : memref<64xi32, #tpu.memory_space<vmem>>[vector<16xi32>], vector<16xi32>,
    %add3A_1078 = arith.constant 0 : i32
    %add3A_1079 = vector.broadcast %add3A_1078 : i32 to vector<16xi32>
    %add3A_1080 = arith.addi %iota3A, %add3A_1079 : vector<16xi32>
    %lt3A_1081 = arith.cmpi slt, %add3A_1080, %gather3A_1076 : vector<16xi32>
    %add3A_1082 = arith.addi %gather3A_1077, %add3A_1080 : vector<16xi32>
    %jit3A_1083 = arith.constant 0 : i32
    %broadcast_in_dim3A_1084 = vector.broadcast %jit3A_1083 : i32 to vector<16xi32>
    %select_n3A_1085 = arith.select %lt3A_1081, %add3A_1082, %broadcast_in_dim3A_1084 : vector<16xi1>, vector<16xi32>
    %gather3A_1086 = tpu.vector_load_idx %arg7[%select_n3A_1085] : memref<4096xf32, #tpu.memory_space<vmem>>[vector<16xi32>], vector<16xf32>,
    %jit3A_1087 = arith.constant 0.000000e+00 : f32
    %broadcast_in_dim3A_1088 = vector.broadcast %jit3A_1087 : f32 to vector<16xf32>
    %select_n3A_1089 = arith.select %lt3A_1081, %gather3A_1086, %broadcast_in_dim3A_1088 : vector<16xi1>, vector<16xf32>
    %add3A_1090 = arith.constant 16 : i32
    %add3A_1091 = vector.broadcast %add3A_1090 : i32 to vector<16xi32>
    %add3A_1092 = arith.addi %iota3A, %add3A_1091 : vector<16xi32>
    %lt3A_1093 = arith.cmpi slt, %add3A_1092, %gather3A_1076 : vector<16xi32>
    %add3A_1094 = arith.addi %gather3A_1077, %add3A_1092 : vector<16xi32>
    %jit3A_1095 = arith.constant 0 : i32
    %broadcast_in_dim3A_1096 = vector.broadcast %jit3A_1095 : i32 to vector<16xi32>
    %select_n3A_1097 = arith.select %lt3A_1093, %add3A_1094, %broadcast_in_dim3A_1096 : vector<16xi1>, vector<16xi32>
    %gather3A_1098 = tpu.vector_load_idx %arg7[%select_n3A_1097] : memref<4096xf32, #tpu.memory_space<vmem>>[vector<16xi32>], vector<16xf32>,
    %jit3A_1099 = arith.constant 0.000000e+00 : f32
    %broadcast_in_dim3A_1100 = vector.broadcast %jit3A_1099 : f32 to vector<16xf32>
    %select_n3A_1101 = arith.select %lt3A_1093, %gather3A_1098, %broadcast_in_dim3A_1100 : vector<16xi1>, vector<16xf32>
    %add3A_1102 = arith.constant 32 : i32
    %add3A_1103 = vector.broadcast %add3A_1102 : i32 to vector<16xi32>
    %add3A_1104 = arith.addi %iota3A, %add3A_1103 : vector<16xi32>
    %lt3A_1105 = arith.cmpi slt, %add3A_1104, %gather3A_1076 : vector<16xi32>
    %add3A_1106 = arith.addi %gather3A_1077, %add3A_1104 : vector<16xi32>
    %jit3A_1107 = arith.constant 0 : i32
    %broadcast_in_dim3A_1108 = vector.broadcast %jit3A_1107 : i32 to vector<16xi32>
    %select_n3A_1109 = arith.select %lt3A_1105, %add3A_1106, %broadcast_in_dim3A_1108 : vector<16xi1>, vector<16xi32>
    %gather3A_1110 = tpu.vector_load_idx %arg7[%select_n3A_1109] : memref<4096xf32, #tpu.memory_space<vmem>>[vector<16xi32>], vector<16xf32>,
    %jit3A_1111 = arith.constant 0.000000e+00 : f32
    %broadcast_in_dim3A_1112 = vector.broadcast %jit3A_1111 : f32 to vector<16xf32>
    %select_n3A_1113 = arith.select %lt3A_1105, %gather3A_1110, %broadcast_in_dim3A_1112 : vector<16xi1>, vector<16xf32>
    %add3A_1114 = arith.constant 48 : i32
    %add3A_1115 = vector.broadcast %add3A_1114 : i32 to vector<16xi32>
    %add3A_1116 = arith.addi %iota3A, %add3A_1115 : vector<16xi32>
    %lt3A_1117 = arith.cmpi slt, %add3A_1116, %gather3A_1076 : vector<16xi32>
    %add3A_1118 = arith.addi %gather3A_1077, %add3A_1116 : vector<16xi32>
    %jit3A_1119 = arith.constant 0 : i32
    %broadcast_in_dim3A_1120 = vector.broadcast %jit3A_1119 : i32 to vector<16xi32>
    %select_n3A_1121 = arith.select %lt3A_1117, %add3A_1118, %broadcast_in_dim3A_1120 : vector<16xi1>, vector<16xi32>
    %gather3A_1122 = tpu.vector_load_idx %arg7[%select_n3A_1121] : memref<4096xf32, #tpu.memory_space<vmem>>[vector<16xi32>], vector<16xf32>,
    %jit3A_1123 = arith.constant 0.000000e+00 : f32
    %broadcast_in_dim3A_1124 = vector.broadcast %jit3A_1123 : f32 to vector<16xf32>
    %select_n3A_1125 = arith.select %lt3A_1117, %gather3A_1122, %broadcast_in_dim3A_1124 : vector<16xi1>, vector<16xf32>
    %swap3A_1126 = arith.constant 0 : i32
    %swap3A_1127 = arith.constant 5 : i32
    %swap3A_1128 = arith.index_cast %swap3A_1126 : i32 to index
    %swap3A_1129 = arith.index_cast %swap3A_1127 : i32 to index
    %swap3A_1130 = arith.constant 0 : index
    %swap3A_1131 = tpu.vector_load %arg13[%swap3A_1128, %swap3A_1129, %swap3A_1130] {strides = array<i32>} : memref<2x8x128xf32, #tpu.memory_space<vmem>>, vector<16xf32>,
    tpu.vector_store %arg13[%swap3A_1128, %swap3A_1129, %swap3A_1130], %select_n3A_1089 {strides = array<i32>} : memref<2x8x128xf32, #tpu.memory_space<vmem>>, vector<16xf32>,
    %swap3A_1132 = arith.constant 0 : i32
    %swap3A_1133 = arith.constant 5 : i32
    %swap3A_1134 = arith.index_cast %swap3A_1132 : i32 to index
    %swap3A_1135 = arith.index_cast %swap3A_1133 : i32 to index
    %swap3A_1136 = arith.constant 16 : index
    %swap3A_1137 = tpu.vector_load %arg13[%swap3A_1134, %swap3A_1135, %swap3A_1136] {strides = array<i32>} : memref<2x8x128xf32, #tpu.memory_space<vmem>>, vector<16xf32>,
    tpu.vector_store %arg13[%swap3A_1134, %swap3A_1135, %swap3A_1136], %select_n3A_1101 {strides = array<i32>} : memref<2x8x128xf32, #tpu.memory_space<vmem>>, vector<16xf32>,
    %swap3A_1138 = arith.constant 0 : i32
    %swap3A_1139 = arith.constant 5 : i32
    %swap3A_1140 = arith.index_cast %swap3A_1138 : i32 to index
    %swap3A_1141 = arith.index_cast %swap3A_1139 : i32 to index
    %swap3A_1142 = arith.constant 32 : index
    %swap3A_1143 = tpu.vector_load %arg13[%swap3A_1140, %swap3A_1141, %swap3A_1142] {strides = array<i32>} : memref<2x8x128xf32, #tpu.memory_space<vmem>>, vector<16xf32>,
    tpu.vector_store %arg13[%swap3A_1140, %swap3A_1141, %swap3A_1142], %select_n3A_1113 {strides = array<i32>} : memref<2x8x128xf32, #tpu.memory_space<vmem>>, vector<16xf32>,
    %swap3A_1144 = arith.constant 0 : i32
    %swap3A_1145 = arith.constant 5 : i32
    %swap3A_1146 = arith.index_cast %swap3A_1144 : i32 to index
    %swap3A_1147 = arith.index_cast %swap3A_1145 : i32 to index
    %swap3A_1148 = arith.constant 48 : index
    %swap3A_1149 = tpu.vector_load %arg13[%swap3A_1146, %swap3A_1147, %swap3A_1148] {strides = array<i32>} : memref<2x8x128xf32, #tpu.memory_space<vmem>>, vector<16xf32>,
    tpu.vector_store %arg13[%swap3A_1146, %swap3A_1147, %swap3A_1148], %select_n3A_1125 {strides = array<i32>} : memref<2x8x128xf32, #tpu.memory_space<vmem>>, vector<16xf32>,
    %add3A_1150 = arith.constant 0 : i32
    %add3A_1151 = arith.addi %mul3A_32, %add3A_1150 : i32
    %add3A_1152 = arith.constant 6 : i32
    %add3A_1153 = arith.addi %add3A_1151, %add3A_1152 : i32
    %broadcast_in_dim3A_1154 = vector.broadcast %add3A_1153 : i32 to vector<16xi32>
    %gather3A_1155 = tpu.vector_load_idx %arg8[%broadcast_in_dim3A_1154] : memref<64xi32, #tpu.memory_space<vmem>>[vector<16xi32>], vector<16xi32>,
    %gather3A_1156 = tpu.vector_load_idx %arg9[%broadcast_in_dim3A_1154] : memref<64xi32, #tpu.memory_space<vmem>>[vector<16xi32>], vector<16xi32>,
    %add3A_1157 = arith.constant 0 : i32
    %add3A_1158 = vector.broadcast %add3A_1157 : i32 to vector<16xi32>
    %add3A_1159 = arith.addi %iota3A, %add3A_1158 : vector<16xi32>
    %lt3A_1160 = arith.cmpi slt, %add3A_1159, %gather3A_1155 : vector<16xi32>
    %add3A_1161 = arith.addi %gather3A_1156, %add3A_1159 : vector<16xi32>
    %jit3A_1162 = arith.constant 0 : i32
    %broadcast_in_dim3A_1163 = vector.broadcast %jit3A_1162 : i32 to vector<16xi32>
    %select_n3A_1164 = arith.select %lt3A_1160, %add3A_1161, %broadcast_in_dim3A_1163 : vector<16xi1>, vector<16xi32>
    %gather3A_1165 = tpu.vector_load_idx %arg7[%select_n3A_1164] : memref<4096xf32, #tpu.memory_space<vmem>>[vector<16xi32>], vector<16xf32>,
    %jit3A_1166 = arith.constant 0.000000e+00 : f32
    %broadcast_in_dim3A_1167 = vector.broadcast %jit3A_1166 : f32 to vector<16xf32>
    %select_n3A_1168 = arith.select %lt3A_1160, %gather3A_1165, %broadcast_in_dim3A_1167 : vector<16xi1>, vector<16xf32>
    %add3A_1169 = arith.constant 16 : i32
    %add3A_1170 = vector.broadcast %add3A_1169 : i32 to vector<16xi32>
    %add3A_1171 = arith.addi %iota3A, %add3A_1170 : vector<16xi32>
    %lt3A_1172 = arith.cmpi slt, %add3A_1171, %gather3A_1155 : vector<16xi32>
    %add3A_1173 = arith.addi %gather3A_1156, %add3A_1171 : vector<16xi32>
    %jit3A_1174 = arith.constant 0 : i32
    %broadcast_in_dim3A_1175 = vector.broadcast %jit3A_1174 : i32 to vector<16xi32>
    %select_n3A_1176 = arith.select %lt3A_1172, %add3A_1173, %broadcast_in_dim3A_1175 : vector<16xi1>, vector<16xi32>
    %gather3A_1177 = tpu.vector_load_idx %arg7[%select_n3A_1176] : memref<4096xf32, #tpu.memory_space<vmem>>[vector<16xi32>], vector<16xf32>,
    %jit3A_1178 = arith.constant 0.000000e+00 : f32
    %broadcast_in_dim3A_1179 = vector.broadcast %jit3A_1178 : f32 to vector<16xf32>
    %select_n3A_1180 = arith.select %lt3A_1172, %gather3A_1177, %broadcast_in_dim3A_1179 : vector<16xi1>, vector<16xf32>
    %add3A_1181 = arith.constant 32 : i32
    %add3A_1182 = vector.broadcast %add3A_1181 : i32 to vector<16xi32>
    %add3A_1183 = arith.addi %iota3A, %add3A_1182 : vector<16xi32>
    %lt3A_1184 = arith.cmpi slt, %add3A_1183, %gather3A_1155 : vector<16xi32>
    %add3A_1185 = arith.addi %gather3A_1156, %add3A_1183 : vector<16xi32>
    %jit3A_1186 = arith.constant 0 : i32
    %broadcast_in_dim3A_1187 = vector.broadcast %jit3A_1186 : i32 to vector<16xi32>
    %select_n3A_1188 = arith.select %lt3A_1184, %add3A_1185, %broadcast_in_dim3A_1187 : vector<16xi1>, vector<16xi32>
    %gather3A_1189 = tpu.vector_load_idx %arg7[%select_n3A_1188] : memref<4096xf32, #tpu.memory_space<vmem>>[vector<16xi32>], vector<16xf32>,
    %jit3A_1190 = arith.constant 0.000000e+00 : f32
    %broadcast_in_dim3A_1191 = vector.broadcast %jit3A_1190 : f32 to vector<16xf32>
    %select_n3A_1192 = arith.select %lt3A_1184, %gather3A_1189, %broadcast_in_dim3A_1191 : vector<16xi1>, vector<16xf32>
    %add3A_1193 = arith.constant 48 : i32
    %add3A_1194 = vector.broadcast %add3A_1193 : i32 to vector<16xi32>
    %add3A_1195 = arith.addi %iota3A, %add3A_1194 : vector<16xi32>
    %lt3A_1196 = arith.cmpi slt, %add3A_1195, %gather3A_1155 : vector<16xi32>
    %add3A_1197 = arith.addi %gather3A_1156, %add3A_1195 : vector<16xi32>
    %jit3A_1198 = arith.constant 0 : i32
    %broadcast_in_dim3A_1199 = vector.broadcast %jit3A_1198 : i32 to vector<16xi32>
    %select_n3A_1200 = arith.select %lt3A_1196, %add3A_1197, %broadcast_in_dim3A_1199 : vector<16xi1>, vector<16xi32>
    %gather3A_1201 = tpu.vector_load_idx %arg7[%select_n3A_1200] : memref<4096xf32, #tpu.memory_space<vmem>>[vector<16xi32>], vector<16xf32>,
    %jit3A_1202 = arith.constant 0.000000e+00 : f32
    %broadcast_in_dim3A_1203 = vector.broadcast %jit3A_1202 : f32 to vector<16xf32>
    %select_n3A_1204 = arith.select %lt3A_1196, %gather3A_1201, %broadcast_in_dim3A_1203 : vector<16xi1>, vector<16xf32>
    %swap3A_1205 = arith.constant 0 : i32
    %swap3A_1206 = arith.constant 6 : i32
    %swap3A_1207 = arith.index_cast %swap3A_1205 : i32 to index
    %swap3A_1208 = arith.index_cast %swap3A_1206 : i32 to index
    %swap3A_1209 = arith.constant 0 : index
    %swap3A_1210 = tpu.vector_load %arg13[%swap3A_1207, %swap3A_1208, %swap3A_1209] {strides = array<i32>} : memref<2x8x128xf32, #tpu.memory_space<vmem>>, vector<16xf32>,
    tpu.vector_store %arg13[%swap3A_1207, %swap3A_1208, %swap3A_1209], %select_n3A_1168 {strides = array<i32>} : memref<2x8x128xf32, #tpu.memory_space<vmem>>, vector<16xf32>,
    %swap3A_1211 = arith.constant 0 : i32
    %swap3A_1212 = arith.constant 6 : i32
    %swap3A_1213 = arith.index_cast %swap3A_1211 : i32 to index
    %swap3A_1214 = arith.index_cast %swap3A_1212 : i32 to index
    %swap3A_1215 = arith.constant 16 : index
    %swap3A_1216 = tpu.vector_load %arg13[%swap3A_1213, %swap3A_1214, %swap3A_1215] {strides = array<i32>} : memref<2x8x128xf32, #tpu.memory_space<vmem>>, vector<16xf32>,
    tpu.vector_store %arg13[%swap3A_1213, %swap3A_1214, %swap3A_1215], %select_n3A_1180 {strides = array<i32>} : memref<2x8x128xf32, #tpu.memory_space<vmem>>, vector<16xf32>,
    %swap3A_1217 = arith.constant 0 : i32
    %swap3A_1218 = arith.constant 6 : i32
    %swap3A_1219 = arith.index_cast %swap3A_1217 : i32 to index
    %swap3A_1220 = arith.index_cast %swap3A_1218 : i32 to index
    %swap3A_1221 = arith.constant 32 : index
    %swap3A_1222 = tpu.vector_load %arg13[%swap3A_1219, %swap3A_1220, %swap3A_1221] {strides = array<i32>} : memref<2x8x128xf32, #tpu.memory_space<vmem>>, vector<16xf32>,
    tpu.vector_store %arg13[%swap3A_1219, %swap3A_1220, %swap3A_1221], %select_n3A_1192 {strides = array<i32>} : memref<2x8x128xf32, #tpu.memory_space<vmem>>, vector<16xf32>,
    %swap3A_1223 = arith.constant 0 : i32
    %swap3A_1224 = arith.constant 6 : i32
    %swap3A_1225 = arith.index_cast %swap3A_1223 : i32 to index
    %swap3A_1226 = arith.index_cast %swap3A_1224 : i32 to index
    %swap3A_1227 = arith.constant 48 : index
    %swap3A_1228 = tpu.vector_load %arg13[%swap3A_1225, %swap3A_1226, %swap3A_1227] {strides = array<i32>} : memref<2x8x128xf32, #tpu.memory_space<vmem>>, vector<16xf32>,
    tpu.vector_store %arg13[%swap3A_1225, %swap3A_1226, %swap3A_1227], %select_n3A_1204 {strides = array<i32>} : memref<2x8x128xf32, #tpu.memory_space<vmem>>, vector<16xf32>,
    %add3A_1229 = arith.constant 0 : i32
    %add3A_1230 = arith.addi %mul3A_32, %add3A_1229 : i32
    %add3A_1231 = arith.constant 7 : i32
    %add3A_1232 = arith.addi %add3A_1230, %add3A_1231 : i32
    %broadcast_in_dim3A_1233 = vector.broadcast %add3A_1232 : i32 to vector<16xi32>
    %gather3A_1234 = tpu.vector_load_idx %arg8[%broadcast_in_dim3A_1233] : memref<64xi32, #tpu.memory_space<vmem>>[vector<16xi32>], vector<16xi32>,
    %gather3A_1235 = tpu.vector_load_idx %arg9[%broadcast_in_dim3A_1233] : memref<64xi32, #tpu.memory_space<vmem>>[vector<16xi32>], vector<16xi32>,
    %add3A_1236 = arith.constant 0 : i32
    %add3A_1237 = vector.broadcast %add3A_1236 : i32 to vector<16xi32>
    %add3A_1238 = arith.addi %iota3A, %add3A_1237 : vector<16xi32>
    %lt3A_1239 = arith.cmpi slt, %add3A_1238, %gather3A_1234 : vector<16xi32>
    %add3A_1240 = arith.addi %gather3A_1235, %add3A_1238 : vector<16xi32>
    %jit3A_1241 = arith.constant 0 : i32
    %broadcast_in_dim3A_1242 = vector.broadcast %jit3A_1241 : i32 to vector<16xi32>
    %select_n3A_1243 = arith.select %lt3A_1239, %add3A_1240, %broadcast_in_dim3A_1242 : vector<16xi1>, vector<16xi32>
    %gather3A_1244 = tpu.vector_load_idx %arg7[%select_n3A_1243] : memref<4096xf32, #tpu.memory_space<vmem>>[vector<16xi32>], vector<16xf32>,
    %jit3A_1245 = arith.constant 0.000000e+00 : f32
    %broadcast_in_dim3A_1246 = vector.broadcast %jit3A_1245 : f32 to vector<16xf32>
    %select_n3A_1247 = arith.select %lt3A_1239, %gather3A_1244, %broadcast_in_dim3A_1246 : vector<16xi1>, vector<16xf32>
    %add3A_1248 = arith.constant 16 : i32
    %add3A_1249 = vector.broadcast %add3A_1248 : i32 to vector<16xi32>
    %add3A_1250 = arith.addi %iota3A, %add3A_1249 : vector<16xi32>
    %lt3A_1251 = arith.cmpi slt, %add3A_1250, %gather3A_1234 : vector<16xi32>
    %add3A_1252 = arith.addi %gather3A_1235, %add3A_1250 : vector<16xi32>
    %jit3A_1253 = arith.constant 0 : i32
    %broadcast_in_dim3A_1254 = vector.broadcast %jit3A_1253 : i32 to vector<16xi32>
    %select_n3A_1255 = arith.select %lt3A_1251, %add3A_1252, %broadcast_in_dim3A_1254 : vector<16xi1>, vector<16xi32>
    %gather3A_1256 = tpu.vector_load_idx %arg7[%select_n3A_1255] : memref<4096xf32, #tpu.memory_space<vmem>>[vector<16xi32>], vector<16xf32>,
    %jit3A_1257 = arith.constant 0.000000e+00 : f32
    %broadcast_in_dim3A_1258 = vector.broadcast %jit3A_1257 : f32 to vector<16xf32>
    %select_n3A_1259 = arith.select %lt3A_1251, %gather3A_1256, %broadcast_in_dim3A_1258 : vector<16xi1>, vector<16xf32>
    %add3A_1260 = arith.constant 32 : i32
    %add3A_1261 = vector.broadcast %add3A_1260 : i32 to vector<16xi32>
    %add3A_1262 = arith.addi %iota3A, %add3A_1261 : vector<16xi32>
    %lt3A_1263 = arith.cmpi slt, %add3A_1262, %gather3A_1234 : vector<16xi32>
    %add3A_1264 = arith.addi %gather3A_1235, %add3A_1262 : vector<16xi32>
    %jit3A_1265 = arith.constant 0 : i32
    %broadcast_in_dim3A_1266 = vector.broadcast %jit3A_1265 : i32 to vector<16xi32>
    %select_n3A_1267 = arith.select %lt3A_1263, %add3A_1264, %broadcast_in_dim3A_1266 : vector<16xi1>, vector<16xi32>
    %gather3A_1268 = tpu.vector_load_idx %arg7[%select_n3A_1267] : memref<4096xf32, #tpu.memory_space<vmem>>[vector<16xi32>], vector<16xf32>,
    %jit3A_1269 = arith.constant 0.000000e+00 : f32
    %broadcast_in_dim3A_1270 = vector.broadcast %jit3A_1269 : f32 to vector<16xf32>
    %select_n3A_1271 = arith.select %lt3A_1263, %gather3A_1268, %broadcast_in_dim3A_1270 : vector<16xi1>, vector<16xf32>
    %add3A_1272 = arith.constant 48 : i32
    %add3A_1273 = vector.broadcast %add3A_1272 : i32 to vector<16xi32>
    %add3A_1274 = arith.addi %iota3A, %add3A_1273 : vector<16xi32>
    %lt3A_1275 = arith.cmpi slt, %add3A_1274, %gather3A_1234 : vector<16xi32>
    %add3A_1276 = arith.addi %gather3A_1235, %add3A_1274 : vector<16xi32>
    %jit3A_1277 = arith.constant 0 : i32
    %broadcast_in_dim3A_1278 = vector.broadcast %jit3A_1277 : i32 to vector<16xi32>
    %select_n3A_1279 = arith.select %lt3A_1275, %add3A_1276, %broadcast_in_dim3A_1278 : vector<16xi1>, vector<16xi32>
    %gather3A_1280 = tpu.vector_load_idx %arg7[%select_n3A_1279] : memref<4096xf32, #tpu.memory_space<vmem>>[vector<16xi32>], vector<16xf32>,
    %jit3A_1281 = arith.constant 0.000000e+00 : f32
    %broadcast_in_dim3A_1282 = vector.broadcast %jit3A_1281 : f32 to vector<16xf32>
    %select_n3A_1283 = arith.select %lt3A_1275, %gather3A_1280, %broadcast_in_dim3A_1282 : vector<16xi1>, vector<16xf32>
    %swap3A_1284 = arith.constant 0 : i32
    %swap3A_1285 = arith.constant 7 : i32
    %swap3A_1286 = arith.index_cast %swap3A_1284 : i32 to index
    %swap3A_1287 = arith.index_cast %swap3A_1285 : i32 to index
    %swap3A_1288 = arith.constant 0 : index
    %swap3A_1289 = tpu.vector_load %arg13[%swap3A_1286, %swap3A_1287, %swap3A_1288] {strides = array<i32>} : memref<2x8x128xf32, #tpu.memory_space<vmem>>, vector<16xf32>,
    tpu.vector_store %arg13[%swap3A_1286, %swap3A_1287, %swap3A_1288], %select_n3A_1247 {strides = array<i32>} : memref<2x8x128xf32, #tpu.memory_space<vmem>>, vector<16xf32>,
    %swap3A_1290 = arith.constant 0 : i32
    %swap3A_1291 = arith.constant 7 : i32
    %swap3A_1292 = arith.index_cast %swap3A_1290 : i32 to index
    %swap3A_1293 = arith.index_cast %swap3A_1291 : i32 to index
    %swap3A_1294 = arith.constant 16 : index
    %swap3A_1295 = tpu.vector_load %arg13[%swap3A_1292, %swap3A_1293, %swap3A_1294] {strides = array<i32>} : memref<2x8x128xf32, #tpu.memory_space<vmem>>, vector<16xf32>,
    tpu.vector_store %arg13[%swap3A_1292, %swap3A_1293, %swap3A_1294], %select_n3A_1259 {strides = array<i32>} : memref<2x8x128xf32, #tpu.memory_space<vmem>>, vector<16xf32>,
    %swap3A_1296 = arith.constant 0 : i32
    %swap3A_1297 = arith.constant 7 : i32
    %swap3A_1298 = arith.index_cast %swap3A_1296 : i32 to index
    %swap3A_1299 = arith.index_cast %swap3A_1297 : i32 to index
    %swap3A_1300 = arith.constant 32 : index
    %swap3A_1301 = tpu.vector_load %arg13[%swap3A_1298, %swap3A_1299, %swap3A_1300] {strides = array<i32>} : memref<2x8x128xf32, #tpu.memory_space<vmem>>, vector<16xf32>,
    tpu.vector_store %arg13[%swap3A_1298, %swap3A_1299, %swap3A_1300], %select_n3A_1271 {strides = array<i32>} : memref<2x8x128xf32, #tpu.memory_space<vmem>>, vector<16xf32>,
    %swap3A_1302 = arith.constant 0 : i32
    %swap3A_1303 = arith.constant 7 : i32
    %swap3A_1304 = arith.index_cast %swap3A_1302 : i32 to index
    %swap3A_1305 = arith.index_cast %swap3A_1303 : i32 to index
    %swap3A_1306 = arith.constant 48 : index
    %swap3A_1307 = tpu.vector_load %arg13[%swap3A_1304, %swap3A_1305, %swap3A_1306] {strides = array<i32>} : memref<2x8x128xf32, #tpu.memory_space<vmem>>, vector<16xf32>,
    tpu.vector_store %arg13[%swap3A_1304, %swap3A_1305, %swap3A_1306], %select_n3A_1283 {strides = array<i32>} : memref<2x8x128xf32, #tpu.memory_space<vmem>>, vector<16xf32>,
    %add3A_1308 = arith.constant 0 : i32
    %add3A_1309 = arith.addi %mul3A_32, %add3A_1308 : i32
    %dma_start3A_1310 = arith.constant 0 : i32
    %dma_start3A_1311 = arith.constant 0 : i32
    %dma_start3A_1312 = arith.constant 0 : i32
    %dma_start3A_1313 = tpu.memref_slice %arg13[%dma_start3A_1310, %dma_start3A_1311, %dma_start3A_1312] : memref<2x8x128xf32, #tpu.memory_space<vmem>> -> memref<1x8x128xf32, #tpu.memory_space<vmem>>
    %dma_start3A_1314 = tpu.memref_squeeze %dma_start3A_1313 : memref<1x8x128xf32, #tpu.memory_space<vmem>> -> memref<8x128xf32, #tpu.memory_space<vmem>>
    %dma_start3A_1315 = arith.constant 0 : i32
    %dma_start3A_1316 = tpu.memref_slice %arg5[%select_n3A, %add3A_1309, %dma_start3A_1315] : memref<16x64x4096xf32, #tpu.memory_space<hbm>> -> memref<1x8x128xf32, #tpu.memory_space<hbm>>
    %dma_start3A_1317 = tpu.memref_squeeze %dma_start3A_1316 : memref<1x8x128xf32, #tpu.memory_space<hbm>> -> memref<8x128xf32, #tpu.memory_space<hbm>>
    %dma_start3A_1318 = arith.constant 0 : i32
    %dma_start3A_1319 = tpu.memref_slice %arg5[%select_n3A, %add3A_1309, %dma_start3A_1318] : memref<16x64x4096xf32, #tpu.memory_space<hbm>> -> memref<1x8x128xf32, #tpu.memory_space<hbm>>
    %dma_start3A_1320 = tpu.memref_squeeze %dma_start3A_1319 : memref<1x8x128xf32, #tpu.memory_space<hbm>> -> memref<8x128xf32, #tpu.memory_space<hbm>>
    %dma_start3A_1321 = arith.constant 0 : i32
    %dma_start3A_1322 = arith.constant 0 : i32
    %dma_start3A_1323 = tpu.memref_slice %arg13[%dma_start3A_1310, %dma_start3A_1321, %dma_start3A_1322] : memref<2x8x128xf32, #tpu.memory_space<vmem>> -> memref<1x8x128xf32, #tpu.memory_space<vmem>>
    %dma_start3A_1324 = tpu.memref_squeeze %dma_start3A_1323 : memref<1x8x128xf32, #tpu.memory_space<vmem>> -> memref<8x128xf32, #tpu.memory_space<vmem>>
    tpu.enqueue_dma source(%dma_start3A_1324 : memref<8x128xf32, #tpu.memory_space<vmem>>) target(%dma_start3A_1320 : memref<8x128xf32, #tpu.memory_space<hbm>>) target_semaphore(%arg16 : memref<!tpu.dma_semaphore, #tpu.memory_space<semaphore_mem>>)
    %add3A_1325 = arith.constant 8 : i32
    %add3A_1326 = arith.addi %mul3A_32, %add3A_1325 : i32
    %add3A_1327 = arith.constant 0 : i32
    %add3A_1328 = arith.addi %add3A_1326, %add3A_1327 : i32
    %broadcast_in_dim3A_1329 = vector.broadcast %add3A_1328 : i32 to vector<16xi32>
    %gather3A_1330 = tpu.vector_load_idx %arg8[%broadcast_in_dim3A_1329] : memref<64xi32, #tpu.memory_space<vmem>>[vector<16xi32>], vector<16xi32>,
    %gather3A_1331 = tpu.vector_load_idx %arg9[%broadcast_in_dim3A_1329] : memref<64xi32, #tpu.memory_space<vmem>>[vector<16xi32>], vector<16xi32>,
    %add3A_1332 = arith.constant 0 : i32
    %add3A_1333 = vector.broadcast %add3A_1332 : i32 to vector<16xi32>
    %add3A_1334 = arith.addi %iota3A, %add3A_1333 : vector<16xi32>
    %lt3A_1335 = arith.cmpi slt, %add3A_1334, %gather3A_1330 : vector<16xi32>
    %add3A_1336 = arith.addi %gather3A_1331, %add3A_1334 : vector<16xi32>
    %jit3A_1337 = arith.constant 0 : i32
    %broadcast_in_dim3A_1338 = vector.broadcast %jit3A_1337 : i32 to vector<16xi32>
    %select_n3A_1339 = arith.select %lt3A_1335, %add3A_1336, %broadcast_in_dim3A_1338 : vector<16xi1>, vector<16xi32>
    %gather3A_1340 = tpu.vector_load_idx %arg7[%select_n3A_1339] : memref<4096xf32, #tpu.memory_space<vmem>>[vector<16xi32>], vector<16xf32>,
    %jit3A_1341 = arith.constant 0.000000e+00 : f32
    %broadcast_in_dim3A_1342 = vector.broadcast %jit3A_1341 : f32 to vector<16xf32>
    %select_n3A_1343 = arith.select %lt3A_1335, %gather3A_1340, %broadcast_in_dim3A_1342 : vector<16xi1>, vector<16xf32>
    %add3A_1344 = arith.constant 16 : i32
    %add3A_1345 = vector.broadcast %add3A_1344 : i32 to vector<16xi32>
    %add3A_1346 = arith.addi %iota3A, %add3A_1345 : vector<16xi32>
    %lt3A_1347 = arith.cmpi slt, %add3A_1346, %gather3A_1330 : vector<16xi32>
    %add3A_1348 = arith.addi %gather3A_1331, %add3A_1346 : vector<16xi32>
    %jit3A_1349 = arith.constant 0 : i32
    %broadcast_in_dim3A_1350 = vector.broadcast %jit3A_1349 : i32 to vector<16xi32>
    %select_n3A_1351 = arith.select %lt3A_1347, %add3A_1348, %broadcast_in_dim3A_1350 : vector<16xi1>, vector<16xi32>
    %gather3A_1352 = tpu.vector_load_idx %arg7[%select_n3A_1351] : memref<4096xf32, #tpu.memory_space<vmem>>[vector<16xi32>], vector<16xf32>,
    %jit3A_1353 = arith.constant 0.000000e+00 : f32
    %broadcast_in_dim3A_1354 = vector.broadcast %jit3A_1353 : f32 to vector<16xf32>
    %select_n3A_1355 = arith.select %lt3A_1347, %gather3A_1352, %broadcast_in_dim3A_1354 : vector<16xi1>, vector<16xf32>
    %add3A_1356 = arith.constant 32 : i32
    %add3A_1357 = vector.broadcast %add3A_1356 : i32 to vector<16xi32>
    %add3A_1358 = arith.addi %iota3A, %add3A_1357 : vector<16xi32>
    %lt3A_1359 = arith.cmpi slt, %add3A_1358, %gather3A_1330 : vector<16xi32>
    %add3A_1360 = arith.addi %gather3A_1331, %add3A_1358 : vector<16xi32>
    %jit3A_1361 = arith.constant 0 : i32
    %broadcast_in_dim3A_1362 = vector.broadcast %jit3A_1361 : i32 to vector<16xi32>
    %select_n3A_1363 = arith.select %lt3A_1359, %add3A_1360, %broadcast_in_dim3A_1362 : vector<16xi1>, vector<16xi32>
    %gather3A_1364 = tpu.vector_load_idx %arg7[%select_n3A_1363] : memref<4096xf32, #tpu.memory_space<vmem>>[vector<16xi32>], vector<16xf32>,
    %jit3A_1365 = arith.constant 0.000000e+00 : f32
    %broadcast_in_dim3A_1366 = vector.broadcast %jit3A_1365 : f32 to vector<16xf32>
    %select_n3A_1367 = arith.select %lt3A_1359, %gather3A_1364, %broadcast_in_dim3A_1366 : vector<16xi1>, vector<16xf32>
    %add3A_1368 = arith.constant 48 : i32
    %add3A_1369 = vector.broadcast %add3A_1368 : i32 to vector<16xi32>
    %add3A_1370 = arith.addi %iota3A, %add3A_1369 : vector<16xi32>
    %lt3A_1371 = arith.cmpi slt, %add3A_1370, %gather3A_1330 : vector<16xi32>
    %add3A_1372 = arith.addi %gather3A_1331, %add3A_1370 : vector<16xi32>
    %jit3A_1373 = arith.constant 0 : i32
    %broadcast_in_dim3A_1374 = vector.broadcast %jit3A_1373 : i32 to vector<16xi32>
    %select_n3A_1375 = arith.select %lt3A_1371, %add3A_1372, %broadcast_in_dim3A_1374 : vector<16xi1>, vector<16xi32>
    %gather3A_1376 = tpu.vector_load_idx %arg7[%select_n3A_1375] : memref<4096xf32, #tpu.memory_space<vmem>>[vector<16xi32>], vector<16xf32>,
    %jit3A_1377 = arith.constant 0.000000e+00 : f32
    %broadcast_in_dim3A_1378 = vector.broadcast %jit3A_1377 : f32 to vector<16xf32>
    %select_n3A_1379 = arith.select %lt3A_1371, %gather3A_1376, %broadcast_in_dim3A_1378 : vector<16xi1>, vector<16xf32>
    %swap3A_1380 = arith.constant 1 : i32
    %swap3A_1381 = arith.constant 0 : i32
    %swap3A_1382 = arith.index_cast %swap3A_1380 : i32 to index
    %swap3A_1383 = arith.index_cast %swap3A_1381 : i32 to index
    %swap3A_1384 = arith.constant 0 : index
    %swap3A_1385 = tpu.vector_load %arg13[%swap3A_1382, %swap3A_1383, %swap3A_1384] {strides = array<i32>} : memref<2x8x128xf32, #tpu.memory_space<vmem>>, vector<16xf32>,
    tpu.vector_store %arg13[%swap3A_1382, %swap3A_1383, %swap3A_1384], %select_n3A_1343 {strides = array<i32>} : memref<2x8x128xf32, #tpu.memory_space<vmem>>, vector<16xf32>,
    %swap3A_1386 = arith.constant 1 : i32
    %swap3A_1387 = arith.constant 0 : i32
    %swap3A_1388 = arith.index_cast %swap3A_1386 : i32 to index
    %swap3A_1389 = arith.index_cast %swap3A_1387 : i32 to index
    %swap3A_1390 = arith.constant 16 : index
    %swap3A_1391 = tpu.vector_load %arg13[%swap3A_1388, %swap3A_1389, %swap3A_1390] {strides = array<i32>} : memref<2x8x128xf32, #tpu.memory_space<vmem>>, vector<16xf32>,
    tpu.vector_store %arg13[%swap3A_1388, %swap3A_1389, %swap3A_1390], %select_n3A_1355 {strides = array<i32>} : memref<2x8x128xf32, #tpu.memory_space<vmem>>, vector<16xf32>,
    %swap3A_1392 = arith.constant 1 : i32
    %swap3A_1393 = arith.constant 0 : i32
    %swap3A_1394 = arith.index_cast %swap3A_1392 : i32 to index
    %swap3A_1395 = arith.index_cast %swap3A_1393 : i32 to index
    %swap3A_1396 = arith.constant 32 : index
    %swap3A_1397 = tpu.vector_load %arg13[%swap3A_1394, %swap3A_1395, %swap3A_1396] {strides = array<i32>} : memref<2x8x128xf32, #tpu.memory_space<vmem>>, vector<16xf32>,
    tpu.vector_store %arg13[%swap3A_1394, %swap3A_1395, %swap3A_1396], %select_n3A_1367 {strides = array<i32>} : memref<2x8x128xf32, #tpu.memory_space<vmem>>, vector<16xf32>,
    %swap3A_1398 = arith.constant 1 : i32
    %swap3A_1399 = arith.constant 0 : i32
    %swap3A_1400 = arith.index_cast %swap3A_1398 : i32 to index
    %swap3A_1401 = arith.index_cast %swap3A_1399 : i32 to index
    %swap3A_1402 = arith.constant 48 : index
    %swap3A_1403 = tpu.vector_load %arg13[%swap3A_1400, %swap3A_1401, %swap3A_1402] {strides = array<i32>} : memref<2x8x128xf32, #tpu.memory_space<vmem>>, vector<16xf32>,
    tpu.vector_store %arg13[%swap3A_1400, %swap3A_1401, %swap3A_1402], %select_n3A_1379 {strides = array<i32>} : memref<2x8x128xf32, #tpu.memory_space<vmem>>, vector<16xf32>,
    %add3A_1404 = arith.constant 8 : i32
    %add3A_1405 = arith.addi %mul3A_32, %add3A_1404 : i32
    %add3A_1406 = arith.constant 1 : i32
    %add3A_1407 = arith.addi %add3A_1405, %add3A_1406 : i32
    %broadcast_in_dim3A_1408 = vector.broadcast %add3A_1407 : i32 to vector<16xi32>
    %gather3A_1409 = tpu.vector_load_idx %arg8[%broadcast_in_dim3A_1408] : memref<64xi32, #tpu.memory_space<vmem>>[vector<16xi32>], vector<16xi32>,
    %gather3A_1410 = tpu.vector_load_idx %arg9[%broadcast_in_dim3A_1408] : memref<64xi32, #tpu.memory_space<vmem>>[vector<16xi32>], vector<16xi32>,
    %add3A_1411 = arith.constant 0 : i32
    %add3A_1412 = vector.broadcast %add3A_1411 : i32 to vector<16xi32>
    %add3A_1413 = arith.addi %iota3A, %add3A_1412 : vector<16xi32>
    %lt3A_1414 = arith.cmpi slt, %add3A_1413, %gather3A_1409 : vector<16xi32>
    %add3A_1415 = arith.addi %gather3A_1410, %add3A_1413 : vector<16xi32>
    %jit3A_1416 = arith.constant 0 : i32
    %broadcast_in_dim3A_1417 = vector.broadcast %jit3A_1416 : i32 to vector<16xi32>
    %select_n3A_1418 = arith.select %lt3A_1414, %add3A_1415, %broadcast_in_dim3A_1417 : vector<16xi1>, vector<16xi32>
    %gather3A_1419 = tpu.vector_load_idx %arg7[%select_n3A_1418] : memref<4096xf32, #tpu.memory_space<vmem>>[vector<16xi32>], vector<16xf32>,
    %jit3A_1420 = arith.constant 0.000000e+00 : f32
    %broadcast_in_dim3A_1421 = vector.broadcast %jit3A_1420 : f32 to vector<16xf32>
    %select_n3A_1422 = arith.select %lt3A_1414, %gather3A_1419, %broadcast_in_dim3A_1421 : vector<16xi1>, vector<16xf32>
    %add3A_1423 = arith.constant 16 : i32
    %add3A_1424 = vector.broadcast %add3A_1423 : i32 to vector<16xi32>
    %add3A_1425 = arith.addi %iota3A, %add3A_1424 : vector<16xi32>
    %lt3A_1426 = arith.cmpi slt, %add3A_1425, %gather3A_1409 : vector<16xi32>
    %add3A_1427 = arith.addi %gather3A_1410, %add3A_1425 : vector<16xi32>
    %jit3A_1428 = arith.constant 0 : i32
    %broadcast_in_dim3A_1429 = vector.broadcast %jit3A_1428 : i32 to vector<16xi32>
    %select_n3A_1430 = arith.select %lt3A_1426, %add3A_1427, %broadcast_in_dim3A_1429 : vector<16xi1>, vector<16xi32>
    %gather3A_1431 = tpu.vector_load_idx %arg7[%select_n3A_1430] : memref<4096xf32, #tpu.memory_space<vmem>>[vector<16xi32>], vector<16xf32>,
    %jit3A_1432 = arith.constant 0.000000e+00 : f32
    %broadcast_in_dim3A_1433 = vector.broadcast %jit3A_1432 : f32 to vector<16xf32>
    %select_n3A_1434 = arith.select %lt3A_1426, %gather3A_1431, %broadcast_in_dim3A_1433 : vector<16xi1>, vector<16xf32>
    %add3A_1435 = arith.constant 32 : i32
    %add3A_1436 = vector.broadcast %add3A_1435 : i32 to vector<16xi32>
    %add3A_1437 = arith.addi %iota3A, %add3A_1436 : vector<16xi32>
    %lt3A_1438 = arith.cmpi slt, %add3A_1437, %gather3A_1409 : vector<16xi32>
    %add3A_1439 = arith.addi %gather3A_1410, %add3A_1437 : vector<16xi32>
    %jit3A_1440 = arith.constant 0 : i32
    %broadcast_in_dim3A_1441 = vector.broadcast %jit3A_1440 : i32 to vector<16xi32>
    %select_n3A_1442 = arith.select %lt3A_1438, %add3A_1439, %broadcast_in_dim3A_1441 : vector<16xi1>, vector<16xi32>
    %gather3A_1443 = tpu.vector_load_idx %arg7[%select_n3A_1442] : memref<4096xf32, #tpu.memory_space<vmem>>[vector<16xi32>], vector<16xf32>,
    %jit3A_1444 = arith.constant 0.000000e+00 : f32
    %broadcast_in_dim3A_1445 = vector.broadcast %jit3A_1444 : f32 to vector<16xf32>
    %select_n3A_1446 = arith.select %lt3A_1438, %gather3A_1443, %broadcast_in_dim3A_1445 : vector<16xi1>, vector<16xf32>
    %add3A_1447 = arith.constant 48 : i32
    %add3A_1448 = vector.broadcast %add3A_1447 : i32 to vector<16xi32>
    %add3A_1449 = arith.addi %iota3A, %add3A_1448 : vector<16xi32>
    %lt3A_1450 = arith.cmpi slt, %add3A_1449, %gather3A_1409 : vector<16xi32>
    %add3A_1451 = arith.addi %gather3A_1410, %add3A_1449 : vector<16xi32>
    %jit3A_1452 = arith.constant 0 : i32
    %broadcast_in_dim3A_1453 = vector.broadcast %jit3A_1452 : i32 to vector<16xi32>
    %select_n3A_1454 = arith.select %lt3A_1450, %add3A_1451, %broadcast_in_dim3A_1453 : vector<16xi1>, vector<16xi32>
    %gather3A_1455 = tpu.vector_load_idx %arg7[%select_n3A_1454] : memref<4096xf32, #tpu.memory_space<vmem>>[vector<16xi32>], vector<16xf32>,
    %jit3A_1456 = arith.constant 0.000000e+00 : f32
    %broadcast_in_dim3A_1457 = vector.broadcast %jit3A_1456 : f32 to vector<16xf32>
    %select_n3A_1458 = arith.select %lt3A_1450, %gather3A_1455, %broadcast_in_dim3A_1457 : vector<16xi1>, vector<16xf32>
    %swap3A_1459 = arith.constant 1 : i32
    %swap3A_1460 = arith.constant 1 : i32
    %swap3A_1461 = arith.index_cast %swap3A_1459 : i32 to index
    %swap3A_1462 = arith.index_cast %swap3A_1460 : i32 to index
    %swap3A_1463 = arith.constant 0 : index
    %swap3A_1464 = tpu.vector_load %arg13[%swap3A_1461, %swap3A_1462, %swap3A_1463] {strides = array<i32>} : memref<2x8x128xf32, #tpu.memory_space<vmem>>, vector<16xf32>,
    tpu.vector_store %arg13[%swap3A_1461, %swap3A_1462, %swap3A_1463], %select_n3A_1422 {strides = array<i32>} : memref<2x8x128xf32, #tpu.memory_space<vmem>>, vector<16xf32>,
    %swap3A_1465 = arith.constant 1 : i32
    %swap3A_1466 = arith.constant 1 : i32
    %swap3A_1467 = arith.index_cast %swap3A_1465 : i32 to index
    %swap3A_1468 = arith.index_cast %swap3A_1466 : i32 to index
    %swap3A_1469 = arith.constant 16 : index
    %swap3A_1470 = tpu.vector_load %arg13[%swap3A_1467, %swap3A_1468, %swap3A_1469] {strides = array<i32>} : memref<2x8x128xf32, #tpu.memory_space<vmem>>, vector<16xf32>,
    tpu.vector_store %arg13[%swap3A_1467, %swap3A_1468, %swap3A_1469], %select_n3A_1434 {strides = array<i32>} : memref<2x8x128xf32, #tpu.memory_space<vmem>>, vector<16xf32>,
    %swap3A_1471 = arith.constant 1 : i32
    %swap3A_1472 = arith.constant 1 : i32
    %swap3A_1473 = arith.index_cast %swap3A_1471 : i32 to index
    %swap3A_1474 = arith.index_cast %swap3A_1472 : i32 to index
    %swap3A_1475 = arith.constant 32 : index
    %swap3A_1476 = tpu.vector_load %arg13[%swap3A_1473, %swap3A_1474, %swap3A_1475] {strides = array<i32>} : memref<2x8x128xf32, #tpu.memory_space<vmem>>, vector<16xf32>,
    tpu.vector_store %arg13[%swap3A_1473, %swap3A_1474, %swap3A_1475], %select_n3A_1446 {strides = array<i32>} : memref<2x8x128xf32, #tpu.memory_space<vmem>>, vector<16xf32>,
    %swap3A_1477 = arith.constant 1 : i32
    %swap3A_1478 = arith.constant 1 : i32
    %swap3A_1479 = arith.index_cast %swap3A_1477 : i32 to index
    %swap3A_1480 = arith.index_cast %swap3A_1478 : i32 to index
    %swap3A_1481 = arith.constant 48 : index
    %swap3A_1482 = tpu.vector_load %arg13[%swap3A_1479, %swap3A_1480, %swap3A_1481] {strides = array<i32>} : memref<2x8x128xf32, #tpu.memory_space<vmem>>, vector<16xf32>,
    tpu.vector_store %arg13[%swap3A_1479, %swap3A_1480, %swap3A_1481], %select_n3A_1458 {strides = array<i32>} : memref<2x8x128xf32, #tpu.memory_space<vmem>>, vector<16xf32>,
    %add3A_1483 = arith.constant 8 : i32
    %add3A_1484 = arith.addi %mul3A_32, %add3A_1483 : i32
    %add3A_1485 = arith.constant 2 : i32
    %add3A_1486 = arith.addi %add3A_1484, %add3A_1485 : i32
    %broadcast_in_dim3A_1487 = vector.broadcast %add3A_1486 : i32 to vector<16xi32>
    %gather3A_1488 = tpu.vector_load_idx %arg8[%broadcast_in_dim3A_1487] : memref<64xi32, #tpu.memory_space<vmem>>[vector<16xi32>], vector<16xi32>,
    %gather3A_1489 = tpu.vector_load_idx %arg9[%broadcast_in_dim3A_1487] : memref<64xi32, #tpu.memory_space<vmem>>[vector<16xi32>], vector<16xi32>,
    %add3A_1490 = arith.constant 0 : i32
    %add3A_1491 = vector.broadcast %add3A_1490 : i32 to vector<16xi32>
    %add3A_1492 = arith.addi %iota3A, %add3A_1491 : vector<16xi32>
    %lt3A_1493 = arith.cmpi slt, %add3A_1492, %gather3A_1488 : vector<16xi32>
    %add3A_1494 = arith.addi %gather3A_1489, %add3A_1492 : vector<16xi32>
    %jit3A_1495 = arith.constant 0 : i32
    %broadcast_in_dim3A_1496 = vector.broadcast %jit3A_1495 : i32 to vector<16xi32>
    %select_n3A_1497 = arith.select %lt3A_1493, %add3A_1494, %broadcast_in_dim3A_1496 : vector<16xi1>, vector<16xi32>
    %gather3A_1498 = tpu.vector_load_idx %arg7[%select_n3A_1497] : memref<4096xf32, #tpu.memory_space<vmem>>[vector<16xi32>], vector<16xf32>,
    %jit3A_1499 = arith.constant 0.000000e+00 : f32
    %broadcast_in_dim3A_1500 = vector.broadcast %jit3A_1499 : f32 to vector<16xf32>
    %select_n3A_1501 = arith.select %lt3A_1493, %gather3A_1498, %broadcast_in_dim3A_1500 : vector<16xi1>, vector<16xf32>
    %add3A_1502 = arith.constant 16 : i32
    %add3A_1503 = vector.broadcast %add3A_1502 : i32 to vector<16xi32>
    %add3A_1504 = arith.addi %iota3A, %add3A_1503 : vector<16xi32>
    %lt3A_1505 = arith.cmpi slt, %add3A_1504, %gather3A_1488 : vector<16xi32>
    %add3A_1506 = arith.addi %gather3A_1489, %add3A_1504 : vector<16xi32>
    %jit3A_1507 = arith.constant 0 : i32
    %broadcast_in_dim3A_1508 = vector.broadcast %jit3A_1507 : i32 to vector<16xi32>
    %select_n3A_1509 = arith.select %lt3A_1505, %add3A_1506, %broadcast_in_dim3A_1508 : vector<16xi1>, vector<16xi32>
    %gather3A_1510 = tpu.vector_load_idx %arg7[%select_n3A_1509] : memref<4096xf32, #tpu.memory_space<vmem>>[vector<16xi32>], vector<16xf32>,
    %jit3A_1511 = arith.constant 0.000000e+00 : f32
    %broadcast_in_dim3A_1512 = vector.broadcast %jit3A_1511 : f32 to vector<16xf32>
    %select_n3A_1513 = arith.select %lt3A_1505, %gather3A_1510, %broadcast_in_dim3A_1512 : vector<16xi1>, vector<16xf32>
    %add3A_1514 = arith.constant 32 : i32
    %add3A_1515 = vector.broadcast %add3A_1514 : i32 to vector<16xi32>
    %add3A_1516 = arith.addi %iota3A, %add3A_1515 : vector<16xi32>
    %lt3A_1517 = arith.cmpi slt, %add3A_1516, %gather3A_1488 : vector<16xi32>
    %add3A_1518 = arith.addi %gather3A_1489, %add3A_1516 : vector<16xi32>
    %jit3A_1519 = arith.constant 0 : i32
    %broadcast_in_dim3A_1520 = vector.broadcast %jit3A_1519 : i32 to vector<16xi32>
    %select_n3A_1521 = arith.select %lt3A_1517, %add3A_1518, %broadcast_in_dim3A_1520 : vector<16xi1>, vector<16xi32>
    %gather3A_1522 = tpu.vector_load_idx %arg7[%select_n3A_1521] : memref<4096xf32, #tpu.memory_space<vmem>>[vector<16xi32>], vector<16xf32>,
    %jit3A_1523 = arith.constant 0.000000e+00 : f32
    %broadcast_in_dim3A_1524 = vector.broadcast %jit3A_1523 : f32 to vector<16xf32>
    %select_n3A_1525 = arith.select %lt3A_1517, %gather3A_1522, %broadcast_in_dim3A_1524 : vector<16xi1>, vector<16xf32>
    %add3A_1526 = arith.constant 48 : i32
    %add3A_1527 = vector.broadcast %add3A_1526 : i32 to vector<16xi32>
    %add3A_1528 = arith.addi %iota3A, %add3A_1527 : vector<16xi32>
    %lt3A_1529 = arith.cmpi slt, %add3A_1528, %gather3A_1488 : vector<16xi32>
    %add3A_1530 = arith.addi %gather3A_1489, %add3A_1528 : vector<16xi32>
    %jit3A_1531 = arith.constant 0 : i32
    %broadcast_in_dim3A_1532 = vector.broadcast %jit3A_1531 : i32 to vector<16xi32>
    %select_n3A_1533 = arith.select %lt3A_1529, %add3A_1530, %broadcast_in_dim3A_1532 : vector<16xi1>, vector<16xi32>
    %gather3A_1534 = tpu.vector_load_idx %arg7[%select_n3A_1533] : memref<4096xf32, #tpu.memory_space<vmem>>[vector<16xi32>], vector<16xf32>,
    %jit3A_1535 = arith.constant 0.000000e+00 : f32
    %broadcast_in_dim3A_1536 = vector.broadcast %jit3A_1535 : f32 to vector<16xf32>
    %select_n3A_1537 = arith.select %lt3A_1529, %gather3A_1534, %broadcast_in_dim3A_1536 : vector<16xi1>, vector<16xf32>
    %swap3A_1538 = arith.constant 1 : i32
    %swap3A_1539 = arith.constant 2 : i32
    %swap3A_1540 = arith.index_cast %swap3A_1538 : i32 to index
    %swap3A_1541 = arith.index_cast %swap3A_1539 : i32 to index
    %swap3A_1542 = arith.constant 0 : index
    %swap3A_1543 = tpu.vector_load %arg13[%swap3A_1540, %swap3A_1541, %swap3A_1542] {strides = array<i32>} : memref<2x8x128xf32, #tpu.memory_space<vmem>>, vector<16xf32>,
    tpu.vector_store %arg13[%swap3A_1540, %swap3A_1541, %swap3A_1542], %select_n3A_1501 {strides = array<i32>} : memref<2x8x128xf32, #tpu.memory_space<vmem>>, vector<16xf32>,
    %swap3A_1544 = arith.constant 1 : i32
    %swap3A_1545 = arith.constant 2 : i32
    %swap3A_1546 = arith.index_cast %swap3A_1544 : i32 to index
    %swap3A_1547 = arith.index_cast %swap3A_1545 : i32 to index
    %swap3A_1548 = arith.constant 16 : index
    %swap3A_1549 = tpu.vector_load %arg13[%swap3A_1546, %swap3A_1547, %swap3A_1548] {strides = array<i32>} : memref<2x8x128xf32, #tpu.memory_space<vmem>>, vector<16xf32>,
    tpu.vector_store %arg13[%swap3A_1546, %swap3A_1547, %swap3A_1548], %select_n3A_1513 {strides = array<i32>} : memref<2x8x128xf32, #tpu.memory_space<vmem>>, vector<16xf32>,
    %swap3A_1550 = arith.constant 1 : i32
    %swap3A_1551 = arith.constant 2 : i32
    %swap3A_1552 = arith.index_cast %swap3A_1550 : i32 to index
    %swap3A_1553 = arith.index_cast %swap3A_1551 : i32 to index
    %swap3A_1554 = arith.constant 32 : index
    %swap3A_1555 = tpu.vector_load %arg13[%swap3A_1552, %swap3A_1553, %swap3A_1554] {strides = array<i32>} : memref<2x8x128xf32, #tpu.memory_space<vmem>>, vector<16xf32>,
    tpu.vector_store %arg13[%swap3A_1552, %swap3A_1553, %swap3A_1554], %select_n3A_1525 {strides = array<i32>} : memref<2x8x128xf32, #tpu.memory_space<vmem>>, vector<16xf32>,
    %swap3A_1556 = arith.constant 1 : i32
    %swap3A_1557 = arith.constant 2 : i32
    %swap3A_1558 = arith.index_cast %swap3A_1556 : i32 to index
    %swap3A_1559 = arith.index_cast %swap3A_1557 : i32 to index
    %swap3A_1560 = arith.constant 48 : index
    %swap3A_1561 = tpu.vector_load %arg13[%swap3A_1558, %swap3A_1559, %swap3A_1560] {strides = array<i32>} : memref<2x8x128xf32, #tpu.memory_space<vmem>>, vector<16xf32>,
    tpu.vector_store %arg13[%swap3A_1558, %swap3A_1559, %swap3A_1560], %select_n3A_1537 {strides = array<i32>} : memref<2x8x128xf32, #tpu.memory_space<vmem>>, vector<16xf32>,
    %add3A_1562 = arith.constant 8 : i32
    %add3A_1563 = arith.addi %mul3A_32, %add3A_1562 : i32
    %add3A_1564 = arith.constant 3 : i32
    %add3A_1565 = arith.addi %add3A_1563, %add3A_1564 : i32
    %broadcast_in_dim3A_1566 = vector.broadcast %add3A_1565 : i32 to vector<16xi32>
    %gather3A_1567 = tpu.vector_load_idx %arg8[%broadcast_in_dim3A_1566] : memref<64xi32, #tpu.memory_space<vmem>>[vector<16xi32>], vector<16xi32>,
    %gather3A_1568 = tpu.vector_load_idx %arg9[%broadcast_in_dim3A_1566] : memref<64xi32, #tpu.memory_space<vmem>>[vector<16xi32>], vector<16xi32>,
    %add3A_1569 = arith.constant 0 : i32
    %add3A_1570 = vector.broadcast %add3A_1569 : i32 to vector<16xi32>
    %add3A_1571 = arith.addi %iota3A, %add3A_1570 : vector<16xi32>
    %lt3A_1572 = arith.cmpi slt, %add3A_1571, %gather3A_1567 : vector<16xi32>
    %add3A_1573 = arith.addi %gather3A_1568, %add3A_1571 : vector<16xi32>
    %jit3A_1574 = arith.constant 0 : i32
    %broadcast_in_dim3A_1575 = vector.broadcast %jit3A_1574 : i32 to vector<16xi32>
    %select_n3A_1576 = arith.select %lt3A_1572, %add3A_1573, %broadcast_in_dim3A_1575 : vector<16xi1>, vector<16xi32>
    %gather3A_1577 = tpu.vector_load_idx %arg7[%select_n3A_1576] : memref<4096xf32, #tpu.memory_space<vmem>>[vector<16xi32>], vector<16xf32>,
    %jit3A_1578 = arith.constant 0.000000e+00 : f32
    %broadcast_in_dim3A_1579 = vector.broadcast %jit3A_1578 : f32 to vector<16xf32>
    %select_n3A_1580 = arith.select %lt3A_1572, %gather3A_1577, %broadcast_in_dim3A_1579 : vector<16xi1>, vector<16xf32>
    %add3A_1581 = arith.constant 16 : i32
    %add3A_1582 = vector.broadcast %add3A_1581 : i32 to vector<16xi32>
    %add3A_1583 = arith.addi %iota3A, %add3A_1582 : vector<16xi32>
    %lt3A_1584 = arith.cmpi slt, %add3A_1583, %gather3A_1567 : vector<16xi32>
    %add3A_1585 = arith.addi %gather3A_1568, %add3A_1583 : vector<16xi32>
    %jit3A_1586 = arith.constant 0 : i32
    %broadcast_in_dim3A_1587 = vector.broadcast %jit3A_1586 : i32 to vector<16xi32>
    %select_n3A_1588 = arith.select %lt3A_1584, %add3A_1585, %broadcast_in_dim3A_1587 : vector<16xi1>, vector<16xi32>
    %gather3A_1589 = tpu.vector_load_idx %arg7[%select_n3A_1588] : memref<4096xf32, #tpu.memory_space<vmem>>[vector<16xi32>], vector<16xf32>,
    %jit3A_1590 = arith.constant 0.000000e+00 : f32
    %broadcast_in_dim3A_1591 = vector.broadcast %jit3A_1590 : f32 to vector<16xf32>
    %select_n3A_1592 = arith.select %lt3A_1584, %gather3A_1589, %broadcast_in_dim3A_1591 : vector<16xi1>, vector<16xf32>
    %add3A_1593 = arith.constant 32 : i32
    %add3A_1594 = vector.broadcast %add3A_1593 : i32 to vector<16xi32>
    %add3A_1595 = arith.addi %iota3A, %add3A_1594 : vector<16xi32>
    %lt3A_1596 = arith.cmpi slt, %add3A_1595, %gather3A_1567 : vector<16xi32>
    %add3A_1597 = arith.addi %gather3A_1568, %add3A_1595 : vector<16xi32>
    %jit3A_1598 = arith.constant 0 : i32
    %broadcast_in_dim3A_1599 = vector.broadcast %jit3A_1598 : i32 to vector<16xi32>
    %select_n3A_1600 = arith.select %lt3A_1596, %add3A_1597, %broadcast_in_dim3A_1599 : vector<16xi1>, vector<16xi32>
    %gather3A_1601 = tpu.vector_load_idx %arg7[%select_n3A_1600] : memref<4096xf32, #tpu.memory_space<vmem>>[vector<16xi32>], vector<16xf32>,
    %jit3A_1602 = arith.constant 0.000000e+00 : f32
    %broadcast_in_dim3A_1603 = vector.broadcast %jit3A_1602 : f32 to vector<16xf32>
    %select_n3A_1604 = arith.select %lt3A_1596, %gather3A_1601, %broadcast_in_dim3A_1603 : vector<16xi1>, vector<16xf32>
    %add3A_1605 = arith.constant 48 : i32
    %add3A_1606 = vector.broadcast %add3A_1605 : i32 to vector<16xi32>
    %add3A_1607 = arith.addi %iota3A, %add3A_1606 : vector<16xi32>
    %lt3A_1608 = arith.cmpi slt, %add3A_1607, %gather3A_1567 : vector<16xi32>
    %add3A_1609 = arith.addi %gather3A_1568, %add3A_1607 : vector<16xi32>
    %jit3A_1610 = arith.constant 0 : i32
    %broadcast_in_dim3A_1611 = vector.broadcast %jit3A_1610 : i32 to vector<16xi32>
    %select_n3A_1612 = arith.select %lt3A_1608, %add3A_1609, %broadcast_in_dim3A_1611 : vector<16xi1>, vector<16xi32>
    %gather3A_1613 = tpu.vector_load_idx %arg7[%select_n3A_1612] : memref<4096xf32, #tpu.memory_space<vmem>>[vector<16xi32>], vector<16xf32>,
    %jit3A_1614 = arith.constant 0.000000e+00 : f32
    %broadcast_in_dim3A_1615 = vector.broadcast %jit3A_1614 : f32 to vector<16xf32>
    %select_n3A_1616 = arith.select %lt3A_1608, %gather3A_1613, %broadcast_in_dim3A_1615 : vector<16xi1>, vector<16xf32>
    %swap3A_1617 = arith.constant 1 : i32
    %swap3A_1618 = arith.constant 3 : i32
    %swap3A_1619 = arith.index_cast %swap3A_1617 : i32 to index
    %swap3A_1620 = arith.index_cast %swap3A_1618 : i32 to index
    %swap3A_1621 = arith.constant 0 : index
    %swap3A_1622 = tpu.vector_load %arg13[%swap3A_1619, %swap3A_1620, %swap3A_1621] {strides = array<i32>} : memref<2x8x128xf32, #tpu.memory_space<vmem>>, vector<16xf32>,
    tpu.vector_store %arg13[%swap3A_1619, %swap3A_1620, %swap3A_1621], %select_n3A_1580 {strides = array<i32>} : memref<2x8x128xf32, #tpu.memory_space<vmem>>, vector<16xf32>,
    %swap3A_1623 = arith.constant 1 : i32
    %swap3A_1624 = arith.constant 3 : i32
    %swap3A_1625 = arith.index_cast %swap3A_1623 : i32 to index
    %swap3A_1626 = arith.index_cast %swap3A_1624 : i32 to index
    %swap3A_1627 = arith.constant 16 : index
    %swap3A_1628 = tpu.vector_load %arg13[%swap3A_1625, %swap3A_1626, %swap3A_1627] {strides = array<i32>} : memref<2x8x128xf32, #tpu.memory_space<vmem>>, vector<16xf32>,
    tpu.vector_store %arg13[%swap3A_1625, %swap3A_1626, %swap3A_1627], %select_n3A_1592 {strides = array<i32>} : memref<2x8x128xf32, #tpu.memory_space<vmem>>, vector<16xf32>,
    %swap3A_1629 = arith.constant 1 : i32
    %swap3A_1630 = arith.constant 3 : i32
    %swap3A_1631 = arith.index_cast %swap3A_1629 : i32 to index
    %swap3A_1632 = arith.index_cast %swap3A_1630 : i32 to index
    %swap3A_1633 = arith.constant 32 : index
    %swap3A_1634 = tpu.vector_load %arg13[%swap3A_1631, %swap3A_1632, %swap3A_1633] {strides = array<i32>} : memref<2x8x128xf32, #tpu.memory_space<vmem>>, vector<16xf32>,
    tpu.vector_store %arg13[%swap3A_1631, %swap3A_1632, %swap3A_1633], %select_n3A_1604 {strides = array<i32>} : memref<2x8x128xf32, #tpu.memory_space<vmem>>, vector<16xf32>,
    %swap3A_1635 = arith.constant 1 : i32
    %swap3A_1636 = arith.constant 3 : i32
    %swap3A_1637 = arith.index_cast %swap3A_1635 : i32 to index
    %swap3A_1638 = arith.index_cast %swap3A_1636 : i32 to index
    %swap3A_1639 = arith.constant 48 : index
    %swap3A_1640 = tpu.vector_load %arg13[%swap3A_1637, %swap3A_1638, %swap3A_1639] {strides = array<i32>} : memref<2x8x128xf32, #tpu.memory_space<vmem>>, vector<16xf32>,
    tpu.vector_store %arg13[%swap3A_1637, %swap3A_1638, %swap3A_1639], %select_n3A_1616 {strides = array<i32>} : memref<2x8x128xf32, #tpu.memory_space<vmem>>, vector<16xf32>,
    %add3A_1641 = arith.constant 8 : i32
    %add3A_1642 = arith.addi %mul3A_32, %add3A_1641 : i32
    %add3A_1643 = arith.constant 4 : i32
    %add3A_1644 = arith.addi %add3A_1642, %add3A_1643 : i32
    %broadcast_in_dim3A_1645 = vector.broadcast %add3A_1644 : i32 to vector<16xi32>
    %gather3A_1646 = tpu.vector_load_idx %arg8[%broadcast_in_dim3A_1645] : memref<64xi32, #tpu.memory_space<vmem>>[vector<16xi32>], vector<16xi32>,
    %gather3A_1647 = tpu.vector_load_idx %arg9[%broadcast_in_dim3A_1645] : memref<64xi32, #tpu.memory_space<vmem>>[vector<16xi32>], vector<16xi32>,
    %add3A_1648 = arith.constant 0 : i32
    %add3A_1649 = vector.broadcast %add3A_1648 : i32 to vector<16xi32>
    %add3A_1650 = arith.addi %iota3A, %add3A_1649 : vector<16xi32>
    %lt3A_1651 = arith.cmpi slt, %add3A_1650, %gather3A_1646 : vector<16xi32>
    %add3A_1652 = arith.addi %gather3A_1647, %add3A_1650 : vector<16xi32>
    %jit3A_1653 = arith.constant 0 : i32
    %broadcast_in_dim3A_1654 = vector.broadcast %jit3A_1653 : i32 to vector<16xi32>
    %select_n3A_1655 = arith.select %lt3A_1651, %add3A_1652, %broadcast_in_dim3A_1654 : vector<16xi1>, vector<16xi32>
    %gather3A_1656 = tpu.vector_load_idx %arg7[%select_n3A_1655] : memref<4096xf32, #tpu.memory_space<vmem>>[vector<16xi32>], vector<16xf32>,
    %jit3A_1657 = arith.constant 0.000000e+00 : f32
    %broadcast_in_dim3A_1658 = vector.broadcast %jit3A_1657 : f32 to vector<16xf32>
    %select_n3A_1659 = arith.select %lt3A_1651, %gather3A_1656, %broadcast_in_dim3A_1658 : vector<16xi1>, vector<16xf32>
    %add3A_1660 = arith.constant 16 : i32
    %add3A_1661 = vector.broadcast %add3A_1660 : i32 to vector<16xi32>
    %add3A_1662 = arith.addi %iota3A, %add3A_1661 : vector<16xi32>
    %lt3A_1663 = arith.cmpi slt, %add3A_1662, %gather3A_1646 : vector<16xi32>
    %add3A_1664 = arith.addi %gather3A_1647, %add3A_1662 : vector<16xi32>
    %jit3A_1665 = arith.constant 0 : i32
    %broadcast_in_dim3A_1666 = vector.broadcast %jit3A_1665 : i32 to vector<16xi32>
    %select_n3A_1667 = arith.select %lt3A_1663, %add3A_1664, %broadcast_in_dim3A_1666 : vector<16xi1>, vector<16xi32>
    %gather3A_1668 = tpu.vector_load_idx %arg7[%select_n3A_1667] : memref<4096xf32, #tpu.memory_space<vmem>>[vector<16xi32>], vector<16xf32>,
    %jit3A_1669 = arith.constant 0.000000e+00 : f32
    %broadcast_in_dim3A_1670 = vector.broadcast %jit3A_1669 : f32 to vector<16xf32>
    %select_n3A_1671 = arith.select %lt3A_1663, %gather3A_1668, %broadcast_in_dim3A_1670 : vector<16xi1>, vector<16xf32>
    %add3A_1672 = arith.constant 32 : i32
    %add3A_1673 = vector.broadcast %add3A_1672 : i32 to vector<16xi32>
    %add3A_1674 = arith.addi %iota3A, %add3A_1673 : vector<16xi32>
    %lt3A_1675 = arith.cmpi slt, %add3A_1674, %gather3A_1646 : vector<16xi32>
    %add3A_1676 = arith.addi %gather3A_1647, %add3A_1674 : vector<16xi32>
    %jit3A_1677 = arith.constant 0 : i32
    %broadcast_in_dim3A_1678 = vector.broadcast %jit3A_1677 : i32 to vector<16xi32>
    %select_n3A_1679 = arith.select %lt3A_1675, %add3A_1676, %broadcast_in_dim3A_1678 : vector<16xi1>, vector<16xi32>
    %gather3A_1680 = tpu.vector_load_idx %arg7[%select_n3A_1679] : memref<4096xf32, #tpu.memory_space<vmem>>[vector<16xi32>], vector<16xf32>,
    %jit3A_1681 = arith.constant 0.000000e+00 : f32
    %broadcast_in_dim3A_1682 = vector.broadcast %jit3A_1681 : f32 to vector<16xf32>
    %select_n3A_1683 = arith.select %lt3A_1675, %gather3A_1680, %broadcast_in_dim3A_1682 : vector<16xi1>, vector<16xf32>
    %add3A_1684 = arith.constant 48 : i32
    %add3A_1685 = vector.broadcast %add3A_1684 : i32 to vector<16xi32>
    %add3A_1686 = arith.addi %iota3A, %add3A_1685 : vector<16xi32>
    %lt3A_1687 = arith.cmpi slt, %add3A_1686, %gather3A_1646 : vector<16xi32>
    %add3A_1688 = arith.addi %gather3A_1647, %add3A_1686 : vector<16xi32>
    %jit3A_1689 = arith.constant 0 : i32
    %broadcast_in_dim3A_1690 = vector.broadcast %jit3A_1689 : i32 to vector<16xi32>
    %select_n3A_1691 = arith.select %lt3A_1687, %add3A_1688, %broadcast_in_dim3A_1690 : vector<16xi1>, vector<16xi32>
    %gather3A_1692 = tpu.vector_load_idx %arg7[%select_n3A_1691] : memref<4096xf32, #tpu.memory_space<vmem>>[vector<16xi32>], vector<16xf32>,
    %jit3A_1693 = arith.constant 0.000000e+00 : f32
    %broadcast_in_dim3A_1694 = vector.broadcast %jit3A_1693 : f32 to vector<16xf32>
    %select_n3A_1695 = arith.select %lt3A_1687, %gather3A_1692, %broadcast_in_dim3A_1694 : vector<16xi1>, vector<16xf32>
    %swap3A_1696 = arith.constant 1 : i32
    %swap3A_1697 = arith.constant 4 : i32
    %swap3A_1698 = arith.index_cast %swap3A_1696 : i32 to index
    %swap3A_1699 = arith.index_cast %swap3A_1697 : i32 to index
    %swap3A_1700 = arith.constant 0 : index
    %swap3A_1701 = tpu.vector_load %arg13[%swap3A_1698, %swap3A_1699, %swap3A_1700] {strides = array<i32>} : memref<2x8x128xf32, #tpu.memory_space<vmem>>, vector<16xf32>,
    tpu.vector_store %arg13[%swap3A_1698, %swap3A_1699, %swap3A_1700], %select_n3A_1659 {strides = array<i32>} : memref<2x8x128xf32, #tpu.memory_space<vmem>>, vector<16xf32>,
    %swap3A_1702 = arith.constant 1 : i32
    %swap3A_1703 = arith.constant 4 : i32
    %swap3A_1704 = arith.index_cast %swap3A_1702 : i32 to index
    %swap3A_1705 = arith.index_cast %swap3A_1703 : i32 to index
    %swap3A_1706 = arith.constant 16 : index
    %swap3A_1707 = tpu.vector_load %arg13[%swap3A_1704, %swap3A_1705, %swap3A_1706] {strides = array<i32>} : memref<2x8x128xf32, #tpu.memory_space<vmem>>, vector<16xf32>,
    tpu.vector_store %arg13[%swap3A_1704, %swap3A_1705, %swap3A_1706], %select_n3A_1671 {strides = array<i32>} : memref<2x8x128xf32, #tpu.memory_space<vmem>>, vector<16xf32>,
    %swap3A_1708 = arith.constant 1 : i32
    %swap3A_1709 = arith.constant 4 : i32
    %swap3A_1710 = arith.index_cast %swap3A_1708 : i32 to index
    %swap3A_1711 = arith.index_cast %swap3A_1709 : i32 to index
    %swap3A_1712 = arith.constant 32 : index
    %swap3A_1713 = tpu.vector_load %arg13[%swap3A_1710, %swap3A_1711, %swap3A_1712] {strides = array<i32>} : memref<2x8x128xf32, #tpu.memory_space<vmem>>, vector<16xf32>,
    tpu.vector_store %arg13[%swap3A_1710, %swap3A_1711, %swap3A_1712], %select_n3A_1683 {strides = array<i32>} : memref<2x8x128xf32, #tpu.memory_space<vmem>>, vector<16xf32>,
    %swap3A_1714 = arith.constant 1 : i32
    %swap3A_1715 = arith.constant 4 : i32
    %swap3A_1716 = arith.index_cast %swap3A_1714 : i32 to index
    %swap3A_1717 = arith.index_cast %swap3A_1715 : i32 to index
    %swap3A_1718 = arith.constant 48 : index
    %swap3A_1719 = tpu.vector_load %arg13[%swap3A_1716, %swap3A_1717, %swap3A_1718] {strides = array<i32>} : memref<2x8x128xf32, #tpu.memory_space<vmem>>, vector<16xf32>,
    tpu.vector_store %arg13[%swap3A_1716, %swap3A_1717, %swap3A_1718], %select_n3A_1695 {strides = array<i32>} : memref<2x8x128xf32, #tpu.memory_space<vmem>>, vector<16xf32>,
    %add3A_1720 = arith.constant 8 : i32
    %add3A_1721 = arith.addi %mul3A_32, %add3A_1720 : i32
    %add3A_1722 = arith.constant 5 : i32
    %add3A_1723 = arith.addi %add3A_1721, %add3A_1722 : i32
    %broadcast_in_dim3A_1724 = vector.broadcast %add3A_1723 : i32 to vector<16xi32>
    %gather3A_1725 = tpu.vector_load_idx %arg8[%broadcast_in_dim3A_1724] : memref<64xi32, #tpu.memory_space<vmem>>[vector<16xi32>], vector<16xi32>,
    %gather3A_1726 = tpu.vector_load_idx %arg9[%broadcast_in_dim3A_1724] : memref<64xi32, #tpu.memory_space<vmem>>[vector<16xi32>], vector<16xi32>,
    %add3A_1727 = arith.constant 0 : i32
    %add3A_1728 = vector.broadcast %add3A_1727 : i32 to vector<16xi32>
    %add3A_1729 = arith.addi %iota3A, %add3A_1728 : vector<16xi32>
    %lt3A_1730 = arith.cmpi slt, %add3A_1729, %gather3A_1725 : vector<16xi32>
    %add3A_1731 = arith.addi %gather3A_1726, %add3A_1729 : vector<16xi32>
    %jit3A_1732 = arith.constant 0 : i32
    %broadcast_in_dim3A_1733 = vector.broadcast %jit3A_1732 : i32 to vector<16xi32>
    %select_n3A_1734 = arith.select %lt3A_1730, %add3A_1731, %broadcast_in_dim3A_1733 : vector<16xi1>, vector<16xi32>
    %gather3A_1735 = tpu.vector_load_idx %arg7[%select_n3A_1734] : memref<4096xf32, #tpu.memory_space<vmem>>[vector<16xi32>], vector<16xf32>,
    %jit3A_1736 = arith.constant 0.000000e+00 : f32
    %broadcast_in_dim3A_1737 = vector.broadcast %jit3A_1736 : f32 to vector<16xf32>
    %select_n3A_1738 = arith.select %lt3A_1730, %gather3A_1735, %broadcast_in_dim3A_1737 : vector<16xi1>, vector<16xf32>
    %add3A_1739 = arith.constant 16 : i32
    %add3A_1740 = vector.broadcast %add3A_1739 : i32 to vector<16xi32>
    %add3A_1741 = arith.addi %iota3A, %add3A_1740 : vector<16xi32>
    %lt3A_1742 = arith.cmpi slt, %add3A_1741, %gather3A_1725 : vector<16xi32>
    %add3A_1743 = arith.addi %gather3A_1726, %add3A_1741 : vector<16xi32>
    %jit3A_1744 = arith.constant 0 : i32
    %broadcast_in_dim3A_1745 = vector.broadcast %jit3A_1744 : i32 to vector<16xi32>
    %select_n3A_1746 = arith.select %lt3A_1742, %add3A_1743, %broadcast_in_dim3A_1745 : vector<16xi1>, vector<16xi32>
    %gather3A_1747 = tpu.vector_load_idx %arg7[%select_n3A_1746] : memref<4096xf32, #tpu.memory_space<vmem>>[vector<16xi32>], vector<16xf32>,
    %jit3A_1748 = arith.constant 0.000000e+00 : f32
    %broadcast_in_dim3A_1749 = vector.broadcast %jit3A_1748 : f32 to vector<16xf32>
    %select_n3A_1750 = arith.select %lt3A_1742, %gather3A_1747, %broadcast_in_dim3A_1749 : vector<16xi1>, vector<16xf32>
    %add3A_1751 = arith.constant 32 : i32
    %add3A_1752 = vector.broadcast %add3A_1751 : i32 to vector<16xi32>
    %add3A_1753 = arith.addi %iota3A, %add3A_1752 : vector<16xi32>
    %lt3A_1754 = arith.cmpi slt, %add3A_1753, %gather3A_1725 : vector<16xi32>
    %add3A_1755 = arith.addi %gather3A_1726, %add3A_1753 : vector<16xi32>
    %jit3A_1756 = arith.constant 0 : i32
    %broadcast_in_dim3A_1757 = vector.broadcast %jit3A_1756 : i32 to vector<16xi32>
    %select_n3A_1758 = arith.select %lt3A_1754, %add3A_1755, %broadcast_in_dim3A_1757 : vector<16xi1>, vector<16xi32>
    %gather3A_1759 = tpu.vector_load_idx %arg7[%select_n3A_1758] : memref<4096xf32, #tpu.memory_space<vmem>>[vector<16xi32>], vector<16xf32>,
    %jit3A_1760 = arith.constant 0.000000e+00 : f32
    %broadcast_in_dim3A_1761 = vector.broadcast %jit3A_1760 : f32 to vector<16xf32>
    %select_n3A_1762 = arith.select %lt3A_1754, %gather3A_1759, %broadcast_in_dim3A_1761 : vector<16xi1>, vector<16xf32>
    %add3A_1763 = arith.constant 48 : i32
    %add3A_1764 = vector.broadcast %add3A_1763 : i32 to vector<16xi32>
    %add3A_1765 = arith.addi %iota3A, %add3A_1764 : vector<16xi32>
    %lt3A_1766 = arith.cmpi slt, %add3A_1765, %gather3A_1725 : vector<16xi32>
    %add3A_1767 = arith.addi %gather3A_1726, %add3A_1765 : vector<16xi32>
    %jit3A_1768 = arith.constant 0 : i32
    %broadcast_in_dim3A_1769 = vector.broadcast %jit3A_1768 : i32 to vector<16xi32>
    %select_n3A_1770 = arith.select %lt3A_1766, %add3A_1767, %broadcast_in_dim3A_1769 : vector<16xi1>, vector<16xi32>
    %gather3A_1771 = tpu.vector_load_idx %arg7[%select_n3A_1770] : memref<4096xf32, #tpu.memory_space<vmem>>[vector<16xi32>], vector<16xf32>,
    %jit3A_1772 = arith.constant 0.000000e+00 : f32
    %broadcast_in_dim3A_1773 = vector.broadcast %jit3A_1772 : f32 to vector<16xf32>
    %select_n3A_1774 = arith.select %lt3A_1766, %gather3A_1771, %broadcast_in_dim3A_1773 : vector<16xi1>, vector<16xf32>
    %swap3A_1775 = arith.constant 1 : i32
    %swap3A_1776 = arith.constant 5 : i32
    %swap3A_1777 = arith.index_cast %swap3A_1775 : i32 to index
    %swap3A_1778 = arith.index_cast %swap3A_1776 : i32 to index
    %swap3A_1779 = arith.constant 0 : index
    %swap3A_1780 = tpu.vector_load %arg13[%swap3A_1777, %swap3A_1778, %swap3A_1779] {strides = array<i32>} : memref<2x8x128xf32, #tpu.memory_space<vmem>>, vector<16xf32>,
    tpu.vector_store %arg13[%swap3A_1777, %swap3A_1778, %swap3A_1779], %select_n3A_1738 {strides = array<i32>} : memref<2x8x128xf32, #tpu.memory_space<vmem>>, vector<16xf32>,
    %swap3A_1781 = arith.constant 1 : i32
    %swap3A_1782 = arith.constant 5 : i32
    %swap3A_1783 = arith.index_cast %swap3A_1781 : i32 to index
    %swap3A_1784 = arith.index_cast %swap3A_1782 : i32 to index
    %swap3A_1785 = arith.constant 16 : index
    %swap3A_1786 = tpu.vector_load %arg13[%swap3A_1783, %swap3A_1784, %swap3A_1785] {strides = array<i32>} : memref<2x8x128xf32, #tpu.memory_space<vmem>>, vector<16xf32>,
    tpu.vector_store %arg13[%swap3A_1783, %swap3A_1784, %swap3A_1785], %select_n3A_1750 {strides = array<i32>} : memref<2x8x128xf32, #tpu.memory_space<vmem>>, vector<16xf32>,
    %swap3A_1787 = arith.constant 1 : i32
    %swap3A_1788 = arith.constant 5 : i32
    %swap3A_1789 = arith.index_cast %swap3A_1787 : i32 to index
    %swap3A_1790 = arith.index_cast %swap3A_1788 : i32 to index
    %swap3A_1791 = arith.constant 32 : index
    %swap3A_1792 = tpu.vector_load %arg13[%swap3A_1789, %swap3A_1790, %swap3A_1791] {strides = array<i32>} : memref<2x8x128xf32, #tpu.memory_space<vmem>>, vector<16xf32>,
    tpu.vector_store %arg13[%swap3A_1789, %swap3A_1790, %swap3A_1791], %select_n3A_1762 {strides = array<i32>} : memref<2x8x128xf32, #tpu.memory_space<vmem>>, vector<16xf32>,
    %swap3A_1793 = arith.constant 1 : i32
    %swap3A_1794 = arith.constant 5 : i32
    %swap3A_1795 = arith.index_cast %swap3A_1793 : i32 to index
    %swap3A_1796 = arith.index_cast %swap3A_1794 : i32 to index
    %swap3A_1797 = arith.constant 48 : index
    %swap3A_1798 = tpu.vector_load %arg13[%swap3A_1795, %swap3A_1796, %swap3A_1797] {strides = array<i32>} : memref<2x8x128xf32, #tpu.memory_space<vmem>>, vector<16xf32>,
    tpu.vector_store %arg13[%swap3A_1795, %swap3A_1796, %swap3A_1797], %select_n3A_1774 {strides = array<i32>} : memref<2x8x128xf32, #tpu.memory_space<vmem>>, vector<16xf32>,
    %add3A_1799 = arith.constant 8 : i32
    %add3A_1800 = arith.addi %mul3A_32, %add3A_1799 : i32
    %add3A_1801 = arith.constant 6 : i32
    %add3A_1802 = arith.addi %add3A_1800, %add3A_1801 : i32
    %broadcast_in_dim3A_1803 = vector.broadcast %add3A_1802 : i32 to vector<16xi32>
    %gather3A_1804 = tpu.vector_load_idx %arg8[%broadcast_in_dim3A_1803] : memref<64xi32, #tpu.memory_space<vmem>>[vector<16xi32>], vector<16xi32>,
    %gather3A_1805 = tpu.vector_load_idx %arg9[%broadcast_in_dim3A_1803] : memref<64xi32, #tpu.memory_space<vmem>>[vector<16xi32>], vector<16xi32>,
    %add3A_1806 = arith.constant 0 : i32
    %add3A_1807 = vector.broadcast %add3A_1806 : i32 to vector<16xi32>
    %add3A_1808 = arith.addi %iota3A, %add3A_1807 : vector<16xi32>
    %lt3A_1809 = arith.cmpi slt, %add3A_1808, %gather3A_1804 : vector<16xi32>
    %add3A_1810 = arith.addi %gather3A_1805, %add3A_1808 : vector<16xi32>
    %jit3A_1811 = arith.constant 0 : i32
    %broadcast_in_dim3A_1812 = vector.broadcast %jit3A_1811 : i32 to vector<16xi32>
    %select_n3A_1813 = arith.select %lt3A_1809, %add3A_1810, %broadcast_in_dim3A_1812 : vector<16xi1>, vector<16xi32>
    %gather3A_1814 = tpu.vector_load_idx %arg7[%select_n3A_1813] : memref<4096xf32, #tpu.memory_space<vmem>>[vector<16xi32>], vector<16xf32>,
    %jit3A_1815 = arith.constant 0.000000e+00 : f32
    %broadcast_in_dim3A_1816 = vector.broadcast %jit3A_1815 : f32 to vector<16xf32>
    %select_n3A_1817 = arith.select %lt3A_1809, %gather3A_1814, %broadcast_in_dim3A_1816 : vector<16xi1>, vector<16xf32>
    %add3A_1818 = arith.constant 16 : i32
    %add3A_1819 = vector.broadcast %add3A_1818 : i32 to vector<16xi32>
    %add3A_1820 = arith.addi %iota3A, %add3A_1819 : vector<16xi32>
    %lt3A_1821 = arith.cmpi slt, %add3A_1820, %gather3A_1804 : vector<16xi32>
    %add3A_1822 = arith.addi %gather3A_1805, %add3A_1820 : vector<16xi32>
    %jit3A_1823 = arith.constant 0 : i32
    %broadcast_in_dim3A_1824 = vector.broadcast %jit3A_1823 : i32 to vector<16xi32>
    %select_n3A_1825 = arith.select %lt3A_1821, %add3A_1822, %broadcast_in_dim3A_1824 : vector<16xi1>, vector<16xi32>
    %gather3A_1826 = tpu.vector_load_idx %arg7[%select_n3A_1825] : memref<4096xf32, #tpu.memory_space<vmem>>[vector<16xi32>], vector<16xf32>,
    %jit3A_1827 = arith.constant 0.000000e+00 : f32
    %broadcast_in_dim3A_1828 = vector.broadcast %jit3A_1827 : f32 to vector<16xf32>
    %select_n3A_1829 = arith.select %lt3A_1821, %gather3A_1826, %broadcast_in_dim3A_1828 : vector<16xi1>, vector<16xf32>
    %add3A_1830 = arith.constant 32 : i32
    %add3A_1831 = vector.broadcast %add3A_1830 : i32 to vector<16xi32>
    %add3A_1832 = arith.addi %iota3A, %add3A_1831 : vector<16xi32>
    %lt3A_1833 = arith.cmpi slt, %add3A_1832, %gather3A_1804 : vector<16xi32>
    %add3A_1834 = arith.addi %gather3A_1805, %add3A_1832 : vector<16xi32>
    %jit3A_1835 = arith.constant 0 : i32
    %broadcast_in_dim3A_1836 = vector.broadcast %jit3A_1835 : i32 to vector<16xi32>
    %select_n3A_1837 = arith.select %lt3A_1833, %add3A_1834, %broadcast_in_dim3A_1836 : vector<16xi1>, vector<16xi32>
    %gather3A_1838 = tpu.vector_load_idx %arg7[%select_n3A_1837] : memref<4096xf32, #tpu.memory_space<vmem>>[vector<16xi32>], vector<16xf32>,
    %jit3A_1839 = arith.constant 0.000000e+00 : f32
    %broadcast_in_dim3A_1840 = vector.broadcast %jit3A_1839 : f32 to vector<16xf32>
    %select_n3A_1841 = arith.select %lt3A_1833, %gather3A_1838, %broadcast_in_dim3A_1840 : vector<16xi1>, vector<16xf32>
    %add3A_1842 = arith.constant 48 : i32
    %add3A_1843 = vector.broadcast %add3A_1842 : i32 to vector<16xi32>
    %add3A_1844 = arith.addi %iota3A, %add3A_1843 : vector<16xi32>
    %lt3A_1845 = arith.cmpi slt, %add3A_1844, %gather3A_1804 : vector<16xi32>
    %add3A_1846 = arith.addi %gather3A_1805, %add3A_1844 : vector<16xi32>
    %jit3A_1847 = arith.constant 0 : i32
    %broadcast_in_dim3A_1848 = vector.broadcast %jit3A_1847 : i32 to vector<16xi32>
    %select_n3A_1849 = arith.select %lt3A_1845, %add3A_1846, %broadcast_in_dim3A_1848 : vector<16xi1>, vector<16xi32>
    %gather3A_1850 = tpu.vector_load_idx %arg7[%select_n3A_1849] : memref<4096xf32, #tpu.memory_space<vmem>>[vector<16xi32>], vector<16xf32>,
    %jit3A_1851 = arith.constant 0.000000e+00 : f32
    %broadcast_in_dim3A_1852 = vector.broadcast %jit3A_1851 : f32 to vector<16xf32>
    %select_n3A_1853 = arith.select %lt3A_1845, %gather3A_1850, %broadcast_in_dim3A_1852 : vector<16xi1>, vector<16xf32>
    %swap3A_1854 = arith.constant 1 : i32
    %swap3A_1855 = arith.constant 6 : i32
    %swap3A_1856 = arith.index_cast %swap3A_1854 : i32 to index
    %swap3A_1857 = arith.index_cast %swap3A_1855 : i32 to index
    %swap3A_1858 = arith.constant 0 : index
    %swap3A_1859 = tpu.vector_load %arg13[%swap3A_1856, %swap3A_1857, %swap3A_1858] {strides = array<i32>} : memref<2x8x128xf32, #tpu.memory_space<vmem>>, vector<16xf32>,
    tpu.vector_store %arg13[%swap3A_1856, %swap3A_1857, %swap3A_1858], %select_n3A_1817 {strides = array<i32>} : memref<2x8x128xf32, #tpu.memory_space<vmem>>, vector<16xf32>,
    %swap3A_1860 = arith.constant 1 : i32
    %swap3A_1861 = arith.constant 6 : i32
    %swap3A_1862 = arith.index_cast %swap3A_1860 : i32 to index
    %swap3A_1863 = arith.index_cast %swap3A_1861 : i32 to index
    %swap3A_1864 = arith.constant 16 : index
    %swap3A_1865 = tpu.vector_load %arg13[%swap3A_1862, %swap3A_1863, %swap3A_1864] {strides = array<i32>} : memref<2x8x128xf32, #tpu.memory_space<vmem>>, vector<16xf32>,
    tpu.vector_store %arg13[%swap3A_1862, %swap3A_1863, %swap3A_1864], %select_n3A_1829 {strides = array<i32>} : memref<2x8x128xf32, #tpu.memory_space<vmem>>, vector<16xf32>,
    %swap3A_1866 = arith.constant 1 : i32
    %swap3A_1867 = arith.constant 6 : i32
    %swap3A_1868 = arith.index_cast %swap3A_1866 : i32 to index
    %swap3A_1869 = arith.index_cast %swap3A_1867 : i32 to index
    %swap3A_1870 = arith.constant 32 : index
    %swap3A_1871 = tpu.vector_load %arg13[%swap3A_1868, %swap3A_1869, %swap3A_1870] {strides = array<i32>} : memref<2x8x128xf32, #tpu.memory_space<vmem>>, vector<16xf32>,
    tpu.vector_store %arg13[%swap3A_1868, %swap3A_1869, %swap3A_1870], %select_n3A_1841 {strides = array<i32>} : memref<2x8x128xf32, #tpu.memory_space<vmem>>, vector<16xf32>,
    %swap3A_1872 = arith.constant 1 : i32
    %swap3A_1873 = arith.constant 6 : i32
    %swap3A_1874 = arith.index_cast %swap3A_1872 : i32 to index
    %swap3A_1875 = arith.index_cast %swap3A_1873 : i32 to index
    %swap3A_1876 = arith.constant 48 : index
    %swap3A_1877 = tpu.vector_load %arg13[%swap3A_1874, %swap3A_1875, %swap3A_1876] {strides = array<i32>} : memref<2x8x128xf32, #tpu.memory_space<vmem>>, vector<16xf32>,
    tpu.vector_store %arg13[%swap3A_1874, %swap3A_1875, %swap3A_1876], %select_n3A_1853 {strides = array<i32>} : memref<2x8x128xf32, #tpu.memory_space<vmem>>, vector<16xf32>,
    %add3A_1878 = arith.constant 8 : i32
    %add3A_1879 = arith.addi %mul3A_32, %add3A_1878 : i32
    %add3A_1880 = arith.constant 7 : i32
    %add3A_1881 = arith.addi %add3A_1879, %add3A_1880 : i32
    %broadcast_in_dim3A_1882 = vector.broadcast %add3A_1881 : i32 to vector<16xi32>
    %gather3A_1883 = tpu.vector_load_idx %arg8[%broadcast_in_dim3A_1882] : memref<64xi32, #tpu.memory_space<vmem>>[vector<16xi32>], vector<16xi32>,
    %gather3A_1884 = tpu.vector_load_idx %arg9[%broadcast_in_dim3A_1882] : memref<64xi32, #tpu.memory_space<vmem>>[vector<16xi32>], vector<16xi32>,
    %add3A_1885 = arith.constant 0 : i32
    %add3A_1886 = vector.broadcast %add3A_1885 : i32 to vector<16xi32>
    %add3A_1887 = arith.addi %iota3A, %add3A_1886 : vector<16xi32>
    %lt3A_1888 = arith.cmpi slt, %add3A_1887, %gather3A_1883 : vector<16xi32>
    %add3A_1889 = arith.addi %gather3A_1884, %add3A_1887 : vector<16xi32>
    %jit3A_1890 = arith.constant 0 : i32
    %broadcast_in_dim3A_1891 = vector.broadcast %jit3A_1890 : i32 to vector<16xi32>
    %select_n3A_1892 = arith.select %lt3A_1888, %add3A_1889, %broadcast_in_dim3A_1891 : vector<16xi1>, vector<16xi32>
    %gather3A_1893 = tpu.vector_load_idx %arg7[%select_n3A_1892] : memref<4096xf32, #tpu.memory_space<vmem>>[vector<16xi32>], vector<16xf32>,
    %jit3A_1894 = arith.constant 0.000000e+00 : f32
    %broadcast_in_dim3A_1895 = vector.broadcast %jit3A_1894 : f32 to vector<16xf32>
    %select_n3A_1896 = arith.select %lt3A_1888, %gather3A_1893, %broadcast_in_dim3A_1895 : vector<16xi1>, vector<16xf32>
    %add3A_1897 = arith.constant 16 : i32
    %add3A_1898 = vector.broadcast %add3A_1897 : i32 to vector<16xi32>
    %add3A_1899 = arith.addi %iota3A, %add3A_1898 : vector<16xi32>
    %lt3A_1900 = arith.cmpi slt, %add3A_1899, %gather3A_1883 : vector<16xi32>
    %add3A_1901 = arith.addi %gather3A_1884, %add3A_1899 : vector<16xi32>
    %jit3A_1902 = arith.constant 0 : i32
    %broadcast_in_dim3A_1903 = vector.broadcast %jit3A_1902 : i32 to vector<16xi32>
    %select_n3A_1904 = arith.select %lt3A_1900, %add3A_1901, %broadcast_in_dim3A_1903 : vector<16xi1>, vector<16xi32>
    %gather3A_1905 = tpu.vector_load_idx %arg7[%select_n3A_1904] : memref<4096xf32, #tpu.memory_space<vmem>>[vector<16xi32>], vector<16xf32>,
    %jit3A_1906 = arith.constant 0.000000e+00 : f32
    %broadcast_in_dim3A_1907 = vector.broadcast %jit3A_1906 : f32 to vector<16xf32>
    %select_n3A_1908 = arith.select %lt3A_1900, %gather3A_1905, %broadcast_in_dim3A_1907 : vector<16xi1>, vector<16xf32>
    %add3A_1909 = arith.constant 32 : i32
    %add3A_1910 = vector.broadcast %add3A_1909 : i32 to vector<16xi32>
    %add3A_1911 = arith.addi %iota3A, %add3A_1910 : vector<16xi32>
    %lt3A_1912 = arith.cmpi slt, %add3A_1911, %gather3A_1883 : vector<16xi32>
    %add3A_1913 = arith.addi %gather3A_1884, %add3A_1911 : vector<16xi32>
    %jit3A_1914 = arith.constant 0 : i32
    %broadcast_in_dim3A_1915 = vector.broadcast %jit3A_1914 : i32 to vector<16xi32>
    %select_n3A_1916 = arith.select %lt3A_1912, %add3A_1913, %broadcast_in_dim3A_1915 : vector<16xi1>, vector<16xi32>
    %gather3A_1917 = tpu.vector_load_idx %arg7[%select_n3A_1916] : memref<4096xf32, #tpu.memory_space<vmem>>[vector<16xi32>], vector<16xf32>,
    %jit3A_1918 = arith.constant 0.000000e+00 : f32
    %broadcast_in_dim3A_1919 = vector.broadcast %jit3A_1918 : f32 to vector<16xf32>
    %select_n3A_1920 = arith.select %lt3A_1912, %gather3A_1917, %broadcast_in_dim3A_1919 : vector<16xi1>, vector<16xf32>
    %add3A_1921 = arith.constant 48 : i32
    %add3A_1922 = vector.broadcast %add3A_1921 : i32 to vector<16xi32>
    %add3A_1923 = arith.addi %iota3A, %add3A_1922 : vector<16xi32>
    %lt3A_1924 = arith.cmpi slt, %add3A_1923, %gather3A_1883 : vector<16xi32>
    %add3A_1925 = arith.addi %gather3A_1884, %add3A_1923 : vector<16xi32>
    %jit3A_1926 = arith.constant 0 : i32
    %broadcast_in_dim3A_1927 = vector.broadcast %jit3A_1926 : i32 to vector<16xi32>
    %select_n3A_1928 = arith.select %lt3A_1924, %add3A_1925, %broadcast_in_dim3A_1927 : vector<16xi1>, vector<16xi32>
    %gather3A_1929 = tpu.vector_load_idx %arg7[%select_n3A_1928] : memref<4096xf32, #tpu.memory_space<vmem>>[vector<16xi32>], vector<16xf32>,
    %jit3A_1930 = arith.constant 0.000000e+00 : f32
    %broadcast_in_dim3A_1931 = vector.broadcast %jit3A_1930 : f32 to vector<16xf32>
    %select_n3A_1932 = arith.select %lt3A_1924, %gather3A_1929, %broadcast_in_dim3A_1931 : vector<16xi1>, vector<16xf32>
    %swap3A_1933 = arith.constant 1 : i32
    %swap3A_1934 = arith.constant 7 : i32
    %swap3A_1935 = arith.index_cast %swap3A_1933 : i32 to index
    %swap3A_1936 = arith.index_cast %swap3A_1934 : i32 to index
    %swap3A_1937 = arith.constant 0 : index
    %swap3A_1938 = tpu.vector_load %arg13[%swap3A_1935, %swap3A_1936, %swap3A_1937] {strides = array<i32>} : memref<2x8x128xf32, #tpu.memory_space<vmem>>, vector<16xf32>,
    tpu.vector_store %arg13[%swap3A_1935, %swap3A_1936, %swap3A_1937], %select_n3A_1896 {strides = array<i32>} : memref<2x8x128xf32, #tpu.memory_space<vmem>>, vector<16xf32>,
    %swap3A_1939 = arith.constant 1 : i32
    %swap3A_1940 = arith.constant 7 : i32
    %swap3A_1941 = arith.index_cast %swap3A_1939 : i32 to index
    %swap3A_1942 = arith.index_cast %swap3A_1940 : i32 to index
    %swap3A_1943 = arith.constant 16 : index
    %swap3A_1944 = tpu.vector_load %arg13[%swap3A_1941, %swap3A_1942, %swap3A_1943] {strides = array<i32>} : memref<2x8x128xf32, #tpu.memory_space<vmem>>, vector<16xf32>,
    tpu.vector_store %arg13[%swap3A_1941, %swap3A_1942, %swap3A_1943], %select_n3A_1908 {strides = array<i32>} : memref<2x8x128xf32, #tpu.memory_space<vmem>>, vector<16xf32>,
    %swap3A_1945 = arith.constant 1 : i32
    %swap3A_1946 = arith.constant 7 : i32
    %swap3A_1947 = arith.index_cast %swap3A_1945 : i32 to index
    %swap3A_1948 = arith.index_cast %swap3A_1946 : i32 to index
    %swap3A_1949 = arith.constant 32 : index
    %swap3A_1950 = tpu.vector_load %arg13[%swap3A_1947, %swap3A_1948, %swap3A_1949] {strides = array<i32>} : memref<2x8x128xf32, #tpu.memory_space<vmem>>, vector<16xf32>,
    tpu.vector_store %arg13[%swap3A_1947, %swap3A_1948, %swap3A_1949], %select_n3A_1920 {strides = array<i32>} : memref<2x8x128xf32, #tpu.memory_space<vmem>>, vector<16xf32>,
    %swap3A_1951 = arith.constant 1 : i32
    %swap3A_1952 = arith.constant 7 : i32
    %swap3A_1953 = arith.index_cast %swap3A_1951 : i32 to index
    %swap3A_1954 = arith.index_cast %swap3A_1952 : i32 to index
    %swap3A_1955 = arith.constant 48 : index
    %swap3A_1956 = tpu.vector_load %arg13[%swap3A_1953, %swap3A_1954, %swap3A_1955] {strides = array<i32>} : memref<2x8x128xf32, #tpu.memory_space<vmem>>, vector<16xf32>,
    tpu.vector_store %arg13[%swap3A_1953, %swap3A_1954, %swap3A_1955], %select_n3A_1932 {strides = array<i32>} : memref<2x8x128xf32, #tpu.memory_space<vmem>>, vector<16xf32>,
    %add3A_1957 = arith.constant 8 : i32
    %add3A_1958 = arith.addi %mul3A_32, %add3A_1957 : i32
    %dma_start3A_1959 = arith.constant 1 : i32
    %dma_start3A_1960 = arith.constant 0 : i32
    %dma_start3A_1961 = arith.constant 0 : i32
    %dma_start3A_1962 = tpu.memref_slice %arg13[%dma_start3A_1959, %dma_start3A_1960, %dma_start3A_1961] : memref<2x8x128xf32, #tpu.memory_space<vmem>> -> memref<1x8x128xf32, #tpu.memory_space<vmem>>
    %dma_start3A_1963 = tpu.memref_squeeze %dma_start3A_1962 : memref<1x8x128xf32, #tpu.memory_space<vmem>> -> memref<8x128xf32, #tpu.memory_space<vmem>>
    %dma_start3A_1964 = arith.constant 0 : i32
    %dma_start3A_1965 = tpu.memref_slice %arg5[%select_n3A, %add3A_1958, %dma_start3A_1964] : memref<16x64x4096xf32, #tpu.memory_space<hbm>> -> memref<1x8x128xf32, #tpu.memory_space<hbm>>
    %dma_start3A_1966 = tpu.memref_squeeze %dma_start3A_1965 : memref<1x8x128xf32, #tpu.memory_space<hbm>> -> memref<8x128xf32, #tpu.memory_space<hbm>>
    %dma_start3A_1967 = arith.constant 0 : i32
    %dma_start3A_1968 = tpu.memref_slice %arg5[%select_n3A, %add3A_1958, %dma_start3A_1967] : memref<16x64x4096xf32, #tpu.memory_space<hbm>> -> memref<1x8x128xf32, #tpu.memory_space<hbm>>
    %dma_start3A_1969 = tpu.memref_squeeze %dma_start3A_1968 : memref<1x8x128xf32, #tpu.memory_space<hbm>> -> memref<8x128xf32, #tpu.memory_space<hbm>>
    %dma_start3A_1970 = arith.constant 0 : i32
    %dma_start3A_1971 = arith.constant 0 : i32
    %dma_start3A_1972 = tpu.memref_slice %arg13[%dma_start3A_1959, %dma_start3A_1970, %dma_start3A_1971] : memref<2x8x128xf32, #tpu.memory_space<vmem>> -> memref<1x8x128xf32, #tpu.memory_space<vmem>>
    %dma_start3A_1973 = tpu.memref_squeeze %dma_start3A_1972 : memref<1x8x128xf32, #tpu.memory_space<vmem>> -> memref<8x128xf32, #tpu.memory_space<vmem>>
    tpu.enqueue_dma source(%dma_start3A_1973 : memref<8x128xf32, #tpu.memory_space<vmem>>) target(%dma_start3A_1969 : memref<8x128xf32, #tpu.memory_space<hbm>>) target_semaphore(%arg16 : memref<!tpu.dma_semaphore, #tpu.memory_space<semaphore_mem>>)
    %add3A_1974 = arith.constant 0 : i32
    %add3A_1975 = arith.addi %mul3A_32, %add3A_1974 : i32
    %broadcast_in_dim3A_1976 = vector.broadcast %add3A_1975 : i32 to vector<16xi32>
    %gather3A_1977 = tpu.vector_load_idx %arg11[%broadcast_in_dim3A_1976] : memref<64xi32, #tpu.memory_space<vmem>>[vector<16xi32>], vector<16xi32>,
    %gather3A_1978 = tpu.vector_load_idx %arg12[%broadcast_in_dim3A_1976] : memref<64xi32, #tpu.memory_space<vmem>>[vector<16xi32>], vector<16xi32>,
    %add3A_1979 = arith.constant 0 : i32
    %add3A_1980 = vector.broadcast %add3A_1979 : i32 to vector<16xi32>
    %add3A_1981 = arith.addi %iota3A, %add3A_1980 : vector<16xi32>
    %lt3A_1982 = arith.cmpi slt, %add3A_1981, %gather3A_1977 : vector<16xi32>
    %add3A_1983 = arith.addi %gather3A_1978, %add3A_1981 : vector<16xi32>
    %jit3A_1984 = arith.constant 0 : i32
    %broadcast_in_dim3A_1985 = vector.broadcast %jit3A_1984 : i32 to vector<16xi32>
    %select_n3A_1986 = arith.select %lt3A_1982, %add3A_1983, %broadcast_in_dim3A_1985 : vector<16xi1>, vector<16xi32>
    %gather3A_1987 = tpu.vector_load_idx %arg10[%select_n3A_1986] : memref<4096xf32, #tpu.memory_space<vmem>>[vector<16xi32>], vector<16xf32>,
    %jit3A_1988 = arith.constant 0.000000e+00 : f32
    %broadcast_in_dim3A_1989 = vector.broadcast %jit3A_1988 : f32 to vector<16xf32>
    %select_n3A_1990 = arith.select %lt3A_1982, %gather3A_1987, %broadcast_in_dim3A_1989 : vector<16xi1>, vector<16xf32>
    %add3A_1991 = arith.constant 16 : i32
    %add3A_1992 = vector.broadcast %add3A_1991 : i32 to vector<16xi32>
    %add3A_1993 = arith.addi %iota3A, %add3A_1992 : vector<16xi32>
    %lt3A_1994 = arith.cmpi slt, %add3A_1993, %gather3A_1977 : vector<16xi32>
    %add3A_1995 = arith.addi %gather3A_1978, %add3A_1993 : vector<16xi32>
    %jit3A_1996 = arith.constant 0 : i32
    %broadcast_in_dim3A_1997 = vector.broadcast %jit3A_1996 : i32 to vector<16xi32>
    %select_n3A_1998 = arith.select %lt3A_1994, %add3A_1995, %broadcast_in_dim3A_1997 : vector<16xi1>, vector<16xi32>
    %gather3A_1999 = tpu.vector_load_idx %arg10[%select_n3A_1998] : memref<4096xf32, #tpu.memory_space<vmem>>[vector<16xi32>], vector<16xf32>,
    %jit3A_2000 = arith.constant 0.000000e+00 : f32
    %broadcast_in_dim3A_2001 = vector.broadcast %jit3A_2000 : f32 to vector<16xf32>
    %select_n3A_2002 = arith.select %lt3A_1994, %gather3A_1999, %broadcast_in_dim3A_2001 : vector<16xi1>, vector<16xf32>
    %add3A_2003 = arith.constant 32 : i32
    %add3A_2004 = vector.broadcast %add3A_2003 : i32 to vector<16xi32>
    %add3A_2005 = arith.addi %iota3A, %add3A_2004 : vector<16xi32>
    %lt3A_2006 = arith.cmpi slt, %add3A_2005, %gather3A_1977 : vector<16xi32>
    %add3A_2007 = arith.addi %gather3A_1978, %add3A_2005 : vector<16xi32>
    %jit3A_2008 = arith.constant 0 : i32
    %broadcast_in_dim3A_2009 = vector.broadcast %jit3A_2008 : i32 to vector<16xi32>
    %select_n3A_2010 = arith.select %lt3A_2006, %add3A_2007, %broadcast_in_dim3A_2009 : vector<16xi1>, vector<16xi32>
    %gather3A_2011 = tpu.vector_load_idx %arg10[%select_n3A_2010] : memref<4096xf32, #tpu.memory_space<vmem>>[vector<16xi32>], vector<16xf32>,
    %jit3A_2012 = arith.constant 0.000000e+00 : f32
    %broadcast_in_dim3A_2013 = vector.broadcast %jit3A_2012 : f32 to vector<16xf32>
    %select_n3A_2014 = arith.select %lt3A_2006, %gather3A_2011, %broadcast_in_dim3A_2013 : vector<16xi1>, vector<16xf32>
    %add3A_2015 = arith.constant 48 : i32
    %add3A_2016 = vector.broadcast %add3A_2015 : i32 to vector<16xi32>
    %add3A_2017 = arith.addi %iota3A, %add3A_2016 : vector<16xi32>
    %lt3A_2018 = arith.cmpi slt, %add3A_2017, %gather3A_1977 : vector<16xi32>
    %add3A_2019 = arith.addi %gather3A_1978, %add3A_2017 : vector<16xi32>
    %jit3A_2020 = arith.constant 0 : i32
    %broadcast_in_dim3A_2021 = vector.broadcast %jit3A_2020 : i32 to vector<16xi32>
    %select_n3A_2022 = arith.select %lt3A_2018, %add3A_2019, %broadcast_in_dim3A_2021 : vector<16xi1>, vector<16xi32>
    %gather3A_2023 = tpu.vector_load_idx %arg10[%select_n3A_2022] : memref<4096xf32, #tpu.memory_space<vmem>>[vector<16xi32>], vector<16xf32>,
    %jit3A_2024 = arith.constant 0.000000e+00 : f32
    %broadcast_in_dim3A_2025 = vector.broadcast %jit3A_2024 : f32 to vector<16xf32>
    %select_n3A_2026 = arith.select %lt3A_2018, %gather3A_2023, %broadcast_in_dim3A_2025 : vector<16xi1>, vector<16xf32>
    %swap3A_2027 = arith.constant 0 : index
    %swap3A_2028 = tpu.vector_load %arg14[%swap3A_2027] {strides = array<i32>} : memref<2048xf32, #tpu.memory_space<vmem>>, vector<16xf32>,
    tpu.vector_store %arg14[%swap3A_2027], %select_n3A_1990 {strides = array<i32>} : memref<2048xf32, #tpu.memory_space<vmem>>, vector<16xf32>,
    %swap3A_2029 = arith.constant 16 : index
    %swap3A_2030 = tpu.vector_load %arg14[%swap3A_2029] {strides = array<i32>} : memref<2048xf32, #tpu.memory_space<vmem>>, vector<16xf32>,
    tpu.vector_store %arg14[%swap3A_2029], %select_n3A_2002 {strides = array<i32>} : memref<2048xf32, #tpu.memory_space<vmem>>, vector<16xf32>,
    %swap3A_2031 = arith.constant 32 : index
    %swap3A_2032 = tpu.vector_load %arg14[%swap3A_2031] {strides = array<i32>} : memref<2048xf32, #tpu.memory_space<vmem>>, vector<16xf32>,
    tpu.vector_store %arg14[%swap3A_2031], %select_n3A_2014 {strides = array<i32>} : memref<2048xf32, #tpu.memory_space<vmem>>, vector<16xf32>,
    %swap3A_2033 = arith.constant 48 : index
    %swap3A_2034 = tpu.vector_load %arg14[%swap3A_2033] {strides = array<i32>} : memref<2048xf32, #tpu.memory_space<vmem>>, vector<16xf32>,
    tpu.vector_store %arg14[%swap3A_2033], %select_n3A_2026 {strides = array<i32>} : memref<2048xf32, #tpu.memory_space<vmem>>, vector<16xf32>,
    %add3A_2035 = arith.constant 1 : i32
    %add3A_2036 = arith.addi %mul3A_32, %add3A_2035 : i32
    %broadcast_in_dim3A_2037 = vector.broadcast %add3A_2036 : i32 to vector<16xi32>
    %gather3A_2038 = tpu.vector_load_idx %arg11[%broadcast_in_dim3A_2037] : memref<64xi32, #tpu.memory_space<vmem>>[vector<16xi32>], vector<16xi32>,
    %gather3A_2039 = tpu.vector_load_idx %arg12[%broadcast_in_dim3A_2037] : memref<64xi32, #tpu.memory_space<vmem>>[vector<16xi32>], vector<16xi32>,
    %add3A_2040 = arith.constant 0 : i32
    %add3A_2041 = vector.broadcast %add3A_2040 : i32 to vector<16xi32>
    %add3A_2042 = arith.addi %iota3A, %add3A_2041 : vector<16xi32>
    %lt3A_2043 = arith.cmpi slt, %add3A_2042, %gather3A_2038 : vector<16xi32>
    %add3A_2044 = arith.addi %gather3A_2039, %add3A_2042 : vector<16xi32>
    %jit3A_2045 = arith.constant 0 : i32
    %broadcast_in_dim3A_2046 = vector.broadcast %jit3A_2045 : i32 to vector<16xi32>
    %select_n3A_2047 = arith.select %lt3A_2043, %add3A_2044, %broadcast_in_dim3A_2046 : vector<16xi1>, vector<16xi32>
    %gather3A_2048 = tpu.vector_load_idx %arg10[%select_n3A_2047] : memref<4096xf32, #tpu.memory_space<vmem>>[vector<16xi32>], vector<16xf32>,
    %jit3A_2049 = arith.constant 0.000000e+00 : f32
    %broadcast_in_dim3A_2050 = vector.broadcast %jit3A_2049 : f32 to vector<16xf32>
    %select_n3A_2051 = arith.select %lt3A_2043, %gather3A_2048, %broadcast_in_dim3A_2050 : vector<16xi1>, vector<16xf32>
    %add3A_2052 = arith.constant 16 : i32
    %add3A_2053 = vector.broadcast %add3A_2052 : i32 to vector<16xi32>
    %add3A_2054 = arith.addi %iota3A, %add3A_2053 : vector<16xi32>
    %lt3A_2055 = arith.cmpi slt, %add3A_2054, %gather3A_2038 : vector<16xi32>
    %add3A_2056 = arith.addi %gather3A_2039, %add3A_2054 : vector<16xi32>
    %jit3A_2057 = arith.constant 0 : i32
    %broadcast_in_dim3A_2058 = vector.broadcast %jit3A_2057 : i32 to vector<16xi32>
    %select_n3A_2059 = arith.select %lt3A_2055, %add3A_2056, %broadcast_in_dim3A_2058 : vector<16xi1>, vector<16xi32>
    %gather3A_2060 = tpu.vector_load_idx %arg10[%select_n3A_2059] : memref<4096xf32, #tpu.memory_space<vmem>>[vector<16xi32>], vector<16xf32>,
    %jit3A_2061 = arith.constant 0.000000e+00 : f32
    %broadcast_in_dim3A_2062 = vector.broadcast %jit3A_2061 : f32 to vector<16xf32>
    %select_n3A_2063 = arith.select %lt3A_2055, %gather3A_2060, %broadcast_in_dim3A_2062 : vector<16xi1>, vector<16xf32>
    %add3A_2064 = arith.constant 32 : i32
    %add3A_2065 = vector.broadcast %add3A_2064 : i32 to vector<16xi32>
    %add3A_2066 = arith.addi %iota3A, %add3A_2065 : vector<16xi32>
    %lt3A_2067 = arith.cmpi slt, %add3A_2066, %gather3A_2038 : vector<16xi32>
    %add3A_2068 = arith.addi %gather3A_2039, %add3A_2066 : vector<16xi32>
    %jit3A_2069 = arith.constant 0 : i32
    %broadcast_in_dim3A_2070 = vector.broadcast %jit3A_2069 : i32 to vector<16xi32>
    %select_n3A_2071 = arith.select %lt3A_2067, %add3A_2068, %broadcast_in_dim3A_2070 : vector<16xi1>, vector<16xi32>
    %gather3A_2072 = tpu.vector_load_idx %arg10[%select_n3A_2071] : memref<4096xf32, #tpu.memory_space<vmem>>[vector<16xi32>], vector<16xf32>,
    %jit3A_2073 = arith.constant 0.000000e+00 : f32
    %broadcast_in_dim3A_2074 = vector.broadcast %jit3A_2073 : f32 to vector<16xf32>
    %select_n3A_2075 = arith.select %lt3A_2067, %gather3A_2072, %broadcast_in_dim3A_2074 : vector<16xi1>, vector<16xf32>
    %add3A_2076 = arith.constant 48 : i32
    %add3A_2077 = vector.broadcast %add3A_2076 : i32 to vector<16xi32>
    %add3A_2078 = arith.addi %iota3A, %add3A_2077 : vector<16xi32>
    %lt3A_2079 = arith.cmpi slt, %add3A_2078, %gather3A_2038 : vector<16xi32>
    %add3A_2080 = arith.addi %gather3A_2039, %add3A_2078 : vector<16xi32>
    %jit3A_2081 = arith.constant 0 : i32
    %broadcast_in_dim3A_2082 = vector.broadcast %jit3A_2081 : i32 to vector<16xi32>
    %select_n3A_2083 = arith.select %lt3A_2079, %add3A_2080, %broadcast_in_dim3A_2082 : vector<16xi1>, vector<16xi32>
    %gather3A_2084 = tpu.vector_load_idx %arg10[%select_n3A_2083] : memref<4096xf32, #tpu.memory_space<vmem>>[vector<16xi32>], vector<16xf32>,
    %jit3A_2085 = arith.constant 0.000000e+00 : f32
    %broadcast_in_dim3A_2086 = vector.broadcast %jit3A_2085 : f32 to vector<16xf32>
    %select_n3A_2087 = arith.select %lt3A_2079, %gather3A_2084, %broadcast_in_dim3A_2086 : vector<16xi1>, vector<16xf32>
    %swap3A_2088 = arith.constant 128 : index
    %swap3A_2089 = tpu.vector_load %arg14[%swap3A_2088] {strides = array<i32>} : memref<2048xf32, #tpu.memory_space<vmem>>, vector<16xf32>,
    tpu.vector_store %arg14[%swap3A_2088], %select_n3A_2051 {strides = array<i32>} : memref<2048xf32, #tpu.memory_space<vmem>>, vector<16xf32>,
    %swap3A_2090 = arith.constant 144 : index
    %swap3A_2091 = tpu.vector_load %arg14[%swap3A_2090] {strides = array<i32>} : memref<2048xf32, #tpu.memory_space<vmem>>, vector<16xf32>,
    tpu.vector_store %arg14[%swap3A_2090], %select_n3A_2063 {strides = array<i32>} : memref<2048xf32, #tpu.memory_space<vmem>>, vector<16xf32>,
    %swap3A_2092 = arith.constant 160 : index
    %swap3A_2093 = tpu.vector_load %arg14[%swap3A_2092] {strides = array<i32>} : memref<2048xf32, #tpu.memory_space<vmem>>, vector<16xf32>,
    tpu.vector_store %arg14[%swap3A_2092], %select_n3A_2075 {strides = array<i32>} : memref<2048xf32, #tpu.memory_space<vmem>>, vector<16xf32>,
    %swap3A_2094 = arith.constant 176 : index
    %swap3A_2095 = tpu.vector_load %arg14[%swap3A_2094] {strides = array<i32>} : memref<2048xf32, #tpu.memory_space<vmem>>, vector<16xf32>,
    tpu.vector_store %arg14[%swap3A_2094], %select_n3A_2087 {strides = array<i32>} : memref<2048xf32, #tpu.memory_space<vmem>>, vector<16xf32>,
    %add3A_2096 = arith.constant 2 : i32
    %add3A_2097 = arith.addi %mul3A_32, %add3A_2096 : i32
    %broadcast_in_dim3A_2098 = vector.broadcast %add3A_2097 : i32 to vector<16xi32>
    %gather3A_2099 = tpu.vector_load_idx %arg11[%broadcast_in_dim3A_2098] : memref<64xi32, #tpu.memory_space<vmem>>[vector<16xi32>], vector<16xi32>,
    %gather3A_2100 = tpu.vector_load_idx %arg12[%broadcast_in_dim3A_2098] : memref<64xi32, #tpu.memory_space<vmem>>[vector<16xi32>], vector<16xi32>,
    %add3A_2101 = arith.constant 0 : i32
    %add3A_2102 = vector.broadcast %add3A_2101 : i32 to vector<16xi32>
    %add3A_2103 = arith.addi %iota3A, %add3A_2102 : vector<16xi32>
    %lt3A_2104 = arith.cmpi slt, %add3A_2103, %gather3A_2099 : vector<16xi32>
    %add3A_2105 = arith.addi %gather3A_2100, %add3A_2103 : vector<16xi32>
    %jit3A_2106 = arith.constant 0 : i32
    %broadcast_in_dim3A_2107 = vector.broadcast %jit3A_2106 : i32 to vector<16xi32>
    %select_n3A_2108 = arith.select %lt3A_2104, %add3A_2105, %broadcast_in_dim3A_2107 : vector<16xi1>, vector<16xi32>
    %gather3A_2109 = tpu.vector_load_idx %arg10[%select_n3A_2108] : memref<4096xf32, #tpu.memory_space<vmem>>[vector<16xi32>], vector<16xf32>,
    %jit3A_2110 = arith.constant 0.000000e+00 : f32
    %broadcast_in_dim3A_2111 = vector.broadcast %jit3A_2110 : f32 to vector<16xf32>
    %select_n3A_2112 = arith.select %lt3A_2104, %gather3A_2109, %broadcast_in_dim3A_2111 : vector<16xi1>, vector<16xf32>
    %add3A_2113 = arith.constant 16 : i32
    %add3A_2114 = vector.broadcast %add3A_2113 : i32 to vector<16xi32>
    %add3A_2115 = arith.addi %iota3A, %add3A_2114 : vector<16xi32>
    %lt3A_2116 = arith.cmpi slt, %add3A_2115, %gather3A_2099 : vector<16xi32>
    %add3A_2117 = arith.addi %gather3A_2100, %add3A_2115 : vector<16xi32>
    %jit3A_2118 = arith.constant 0 : i32
    %broadcast_in_dim3A_2119 = vector.broadcast %jit3A_2118 : i32 to vector<16xi32>
    %select_n3A_2120 = arith.select %lt3A_2116, %add3A_2117, %broadcast_in_dim3A_2119 : vector<16xi1>, vector<16xi32>
    %gather3A_2121 = tpu.vector_load_idx %arg10[%select_n3A_2120] : memref<4096xf32, #tpu.memory_space<vmem>>[vector<16xi32>], vector<16xf32>,
    %jit3A_2122 = arith.constant 0.000000e+00 : f32
    %broadcast_in_dim3A_2123 = vector.broadcast %jit3A_2122 : f32 to vector<16xf32>
    %select_n3A_2124 = arith.select %lt3A_2116, %gather3A_2121, %broadcast_in_dim3A_2123 : vector<16xi1>, vector<16xf32>
    %add3A_2125 = arith.constant 32 : i32
    %add3A_2126 = vector.broadcast %add3A_2125 : i32 to vector<16xi32>
    %add3A_2127 = arith.addi %iota3A, %add3A_2126 : vector<16xi32>
    %lt3A_2128 = arith.cmpi slt, %add3A_2127, %gather3A_2099 : vector<16xi32>
    %add3A_2129 = arith.addi %gather3A_2100, %add3A_2127 : vector<16xi32>
    %jit3A_2130 = arith.constant 0 : i32
    %broadcast_in_dim3A_2131 = vector.broadcast %jit3A_2130 : i32 to vector<16xi32>
    %select_n3A_2132 = arith.select %lt3A_2128, %add3A_2129, %broadcast_in_dim3A_2131 : vector<16xi1>, vector<16xi32>
    %gather3A_2133 = tpu.vector_load_idx %arg10[%select_n3A_2132] : memref<4096xf32, #tpu.memory_space<vmem>>[vector<16xi32>], vector<16xf32>,
    %jit3A_2134 = arith.constant 0.000000e+00 : f32
    %broadcast_in_dim3A_2135 = vector.broadcast %jit3A_2134 : f32 to vector<16xf32>
    %select_n3A_2136 = arith.select %lt3A_2128, %gather3A_2133, %broadcast_in_dim3A_2135 : vector<16xi1>, vector<16xf32>
    %add3A_2137 = arith.constant 48 : i32
    %add3A_2138 = vector.broadcast %add3A_2137 : i32 to vector<16xi32>
    %add3A_2139 = arith.addi %iota3A, %add3A_2138 : vector<16xi32>
    %lt3A_2140 = arith.cmpi slt, %add3A_2139, %gather3A_2099 : vector<16xi32>
    %add3A_2141 = arith.addi %gather3A_2100, %add3A_2139 : vector<16xi32>
    %jit3A_2142 = arith.constant 0 : i32
    %broadcast_in_dim3A_2143 = vector.broadcast %jit3A_2142 : i32 to vector<16xi32>
    %select_n3A_2144 = arith.select %lt3A_2140, %add3A_2141, %broadcast_in_dim3A_2143 : vector<16xi1>, vector<16xi32>
    %gather3A_2145 = tpu.vector_load_idx %arg10[%select_n3A_2144] : memref<4096xf32, #tpu.memory_space<vmem>>[vector<16xi32>], vector<16xf32>,
    %jit3A_2146 = arith.constant 0.000000e+00 : f32
    %broadcast_in_dim3A_2147 = vector.broadcast %jit3A_2146 : f32 to vector<16xf32>
    %select_n3A_2148 = arith.select %lt3A_2140, %gather3A_2145, %broadcast_in_dim3A_2147 : vector<16xi1>, vector<16xf32>
    %swap3A_2149 = arith.constant 256 : index
    %swap3A_2150 = tpu.vector_load %arg14[%swap3A_2149] {strides = array<i32>} : memref<2048xf32, #tpu.memory_space<vmem>>, vector<16xf32>,
    tpu.vector_store %arg14[%swap3A_2149], %select_n3A_2112 {strides = array<i32>} : memref<2048xf32, #tpu.memory_space<vmem>>, vector<16xf32>,
    %swap3A_2151 = arith.constant 272 : index
    %swap3A_2152 = tpu.vector_load %arg14[%swap3A_2151] {strides = array<i32>} : memref<2048xf32, #tpu.memory_space<vmem>>, vector<16xf32>,
    tpu.vector_store %arg14[%swap3A_2151], %select_n3A_2124 {strides = array<i32>} : memref<2048xf32, #tpu.memory_space<vmem>>, vector<16xf32>,
    %swap3A_2153 = arith.constant 288 : index
    %swap3A_2154 = tpu.vector_load %arg14[%swap3A_2153] {strides = array<i32>} : memref<2048xf32, #tpu.memory_space<vmem>>, vector<16xf32>,
    tpu.vector_store %arg14[%swap3A_2153], %select_n3A_2136 {strides = array<i32>} : memref<2048xf32, #tpu.memory_space<vmem>>, vector<16xf32>,
    %swap3A_2155 = arith.constant 304 : index
    %swap3A_2156 = tpu.vector_load %arg14[%swap3A_2155] {strides = array<i32>} : memref<2048xf32, #tpu.memory_space<vmem>>, vector<16xf32>,
    tpu.vector_store %arg14[%swap3A_2155], %select_n3A_2148 {strides = array<i32>} : memref<2048xf32, #tpu.memory_space<vmem>>, vector<16xf32>,
    %add3A_2157 = arith.constant 3 : i32
    %add3A_2158 = arith.addi %mul3A_32, %add3A_2157 : i32
    %broadcast_in_dim3A_2159 = vector.broadcast %add3A_2158 : i32 to vector<16xi32>
    %gather3A_2160 = tpu.vector_load_idx %arg11[%broadcast_in_dim3A_2159] : memref<64xi32, #tpu.memory_space<vmem>>[vector<16xi32>], vector<16xi32>,
    %gather3A_2161 = tpu.vector_load_idx %arg12[%broadcast_in_dim3A_2159] : memref<64xi32, #tpu.memory_space<vmem>>[vector<16xi32>], vector<16xi32>,
    %add3A_2162 = arith.constant 0 : i32
    %add3A_2163 = vector.broadcast %add3A_2162 : i32 to vector<16xi32>
    %add3A_2164 = arith.addi %iota3A, %add3A_2163 : vector<16xi32>
    %lt3A_2165 = arith.cmpi slt, %add3A_2164, %gather3A_2160 : vector<16xi32>
    %add3A_2166 = arith.addi %gather3A_2161, %add3A_2164 : vector<16xi32>
    %jit3A_2167 = arith.constant 0 : i32
    %broadcast_in_dim3A_2168 = vector.broadcast %jit3A_2167 : i32 to vector<16xi32>
    %select_n3A_2169 = arith.select %lt3A_2165, %add3A_2166, %broadcast_in_dim3A_2168 : vector<16xi1>, vector<16xi32>
    %gather3A_2170 = tpu.vector_load_idx %arg10[%select_n3A_2169] : memref<4096xf32, #tpu.memory_space<vmem>>[vector<16xi32>], vector<16xf32>,
    %jit3A_2171 = arith.constant 0.000000e+00 : f32
    %broadcast_in_dim3A_2172 = vector.broadcast %jit3A_2171 : f32 to vector<16xf32>
    %select_n3A_2173 = arith.select %lt3A_2165, %gather3A_2170, %broadcast_in_dim3A_2172 : vector<16xi1>, vector<16xf32>
    %add3A_2174 = arith.constant 16 : i32
    %add3A_2175 = vector.broadcast %add3A_2174 : i32 to vector<16xi32>
    %add3A_2176 = arith.addi %iota3A, %add3A_2175 : vector<16xi32>
    %lt3A_2177 = arith.cmpi slt, %add3A_2176, %gather3A_2160 : vector<16xi32>
    %add3A_2178 = arith.addi %gather3A_2161, %add3A_2176 : vector<16xi32>
    %jit3A_2179 = arith.constant 0 : i32
    %broadcast_in_dim3A_2180 = vector.broadcast %jit3A_2179 : i32 to vector<16xi32>
    %select_n3A_2181 = arith.select %lt3A_2177, %add3A_2178, %broadcast_in_dim3A_2180 : vector<16xi1>, vector<16xi32>
    %gather3A_2182 = tpu.vector_load_idx %arg10[%select_n3A_2181] : memref<4096xf32, #tpu.memory_space<vmem>>[vector<16xi32>], vector<16xf32>,
    %jit3A_2183 = arith.constant 0.000000e+00 : f32
    %broadcast_in_dim3A_2184 = vector.broadcast %jit3A_2183 : f32 to vector<16xf32>
    %select_n3A_2185 = arith.select %lt3A_2177, %gather3A_2182, %broadcast_in_dim3A_2184 : vector<16xi1>, vector<16xf32>
    %add3A_2186 = arith.constant 32 : i32
    %add3A_2187 = vector.broadcast %add3A_2186 : i32 to vector<16xi32>
    %add3A_2188 = arith.addi %iota3A, %add3A_2187 : vector<16xi32>
    %lt3A_2189 = arith.cmpi slt, %add3A_2188, %gather3A_2160 : vector<16xi32>
    %add3A_2190 = arith.addi %gather3A_2161, %add3A_2188 : vector<16xi32>
    %jit3A_2191 = arith.constant 0 : i32
    %broadcast_in_dim3A_2192 = vector.broadcast %jit3A_2191 : i32 to vector<16xi32>
    %select_n3A_2193 = arith.select %lt3A_2189, %add3A_2190, %broadcast_in_dim3A_2192 : vector<16xi1>, vector<16xi32>
    %gather3A_2194 = tpu.vector_load_idx %arg10[%select_n3A_2193] : memref<4096xf32, #tpu.memory_space<vmem>>[vector<16xi32>], vector<16xf32>,
    %jit3A_2195 = arith.constant 0.000000e+00 : f32
    %broadcast_in_dim3A_2196 = vector.broadcast %jit3A_2195 : f32 to vector<16xf32>
    %select_n3A_2197 = arith.select %lt3A_2189, %gather3A_2194, %broadcast_in_dim3A_2196 : vector<16xi1>, vector<16xf32>
    %add3A_2198 = arith.constant 48 : i32
    %add3A_2199 = vector.broadcast %add3A_2198 : i32 to vector<16xi32>
    %add3A_2200 = arith.addi %iota3A, %add3A_2199 : vector<16xi32>
    %lt3A_2201 = arith.cmpi slt, %add3A_2200, %gather3A_2160 : vector<16xi32>
    %add3A_2202 = arith.addi %gather3A_2161, %add3A_2200 : vector<16xi32>
    %jit3A_2203 = arith.constant 0 : i32
    %broadcast_in_dim3A_2204 = vector.broadcast %jit3A_2203 : i32 to vector<16xi32>
    %select_n3A_2205 = arith.select %lt3A_2201, %add3A_2202, %broadcast_in_dim3A_2204 : vector<16xi1>, vector<16xi32>
    %gather3A_2206 = tpu.vector_load_idx %arg10[%select_n3A_2205] : memref<4096xf32, #tpu.memory_space<vmem>>[vector<16xi32>], vector<16xf32>,
    %jit3A_2207 = arith.constant 0.000000e+00 : f32
    %broadcast_in_dim3A_2208 = vector.broadcast %jit3A_2207 : f32 to vector<16xf32>
    %select_n3A_2209 = arith.select %lt3A_2201, %gather3A_2206, %broadcast_in_dim3A_2208 : vector<16xi1>, vector<16xf32>
    %swap3A_2210 = arith.constant 384 : index
    %swap3A_2211 = tpu.vector_load %arg14[%swap3A_2210] {strides = array<i32>} : memref<2048xf32, #tpu.memory_space<vmem>>, vector<16xf32>,
    tpu.vector_store %arg14[%swap3A_2210], %select_n3A_2173 {strides = array<i32>} : memref<2048xf32, #tpu.memory_space<vmem>>, vector<16xf32>,
    %swap3A_2212 = arith.constant 400 : index
    %swap3A_2213 = tpu.vector_load %arg14[%swap3A_2212] {strides = array<i32>} : memref<2048xf32, #tpu.memory_space<vmem>>, vector<16xf32>,
    tpu.vector_store %arg14[%swap3A_2212], %select_n3A_2185 {strides = array<i32>} : memref<2048xf32, #tpu.memory_space<vmem>>, vector<16xf32>,
    %swap3A_2214 = arith.constant 416 : index
    %swap3A_2215 = tpu.vector_load %arg14[%swap3A_2214] {strides = array<i32>} : memref<2048xf32, #tpu.memory_space<vmem>>, vector<16xf32>,
    tpu.vector_store %arg14[%swap3A_2214], %select_n3A_2197 {strides = array<i32>} : memref<2048xf32, #tpu.memory_space<vmem>>, vector<16xf32>,
    %swap3A_2216 = arith.constant 432 : index
    %swap3A_2217 = tpu.vector_load %arg14[%swap3A_2216] {strides = array<i32>} : memref<2048xf32, #tpu.memory_space<vmem>>, vector<16xf32>,
    tpu.vector_store %arg14[%swap3A_2216], %select_n3A_2209 {strides = array<i32>} : memref<2048xf32, #tpu.memory_space<vmem>>, vector<16xf32>,
    %add3A_2218 = arith.constant 4 : i32
    %add3A_2219 = arith.addi %mul3A_32, %add3A_2218 : i32
    %broadcast_in_dim3A_2220 = vector.broadcast %add3A_2219 : i32 to vector<16xi32>
    %gather3A_2221 = tpu.vector_load_idx %arg11[%broadcast_in_dim3A_2220] : memref<64xi32, #tpu.memory_space<vmem>>[vector<16xi32>], vector<16xi32>,
    %gather3A_2222 = tpu.vector_load_idx %arg12[%broadcast_in_dim3A_2220] : memref<64xi32, #tpu.memory_space<vmem>>[vector<16xi32>], vector<16xi32>,
    %add3A_2223 = arith.constant 0 : i32
    %add3A_2224 = vector.broadcast %add3A_2223 : i32 to vector<16xi32>
    %add3A_2225 = arith.addi %iota3A, %add3A_2224 : vector<16xi32>
    %lt3A_2226 = arith.cmpi slt, %add3A_2225, %gather3A_2221 : vector<16xi32>
    %add3A_2227 = arith.addi %gather3A_2222, %add3A_2225 : vector<16xi32>
    %jit3A_2228 = arith.constant 0 : i32
    %broadcast_in_dim3A_2229 = vector.broadcast %jit3A_2228 : i32 to vector<16xi32>
    %select_n3A_2230 = arith.select %lt3A_2226, %add3A_2227, %broadcast_in_dim3A_2229 : vector<16xi1>, vector<16xi32>
    %gather3A_2231 = tpu.vector_load_idx %arg10[%select_n3A_2230] : memref<4096xf32, #tpu.memory_space<vmem>>[vector<16xi32>], vector<16xf32>,
    %jit3A_2232 = arith.constant 0.000000e+00 : f32
    %broadcast_in_dim3A_2233 = vector.broadcast %jit3A_2232 : f32 to vector<16xf32>
    %select_n3A_2234 = arith.select %lt3A_2226, %gather3A_2231, %broadcast_in_dim3A_2233 : vector<16xi1>, vector<16xf32>
    %add3A_2235 = arith.constant 16 : i32
    %add3A_2236 = vector.broadcast %add3A_2235 : i32 to vector<16xi32>
    %add3A_2237 = arith.addi %iota3A, %add3A_2236 : vector<16xi32>
    %lt3A_2238 = arith.cmpi slt, %add3A_2237, %gather3A_2221 : vector<16xi32>
    %add3A_2239 = arith.addi %gather3A_2222, %add3A_2237 : vector<16xi32>
    %jit3A_2240 = arith.constant 0 : i32
    %broadcast_in_dim3A_2241 = vector.broadcast %jit3A_2240 : i32 to vector<16xi32>
    %select_n3A_2242 = arith.select %lt3A_2238, %add3A_2239, %broadcast_in_dim3A_2241 : vector<16xi1>, vector<16xi32>
    %gather3A_2243 = tpu.vector_load_idx %arg10[%select_n3A_2242] : memref<4096xf32, #tpu.memory_space<vmem>>[vector<16xi32>], vector<16xf32>,
    %jit3A_2244 = arith.constant 0.000000e+00 : f32
    %broadcast_in_dim3A_2245 = vector.broadcast %jit3A_2244 : f32 to vector<16xf32>
    %select_n3A_2246 = arith.select %lt3A_2238, %gather3A_2243, %broadcast_in_dim3A_2245 : vector<16xi1>, vector<16xf32>
    %add3A_2247 = arith.constant 32 : i32
    %add3A_2248 = vector.broadcast %add3A_2247 : i32 to vector<16xi32>
    %add3A_2249 = arith.addi %iota3A, %add3A_2248 : vector<16xi32>
    %lt3A_2250 = arith.cmpi slt, %add3A_2249, %gather3A_2221 : vector<16xi32>
    %add3A_2251 = arith.addi %gather3A_2222, %add3A_2249 : vector<16xi32>
    %jit3A_2252 = arith.constant 0 : i32
    %broadcast_in_dim3A_2253 = vector.broadcast %jit3A_2252 : i32 to vector<16xi32>
    %select_n3A_2254 = arith.select %lt3A_2250, %add3A_2251, %broadcast_in_dim3A_2253 : vector<16xi1>, vector<16xi32>
    %gather3A_2255 = tpu.vector_load_idx %arg10[%select_n3A_2254] : memref<4096xf32, #tpu.memory_space<vmem>>[vector<16xi32>], vector<16xf32>,
    %jit3A_2256 = arith.constant 0.000000e+00 : f32
    %broadcast_in_dim3A_2257 = vector.broadcast %jit3A_2256 : f32 to vector<16xf32>
    %select_n3A_2258 = arith.select %lt3A_2250, %gather3A_2255, %broadcast_in_dim3A_2257 : vector<16xi1>, vector<16xf32>
    %add3A_2259 = arith.constant 48 : i32
    %add3A_2260 = vector.broadcast %add3A_2259 : i32 to vector<16xi32>
    %add3A_2261 = arith.addi %iota3A, %add3A_2260 : vector<16xi32>
    %lt3A_2262 = arith.cmpi slt, %add3A_2261, %gather3A_2221 : vector<16xi32>
    %add3A_2263 = arith.addi %gather3A_2222, %add3A_2261 : vector<16xi32>
    %jit3A_2264 = arith.constant 0 : i32
    %broadcast_in_dim3A_2265 = vector.broadcast %jit3A_2264 : i32 to vector<16xi32>
    %select_n3A_2266 = arith.select %lt3A_2262, %add3A_2263, %broadcast_in_dim3A_2265 : vector<16xi1>, vector<16xi32>
    %gather3A_2267 = tpu.vector_load_idx %arg10[%select_n3A_2266] : memref<4096xf32, #tpu.memory_space<vmem>>[vector<16xi32>], vector<16xf32>,
    %jit3A_2268 = arith.constant 0.000000e+00 : f32
    %broadcast_in_dim3A_2269 = vector.broadcast %jit3A_2268 : f32 to vector<16xf32>
    %select_n3A_2270 = arith.select %lt3A_2262, %gather3A_2267, %broadcast_in_dim3A_2269 : vector<16xi1>, vector<16xf32>
    %swap3A_2271 = arith.constant 512 : index
    %swap3A_2272 = tpu.vector_load %arg14[%swap3A_2271] {strides = array<i32>} : memref<2048xf32, #tpu.memory_space<vmem>>, vector<16xf32>,
    tpu.vector_store %arg14[%swap3A_2271], %select_n3A_2234 {strides = array<i32>} : memref<2048xf32, #tpu.memory_space<vmem>>, vector<16xf32>,
    %swap3A_2273 = arith.constant 528 : index
    %swap3A_2274 = tpu.vector_load %arg14[%swap3A_2273] {strides = array<i32>} : memref<2048xf32, #tpu.memory_space<vmem>>, vector<16xf32>,
    tpu.vector_store %arg14[%swap3A_2273], %select_n3A_2246 {strides = array<i32>} : memref<2048xf32, #tpu.memory_space<vmem>>, vector<16xf32>,
    %swap3A_2275 = arith.constant 544 : index
    %swap3A_2276 = tpu.vector_load %arg14[%swap3A_2275] {strides = array<i32>} : memref<2048xf32, #tpu.memory_space<vmem>>, vector<16xf32>,
    tpu.vector_store %arg14[%swap3A_2275], %select_n3A_2258 {strides = array<i32>} : memref<2048xf32, #tpu.memory_space<vmem>>, vector<16xf32>,
    %swap3A_2277 = arith.constant 560 : index
    %swap3A_2278 = tpu.vector_load %arg14[%swap3A_2277] {strides = array<i32>} : memref<2048xf32, #tpu.memory_space<vmem>>, vector<16xf32>,
    tpu.vector_store %arg14[%swap3A_2277], %select_n3A_2270 {strides = array<i32>} : memref<2048xf32, #tpu.memory_space<vmem>>, vector<16xf32>,
    %add3A_2279 = arith.constant 5 : i32
    %add3A_2280 = arith.addi %mul3A_32, %add3A_2279 : i32
    %broadcast_in_dim3A_2281 = vector.broadcast %add3A_2280 : i32 to vector<16xi32>
    %gather3A_2282 = tpu.vector_load_idx %arg11[%broadcast_in_dim3A_2281] : memref<64xi32, #tpu.memory_space<vmem>>[vector<16xi32>], vector<16xi32>,
    %gather3A_2283 = tpu.vector_load_idx %arg12[%broadcast_in_dim3A_2281] : memref<64xi32, #tpu.memory_space<vmem>>[vector<16xi32>], vector<16xi32>,
    %add3A_2284 = arith.constant 0 : i32
    %add3A_2285 = vector.broadcast %add3A_2284 : i32 to vector<16xi32>
    %add3A_2286 = arith.addi %iota3A, %add3A_2285 : vector<16xi32>
    %lt3A_2287 = arith.cmpi slt, %add3A_2286, %gather3A_2282 : vector<16xi32>
    %add3A_2288 = arith.addi %gather3A_2283, %add3A_2286 : vector<16xi32>
    %jit3A_2289 = arith.constant 0 : i32
    %broadcast_in_dim3A_2290 = vector.broadcast %jit3A_2289 : i32 to vector<16xi32>
    %select_n3A_2291 = arith.select %lt3A_2287, %add3A_2288, %broadcast_in_dim3A_2290 : vector<16xi1>, vector<16xi32>
    %gather3A_2292 = tpu.vector_load_idx %arg10[%select_n3A_2291] : memref<4096xf32, #tpu.memory_space<vmem>>[vector<16xi32>], vector<16xf32>,
    %jit3A_2293 = arith.constant 0.000000e+00 : f32
    %broadcast_in_dim3A_2294 = vector.broadcast %jit3A_2293 : f32 to vector<16xf32>
    %select_n3A_2295 = arith.select %lt3A_2287, %gather3A_2292, %broadcast_in_dim3A_2294 : vector<16xi1>, vector<16xf32>
    %add3A_2296 = arith.constant 16 : i32
    %add3A_2297 = vector.broadcast %add3A_2296 : i32 to vector<16xi32>
    %add3A_2298 = arith.addi %iota3A, %add3A_2297 : vector<16xi32>
    %lt3A_2299 = arith.cmpi slt, %add3A_2298, %gather3A_2282 : vector<16xi32>
    %add3A_2300 = arith.addi %gather3A_2283, %add3A_2298 : vector<16xi32>
    %jit3A_2301 = arith.constant 0 : i32
    %broadcast_in_dim3A_2302 = vector.broadcast %jit3A_2301 : i32 to vector<16xi32>
    %select_n3A_2303 = arith.select %lt3A_2299, %add3A_2300, %broadcast_in_dim3A_2302 : vector<16xi1>, vector<16xi32>
    %gather3A_2304 = tpu.vector_load_idx %arg10[%select_n3A_2303] : memref<4096xf32, #tpu.memory_space<vmem>>[vector<16xi32>], vector<16xf32>,
    %jit3A_2305 = arith.constant 0.000000e+00 : f32
    %broadcast_in_dim3A_2306 = vector.broadcast %jit3A_2305 : f32 to vector<16xf32>
    %select_n3A_2307 = arith.select %lt3A_2299, %gather3A_2304, %broadcast_in_dim3A_2306 : vector<16xi1>, vector<16xf32>
    %add3A_2308 = arith.constant 32 : i32
    %add3A_2309 = vector.broadcast %add3A_2308 : i32 to vector<16xi32>
    %add3A_2310 = arith.addi %iota3A, %add3A_2309 : vector<16xi32>
    %lt3A_2311 = arith.cmpi slt, %add3A_2310, %gather3A_2282 : vector<16xi32>
    %add3A_2312 = arith.addi %gather3A_2283, %add3A_2310 : vector<16xi32>
    %jit3A_2313 = arith.constant 0 : i32
    %broadcast_in_dim3A_2314 = vector.broadcast %jit3A_2313 : i32 to vector<16xi32>
    %select_n3A_2315 = arith.select %lt3A_2311, %add3A_2312, %broadcast_in_dim3A_2314 : vector<16xi1>, vector<16xi32>
    %gather3A_2316 = tpu.vector_load_idx %arg10[%select_n3A_2315] : memref<4096xf32, #tpu.memory_space<vmem>>[vector<16xi32>], vector<16xf32>,
    %jit3A_2317 = arith.constant 0.000000e+00 : f32
    %broadcast_in_dim3A_2318 = vector.broadcast %jit3A_2317 : f32 to vector<16xf32>
    %select_n3A_2319 = arith.select %lt3A_2311, %gather3A_2316, %broadcast_in_dim3A_2318 : vector<16xi1>, vector<16xf32>
    %add3A_2320 = arith.constant 48 : i32
    %add3A_2321 = vector.broadcast %add3A_2320 : i32 to vector<16xi32>
    %add3A_2322 = arith.addi %iota3A, %add3A_2321 : vector<16xi32>
    %lt3A_2323 = arith.cmpi slt, %add3A_2322, %gather3A_2282 : vector<16xi32>
    %add3A_2324 = arith.addi %gather3A_2283, %add3A_2322 : vector<16xi32>
    %jit3A_2325 = arith.constant 0 : i32
    %broadcast_in_dim3A_2326 = vector.broadcast %jit3A_2325 : i32 to vector<16xi32>
    %select_n3A_2327 = arith.select %lt3A_2323, %add3A_2324, %broadcast_in_dim3A_2326 : vector<16xi1>, vector<16xi32>
    %gather3A_2328 = tpu.vector_load_idx %arg10[%select_n3A_2327] : memref<4096xf32, #tpu.memory_space<vmem>>[vector<16xi32>], vector<16xf32>,
    %jit3A_2329 = arith.constant 0.000000e+00 : f32
    %broadcast_in_dim3A_2330 = vector.broadcast %jit3A_2329 : f32 to vector<16xf32>
    %select_n3A_2331 = arith.select %lt3A_2323, %gather3A_2328, %broadcast_in_dim3A_2330 : vector<16xi1>, vector<16xf32>
    %swap3A_2332 = arith.constant 640 : index
    %swap3A_2333 = tpu.vector_load %arg14[%swap3A_2332] {strides = array<i32>} : memref<2048xf32, #tpu.memory_space<vmem>>, vector<16xf32>,
    tpu.vector_store %arg14[%swap3A_2332], %select_n3A_2295 {strides = array<i32>} : memref<2048xf32, #tpu.memory_space<vmem>>, vector<16xf32>,
    %swap3A_2334 = arith.constant 656 : index
    %swap3A_2335 = tpu.vector_load %arg14[%swap3A_2334] {strides = array<i32>} : memref<2048xf32, #tpu.memory_space<vmem>>, vector<16xf32>,
    tpu.vector_store %arg14[%swap3A_2334], %select_n3A_2307 {strides = array<i32>} : memref<2048xf32, #tpu.memory_space<vmem>>, vector<16xf32>,
    %swap3A_2336 = arith.constant 672 : index
    %swap3A_2337 = tpu.vector_load %arg14[%swap3A_2336] {strides = array<i32>} : memref<2048xf32, #tpu.memory_space<vmem>>, vector<16xf32>,
    tpu.vector_store %arg14[%swap3A_2336], %select_n3A_2319 {strides = array<i32>} : memref<2048xf32, #tpu.memory_space<vmem>>, vector<16xf32>,
    %swap3A_2338 = arith.constant 688 : index
    %swap3A_2339 = tpu.vector_load %arg14[%swap3A_2338] {strides = array<i32>} : memref<2048xf32, #tpu.memory_space<vmem>>, vector<16xf32>,
    tpu.vector_store %arg14[%swap3A_2338], %select_n3A_2331 {strides = array<i32>} : memref<2048xf32, #tpu.memory_space<vmem>>, vector<16xf32>,
    %add3A_2340 = arith.constant 6 : i32
    %add3A_2341 = arith.addi %mul3A_32, %add3A_2340 : i32
    %broadcast_in_dim3A_2342 = vector.broadcast %add3A_2341 : i32 to vector<16xi32>
    %gather3A_2343 = tpu.vector_load_idx %arg11[%broadcast_in_dim3A_2342] : memref<64xi32, #tpu.memory_space<vmem>>[vector<16xi32>], vector<16xi32>,
    %gather3A_2344 = tpu.vector_load_idx %arg12[%broadcast_in_dim3A_2342] : memref<64xi32, #tpu.memory_space<vmem>>[vector<16xi32>], vector<16xi32>,
    %add3A_2345 = arith.constant 0 : i32
    %add3A_2346 = vector.broadcast %add3A_2345 : i32 to vector<16xi32>
    %add3A_2347 = arith.addi %iota3A, %add3A_2346 : vector<16xi32>
    %lt3A_2348 = arith.cmpi slt, %add3A_2347, %gather3A_2343 : vector<16xi32>
    %add3A_2349 = arith.addi %gather3A_2344, %add3A_2347 : vector<16xi32>
    %jit3A_2350 = arith.constant 0 : i32
    %broadcast_in_dim3A_2351 = vector.broadcast %jit3A_2350 : i32 to vector<16xi32>
    %select_n3A_2352 = arith.select %lt3A_2348, %add3A_2349, %broadcast_in_dim3A_2351 : vector<16xi1>, vector<16xi32>
    %gather3A_2353 = tpu.vector_load_idx %arg10[%select_n3A_2352] : memref<4096xf32, #tpu.memory_space<vmem>>[vector<16xi32>], vector<16xf32>,
    %jit3A_2354 = arith.constant 0.000000e+00 : f32
    %broadcast_in_dim3A_2355 = vector.broadcast %jit3A_2354 : f32 to vector<16xf32>
    %select_n3A_2356 = arith.select %lt3A_2348, %gather3A_2353, %broadcast_in_dim3A_2355 : vector<16xi1>, vector<16xf32>
    %add3A_2357 = arith.constant 16 : i32
    %add3A_2358 = vector.broadcast %add3A_2357 : i32 to vector<16xi32>
    %add3A_2359 = arith.addi %iota3A, %add3A_2358 : vector<16xi32>
    %lt3A_2360 = arith.cmpi slt, %add3A_2359, %gather3A_2343 : vector<16xi32>
    %add3A_2361 = arith.addi %gather3A_2344, %add3A_2359 : vector<16xi32>
    %jit3A_2362 = arith.constant 0 : i32
    %broadcast_in_dim3A_2363 = vector.broadcast %jit3A_2362 : i32 to vector<16xi32>
    %select_n3A_2364 = arith.select %lt3A_2360, %add3A_2361, %broadcast_in_dim3A_2363 : vector<16xi1>, vector<16xi32>
    %gather3A_2365 = tpu.vector_load_idx %arg10[%select_n3A_2364] : memref<4096xf32, #tpu.memory_space<vmem>>[vector<16xi32>], vector<16xf32>,
    %jit3A_2366 = arith.constant 0.000000e+00 : f32
    %broadcast_in_dim3A_2367 = vector.broadcast %jit3A_2366 : f32 to vector<16xf32>
    %select_n3A_2368 = arith.select %lt3A_2360, %gather3A_2365, %broadcast_in_dim3A_2367 : vector<16xi1>, vector<16xf32>
    %add3A_2369 = arith.constant 32 : i32
    %add3A_2370 = vector.broadcast %add3A_2369 : i32 to vector<16xi32>
    %add3A_2371 = arith.addi %iota3A, %add3A_2370 : vector<16xi32>
    %lt3A_2372 = arith.cmpi slt, %add3A_2371, %gather3A_2343 : vector<16xi32>
    %add3A_2373 = arith.addi %gather3A_2344, %add3A_2371 : vector<16xi32>
    %jit3A_2374 = arith.constant 0 : i32
    %broadcast_in_dim3A_2375 = vector.broadcast %jit3A_2374 : i32 to vector<16xi32>
    %select_n3A_2376 = arith.select %lt3A_2372, %add3A_2373, %broadcast_in_dim3A_2375 : vector<16xi1>, vector<16xi32>
    %gather3A_2377 = tpu.vector_load_idx %arg10[%select_n3A_2376] : memref<4096xf32, #tpu.memory_space<vmem>>[vector<16xi32>], vector<16xf32>,
    %jit3A_2378 = arith.constant 0.000000e+00 : f32
    %broadcast_in_dim3A_2379 = vector.broadcast %jit3A_2378 : f32 to vector<16xf32>
    %select_n3A_2380 = arith.select %lt3A_2372, %gather3A_2377, %broadcast_in_dim3A_2379 : vector<16xi1>, vector<16xf32>
    %add3A_2381 = arith.constant 48 : i32
    %add3A_2382 = vector.broadcast %add3A_2381 : i32 to vector<16xi32>
    %add3A_2383 = arith.addi %iota3A, %add3A_2382 : vector<16xi32>
    %lt3A_2384 = arith.cmpi slt, %add3A_2383, %gather3A_2343 : vector<16xi32>
    %add3A_2385 = arith.addi %gather3A_2344, %add3A_2383 : vector<16xi32>
    %jit3A_2386 = arith.constant 0 : i32
    %broadcast_in_dim3A_2387 = vector.broadcast %jit3A_2386 : i32 to vector<16xi32>
    %select_n3A_2388 = arith.select %lt3A_2384, %add3A_2385, %broadcast_in_dim3A_2387 : vector<16xi1>, vector<16xi32>
    %gather3A_2389 = tpu.vector_load_idx %arg10[%select_n3A_2388] : memref<4096xf32, #tpu.memory_space<vmem>>[vector<16xi32>], vector<16xf32>,
    %jit3A_2390 = arith.constant 0.000000e+00 : f32
    %broadcast_in_dim3A_2391 = vector.broadcast %jit3A_2390 : f32 to vector<16xf32>
    %select_n3A_2392 = arith.select %lt3A_2384, %gather3A_2389, %broadcast_in_dim3A_2391 : vector<16xi1>, vector<16xf32>
    %swap3A_2393 = arith.constant 768 : index
    %swap3A_2394 = tpu.vector_load %arg14[%swap3A_2393] {strides = array<i32>} : memref<2048xf32, #tpu.memory_space<vmem>>, vector<16xf32>,
    tpu.vector_store %arg14[%swap3A_2393], %select_n3A_2356 {strides = array<i32>} : memref<2048xf32, #tpu.memory_space<vmem>>, vector<16xf32>,
    %swap3A_2395 = arith.constant 784 : index
    %swap3A_2396 = tpu.vector_load %arg14[%swap3A_2395] {strides = array<i32>} : memref<2048xf32, #tpu.memory_space<vmem>>, vector<16xf32>,
    tpu.vector_store %arg14[%swap3A_2395], %select_n3A_2368 {strides = array<i32>} : memref<2048xf32, #tpu.memory_space<vmem>>, vector<16xf32>,
    %swap3A_2397 = arith.constant 800 : index
    %swap3A_2398 = tpu.vector_load %arg14[%swap3A_2397] {strides = array<i32>} : memref<2048xf32, #tpu.memory_space<vmem>>, vector<16xf32>,
    tpu.vector_store %arg14[%swap3A_2397], %select_n3A_2380 {strides = array<i32>} : memref<2048xf32, #tpu.memory_space<vmem>>, vector<16xf32>,
    %swap3A_2399 = arith.constant 816 : index
    %swap3A_2400 = tpu.vector_load %arg14[%swap3A_2399] {strides = array<i32>} : memref<2048xf32, #tpu.memory_space<vmem>>, vector<16xf32>,
    tpu.vector_store %arg14[%swap3A_2399], %select_n3A_2392 {strides = array<i32>} : memref<2048xf32, #tpu.memory_space<vmem>>, vector<16xf32>,
    %add3A_2401 = arith.constant 7 : i32
    %add3A_2402 = arith.addi %mul3A_32, %add3A_2401 : i32
    %broadcast_in_dim3A_2403 = vector.broadcast %add3A_2402 : i32 to vector<16xi32>
    %gather3A_2404 = tpu.vector_load_idx %arg11[%broadcast_in_dim3A_2403] : memref<64xi32, #tpu.memory_space<vmem>>[vector<16xi32>], vector<16xi32>,
    %gather3A_2405 = tpu.vector_load_idx %arg12[%broadcast_in_dim3A_2403] : memref<64xi32, #tpu.memory_space<vmem>>[vector<16xi32>], vector<16xi32>,
    %add3A_2406 = arith.constant 0 : i32
    %add3A_2407 = vector.broadcast %add3A_2406 : i32 to vector<16xi32>
    %add3A_2408 = arith.addi %iota3A, %add3A_2407 : vector<16xi32>
    %lt3A_2409 = arith.cmpi slt, %add3A_2408, %gather3A_2404 : vector<16xi32>
    %add3A_2410 = arith.addi %gather3A_2405, %add3A_2408 : vector<16xi32>
    %jit3A_2411 = arith.constant 0 : i32
    %broadcast_in_dim3A_2412 = vector.broadcast %jit3A_2411 : i32 to vector<16xi32>
    %select_n3A_2413 = arith.select %lt3A_2409, %add3A_2410, %broadcast_in_dim3A_2412 : vector<16xi1>, vector<16xi32>
    %gather3A_2414 = tpu.vector_load_idx %arg10[%select_n3A_2413] : memref<4096xf32, #tpu.memory_space<vmem>>[vector<16xi32>], vector<16xf32>,
    %jit3A_2415 = arith.constant 0.000000e+00 : f32
    %broadcast_in_dim3A_2416 = vector.broadcast %jit3A_2415 : f32 to vector<16xf32>
    %select_n3A_2417 = arith.select %lt3A_2409, %gather3A_2414, %broadcast_in_dim3A_2416 : vector<16xi1>, vector<16xf32>
    %add3A_2418 = arith.constant 16 : i32
    %add3A_2419 = vector.broadcast %add3A_2418 : i32 to vector<16xi32>
    %add3A_2420 = arith.addi %iota3A, %add3A_2419 : vector<16xi32>
    %lt3A_2421 = arith.cmpi slt, %add3A_2420, %gather3A_2404 : vector<16xi32>
    %add3A_2422 = arith.addi %gather3A_2405, %add3A_2420 : vector<16xi32>
    %jit3A_2423 = arith.constant 0 : i32
    %broadcast_in_dim3A_2424 = vector.broadcast %jit3A_2423 : i32 to vector<16xi32>
    %select_n3A_2425 = arith.select %lt3A_2421, %add3A_2422, %broadcast_in_dim3A_2424 : vector<16xi1>, vector<16xi32>
    %gather3A_2426 = tpu.vector_load_idx %arg10[%select_n3A_2425] : memref<4096xf32, #tpu.memory_space<vmem>>[vector<16xi32>], vector<16xf32>,
    %jit3A_2427 = arith.constant 0.000000e+00 : f32
    %broadcast_in_dim3A_2428 = vector.broadcast %jit3A_2427 : f32 to vector<16xf32>
    %select_n3A_2429 = arith.select %lt3A_2421, %gather3A_2426, %broadcast_in_dim3A_2428 : vector<16xi1>, vector<16xf32>
    %add3A_2430 = arith.constant 32 : i32
    %add3A_2431 = vector.broadcast %add3A_2430 : i32 to vector<16xi32>
    %add3A_2432 = arith.addi %iota3A, %add3A_2431 : vector<16xi32>
    %lt3A_2433 = arith.cmpi slt, %add3A_2432, %gather3A_2404 : vector<16xi32>
    %add3A_2434 = arith.addi %gather3A_2405, %add3A_2432 : vector<16xi32>
    %jit3A_2435 = arith.constant 0 : i32
    %broadcast_in_dim3A_2436 = vector.broadcast %jit3A_2435 : i32 to vector<16xi32>
    %select_n3A_2437 = arith.select %lt3A_2433, %add3A_2434, %broadcast_in_dim3A_2436 : vector<16xi1>, vector<16xi32>
    %gather3A_2438 = tpu.vector_load_idx %arg10[%select_n3A_2437] : memref<4096xf32, #tpu.memory_space<vmem>>[vector<16xi32>], vector<16xf32>,
    %jit3A_2439 = arith.constant 0.000000e+00 : f32
    %broadcast_in_dim3A_2440 = vector.broadcast %jit3A_2439 : f32 to vector<16xf32>
    %select_n3A_2441 = arith.select %lt3A_2433, %gather3A_2438, %broadcast_in_dim3A_2440 : vector<16xi1>, vector<16xf32>
    %add3A_2442 = arith.constant 48 : i32
    %add3A_2443 = vector.broadcast %add3A_2442 : i32 to vector<16xi32>
    %add3A_2444 = arith.addi %iota3A, %add3A_2443 : vector<16xi32>
    %lt3A_2445 = arith.cmpi slt, %add3A_2444, %gather3A_2404 : vector<16xi32>
    %add3A_2446 = arith.addi %gather3A_2405, %add3A_2444 : vector<16xi32>
    %jit3A_2447 = arith.constant 0 : i32
    %broadcast_in_dim3A_2448 = vector.broadcast %jit3A_2447 : i32 to vector<16xi32>
    %select_n3A_2449 = arith.select %lt3A_2445, %add3A_2446, %broadcast_in_dim3A_2448 : vector<16xi1>, vector<16xi32>
    %gather3A_2450 = tpu.vector_load_idx %arg10[%select_n3A_2449] : memref<4096xf32, #tpu.memory_space<vmem>>[vector<16xi32>], vector<16xf32>,
    %jit3A_2451 = arith.constant 0.000000e+00 : f32
    %broadcast_in_dim3A_2452 = vector.broadcast %jit3A_2451 : f32 to vector<16xf32>
    %select_n3A_2453 = arith.select %lt3A_2445, %gather3A_2450, %broadcast_in_dim3A_2452 : vector<16xi1>, vector<16xf32>
    %swap3A_2454 = arith.constant 896 : index
    %swap3A_2455 = tpu.vector_load %arg14[%swap3A_2454] {strides = array<i32>} : memref<2048xf32, #tpu.memory_space<vmem>>, vector<16xf32>,
    tpu.vector_store %arg14[%swap3A_2454], %select_n3A_2417 {strides = array<i32>} : memref<2048xf32, #tpu.memory_space<vmem>>, vector<16xf32>,
    %swap3A_2456 = arith.constant 912 : index
    %swap3A_2457 = tpu.vector_load %arg14[%swap3A_2456] {strides = array<i32>} : memref<2048xf32, #tpu.memory_space<vmem>>, vector<16xf32>,
    tpu.vector_store %arg14[%swap3A_2456], %select_n3A_2429 {strides = array<i32>} : memref<2048xf32, #tpu.memory_space<vmem>>, vector<16xf32>,
    %swap3A_2458 = arith.constant 928 : index
    %swap3A_2459 = tpu.vector_load %arg14[%swap3A_2458] {strides = array<i32>} : memref<2048xf32, #tpu.memory_space<vmem>>, vector<16xf32>,
    tpu.vector_store %arg14[%swap3A_2458], %select_n3A_2441 {strides = array<i32>} : memref<2048xf32, #tpu.memory_space<vmem>>, vector<16xf32>,
    %swap3A_2460 = arith.constant 944 : index
    %swap3A_2461 = tpu.vector_load %arg14[%swap3A_2460] {strides = array<i32>} : memref<2048xf32, #tpu.memory_space<vmem>>, vector<16xf32>,
    tpu.vector_store %arg14[%swap3A_2460], %select_n3A_2453 {strides = array<i32>} : memref<2048xf32, #tpu.memory_space<vmem>>, vector<16xf32>,
    %add3A_2462 = arith.constant 8 : i32
    %add3A_2463 = arith.addi %mul3A_32, %add3A_2462 : i32
    %broadcast_in_dim3A_2464 = vector.broadcast %add3A_2463 : i32 to vector<16xi32>
    %gather3A_2465 = tpu.vector_load_idx %arg11[%broadcast_in_dim3A_2464] : memref<64xi32, #tpu.memory_space<vmem>>[vector<16xi32>], vector<16xi32>,
    %gather3A_2466 = tpu.vector_load_idx %arg12[%broadcast_in_dim3A_2464] : memref<64xi32, #tpu.memory_space<vmem>>[vector<16xi32>], vector<16xi32>,
    %add3A_2467 = arith.constant 0 : i32
    %add3A_2468 = vector.broadcast %add3A_2467 : i32 to vector<16xi32>
    %add3A_2469 = arith.addi %iota3A, %add3A_2468 : vector<16xi32>
    %lt3A_2470 = arith.cmpi slt, %add3A_2469, %gather3A_2465 : vector<16xi32>
    %add3A_2471 = arith.addi %gather3A_2466, %add3A_2469 : vector<16xi32>
    %jit3A_2472 = arith.constant 0 : i32
    %broadcast_in_dim3A_2473 = vector.broadcast %jit3A_2472 : i32 to vector<16xi32>
    %select_n3A_2474 = arith.select %lt3A_2470, %add3A_2471, %broadcast_in_dim3A_2473 : vector<16xi1>, vector<16xi32>
    %gather3A_2475 = tpu.vector_load_idx %arg10[%select_n3A_2474] : memref<4096xf32, #tpu.memory_space<vmem>>[vector<16xi32>], vector<16xf32>,
    %jit3A_2476 = arith.constant 0.000000e+00 : f32
    %broadcast_in_dim3A_2477 = vector.broadcast %jit3A_2476 : f32 to vector<16xf32>
    %select_n3A_2478 = arith.select %lt3A_2470, %gather3A_2475, %broadcast_in_dim3A_2477 : vector<16xi1>, vector<16xf32>
    %add3A_2479 = arith.constant 16 : i32
    %add3A_2480 = vector.broadcast %add3A_2479 : i32 to vector<16xi32>
    %add3A_2481 = arith.addi %iota3A, %add3A_2480 : vector<16xi32>
    %lt3A_2482 = arith.cmpi slt, %add3A_2481, %gather3A_2465 : vector<16xi32>
    %add3A_2483 = arith.addi %gather3A_2466, %add3A_2481 : vector<16xi32>
    %jit3A_2484 = arith.constant 0 : i32
    %broadcast_in_dim3A_2485 = vector.broadcast %jit3A_2484 : i32 to vector<16xi32>
    %select_n3A_2486 = arith.select %lt3A_2482, %add3A_2483, %broadcast_in_dim3A_2485 : vector<16xi1>, vector<16xi32>
    %gather3A_2487 = tpu.vector_load_idx %arg10[%select_n3A_2486] : memref<4096xf32, #tpu.memory_space<vmem>>[vector<16xi32>], vector<16xf32>,
    %jit3A_2488 = arith.constant 0.000000e+00 : f32
    %broadcast_in_dim3A_2489 = vector.broadcast %jit3A_2488 : f32 to vector<16xf32>
    %select_n3A_2490 = arith.select %lt3A_2482, %gather3A_2487, %broadcast_in_dim3A_2489 : vector<16xi1>, vector<16xf32>
    %add3A_2491 = arith.constant 32 : i32
    %add3A_2492 = vector.broadcast %add3A_2491 : i32 to vector<16xi32>
    %add3A_2493 = arith.addi %iota3A, %add3A_2492 : vector<16xi32>
    %lt3A_2494 = arith.cmpi slt, %add3A_2493, %gather3A_2465 : vector<16xi32>
    %add3A_2495 = arith.addi %gather3A_2466, %add3A_2493 : vector<16xi32>
    %jit3A_2496 = arith.constant 0 : i32
    %broadcast_in_dim3A_2497 = vector.broadcast %jit3A_2496 : i32 to vector<16xi32>
    %select_n3A_2498 = arith.select %lt3A_2494, %add3A_2495, %broadcast_in_dim3A_2497 : vector<16xi1>, vector<16xi32>
    %gather3A_2499 = tpu.vector_load_idx %arg10[%select_n3A_2498] : memref<4096xf32, #tpu.memory_space<vmem>>[vector<16xi32>], vector<16xf32>,
    %jit3A_2500 = arith.constant 0.000000e+00 : f32
    %broadcast_in_dim3A_2501 = vector.broadcast %jit3A_2500 : f32 to vector<16xf32>
    %select_n3A_2502 = arith.select %lt3A_2494, %gather3A_2499, %broadcast_in_dim3A_2501 : vector<16xi1>, vector<16xf32>
    %add3A_2503 = arith.constant 48 : i32
    %add3A_2504 = vector.broadcast %add3A_2503 : i32 to vector<16xi32>
    %add3A_2505 = arith.addi %iota3A, %add3A_2504 : vector<16xi32>
    %lt3A_2506 = arith.cmpi slt, %add3A_2505, %gather3A_2465 : vector<16xi32>
    %add3A_2507 = arith.addi %gather3A_2466, %add3A_2505 : vector<16xi32>
    %jit3A_2508 = arith.constant 0 : i32
    %broadcast_in_dim3A_2509 = vector.broadcast %jit3A_2508 : i32 to vector<16xi32>
    %select_n3A_2510 = arith.select %lt3A_2506, %add3A_2507, %broadcast_in_dim3A_2509 : vector<16xi1>, vector<16xi32>
    %gather3A_2511 = tpu.vector_load_idx %arg10[%select_n3A_2510] : memref<4096xf32, #tpu.memory_space<vmem>>[vector<16xi32>], vector<16xf32>,
    %jit3A_2512 = arith.constant 0.000000e+00 : f32
    %broadcast_in_dim3A_2513 = vector.broadcast %jit3A_2512 : f32 to vector<16xf32>
    %select_n3A_2514 = arith.select %lt3A_2506, %gather3A_2511, %broadcast_in_dim3A_2513 : vector<16xi1>, vector<16xf32>
    %swap3A_2515 = arith.constant 1024 : index
    %swap3A_2516 = tpu.vector_load %arg14[%swap3A_2515] {strides = array<i32>} : memref<2048xf32, #tpu.memory_space<vmem>>, vector<16xf32>,
    tpu.vector_store %arg14[%swap3A_2515], %select_n3A_2478 {strides = array<i32>} : memref<2048xf32, #tpu.memory_space<vmem>>, vector<16xf32>,
    %swap3A_2517 = arith.constant 1040 : index
    %swap3A_2518 = tpu.vector_load %arg14[%swap3A_2517] {strides = array<i32>} : memref<2048xf32, #tpu.memory_space<vmem>>, vector<16xf32>,
    tpu.vector_store %arg14[%swap3A_2517], %select_n3A_2490 {strides = array<i32>} : memref<2048xf32, #tpu.memory_space<vmem>>, vector<16xf32>,
    %swap3A_2519 = arith.constant 1056 : index
    %swap3A_2520 = tpu.vector_load %arg14[%swap3A_2519] {strides = array<i32>} : memref<2048xf32, #tpu.memory_space<vmem>>, vector<16xf32>,
    tpu.vector_store %arg14[%swap3A_2519], %select_n3A_2502 {strides = array<i32>} : memref<2048xf32, #tpu.memory_space<vmem>>, vector<16xf32>,
    %swap3A_2521 = arith.constant 1072 : index
    %swap3A_2522 = tpu.vector_load %arg14[%swap3A_2521] {strides = array<i32>} : memref<2048xf32, #tpu.memory_space<vmem>>, vector<16xf32>,
    tpu.vector_store %arg14[%swap3A_2521], %select_n3A_2514 {strides = array<i32>} : memref<2048xf32, #tpu.memory_space<vmem>>, vector<16xf32>,
    %add3A_2523 = arith.constant 9 : i32
    %add3A_2524 = arith.addi %mul3A_32, %add3A_2523 : i32
    %broadcast_in_dim3A_2525 = vector.broadcast %add3A_2524 : i32 to vector<16xi32>
    %gather3A_2526 = tpu.vector_load_idx %arg11[%broadcast_in_dim3A_2525] : memref<64xi32, #tpu.memory_space<vmem>>[vector<16xi32>], vector<16xi32>,
    %gather3A_2527 = tpu.vector_load_idx %arg12[%broadcast_in_dim3A_2525] : memref<64xi32, #tpu.memory_space<vmem>>[vector<16xi32>], vector<16xi32>,
    %add3A_2528 = arith.constant 0 : i32
    %add3A_2529 = vector.broadcast %add3A_2528 : i32 to vector<16xi32>
    %add3A_2530 = arith.addi %iota3A, %add3A_2529 : vector<16xi32>
    %lt3A_2531 = arith.cmpi slt, %add3A_2530, %gather3A_2526 : vector<16xi32>
    %add3A_2532 = arith.addi %gather3A_2527, %add3A_2530 : vector<16xi32>
    %jit3A_2533 = arith.constant 0 : i32
    %broadcast_in_dim3A_2534 = vector.broadcast %jit3A_2533 : i32 to vector<16xi32>
    %select_n3A_2535 = arith.select %lt3A_2531, %add3A_2532, %broadcast_in_dim3A_2534 : vector<16xi1>, vector<16xi32>
    %gather3A_2536 = tpu.vector_load_idx %arg10[%select_n3A_2535] : memref<4096xf32, #tpu.memory_space<vmem>>[vector<16xi32>], vector<16xf32>,
    %jit3A_2537 = arith.constant 0.000000e+00 : f32
    %broadcast_in_dim3A_2538 = vector.broadcast %jit3A_2537 : f32 to vector<16xf32>
    %select_n3A_2539 = arith.select %lt3A_2531, %gather3A_2536, %broadcast_in_dim3A_2538 : vector<16xi1>, vector<16xf32>
    %add3A_2540 = arith.constant 16 : i32
    %add3A_2541 = vector.broadcast %add3A_2540 : i32 to vector<16xi32>
    %add3A_2542 = arith.addi %iota3A, %add3A_2541 : vector<16xi32>
    %lt3A_2543 = arith.cmpi slt, %add3A_2542, %gather3A_2526 : vector<16xi32>
    %add3A_2544 = arith.addi %gather3A_2527, %add3A_2542 : vector<16xi32>
    %jit3A_2545 = arith.constant 0 : i32
    %broadcast_in_dim3A_2546 = vector.broadcast %jit3A_2545 : i32 to vector<16xi32>
    %select_n3A_2547 = arith.select %lt3A_2543, %add3A_2544, %broadcast_in_dim3A_2546 : vector<16xi1>, vector<16xi32>
    %gather3A_2548 = tpu.vector_load_idx %arg10[%select_n3A_2547] : memref<4096xf32, #tpu.memory_space<vmem>>[vector<16xi32>], vector<16xf32>,
    %jit3A_2549 = arith.constant 0.000000e+00 : f32
    %broadcast_in_dim3A_2550 = vector.broadcast %jit3A_2549 : f32 to vector<16xf32>
    %select_n3A_2551 = arith.select %lt3A_2543, %gather3A_2548, %broadcast_in_dim3A_2550 : vector<16xi1>, vector<16xf32>
    %add3A_2552 = arith.constant 32 : i32
    %add3A_2553 = vector.broadcast %add3A_2552 : i32 to vector<16xi32>
    %add3A_2554 = arith.addi %iota3A, %add3A_2553 : vector<16xi32>
    %lt3A_2555 = arith.cmpi slt, %add3A_2554, %gather3A_2526 : vector<16xi32>
    %add3A_2556 = arith.addi %gather3A_2527, %add3A_2554 : vector<16xi32>
    %jit3A_2557 = arith.constant 0 : i32
    %broadcast_in_dim3A_2558 = vector.broadcast %jit3A_2557 : i32 to vector<16xi32>
    %select_n3A_2559 = arith.select %lt3A_2555, %add3A_2556, %broadcast_in_dim3A_2558 : vector<16xi1>, vector<16xi32>
    %gather3A_2560 = tpu.vector_load_idx %arg10[%select_n3A_2559] : memref<4096xf32, #tpu.memory_space<vmem>>[vector<16xi32>], vector<16xf32>,
    %jit3A_2561 = arith.constant 0.000000e+00 : f32
    %broadcast_in_dim3A_2562 = vector.broadcast %jit3A_2561 : f32 to vector<16xf32>
    %select_n3A_2563 = arith.select %lt3A_2555, %gather3A_2560, %broadcast_in_dim3A_2562 : vector<16xi1>, vector<16xf32>
    %add3A_2564 = arith.constant 48 : i32
    %add3A_2565 = vector.broadcast %add3A_2564 : i32 to vector<16xi32>
    %add3A_2566 = arith.addi %iota3A, %add3A_2565 : vector<16xi32>
    %lt3A_2567 = arith.cmpi slt, %add3A_2566, %gather3A_2526 : vector<16xi32>
    %add3A_2568 = arith.addi %gather3A_2527, %add3A_2566 : vector<16xi32>
    %jit3A_2569 = arith.constant 0 : i32
    %broadcast_in_dim3A_2570 = vector.broadcast %jit3A_2569 : i32 to vector<16xi32>
    %select_n3A_2571 = arith.select %lt3A_2567, %add3A_2568, %broadcast_in_dim3A_2570 : vector<16xi1>, vector<16xi32>
    %gather3A_2572 = tpu.vector_load_idx %arg10[%select_n3A_2571] : memref<4096xf32, #tpu.memory_space<vmem>>[vector<16xi32>], vector<16xf32>,
    %jit3A_2573 = arith.constant 0.000000e+00 : f32
    %broadcast_in_dim3A_2574 = vector.broadcast %jit3A_2573 : f32 to vector<16xf32>
    %select_n3A_2575 = arith.select %lt3A_2567, %gather3A_2572, %broadcast_in_dim3A_2574 : vector<16xi1>, vector<16xf32>
    %swap3A_2576 = arith.constant 1152 : index
    %swap3A_2577 = tpu.vector_load %arg14[%swap3A_2576] {strides = array<i32>} : memref<2048xf32, #tpu.memory_space<vmem>>, vector<16xf32>,
    tpu.vector_store %arg14[%swap3A_2576], %select_n3A_2539 {strides = array<i32>} : memref<2048xf32, #tpu.memory_space<vmem>>, vector<16xf32>,
    %swap3A_2578 = arith.constant 1168 : index
    %swap3A_2579 = tpu.vector_load %arg14[%swap3A_2578] {strides = array<i32>} : memref<2048xf32, #tpu.memory_space<vmem>>, vector<16xf32>,
    tpu.vector_store %arg14[%swap3A_2578], %select_n3A_2551 {strides = array<i32>} : memref<2048xf32, #tpu.memory_space<vmem>>, vector<16xf32>,
    %swap3A_2580 = arith.constant 1184 : index
    %swap3A_2581 = tpu.vector_load %arg14[%swap3A_2580] {strides = array<i32>} : memref<2048xf32, #tpu.memory_space<vmem>>, vector<16xf32>,
    tpu.vector_store %arg14[%swap3A_2580], %select_n3A_2563 {strides = array<i32>} : memref<2048xf32, #tpu.memory_space<vmem>>, vector<16xf32>,
    %swap3A_2582 = arith.constant 1200 : index
    %swap3A_2583 = tpu.vector_load %arg14[%swap3A_2582] {strides = array<i32>} : memref<2048xf32, #tpu.memory_space<vmem>>, vector<16xf32>,
    tpu.vector_store %arg14[%swap3A_2582], %select_n3A_2575 {strides = array<i32>} : memref<2048xf32, #tpu.memory_space<vmem>>, vector<16xf32>,
    %add3A_2584 = arith.constant 10 : i32
    %add3A_2585 = arith.addi %mul3A_32, %add3A_2584 : i32
    %broadcast_in_dim3A_2586 = vector.broadcast %add3A_2585 : i32 to vector<16xi32>
    %gather3A_2587 = tpu.vector_load_idx %arg11[%broadcast_in_dim3A_2586] : memref<64xi32, #tpu.memory_space<vmem>>[vector<16xi32>], vector<16xi32>,
    %gather3A_2588 = tpu.vector_load_idx %arg12[%broadcast_in_dim3A_2586] : memref<64xi32, #tpu.memory_space<vmem>>[vector<16xi32>], vector<16xi32>,
    %add3A_2589 = arith.constant 0 : i32
    %add3A_2590 = vector.broadcast %add3A_2589 : i32 to vector<16xi32>
    %add3A_2591 = arith.addi %iota3A, %add3A_2590 : vector<16xi32>
    %lt3A_2592 = arith.cmpi slt, %add3A_2591, %gather3A_2587 : vector<16xi32>
    %add3A_2593 = arith.addi %gather3A_2588, %add3A_2591 : vector<16xi32>
    %jit3A_2594 = arith.constant 0 : i32
    %broadcast_in_dim3A_2595 = vector.broadcast %jit3A_2594 : i32 to vector<16xi32>
    %select_n3A_2596 = arith.select %lt3A_2592, %add3A_2593, %broadcast_in_dim3A_2595 : vector<16xi1>, vector<16xi32>
    %gather3A_2597 = tpu.vector_load_idx %arg10[%select_n3A_2596] : memref<4096xf32, #tpu.memory_space<vmem>>[vector<16xi32>], vector<16xf32>,
    %jit3A_2598 = arith.constant 0.000000e+00 : f32
    %broadcast_in_dim3A_2599 = vector.broadcast %jit3A_2598 : f32 to vector<16xf32>
    %select_n3A_2600 = arith.select %lt3A_2592, %gather3A_2597, %broadcast_in_dim3A_2599 : vector<16xi1>, vector<16xf32>
    %add3A_2601 = arith.constant 16 : i32
    %add3A_2602 = vector.broadcast %add3A_2601 : i32 to vector<16xi32>
    %add3A_2603 = arith.addi %iota3A, %add3A_2602 : vector<16xi32>
    %lt3A_2604 = arith.cmpi slt, %add3A_2603, %gather3A_2587 : vector<16xi32>
    %add3A_2605 = arith.addi %gather3A_2588, %add3A_2603 : vector<16xi32>
    %jit3A_2606 = arith.constant 0 : i32
    %broadcast_in_dim3A_2607 = vector.broadcast %jit3A_2606 : i32 to vector<16xi32>
    %select_n3A_2608 = arith.select %lt3A_2604, %add3A_2605, %broadcast_in_dim3A_2607 : vector<16xi1>, vector<16xi32>
    %gather3A_2609 = tpu.vector_load_idx %arg10[%select_n3A_2608] : memref<4096xf32, #tpu.memory_space<vmem>>[vector<16xi32>], vector<16xf32>,
    %jit3A_2610 = arith.constant 0.000000e+00 : f32
    %broadcast_in_dim3A_2611 = vector.broadcast %jit3A_2610 : f32 to vector<16xf32>
    %select_n3A_2612 = arith.select %lt3A_2604, %gather3A_2609, %broadcast_in_dim3A_2611 : vector<16xi1>, vector<16xf32>
    %add3A_2613 = arith.constant 32 : i32
    %add3A_2614 = vector.broadcast %add3A_2613 : i32 to vector<16xi32>
    %add3A_2615 = arith.addi %iota3A, %add3A_2614 : vector<16xi32>
    %lt3A_2616 = arith.cmpi slt, %add3A_2615, %gather3A_2587 : vector<16xi32>
    %add3A_2617 = arith.addi %gather3A_2588, %add3A_2615 : vector<16xi32>
    %jit3A_2618 = arith.constant 0 : i32
    %broadcast_in_dim3A_2619 = vector.broadcast %jit3A_2618 : i32 to vector<16xi32>
    %select_n3A_2620 = arith.select %lt3A_2616, %add3A_2617, %broadcast_in_dim3A_2619 : vector<16xi1>, vector<16xi32>
    %gather3A_2621 = tpu.vector_load_idx %arg10[%select_n3A_2620] : memref<4096xf32, #tpu.memory_space<vmem>>[vector<16xi32>], vector<16xf32>,
    %jit3A_2622 = arith.constant 0.000000e+00 : f32
    %broadcast_in_dim3A_2623 = vector.broadcast %jit3A_2622 : f32 to vector<16xf32>
    %select_n3A_2624 = arith.select %lt3A_2616, %gather3A_2621, %broadcast_in_dim3A_2623 : vector<16xi1>, vector<16xf32>
    %add3A_2625 = arith.constant 48 : i32
    %add3A_2626 = vector.broadcast %add3A_2625 : i32 to vector<16xi32>
    %add3A_2627 = arith.addi %iota3A, %add3A_2626 : vector<16xi32>
    %lt3A_2628 = arith.cmpi slt, %add3A_2627, %gather3A_2587 : vector<16xi32>
    %add3A_2629 = arith.addi %gather3A_2588, %add3A_2627 : vector<16xi32>
    %jit3A_2630 = arith.constant 0 : i32
    %broadcast_in_dim3A_2631 = vector.broadcast %jit3A_2630 : i32 to vector<16xi32>
    %select_n3A_2632 = arith.select %lt3A_2628, %add3A_2629, %broadcast_in_dim3A_2631 : vector<16xi1>, vector<16xi32>
    %gather3A_2633 = tpu.vector_load_idx %arg10[%select_n3A_2632] : memref<4096xf32, #tpu.memory_space<vmem>>[vector<16xi32>], vector<16xf32>,
    %jit3A_2634 = arith.constant 0.000000e+00 : f32
    %broadcast_in_dim3A_2635 = vector.broadcast %jit3A_2634 : f32 to vector<16xf32>
    %select_n3A_2636 = arith.select %lt3A_2628, %gather3A_2633, %broadcast_in_dim3A_2635 : vector<16xi1>, vector<16xf32>
    %swap3A_2637 = arith.constant 1280 : index
    %swap3A_2638 = tpu.vector_load %arg14[%swap3A_2637] {strides = array<i32>} : memref<2048xf32, #tpu.memory_space<vmem>>, vector<16xf32>,
    tpu.vector_store %arg14[%swap3A_2637], %select_n3A_2600 {strides = array<i32>} : memref<2048xf32, #tpu.memory_space<vmem>>, vector<16xf32>,
    %swap3A_2639 = arith.constant 1296 : index
    %swap3A_2640 = tpu.vector_load %arg14[%swap3A_2639] {strides = array<i32>} : memref<2048xf32, #tpu.memory_space<vmem>>, vector<16xf32>,
    tpu.vector_store %arg14[%swap3A_2639], %select_n3A_2612 {strides = array<i32>} : memref<2048xf32, #tpu.memory_space<vmem>>, vector<16xf32>,
    %swap3A_2641 = arith.constant 1312 : index
    %swap3A_2642 = tpu.vector_load %arg14[%swap3A_2641] {strides = array<i32>} : memref<2048xf32, #tpu.memory_space<vmem>>, vector<16xf32>,
    tpu.vector_store %arg14[%swap3A_2641], %select_n3A_2624 {strides = array<i32>} : memref<2048xf32, #tpu.memory_space<vmem>>, vector<16xf32>,
    %swap3A_2643 = arith.constant 1328 : index
    %swap3A_2644 = tpu.vector_load %arg14[%swap3A_2643] {strides = array<i32>} : memref<2048xf32, #tpu.memory_space<vmem>>, vector<16xf32>,
    tpu.vector_store %arg14[%swap3A_2643], %select_n3A_2636 {strides = array<i32>} : memref<2048xf32, #tpu.memory_space<vmem>>, vector<16xf32>,
    %add3A_2645 = arith.constant 11 : i32
    %add3A_2646 = arith.addi %mul3A_32, %add3A_2645 : i32
    %broadcast_in_dim3A_2647 = vector.broadcast %add3A_2646 : i32 to vector<16xi32>
    %gather3A_2648 = tpu.vector_load_idx %arg11[%broadcast_in_dim3A_2647] : memref<64xi32, #tpu.memory_space<vmem>>[vector<16xi32>], vector<16xi32>,
    %gather3A_2649 = tpu.vector_load_idx %arg12[%broadcast_in_dim3A_2647] : memref<64xi32, #tpu.memory_space<vmem>>[vector<16xi32>], vector<16xi32>,
    %add3A_2650 = arith.constant 0 : i32
    %add3A_2651 = vector.broadcast %add3A_2650 : i32 to vector<16xi32>
    %add3A_2652 = arith.addi %iota3A, %add3A_2651 : vector<16xi32>
    %lt3A_2653 = arith.cmpi slt, %add3A_2652, %gather3A_2648 : vector<16xi32>
    %add3A_2654 = arith.addi %gather3A_2649, %add3A_2652 : vector<16xi32>
    %jit3A_2655 = arith.constant 0 : i32
    %broadcast_in_dim3A_2656 = vector.broadcast %jit3A_2655 : i32 to vector<16xi32>
    %select_n3A_2657 = arith.select %lt3A_2653, %add3A_2654, %broadcast_in_dim3A_2656 : vector<16xi1>, vector<16xi32>
    %gather3A_2658 = tpu.vector_load_idx %arg10[%select_n3A_2657] : memref<4096xf32, #tpu.memory_space<vmem>>[vector<16xi32>], vector<16xf32>,
    %jit3A_2659 = arith.constant 0.000000e+00 : f32
    %broadcast_in_dim3A_2660 = vector.broadcast %jit3A_2659 : f32 to vector<16xf32>
    %select_n3A_2661 = arith.select %lt3A_2653, %gather3A_2658, %broadcast_in_dim3A_2660 : vector<16xi1>, vector<16xf32>
    %add3A_2662 = arith.constant 16 : i32
    %add3A_2663 = vector.broadcast %add3A_2662 : i32 to vector<16xi32>
    %add3A_2664 = arith.addi %iota3A, %add3A_2663 : vector<16xi32>
    %lt3A_2665 = arith.cmpi slt, %add3A_2664, %gather3A_2648 : vector<16xi32>
    %add3A_2666 = arith.addi %gather3A_2649, %add3A_2664 : vector<16xi32>
    %jit3A_2667 = arith.constant 0 : i32
    %broadcast_in_dim3A_2668 = vector.broadcast %jit3A_2667 : i32 to vector<16xi32>
    %select_n3A_2669 = arith.select %lt3A_2665, %add3A_2666, %broadcast_in_dim3A_2668 : vector<16xi1>, vector<16xi32>
    %gather3A_2670 = tpu.vector_load_idx %arg10[%select_n3A_2669] : memref<4096xf32, #tpu.memory_space<vmem>>[vector<16xi32>], vector<16xf32>,
    %jit3A_2671 = arith.constant 0.000000e+00 : f32
    %broadcast_in_dim3A_2672 = vector.broadcast %jit3A_2671 : f32 to vector<16xf32>
    %select_n3A_2673 = arith.select %lt3A_2665, %gather3A_2670, %broadcast_in_dim3A_2672 : vector<16xi1>, vector<16xf32>
    %add3A_2674 = arith.constant 32 : i32
    %add3A_2675 = vector.broadcast %add3A_2674 : i32 to vector<16xi32>
    %add3A_2676 = arith.addi %iota3A, %add3A_2675 : vector<16xi32>
    %lt3A_2677 = arith.cmpi slt, %add3A_2676, %gather3A_2648 : vector<16xi32>
    %add3A_2678 = arith.addi %gather3A_2649, %add3A_2676 : vector<16xi32>
    %jit3A_2679 = arith.constant 0 : i32
    %broadcast_in_dim3A_2680 = vector.broadcast %jit3A_2679 : i32 to vector<16xi32>
    %select_n3A_2681 = arith.select %lt3A_2677, %add3A_2678, %broadcast_in_dim3A_2680 : vector<16xi1>, vector<16xi32>
    %gather3A_2682 = tpu.vector_load_idx %arg10[%select_n3A_2681] : memref<4096xf32, #tpu.memory_space<vmem>>[vector<16xi32>], vector<16xf32>,
    %jit3A_2683 = arith.constant 0.000000e+00 : f32
    %broadcast_in_dim3A_2684 = vector.broadcast %jit3A_2683 : f32 to vector<16xf32>
    %select_n3A_2685 = arith.select %lt3A_2677, %gather3A_2682, %broadcast_in_dim3A_2684 : vector<16xi1>, vector<16xf32>
    %add3A_2686 = arith.constant 48 : i32
    %add3A_2687 = vector.broadcast %add3A_2686 : i32 to vector<16xi32>
    %add3A_2688 = arith.addi %iota3A, %add3A_2687 : vector<16xi32>
    %lt3A_2689 = arith.cmpi slt, %add3A_2688, %gather3A_2648 : vector<16xi32>
    %add3A_2690 = arith.addi %gather3A_2649, %add3A_2688 : vector<16xi32>
    %jit3A_2691 = arith.constant 0 : i32
    %broadcast_in_dim3A_2692 = vector.broadcast %jit3A_2691 : i32 to vector<16xi32>
    %select_n3A_2693 = arith.select %lt3A_2689, %add3A_2690, %broadcast_in_dim3A_2692 : vector<16xi1>, vector<16xi32>
    %gather3A_2694 = tpu.vector_load_idx %arg10[%select_n3A_2693] : memref<4096xf32, #tpu.memory_space<vmem>>[vector<16xi32>], vector<16xf32>,
    %jit3A_2695 = arith.constant 0.000000e+00 : f32
    %broadcast_in_dim3A_2696 = vector.broadcast %jit3A_2695 : f32 to vector<16xf32>
    %select_n3A_2697 = arith.select %lt3A_2689, %gather3A_2694, %broadcast_in_dim3A_2696 : vector<16xi1>, vector<16xf32>
    %swap3A_2698 = arith.constant 1408 : index
    %swap3A_2699 = tpu.vector_load %arg14[%swap3A_2698] {strides = array<i32>} : memref<2048xf32, #tpu.memory_space<vmem>>, vector<16xf32>,
    tpu.vector_store %arg14[%swap3A_2698], %select_n3A_2661 {strides = array<i32>} : memref<2048xf32, #tpu.memory_space<vmem>>, vector<16xf32>,
    %swap3A_2700 = arith.constant 1424 : index
    %swap3A_2701 = tpu.vector_load %arg14[%swap3A_2700] {strides = array<i32>} : memref<2048xf32, #tpu.memory_space<vmem>>, vector<16xf32>,
    tpu.vector_store %arg14[%swap3A_2700], %select_n3A_2673 {strides = array<i32>} : memref<2048xf32, #tpu.memory_space<vmem>>, vector<16xf32>,
    %swap3A_2702 = arith.constant 1440 : index
    %swap3A_2703 = tpu.vector_load %arg14[%swap3A_2702] {strides = array<i32>} : memref<2048xf32, #tpu.memory_space<vmem>>, vector<16xf32>,
    tpu.vector_store %arg14[%swap3A_2702], %select_n3A_2685 {strides = array<i32>} : memref<2048xf32, #tpu.memory_space<vmem>>, vector<16xf32>,
    %swap3A_2704 = arith.constant 1456 : index
    %swap3A_2705 = tpu.vector_load %arg14[%swap3A_2704] {strides = array<i32>} : memref<2048xf32, #tpu.memory_space<vmem>>, vector<16xf32>,
    tpu.vector_store %arg14[%swap3A_2704], %select_n3A_2697 {strides = array<i32>} : memref<2048xf32, #tpu.memory_space<vmem>>, vector<16xf32>,
    %add3A_2706 = arith.constant 12 : i32
    %add3A_2707 = arith.addi %mul3A_32, %add3A_2706 : i32
    %broadcast_in_dim3A_2708 = vector.broadcast %add3A_2707 : i32 to vector<16xi32>
    %gather3A_2709 = tpu.vector_load_idx %arg11[%broadcast_in_dim3A_2708] : memref<64xi32, #tpu.memory_space<vmem>>[vector<16xi32>], vector<16xi32>,
    %gather3A_2710 = tpu.vector_load_idx %arg12[%broadcast_in_dim3A_2708] : memref<64xi32, #tpu.memory_space<vmem>>[vector<16xi32>], vector<16xi32>,
    %add3A_2711 = arith.constant 0 : i32
    %add3A_2712 = vector.broadcast %add3A_2711 : i32 to vector<16xi32>
    %add3A_2713 = arith.addi %iota3A, %add3A_2712 : vector<16xi32>
    %lt3A_2714 = arith.cmpi slt, %add3A_2713, %gather3A_2709 : vector<16xi32>
    %add3A_2715 = arith.addi %gather3A_2710, %add3A_2713 : vector<16xi32>
    %jit3A_2716 = arith.constant 0 : i32
    %broadcast_in_dim3A_2717 = vector.broadcast %jit3A_2716 : i32 to vector<16xi32>
    %select_n3A_2718 = arith.select %lt3A_2714, %add3A_2715, %broadcast_in_dim3A_2717 : vector<16xi1>, vector<16xi32>
    %gather3A_2719 = tpu.vector_load_idx %arg10[%select_n3A_2718] : memref<4096xf32, #tpu.memory_space<vmem>>[vector<16xi32>], vector<16xf32>,
    %jit3A_2720 = arith.constant 0.000000e+00 : f32
    %broadcast_in_dim3A_2721 = vector.broadcast %jit3A_2720 : f32 to vector<16xf32>
    %select_n3A_2722 = arith.select %lt3A_2714, %gather3A_2719, %broadcast_in_dim3A_2721 : vector<16xi1>, vector<16xf32>
    %add3A_2723 = arith.constant 16 : i32
    %add3A_2724 = vector.broadcast %add3A_2723 : i32 to vector<16xi32>
    %add3A_2725 = arith.addi %iota3A, %add3A_2724 : vector<16xi32>
    %lt3A_2726 = arith.cmpi slt, %add3A_2725, %gather3A_2709 : vector<16xi32>
    %add3A_2727 = arith.addi %gather3A_2710, %add3A_2725 : vector<16xi32>
    %jit3A_2728 = arith.constant 0 : i32
    %broadcast_in_dim3A_2729 = vector.broadcast %jit3A_2728 : i32 to vector<16xi32>
    %select_n3A_2730 = arith.select %lt3A_2726, %add3A_2727, %broadcast_in_dim3A_2729 : vector<16xi1>, vector<16xi32>
    %gather3A_2731 = tpu.vector_load_idx %arg10[%select_n3A_2730] : memref<4096xf32, #tpu.memory_space<vmem>>[vector<16xi32>], vector<16xf32>,
    %jit3A_2732 = arith.constant 0.000000e+00 : f32
    %broadcast_in_dim3A_2733 = vector.broadcast %jit3A_2732 : f32 to vector<16xf32>
    %select_n3A_2734 = arith.select %lt3A_2726, %gather3A_2731, %broadcast_in_dim3A_2733 : vector<16xi1>, vector<16xf32>
    %add3A_2735 = arith.constant 32 : i32
    %add3A_2736 = vector.broadcast %add3A_2735 : i32 to vector<16xi32>
    %add3A_2737 = arith.addi %iota3A, %add3A_2736 : vector<16xi32>
    %lt3A_2738 = arith.cmpi slt, %add3A_2737, %gather3A_2709 : vector<16xi32>
    %add3A_2739 = arith.addi %gather3A_2710, %add3A_2737 : vector<16xi32>
    %jit3A_2740 = arith.constant 0 : i32
    %broadcast_in_dim3A_2741 = vector.broadcast %jit3A_2740 : i32 to vector<16xi32>
    %select_n3A_2742 = arith.select %lt3A_2738, %add3A_2739, %broadcast_in_dim3A_2741 : vector<16xi1>, vector<16xi32>
    %gather3A_2743 = tpu.vector_load_idx %arg10[%select_n3A_2742] : memref<4096xf32, #tpu.memory_space<vmem>>[vector<16xi32>], vector<16xf32>,
    %jit3A_2744 = arith.constant 0.000000e+00 : f32
    %broadcast_in_dim3A_2745 = vector.broadcast %jit3A_2744 : f32 to vector<16xf32>
    %select_n3A_2746 = arith.select %lt3A_2738, %gather3A_2743, %broadcast_in_dim3A_2745 : vector<16xi1>, vector<16xf32>
    %add3A_2747 = arith.constant 48 : i32
    %add3A_2748 = vector.broadcast %add3A_2747 : i32 to vector<16xi32>
    %add3A_2749 = arith.addi %iota3A, %add3A_2748 : vector<16xi32>
    %lt3A_2750 = arith.cmpi slt, %add3A_2749, %gather3A_2709 : vector<16xi32>
    %add3A_2751 = arith.addi %gather3A_2710, %add3A_2749 : vector<16xi32>
    %jit3A_2752 = arith.constant 0 : i32
    %broadcast_in_dim3A_2753 = vector.broadcast %jit3A_2752 : i32 to vector<16xi32>
    %select_n3A_2754 = arith.select %lt3A_2750, %add3A_2751, %broadcast_in_dim3A_2753 : vector<16xi1>, vector<16xi32>
    %gather3A_2755 = tpu.vector_load_idx %arg10[%select_n3A_2754] : memref<4096xf32, #tpu.memory_space<vmem>>[vector<16xi32>], vector<16xf32>,
    %jit3A_2756 = arith.constant 0.000000e+00 : f32
    %broadcast_in_dim3A_2757 = vector.broadcast %jit3A_2756 : f32 to vector<16xf32>
    %select_n3A_2758 = arith.select %lt3A_2750, %gather3A_2755, %broadcast_in_dim3A_2757 : vector<16xi1>, vector<16xf32>
    %swap3A_2759 = arith.constant 1536 : index
    %swap3A_2760 = tpu.vector_load %arg14[%swap3A_2759] {strides = array<i32>} : memref<2048xf32, #tpu.memory_space<vmem>>, vector<16xf32>,
    tpu.vector_store %arg14[%swap3A_2759], %select_n3A_2722 {strides = array<i32>} : memref<2048xf32, #tpu.memory_space<vmem>>, vector<16xf32>,
    %swap3A_2761 = arith.constant 1552 : index
    %swap3A_2762 = tpu.vector_load %arg14[%swap3A_2761] {strides = array<i32>} : memref<2048xf32, #tpu.memory_space<vmem>>, vector<16xf32>,
    tpu.vector_store %arg14[%swap3A_2761], %select_n3A_2734 {strides = array<i32>} : memref<2048xf32, #tpu.memory_space<vmem>>, vector<16xf32>,
    %swap3A_2763 = arith.constant 1568 : index
    %swap3A_2764 = tpu.vector_load %arg14[%swap3A_2763] {strides = array<i32>} : memref<2048xf32, #tpu.memory_space<vmem>>, vector<16xf32>,
    tpu.vector_store %arg14[%swap3A_2763], %select_n3A_2746 {strides = array<i32>} : memref<2048xf32, #tpu.memory_space<vmem>>, vector<16xf32>,
    %swap3A_2765 = arith.constant 1584 : index
    %swap3A_2766 = tpu.vector_load %arg14[%swap3A_2765] {strides = array<i32>} : memref<2048xf32, #tpu.memory_space<vmem>>, vector<16xf32>,
    tpu.vector_store %arg14[%swap3A_2765], %select_n3A_2758 {strides = array<i32>} : memref<2048xf32, #tpu.memory_space<vmem>>, vector<16xf32>,
    %add3A_2767 = arith.constant 13 : i32
    %add3A_2768 = arith.addi %mul3A_32, %add3A_2767 : i32
    %broadcast_in_dim3A_2769 = vector.broadcast %add3A_2768 : i32 to vector<16xi32>
    %gather3A_2770 = tpu.vector_load_idx %arg11[%broadcast_in_dim3A_2769] : memref<64xi32, #tpu.memory_space<vmem>>[vector<16xi32>], vector<16xi32>,
    %gather3A_2771 = tpu.vector_load_idx %arg12[%broadcast_in_dim3A_2769] : memref<64xi32, #tpu.memory_space<vmem>>[vector<16xi32>], vector<16xi32>,
    %add3A_2772 = arith.constant 0 : i32
    %add3A_2773 = vector.broadcast %add3A_2772 : i32 to vector<16xi32>
    %add3A_2774 = arith.addi %iota3A, %add3A_2773 : vector<16xi32>
    %lt3A_2775 = arith.cmpi slt, %add3A_2774, %gather3A_2770 : vector<16xi32>
    %add3A_2776 = arith.addi %gather3A_2771, %add3A_2774 : vector<16xi32>
    %jit3A_2777 = arith.constant 0 : i32
    %broadcast_in_dim3A_2778 = vector.broadcast %jit3A_2777 : i32 to vector<16xi32>
    %select_n3A_2779 = arith.select %lt3A_2775, %add3A_2776, %broadcast_in_dim3A_2778 : vector<16xi1>, vector<16xi32>
    %gather3A_2780 = tpu.vector_load_idx %arg10[%select_n3A_2779] : memref<4096xf32, #tpu.memory_space<vmem>>[vector<16xi32>], vector<16xf32>,
    %jit3A_2781 = arith.constant 0.000000e+00 : f32
    %broadcast_in_dim3A_2782 = vector.broadcast %jit3A_2781 : f32 to vector<16xf32>
    %select_n3A_2783 = arith.select %lt3A_2775, %gather3A_2780, %broadcast_in_dim3A_2782 : vector<16xi1>, vector<16xf32>
    %add3A_2784 = arith.constant 16 : i32
    %add3A_2785 = vector.broadcast %add3A_2784 : i32 to vector<16xi32>
    %add3A_2786 = arith.addi %iota3A, %add3A_2785 : vector<16xi32>
    %lt3A_2787 = arith.cmpi slt, %add3A_2786, %gather3A_2770 : vector<16xi32>
    %add3A_2788 = arith.addi %gather3A_2771, %add3A_2786 : vector<16xi32>
    %jit3A_2789 = arith.constant 0 : i32
    %broadcast_in_dim3A_2790 = vector.broadcast %jit3A_2789 : i32 to vector<16xi32>
    %select_n3A_2791 = arith.select %lt3A_2787, %add3A_2788, %broadcast_in_dim3A_2790 : vector<16xi1>, vector<16xi32>
    %gather3A_2792 = tpu.vector_load_idx %arg10[%select_n3A_2791] : memref<4096xf32, #tpu.memory_space<vmem>>[vector<16xi32>], vector<16xf32>,
    %jit3A_2793 = arith.constant 0.000000e+00 : f32
    %broadcast_in_dim3A_2794 = vector.broadcast %jit3A_2793 : f32 to vector<16xf32>
    %select_n3A_2795 = arith.select %lt3A_2787, %gather3A_2792, %broadcast_in_dim3A_2794 : vector<16xi1>, vector<16xf32>
    %add3A_2796 = arith.constant 32 : i32
    %add3A_2797 = vector.broadcast %add3A_2796 : i32 to vector<16xi32>
    %add3A_2798 = arith.addi %iota3A, %add3A_2797 : vector<16xi32>
    %lt3A_2799 = arith.cmpi slt, %add3A_2798, %gather3A_2770 : vector<16xi32>
    %add3A_2800 = arith.addi %gather3A_2771, %add3A_2798 : vector<16xi32>
    %jit3A_2801 = arith.constant 0 : i32
    %broadcast_in_dim3A_2802 = vector.broadcast %jit3A_2801 : i32 to vector<16xi32>
    %select_n3A_2803 = arith.select %lt3A_2799, %add3A_2800, %broadcast_in_dim3A_2802 : vector<16xi1>, vector<16xi32>
    %gather3A_2804 = tpu.vector_load_idx %arg10[%select_n3A_2803] : memref<4096xf32, #tpu.memory_space<vmem>>[vector<16xi32>], vector<16xf32>,
    %jit3A_2805 = arith.constant 0.000000e+00 : f32
    %broadcast_in_dim3A_2806 = vector.broadcast %jit3A_2805 : f32 to vector<16xf32>
    %select_n3A_2807 = arith.select %lt3A_2799, %gather3A_2804, %broadcast_in_dim3A_2806 : vector<16xi1>, vector<16xf32>
    %add3A_2808 = arith.constant 48 : i32
    %add3A_2809 = vector.broadcast %add3A_2808 : i32 to vector<16xi32>
    %add3A_2810 = arith.addi %iota3A, %add3A_2809 : vector<16xi32>
    %lt3A_2811 = arith.cmpi slt, %add3A_2810, %gather3A_2770 : vector<16xi32>
    %add3A_2812 = arith.addi %gather3A_2771, %add3A_2810 : vector<16xi32>
    %jit3A_2813 = arith.constant 0 : i32
    %broadcast_in_dim3A_2814 = vector.broadcast %jit3A_2813 : i32 to vector<16xi32>
    %select_n3A_2815 = arith.select %lt3A_2811, %add3A_2812, %broadcast_in_dim3A_2814 : vector<16xi1>, vector<16xi32>
    %gather3A_2816 = tpu.vector_load_idx %arg10[%select_n3A_2815] : memref<4096xf32, #tpu.memory_space<vmem>>[vector<16xi32>], vector<16xf32>,
    %jit3A_2817 = arith.constant 0.000000e+00 : f32
    %broadcast_in_dim3A_2818 = vector.broadcast %jit3A_2817 : f32 to vector<16xf32>
    %select_n3A_2819 = arith.select %lt3A_2811, %gather3A_2816, %broadcast_in_dim3A_2818 : vector<16xi1>, vector<16xf32>
    %swap3A_2820 = arith.constant 1664 : index
    %swap3A_2821 = tpu.vector_load %arg14[%swap3A_2820] {strides = array<i32>} : memref<2048xf32, #tpu.memory_space<vmem>>, vector<16xf32>,
    tpu.vector_store %arg14[%swap3A_2820], %select_n3A_2783 {strides = array<i32>} : memref<2048xf32, #tpu.memory_space<vmem>>, vector<16xf32>,
    %swap3A_2822 = arith.constant 1680 : index
    %swap3A_2823 = tpu.vector_load %arg14[%swap3A_2822] {strides = array<i32>} : memref<2048xf32, #tpu.memory_space<vmem>>, vector<16xf32>,
    tpu.vector_store %arg14[%swap3A_2822], %select_n3A_2795 {strides = array<i32>} : memref<2048xf32, #tpu.memory_space<vmem>>, vector<16xf32>,
    %swap3A_2824 = arith.constant 1696 : index
    %swap3A_2825 = tpu.vector_load %arg14[%swap3A_2824] {strides = array<i32>} : memref<2048xf32, #tpu.memory_space<vmem>>, vector<16xf32>,
    tpu.vector_store %arg14[%swap3A_2824], %select_n3A_2807 {strides = array<i32>} : memref<2048xf32, #tpu.memory_space<vmem>>, vector<16xf32>,
    %swap3A_2826 = arith.constant 1712 : index
    %swap3A_2827 = tpu.vector_load %arg14[%swap3A_2826] {strides = array<i32>} : memref<2048xf32, #tpu.memory_space<vmem>>, vector<16xf32>,
    tpu.vector_store %arg14[%swap3A_2826], %select_n3A_2819 {strides = array<i32>} : memref<2048xf32, #tpu.memory_space<vmem>>, vector<16xf32>,
    %add3A_2828 = arith.constant 14 : i32
    %add3A_2829 = arith.addi %mul3A_32, %add3A_2828 : i32
    %broadcast_in_dim3A_2830 = vector.broadcast %add3A_2829 : i32 to vector<16xi32>
    %gather3A_2831 = tpu.vector_load_idx %arg11[%broadcast_in_dim3A_2830] : memref<64xi32, #tpu.memory_space<vmem>>[vector<16xi32>], vector<16xi32>,
    %gather3A_2832 = tpu.vector_load_idx %arg12[%broadcast_in_dim3A_2830] : memref<64xi32, #tpu.memory_space<vmem>>[vector<16xi32>], vector<16xi32>,
    %add3A_2833 = arith.constant 0 : i32
    %add3A_2834 = vector.broadcast %add3A_2833 : i32 to vector<16xi32>
    %add3A_2835 = arith.addi %iota3A, %add3A_2834 : vector<16xi32>
    %lt3A_2836 = arith.cmpi slt, %add3A_2835, %gather3A_2831 : vector<16xi32>
    %add3A_2837 = arith.addi %gather3A_2832, %add3A_2835 : vector<16xi32>
    %jit3A_2838 = arith.constant 0 : i32
    %broadcast_in_dim3A_2839 = vector.broadcast %jit3A_2838 : i32 to vector<16xi32>
    %select_n3A_2840 = arith.select %lt3A_2836, %add3A_2837, %broadcast_in_dim3A_2839 : vector<16xi1>, vector<16xi32>
    %gather3A_2841 = tpu.vector_load_idx %arg10[%select_n3A_2840] : memref<4096xf32, #tpu.memory_space<vmem>>[vector<16xi32>], vector<16xf32>,
    %jit3A_2842 = arith.constant 0.000000e+00 : f32
    %broadcast_in_dim3A_2843 = vector.broadcast %jit3A_2842 : f32 to vector<16xf32>
    %select_n3A_2844 = arith.select %lt3A_2836, %gather3A_2841, %broadcast_in_dim3A_2843 : vector<16xi1>, vector<16xf32>
    %add3A_2845 = arith.constant 16 : i32
    %add3A_2846 = vector.broadcast %add3A_2845 : i32 to vector<16xi32>
    %add3A_2847 = arith.addi %iota3A, %add3A_2846 : vector<16xi32>
    %lt3A_2848 = arith.cmpi slt, %add3A_2847, %gather3A_2831 : vector<16xi32>
    %add3A_2849 = arith.addi %gather3A_2832, %add3A_2847 : vector<16xi32>
    %jit3A_2850 = arith.constant 0 : i32
    %broadcast_in_dim3A_2851 = vector.broadcast %jit3A_2850 : i32 to vector<16xi32>
    %select_n3A_2852 = arith.select %lt3A_2848, %add3A_2849, %broadcast_in_dim3A_2851 : vector<16xi1>, vector<16xi32>
    %gather3A_2853 = tpu.vector_load_idx %arg10[%select_n3A_2852] : memref<4096xf32, #tpu.memory_space<vmem>>[vector<16xi32>], vector<16xf32>,
    %jit3A_2854 = arith.constant 0.000000e+00 : f32
    %broadcast_in_dim3A_2855 = vector.broadcast %jit3A_2854 : f32 to vector<16xf32>
    %select_n3A_2856 = arith.select %lt3A_2848, %gather3A_2853, %broadcast_in_dim3A_2855 : vector<16xi1>, vector<16xf32>
    %add3A_2857 = arith.constant 32 : i32
    %add3A_2858 = vector.broadcast %add3A_2857 : i32 to vector<16xi32>
    %add3A_2859 = arith.addi %iota3A, %add3A_2858 : vector<16xi32>
    %lt3A_2860 = arith.cmpi slt, %add3A_2859, %gather3A_2831 : vector<16xi32>
    %add3A_2861 = arith.addi %gather3A_2832, %add3A_2859 : vector<16xi32>
    %jit3A_2862 = arith.constant 0 : i32
    %broadcast_in_dim3A_2863 = vector.broadcast %jit3A_2862 : i32 to vector<16xi32>
    %select_n3A_2864 = arith.select %lt3A_2860, %add3A_2861, %broadcast_in_dim3A_2863 : vector<16xi1>, vector<16xi32>
    %gather3A_2865 = tpu.vector_load_idx %arg10[%select_n3A_2864] : memref<4096xf32, #tpu.memory_space<vmem>>[vector<16xi32>], vector<16xf32>,
    %jit3A_2866 = arith.constant 0.000000e+00 : f32
    %broadcast_in_dim3A_2867 = vector.broadcast %jit3A_2866 : f32 to vector<16xf32>
    %select_n3A_2868 = arith.select %lt3A_2860, %gather3A_2865, %broadcast_in_dim3A_2867 : vector<16xi1>, vector<16xf32>
    %add3A_2869 = arith.constant 48 : i32
    %add3A_2870 = vector.broadcast %add3A_2869 : i32 to vector<16xi32>
    %add3A_2871 = arith.addi %iota3A, %add3A_2870 : vector<16xi32>
    %lt3A_2872 = arith.cmpi slt, %add3A_2871, %gather3A_2831 : vector<16xi32>
    %add3A_2873 = arith.addi %gather3A_2832, %add3A_2871 : vector<16xi32>
    %jit3A_2874 = arith.constant 0 : i32
    %broadcast_in_dim3A_2875 = vector.broadcast %jit3A_2874 : i32 to vector<16xi32>
    %select_n3A_2876 = arith.select %lt3A_2872, %add3A_2873, %broadcast_in_dim3A_2875 : vector<16xi1>, vector<16xi32>
    %gather3A_2877 = tpu.vector_load_idx %arg10[%select_n3A_2876] : memref<4096xf32, #tpu.memory_space<vmem>>[vector<16xi32>], vector<16xf32>,
    %jit3A_2878 = arith.constant 0.000000e+00 : f32
    %broadcast_in_dim3A_2879 = vector.broadcast %jit3A_2878 : f32 to vector<16xf32>
    %select_n3A_2880 = arith.select %lt3A_2872, %gather3A_2877, %broadcast_in_dim3A_2879 : vector<16xi1>, vector<16xf32>
    %swap3A_2881 = arith.constant 1792 : index
    %swap3A_2882 = tpu.vector_load %arg14[%swap3A_2881] {strides = array<i32>} : memref<2048xf32, #tpu.memory_space<vmem>>, vector<16xf32>,
    tpu.vector_store %arg14[%swap3A_2881], %select_n3A_2844 {strides = array<i32>} : memref<2048xf32, #tpu.memory_space<vmem>>, vector<16xf32>,
    %swap3A_2883 = arith.constant 1808 : index
    %swap3A_2884 = tpu.vector_load %arg14[%swap3A_2883] {strides = array<i32>} : memref<2048xf32, #tpu.memory_space<vmem>>, vector<16xf32>,
    tpu.vector_store %arg14[%swap3A_2883], %select_n3A_2856 {strides = array<i32>} : memref<2048xf32, #tpu.memory_space<vmem>>, vector<16xf32>,
    %swap3A_2885 = arith.constant 1824 : index
    %swap3A_2886 = tpu.vector_load %arg14[%swap3A_2885] {strides = array<i32>} : memref<2048xf32, #tpu.memory_space<vmem>>, vector<16xf32>,
    tpu.vector_store %arg14[%swap3A_2885], %select_n3A_2868 {strides = array<i32>} : memref<2048xf32, #tpu.memory_space<vmem>>, vector<16xf32>,
    %swap3A_2887 = arith.constant 1840 : index
    %swap3A_2888 = tpu.vector_load %arg14[%swap3A_2887] {strides = array<i32>} : memref<2048xf32, #tpu.memory_space<vmem>>, vector<16xf32>,
    tpu.vector_store %arg14[%swap3A_2887], %select_n3A_2880 {strides = array<i32>} : memref<2048xf32, #tpu.memory_space<vmem>>, vector<16xf32>,
    %add3A_2889 = arith.constant 15 : i32
    %add3A_2890 = arith.addi %mul3A_32, %add3A_2889 : i32
    %broadcast_in_dim3A_2891 = vector.broadcast %add3A_2890 : i32 to vector<16xi32>
    %gather3A_2892 = tpu.vector_load_idx %arg11[%broadcast_in_dim3A_2891] : memref<64xi32, #tpu.memory_space<vmem>>[vector<16xi32>], vector<16xi32>,
    %gather3A_2893 = tpu.vector_load_idx %arg12[%broadcast_in_dim3A_2891] : memref<64xi32, #tpu.memory_space<vmem>>[vector<16xi32>], vector<16xi32>,
    %add3A_2894 = arith.constant 0 : i32
    %add3A_2895 = vector.broadcast %add3A_2894 : i32 to vector<16xi32>
    %add3A_2896 = arith.addi %iota3A, %add3A_2895 : vector<16xi32>
    %lt3A_2897 = arith.cmpi slt, %add3A_2896, %gather3A_2892 : vector<16xi32>
    %add3A_2898 = arith.addi %gather3A_2893, %add3A_2896 : vector<16xi32>
    %jit3A_2899 = arith.constant 0 : i32
    %broadcast_in_dim3A_2900 = vector.broadcast %jit3A_2899 : i32 to vector<16xi32>
    %select_n3A_2901 = arith.select %lt3A_2897, %add3A_2898, %broadcast_in_dim3A_2900 : vector<16xi1>, vector<16xi32>
    %gather3A_2902 = tpu.vector_load_idx %arg10[%select_n3A_2901] : memref<4096xf32, #tpu.memory_space<vmem>>[vector<16xi32>], vector<16xf32>,
    %jit3A_2903 = arith.constant 0.000000e+00 : f32
    %broadcast_in_dim3A_2904 = vector.broadcast %jit3A_2903 : f32 to vector<16xf32>
    %select_n3A_2905 = arith.select %lt3A_2897, %gather3A_2902, %broadcast_in_dim3A_2904 : vector<16xi1>, vector<16xf32>
    %add3A_2906 = arith.constant 16 : i32
    %add3A_2907 = vector.broadcast %add3A_2906 : i32 to vector<16xi32>
    %add3A_2908 = arith.addi %iota3A, %add3A_2907 : vector<16xi32>
    %lt3A_2909 = arith.cmpi slt, %add3A_2908, %gather3A_2892 : vector<16xi32>
    %add3A_2910 = arith.addi %gather3A_2893, %add3A_2908 : vector<16xi32>
    %jit3A_2911 = arith.constant 0 : i32
    %broadcast_in_dim3A_2912 = vector.broadcast %jit3A_2911 : i32 to vector<16xi32>
    %select_n3A_2913 = arith.select %lt3A_2909, %add3A_2910, %broadcast_in_dim3A_2912 : vector<16xi1>, vector<16xi32>
    %gather3A_2914 = tpu.vector_load_idx %arg10[%select_n3A_2913] : memref<4096xf32, #tpu.memory_space<vmem>>[vector<16xi32>], vector<16xf32>,
    %jit3A_2915 = arith.constant 0.000000e+00 : f32
    %broadcast_in_dim3A_2916 = vector.broadcast %jit3A_2915 : f32 to vector<16xf32>
    %select_n3A_2917 = arith.select %lt3A_2909, %gather3A_2914, %broadcast_in_dim3A_2916 : vector<16xi1>, vector<16xf32>
    %add3A_2918 = arith.constant 32 : i32
    %add3A_2919 = vector.broadcast %add3A_2918 : i32 to vector<16xi32>
    %add3A_2920 = arith.addi %iota3A, %add3A_2919 : vector<16xi32>
    %lt3A_2921 = arith.cmpi slt, %add3A_2920, %gather3A_2892 : vector<16xi32>
    %add3A_2922 = arith.addi %gather3A_2893, %add3A_2920 : vector<16xi32>
    %jit3A_2923 = arith.constant 0 : i32
    %broadcast_in_dim3A_2924 = vector.broadcast %jit3A_2923 : i32 to vector<16xi32>
    %select_n3A_2925 = arith.select %lt3A_2921, %add3A_2922, %broadcast_in_dim3A_2924 : vector<16xi1>, vector<16xi32>
    %gather3A_2926 = tpu.vector_load_idx %arg10[%select_n3A_2925] : memref<4096xf32, #tpu.memory_space<vmem>>[vector<16xi32>], vector<16xf32>,
    %jit3A_2927 = arith.constant 0.000000e+00 : f32
    %broadcast_in_dim3A_2928 = vector.broadcast %jit3A_2927 : f32 to vector<16xf32>
    %select_n3A_2929 = arith.select %lt3A_2921, %gather3A_2926, %broadcast_in_dim3A_2928 : vector<16xi1>, vector<16xf32>
    %add3A_2930 = arith.constant 48 : i32
    %add3A_2931 = vector.broadcast %add3A_2930 : i32 to vector<16xi32>
    %add3A_2932 = arith.addi %iota3A, %add3A_2931 : vector<16xi32>
    %lt3A_2933 = arith.cmpi slt, %add3A_2932, %gather3A_2892 : vector<16xi32>
    %add3A_2934 = arith.addi %gather3A_2893, %add3A_2932 : vector<16xi32>
    %jit3A_2935 = arith.constant 0 : i32
    %broadcast_in_dim3A_2936 = vector.broadcast %jit3A_2935 : i32 to vector<16xi32>
    %select_n3A_2937 = arith.select %lt3A_2933, %add3A_2934, %broadcast_in_dim3A_2936 : vector<16xi1>, vector<16xi32>
    %gather3A_2938 = tpu.vector_load_idx %arg10[%select_n3A_2937] : memref<4096xf32, #tpu.memory_space<vmem>>[vector<16xi32>], vector<16xf32>,
    %jit3A_2939 = arith.constant 0.000000e+00 : f32
    %broadcast_in_dim3A_2940 = vector.broadcast %jit3A_2939 : f32 to vector<16xf32>
    %select_n3A_2941 = arith.select %lt3A_2933, %gather3A_2938, %broadcast_in_dim3A_2940 : vector<16xi1>, vector<16xf32>
    %swap3A_2942 = arith.constant 1920 : index
    %swap3A_2943 = tpu.vector_load %arg14[%swap3A_2942] {strides = array<i32>} : memref<2048xf32, #tpu.memory_space<vmem>>, vector<16xf32>,
    tpu.vector_store %arg14[%swap3A_2942], %select_n3A_2905 {strides = array<i32>} : memref<2048xf32, #tpu.memory_space<vmem>>, vector<16xf32>,
    %swap3A_2944 = arith.constant 1936 : index
    %swap3A_2945 = tpu.vector_load %arg14[%swap3A_2944] {strides = array<i32>} : memref<2048xf32, #tpu.memory_space<vmem>>, vector<16xf32>,
    tpu.vector_store %arg14[%swap3A_2944], %select_n3A_2917 {strides = array<i32>} : memref<2048xf32, #tpu.memory_space<vmem>>, vector<16xf32>,
    %swap3A_2946 = arith.constant 1952 : index
    %swap3A_2947 = tpu.vector_load %arg14[%swap3A_2946] {strides = array<i32>} : memref<2048xf32, #tpu.memory_space<vmem>>, vector<16xf32>,
    tpu.vector_store %arg14[%swap3A_2946], %select_n3A_2929 {strides = array<i32>} : memref<2048xf32, #tpu.memory_space<vmem>>, vector<16xf32>,
    %swap3A_2948 = arith.constant 1968 : index
    %swap3A_2949 = tpu.vector_load %arg14[%swap3A_2948] {strides = array<i32>} : memref<2048xf32, #tpu.memory_space<vmem>>, vector<16xf32>,
    tpu.vector_store %arg14[%swap3A_2948], %select_n3A_2941 {strides = array<i32>} : memref<2048xf32, #tpu.memory_space<vmem>>, vector<16xf32>,
    %mul3A_2950 = arith.constant 64 : i32
    %mul3A_2951 = arith.muli %select_n3A, %mul3A_2950 : i32
    %add3A_2952 = arith.addi %mul3A_2951, %mul3A_32 : i32
    %mul3A_2953 = arith.constant 128 : i32
    %mul3A_2954 = arith.muli %add3A_2952, %mul3A_2953 : i32
    "tpu.region"() ({
      %run_scoped3A = tpu.sem_alloc : memref<!tpu.dma_semaphore, #tpu.memory_space<semaphore_mem>>
      %dma_start3A_2990 = tpu.memref_slice %arg6[%mul3A_2954] : memref<65536xf32, #tpu.memory_space<hbm>> -> memref<2048xf32, #tpu.memory_space<hbm>>
      %dma_start3A_2991 = tpu.memref_slice %arg6[%mul3A_2954] : memref<65536xf32, #tpu.memory_space<hbm>> -> memref<2048xf32, #tpu.memory_space<hbm>>
      tpu.enqueue_dma source(%arg14 : memref<2048xf32, #tpu.memory_space<vmem>>) target(%dma_start3A_2991 : memref<2048xf32, #tpu.memory_space<hbm>>) target_semaphore(%run_scoped3A : memref<!tpu.dma_semaphore, #tpu.memory_space<semaphore_mem>>)
      %dma_wait3A_2992 = tpu.memref_slice %arg6[%mul3A_2954] : memref<65536xf32, #tpu.memory_space<hbm>> -> memref<2048xf32, #tpu.memory_space<hbm>>
      %dma_wait3A_2993 = tpu.memref_slice %arg6[%mul3A_2954] : memref<65536xf32, #tpu.memory_space<hbm>> -> memref<2048xf32, #tpu.memory_space<hbm>>
      tpu.wait_dma2 semaphore(%run_scoped3A : memref<!tpu.dma_semaphore, #tpu.memory_space<semaphore_mem>>) src(%arg14 : memref<2048xf32, #tpu.memory_space<vmem>>) dst(%dma_wait3A_2993 : memref<2048xf32, #tpu.memory_space<hbm>>)
      tpu.yield
    }) : () -> ()
    %dma_wait3A = arith.constant 0 : i32
    %dma_wait3A_2955 = arith.constant 0 : i32
    %dma_wait3A_2956 = arith.constant 0 : i32
    %dma_wait3A_2957 = tpu.memref_slice %arg13[%dma_wait3A, %dma_wait3A_2955, %dma_wait3A_2956] : memref<2x8x128xf32, #tpu.memory_space<vmem>> -> memref<1x8x128xf32, #tpu.memory_space<vmem>>
    %dma_wait3A_2958 = tpu.memref_squeeze %dma_wait3A_2957 : memref<1x8x128xf32, #tpu.memory_space<vmem>> -> memref<8x128xf32, #tpu.memory_space<vmem>>
    %dma_wait3A_2959 = arith.constant 0 : i32
    %dma_wait3A_2960 = tpu.memref_slice %arg5[%select_n3A, %add3A_1309, %dma_wait3A_2959] : memref<16x64x4096xf32, #tpu.memory_space<hbm>> -> memref<1x8x128xf32, #tpu.memory_space<hbm>>
    %dma_wait3A_2961 = tpu.memref_squeeze %dma_wait3A_2960 : memref<1x8x128xf32, #tpu.memory_space<hbm>> -> memref<8x128xf32, #tpu.memory_space<hbm>>
    %dma_wait3A_2962 = arith.constant 0 : i32
    %dma_wait3A_2963 = tpu.memref_slice %arg5[%select_n3A, %add3A_1309, %dma_wait3A_2962] : memref<16x64x4096xf32, #tpu.memory_space<hbm>> -> memref<1x8x128xf32, #tpu.memory_space<hbm>>
    %dma_wait3A_2964 = tpu.memref_squeeze %dma_wait3A_2963 : memref<1x8x128xf32, #tpu.memory_space<hbm>> -> memref<8x128xf32, #tpu.memory_space<hbm>>
    %dma_wait3A_2965 = arith.constant 0 : i32
    %dma_wait3A_2966 = arith.constant 0 : i32
    %dma_wait3A_2967 = tpu.memref_slice %arg13[%dma_wait3A, %dma_wait3A_2965, %dma_wait3A_2966] : memref<2x8x128xf32, #tpu.memory_space<vmem>> -> memref<1x8x128xf32, #tpu.memory_space<vmem>>
    %dma_wait3A_2968 = tpu.memref_squeeze %dma_wait3A_2967 : memref<1x8x128xf32, #tpu.memory_space<vmem>> -> memref<8x128xf32, #tpu.memory_space<vmem>>
    tpu.wait_dma2 semaphore(%arg16 : memref<!tpu.dma_semaphore, #tpu.memory_space<semaphore_mem>>) src(%dma_wait3A_2968 : memref<8x128xf32, #tpu.memory_space<vmem>>) dst(%dma_wait3A_2964 : memref<8x128xf32, #tpu.memory_space<hbm>>)
    %dma_wait3A_2969 = arith.constant 1 : i32
    %dma_wait3A_2970 = arith.constant 0 : i32
    %dma_wait3A_2971 = arith.constant 0 : i32
    %dma_wait3A_2972 = tpu.memref_slice %arg13[%dma_wait3A_2969, %dma_wait3A_2970, %dma_wait3A_2971] : memref<2x8x128xf32, #tpu.memory_space<vmem>> -> memref<1x8x128xf32, #tpu.memory_space<vmem>>
    %dma_wait3A_2973 = tpu.memref_squeeze %dma_wait3A_2972 : memref<1x8x128xf32, #tpu.memory_space<vmem>> -> memref<8x128xf32, #tpu.memory_space<vmem>>
    %dma_wait3A_2974 = arith.constant 0 : i32
    %dma_wait3A_2975 = tpu.memref_slice %arg5[%select_n3A, %add3A_1958, %dma_wait3A_2974] : memref<16x64x4096xf32, #tpu.memory_space<hbm>> -> memref<1x8x128xf32, #tpu.memory_space<hbm>>
    %dma_wait3A_2976 = tpu.memref_squeeze %dma_wait3A_2975 : memref<1x8x128xf32, #tpu.memory_space<hbm>> -> memref<8x128xf32, #tpu.memory_space<hbm>>
    %dma_wait3A_2977 = arith.constant 0 : i32
    %dma_wait3A_2978 = tpu.memref_slice %arg5[%select_n3A, %add3A_1958, %dma_wait3A_2977] : memref<16x64x4096xf32, #tpu.memory_space<hbm>> -> memref<1x8x128xf32, #tpu.memory_space<hbm>>
    %dma_wait3A_2979 = tpu.memref_squeeze %dma_wait3A_2978 : memref<1x8x128xf32, #tpu.memory_space<hbm>> -> memref<8x128xf32, #tpu.memory_space<hbm>>
    %dma_wait3A_2980 = arith.constant 0 : i32
    %dma_wait3A_2981 = arith.constant 0 : i32
    %dma_wait3A_2982 = tpu.memref_slice %arg13[%dma_wait3A_2969, %dma_wait3A_2980, %dma_wait3A_2981] : memref<2x8x128xf32, #tpu.memory_space<vmem>> -> memref<1x8x128xf32, #tpu.memory_space<vmem>>
    %dma_wait3A_2983 = tpu.memref_squeeze %dma_wait3A_2982 : memref<1x8x128xf32, #tpu.memory_space<vmem>> -> memref<8x128xf32, #tpu.memory_space<vmem>>
    tpu.wait_dma2 semaphore(%arg16 : memref<!tpu.dma_semaphore, #tpu.memory_space<semaphore_mem>>) src(%dma_wait3A_2983 : memref<8x128xf32, #tpu.memory_space<vmem>>) dst(%dma_wait3A_2979 : memref<8x128xf32, #tpu.memory_space<hbm>>)
    %dma_wait3A_2984 = arith.constant 128 : i32
    %dma_wait3A_2985 = tpu.memref_slice %arg5[%select_n3A, %add3A_36, %dma_wait3A_2984] : memref<16x64x4096xf32, #tpu.memory_space<hbm>> -> memref<1x8x3968xf32, #tpu.memory_space<hbm>>
    %dma_wait3A_2986 = tpu.memref_squeeze %dma_wait3A_2985 : memref<1x8x3968xf32, #tpu.memory_space<hbm>> -> memref<8x3968xf32, #tpu.memory_space<hbm>>
    tpu.wait_dma2 semaphore(%arg15 : memref<!tpu.dma_semaphore, #tpu.memory_space<semaphore_mem>>) src(%arg4 : memref<8x3968xf32, #tpu.memory_space<hbm>>) dst(%dma_wait3A_2986 : memref<8x3968xf32, #tpu.memory_space<hbm>>)
    %dma_wait3A_2987 = arith.constant 128 : i32
    %dma_wait3A_2988 = tpu.memref_slice %arg5[%select_n3A, %add3A_40, %dma_wait3A_2987] : memref<16x64x4096xf32, #tpu.memory_space<hbm>> -> memref<1x8x3968xf32, #tpu.memory_space<hbm>>
    %dma_wait3A_2989 = tpu.memref_squeeze %dma_wait3A_2988 : memref<1x8x3968xf32, #tpu.memory_space<hbm>> -> memref<8x3968xf32, #tpu.memory_space<hbm>>
    tpu.wait_dma2 semaphore(%arg15 : memref<!tpu.dma_semaphore, #tpu.memory_space<semaphore_mem>>) src(%arg4 : memref<8x3968xf32, #tpu.memory_space<hbm>>) dst(%dma_wait3A_2989 : memref<8x3968xf32, #tpu.memory_space<hbm>>)
    return
  }
}

module attributes {stable_mosaic.version = 14 : i64} {
  func.func @_tc_mask_body(%arg0: memref<16x64xi32, #tpu.memory_space<vmem>>, %arg1: memref<16x64x128xi8, #tpu.memory_space<vmem>>) attributes {dimension_semantics = [], scalar_prefetch = 0 : i64, scratch_operands = 0 : i64, tpu.core_type = #tpu.core_type<tc>} {
    %iota3A = tpu.iota {dimensions = array<i32: 2>} : vector<16x64x128xi32>
    %get3A = arith.constant 0 : index
    %get3A_0 = arith.constant 0 : index
    %get3A_1 = vector.load %arg0[%get3A, %get3A_0] : memref<16x64xi32, #tpu.memory_space<vmem>>, vector<16x64xi32>
    %broadcast_in_dim3A = vector.shape_cast %get3A_1 : vector<16x64xi32> to vector<16x64x1xi32>
    %lt3A = vector.broadcast %broadcast_in_dim3A : vector<16x64x1xi32> to vector<16x64x128xi32>
    %lt3A_2 = arith.cmpi slt, %iota3A, %lt3A : vector<16x64x128xi32>
    %convert_element_type3A = arith.extui %lt3A_2 : vector<16x64x128xi1> to vector<16x64x128xi8>
    %swap3A = arith.constant 0 : index
    %swap3A_3 = arith.constant 0 : index
    %swap3A_4 = arith.constant 0 : index
    %swap3A_5 = vector.load %arg1[%swap3A, %swap3A_3, %swap3A_4] : memref<16x64x128xi8, #tpu.memory_space<vmem>>, vector<16x64x128xi8>
    tpu.vector_store %arg1[%swap3A, %swap3A_3, %swap3A_4], %convert_element_type3A {strides = array<i32>} : memref<16x64x128xi8, #tpu.memory_space<vmem>>, vector<16x64x128xi8>,
    return
  }
}

module attributes {stable_mosaic.version = 14 : i64} {
  func.func @_tc_assemble_body(%arg0: i32, %arg1: memref<1x64x128xf32, #tpu.memory_space<vmem>>, %arg2: memref<1x64x128xf32, #tpu.memory_space<vmem>>, %arg3: memref<1x64x4096xf32, #tpu.memory_space<vmem>>) attributes {dimension_semantics = [#tpu.dimension_semantics<arbitrary>], iteration_bounds = array<i64: 8>, scalar_prefetch = 0 : i64, scratch_operands = 0 : i64, tpu.core_type = #tpu.core_type<tc>, window_params = [{transform_indices = @transform_0, window_bounds = array<i64: 1, 64, 128>}, {transform_indices = @transform_1, window_bounds = array<i64: 1, 64, 128>}, {transform_indices = @transform_2, window_bounds = array<i64: 1, 64, 4096>}]} {
    %get3A = arith.constant 0 : index
    %get3A_0 = arith.constant 0 : index
    %get3A_1 = arith.constant 0 : index
    %get3A_2 = vector.load %arg2[%get3A, %get3A_0, %get3A_1] : memref<1x64x128xf32, #tpu.memory_space<vmem>>, vector<1x64x128xf32>
    %get3A_3 = vector.shape_cast %get3A_2 : vector<1x64x128xf32> to vector<64x128xf32>
    %swap3A = arith.constant 0 : index
    %swap3A_4 = arith.constant 0 : index
    %swap3A_5 = arith.constant 0 : index
    %swap3A_6 = vector.load %arg3[%swap3A, %swap3A_4, %swap3A_5] : memref<1x64x4096xf32, #tpu.memory_space<vmem>>, vector<1x64x128xf32>
    %swap3A_7 = vector.shape_cast %swap3A_6 : vector<1x64x128xf32> to vector<64x128xf32>
    %swap3A_8 = vector.shape_cast %get3A_3 : vector<64x128xf32> to vector<1x64x128xf32>
    tpu.vector_store %arg3[%swap3A, %swap3A_4, %swap3A_5], %swap3A_8 {strides = array<i32>} : memref<1x64x4096xf32, #tpu.memory_space<vmem>>, vector<1x64x128xf32>,
    %broadcast_in_dim3A = arith.constant 0.000000e+00 : f32
    %broadcast_in_dim3A_9 = vector.broadcast %broadcast_in_dim3A : f32 to vector<64x3968xf32>
    %swap3A_10 = arith.constant 0 : index
    %swap3A_11 = arith.constant 0 : index
    %swap3A_12 = arith.constant 128 : index
    %swap3A_13 = vector.load %arg3[%swap3A_10, %swap3A_11, %swap3A_12] : memref<1x64x4096xf32, #tpu.memory_space<vmem>>, vector<1x64x3968xf32>
    %swap3A_14 = vector.shape_cast %swap3A_13 : vector<1x64x3968xf32> to vector<64x3968xf32>
    %swap3A_15 = vector.shape_cast %broadcast_in_dim3A_9 : vector<64x3968xf32> to vector<1x64x3968xf32>
    tpu.vector_store %arg3[%swap3A_10, %swap3A_11, %swap3A_12], %swap3A_15 {strides = array<i32>} : memref<1x64x4096xf32, #tpu.memory_space<vmem>>, vector<1x64x3968xf32>,
    return
  }
  func.func @transform_0(%arg0: i32) -> (i32, i32, i32) {
    %add3A = arith.constant 8 : i32
    %add3A_0 = arith.addi %arg0, %add3A : i32
    %c0_i32 = arith.constant 0 : i32
    %c0_i32_1 = arith.constant 0 : i32
    %c0_i32_2 = arith.constant 0 : i32
    return %add3A_0, %c0_i32, %c0_i32_1 : i32, i32, i32
  }
  func.func @transform_1(%arg0: i32) -> (i32, i32, i32) {
    %c0_i32 = arith.constant 0 : i32
    %c0_i32_0 = arith.constant 0 : i32
    %c0_i32_1 = arith.constant 0 : i32
    return %arg0, %c0_i32, %c0_i32_0 : i32, i32, i32
  }
  func.func @transform_2(%arg0: i32) -> (i32, i32, i32) {
    %add3A = arith.constant 8 : i32
    %add3A_0 = arith.addi %arg0, %add3A : i32
    %c0_i32 = arith.constant 0 : i32
    %c0_i32_1 = arith.constant 0 : i32
    %c0_i32_2 = arith.constant 0 : i32
    return %add3A_0, %c0_i32, %c0_i32_1 : i32, i32, i32
  }
}

</mosaic_0001>

<sc_bundles>
// kernel: kernel.5.cloned.1.call-start
scs
__scs_entry_jumppad:
0x0: {  	(pc) =	sbr.rel $0x88, $3  }
0x1: {  	(tag) =	ssettag $0x0;
	lr =	simm.s32 $0x1  }
0x2: {  	[smem:$0x3F9F] =	sst lr;
	_ =	strace $0xD0000000  }
0x3: {  	_ = 	snop  }
0x4: {  	_ = 	snop  }
0x5: {  	_ = 	snop  }
0x6: {  	_ = 	snop  }
0x7: {  	_ = 	snop  }
__scs_overlays_trampoline_lowered:
0x8: {  	[smem:$0x3FAE] =	sst s0  }
0x9: {  	[smem:$0x3FAF] =	sst s1  }
0xa: {  	[smem:$0x3FB0] =	sst s2  }
0xb: {  	[smem:$0x3FB1] =	sst s3  }
0xc: {  	[smem:$0x3FB2] =	sst s4  }
0xd: {  	[smem:$0x3FB3] =	sst s5  }
0xe: {  	[smem:$0x3FB4] =	sst s6  }
0xf: {  	[smem:$0x3FB5] =	sst s7  }
0x10: {  	[smem:$0x3FB6] =	sst s8  }
0x11: {  	[smem:$0x3FB7] =	sst s9;
	s0 =	simm.s32 @!p0 $0x0  }
0x12: {  	s1 =	sld [smem:$0x3F9D];
	s0 =	simm.s32 @p0 $0x1  }
0x13: {  	[smem:$0x3FB8] =	sst s0;
	s0 =	simm.s32 @!p1 $0x0  }
0x14: {  	s2 =	sld [smem:$0x3F9C];
	s0 =	simm.s32 @p1 $0x1  }
0x15: {  	[smem:$0x3FB9] =	sst s0;
	s0 =	simm.s32 @!p2 $0x0  }
0x16: {  	s3 =	sld [smem:$0x3FDB];
	s0 =	simm.s32 @p2 $0x1  }
0x17: {  	s4 =	simm.s32 $0x1BF5;
	[smem:$0x3FBB] =	sst s0  }
0x18: {  	s0 =	sld [smem:$0x3F9E];
	_ =	swait.ge [sflag:s4], $0x0  }
0x19: {  	s7 =	sld [smem:$0x3F9F]  }
0x1a: {  	s8 =	sadd.s32 $0xFFFFE003, lr  }
0x1b: {  	s9 =	sadd.s32 $0xFFFFFEF7, lr;
	s5 =	simm.s32 $0xFFFFFFFF;
	p2 =	slt.u32 s8, $0xFFFFF086  }
0x1c: {  	p1 =	slt.u32 s9, $0xF7A;
	s5 =	simm.s32 @!p2 $0x0  }
0x1d: {  	s5 =	simm.s32 @p1 $0x1;
	p0 =	seq.s32 s7, s2  }
0x1e: {  	s7 =	smul.u32 @!p0 $0xF7A, s2;
	p2 =	seq.s32 @!p0 s5, $0x0  }
0x1f: {  	s9 =	smul.u32 $0xF7A, s1;
	s8 =	simm.s32 @!p0 $0x1BF5;
	p2 =	por !p2, p0  }
0x20: {  	[sflag:s8] =	ssyncset.s32 @!p0 $0xFFFFF086;
	s6 =	sadd.s32 @!p0 s3, s7;
	s7 =	simm.s32 @!p0 $0x108  }
0x21: {  	s3 =	sadd.s32 s3, s9;
	s6 =	sadd.s32 @!p0 $0x88, s6;
	s7 =	simm.s32 @p2 $0x1082  }
0x22: {  	[simem:s7], [sflag:s8] =	dma.local @!p0 [hbm:s6], $0xF7A  }
0x23: {  	s9 =	sor.u32 $0xD0000000, s2;
	s6 =	simm.s32 $0x108;
	_ =	swait.ge @!p0 [sflag:s8], $0x0  }
0x24: {  	s3 =	sadd.s32 $0x88, s3;
	s6 =	simm.s32 @!p1 $0x1082;
	[sflag:s4] =	ssyncset.s32 $0xFFFFF086  }
0x25: {  	[simem:s6], [sflag:s4] =	dma.local [hbm:s3], $0xF7A  }
0x26: {  	[smem:$0x3F9F] =	sst s1;
	(tag) =	ssettag s2;
	_ =	strace s9  }
0x27: {  	s1 =	sld [smem:$0x3FAF]  }
0x28: {  	s2 =	sld [smem:$0x3FB0]  }
0x29: {  	s4 =	sld [smem:$0x3FB2]  }
0x2a: {  	p0 =	seq.s32 s5, $0x0;
	s5 =	sld [smem:$0x3FB3]  }
0x2b: {  	s6 =	sld [smem:$0x3FB4]  }
0x2c: {  	s7 =	sld [smem:$0x3FB5]  }
0x2d: {  	s3 =	simm.s32 $0x108;
	s8 =	sld [smem:$0x3FB6]  }
0x2e: {  	s3 =	simm.s32 @!p0 $0x1082;
	s9 =	sld [smem:$0x3FB7]  }
0x2f: {  	lr =	sadd.s32 s0, s3;
	s0 =	sld [smem:$0x3FAE]  }
0x30: {  	s3 =	sld [smem:$0x3FB1]  }
0x31: {  	[smem:$0x3FBA] =	sst s10  }
0x32: {  	s10 =	sld [smem:$0x3FB8];
	_ =	sdelay $0x3  }
0x33: {  	p0 =	seq.s32 s10, $0x1;
	s10 =	sld [smem:$0x3FBA];
	_ =	sdelay $0x3  }
0x34: {  	[smem:$0x3FBA] =	sst s10  }
0x35: {  	s10 =	sld [smem:$0x3FB9];
	_ =	sdelay $0x3  }
0x36: {  	p1 =	seq.s32 s10, $0x1;
	s10 =	sld [smem:$0x3FBA];
	_ =	sdelay $0x3  }
0x37: {  	[smem:$0x3FBA] =	sst s10  }
0x38: {  	s10 =	sld [smem:$0x3FBB]  }
0x39: {  	_ = 	snop;
	(pc) =	sbr.ind lr, $3  }
0x3a: {  	_ = 	snop  }
0x3b: {  	_ = 	snop  }
0x3c: {  	p2 =	seq.s32 s10, $0x1;
	s10 =	sld [smem:$0x3FBA]  }
0x3d: {  	_ =	shalt  }
0x3e: {  	_ =	shalt  }
0x3f: {  	_ =	shalt  }
0x40: {  	_ =	shalt  }
0x41: {  	_ =	shalt  }
0x42: {  	_ =	shalt  }
0x43: {  	_ =	shalt  }
0x44: {  	_ =	shalt  }
0x45: {  	_ =	shalt  }
0x46: {  	_ =	shalt  }
0x47: {  	_ =	shalt  }
0x48: {  	_ =	shalt  }
0x49: {  	_ =	shalt  }
0x4a: {  	_ =	shalt  }
0x4b: {  	_ =	shalt  }
0x4c: {  	_ =	shalt  }
0x4d: {  	_ =	shalt  }
0x4e: {  	_ =	shalt  }
0x4f: {  	_ =	shalt  }
0x50: {  	_ =	shalt  }
0x51: {  	_ =	shalt  }
0x52: {  	_ =	shalt  }
0x53: {  	_ =	shalt  }
0x54: {  	_ =	shalt  }
0x55: {  	_ =	shalt  }
0x56: {  	_ =	shalt  }
0x57: {  	_ =	shalt  }
0x58: {  	_ =	shalt  }
0x59: {  	_ =	shalt  }
0x5a: {  	_ =	shalt  }
0x5b: {  	_ =	shalt  }
0x5c: {  	_ =	shalt  }
0x5d: {  	_ =	shalt  }
0x5e: {  	_ =	shalt  }
0x5f: {  	_ =	shalt  }
0x60: {  	_ =	shalt  }
0x61: {  	_ =	shalt  }
0x62: {  	_ =	shalt  }
0x63: {  	_ =	shalt  }
0x64: {  	_ =	shalt  }
0x65: {  	_ =	shalt  }
0x66: {  	_ =	shalt  }
0x67: {  	_ =	shalt  }
0x68: {  	_ =	shalt  }
0x69: {  	_ =	shalt  }
0x6a: {  	_ =	shalt  }
0x6b: {  	_ =	shalt  }
0x6c: {  	_ =	shalt  }
0x6d: {  	_ =	shalt  }
0x6e: {  	_ =	shalt  }
0x6f: {  	_ =	shalt  }
0x70: {  	_ =	shalt  }
0x71: {  	_ =	shalt  }
0x72: {  	_ =	shalt  }
0x73: {  	_ =	shalt  }
0x74: {  	_ =	shalt  }
0x75: {  	_ =	shalt  }
0x76: {  	_ =	shalt  }
0x77: {  	_ =	shalt  }
0x78: {  	_ =	shalt  }
0x79: {  	_ =	shalt  }
0x7a: {  	_ =	shalt  }
0x7b: {  	_ =	shalt  }
0x7c: {  	_ =	shalt  }
0x7d: {  	_ =	shalt  }
0x7e: {  	_ =	shalt  }
0x7f: {  	_ =	shalt  }
0x80: {  	_ =	shalt  }
0x81: {  	_ =	shalt  }
0x82: {  	_ =	shalt  }
0x83: {  	_ =	shalt  }
0x84: {  	_ =	shalt  }
0x85: {  	_ =	shalt  }
0x86: {  	_ =	shalt  }
0x87: {  	_ =	shalt  }
.Lfunc_end0:
.L_simem_size_0:
called_computation_lowered:
.L_overlay_start_0:
0x88: {  	s2 =	sld [smem:$0x3FD9]  }
0x89: {  	s3 =	sld [smem:$0x3FFE];
	_ =	sdelay $0x1  }
0x8a: {  	s1 =	srdreg.scid  }
0x8b: {  	s0 =	sand.u32 $0x1, s1  }
0x8c: {  	s14 =	sshll.u32 s0, $0xA;
	s2 =	sadd.s32 s3, s2  }
0x8d: {  	s2 =	sadd.s32 s2, s14  }
0x8e: {  	[smem:$0x3FC6] =	sst s2  }
0x8f: {  	_ = 	snop  }
0x90: {  	s2 =	sld [smem:$0x3FD0];
	_ =	sdelay $0x1  }
0x91: {  	s15 =	sld [smem:$0x3FC9]  }
0x92: {  	s5 =	simm.s32 $0xA;
	s6 =	simm.s32 $0x10;
	s4 =	sld [smem:$0x3FC8]  }
0x93: {  	[smem:s6], [sflag:s5] =	dma.local [hbm:s2], $0x1  }
0x94: {  	_ =	swait.eq [sflag:s5], $0x1  }
0x95: {  	[sflag:s5] =	ssyncset.done $0x0  }
0x96: {  	[sflag:s5] =	ssyncadd.s32 $0xFFFFFFFF  }
0x97: {  	s16 =	sld [smem:$0x10];
	(tm) =	ssettm $0x1  }
0x98: {  	s17 =	sld [smem:$0x3FFB];
	_ =	sdelay $0x3  }
0x99: {  	_ =	strace s17  }
0x9a: {  	s5 =	sld [smem:$0x3FFC];
	_ =	sdelay $0x3  }
0x9b: {  	_ =	strace s5  }
0x9c: {  	s5 =	sld [smem:$0x3FFD];
	_ =	sdelay $0x3  }
0x9d: {  	_ =	strace s5  }
0x9e: {  	_ =	strace $0x8FFFFFFF  }
0x9f: {  	s18 =	sld [smem:$0x3FDB];
	_ =	sdelay $0x1  }
0xa0: {  	s19 =	simm.s32 $_scs_section_size  }
0xa1: {  	s7 =	simm.s32 $_size__tile_overlayer_lowered;
	s8 =	simm.s32 $_tile_overlayer_lowered  }
0xa2: {  	s22 =	simm.s32 $0x1BFF;
	s21 =	sshll.u32 s8, $0x1;
	s5 =	sadd.s32 s19, s18  }
0xa3: {  	s9 =	simm.s32 $0x0;
	s20 =	sshll.u32 s7, $0x1;
	s7 =	sadd.s32 s21, s5  }
0xa4: {  	[timem:s9], [sflag:s22] =	dma.local [hbm:s7], s20  }
0xa5: {  	_ =	swait.ge [sflag:s22], s20  }
0xa6: {  	s6 =	ssub.s32 $0x0, s20;
	[sflag:s22] =	ssyncset.done $0x0  }
0xa7: {  	[sflag:s22] =	ssyncadd.s32 s6;
	_ =	sdelay $0x1  }
0xa8: {  	s23 =	simm.s32 $0x1B8B  }
0xa9: {  	_ =	swait.ge [sflag:s23], $0x1  }
0xaa: {  	[sflag:s23] =	ssyncset.done $0x0  }
0xab: {  	s25 =	simm.s32 $0x1B8E;
	s24 =	sld [smem:$0x3FFE];
	[sflag:s23] =	ssyncadd.s32 $0xFFFFFFFF  }
0xac: {  	s26 =	simm.s32 $execute0_lowered;
	[smem:$0x3FD2] =	sst s25  }
0xad: {  	s7 =	sshll.u32 s26, $0x1;
	_ =	strace $0x80000046;
	[dreg:$0x1] =	wrdreg $0xFFFFFFFF  }
0xae: {  	s28 =	simm.s32 $_size_execute0_lowered;
	s5 =	sadd.s32 s5, s7;
	[dreg:$0x0] =	wrdreg $0x0  }
0xaf: {  	s7 =	sshll.u32 s28, $0x1;
	[dreg:$0x2] =	wrdreg s5  }
0xb0: {  	[dreg:$0x3] =	wrdreg s7  }
0xb1: {  	[dreg:$0x4] =	wrdreg $0xC0  }
0xb2: {  	_ =	task [dreg:s9], $0x5FFFF  }
0xb3: {  	[dreg:$0x1] =	wrdreg $0xFFFFFFFF  }
0xb4: {  	[dreg:$0x0] =	wrdreg $0x60  }
0xb5: {  	[dreg:$0x2] =	wrdreg s15  }
0xb6: {  	[dreg:$0x3] =	wrdreg s4  }
0xb7: {  	[dreg:$0x4] =	wrdreg s24  }
0xb8: {  	[dreg:$0x5] =	wrdreg s16  }
0xb9: {  	[dreg:$0x6] =	wrdreg $0x9  }
0xba: {  	_ =	task.clear_ibuf [dreg:s9], $0x7FFFF;
	_ =	strace $0x90000046  }
0xbb: {  	s29 =	simm.s32 $0x9;
	_ =	strace $0x80000048  }
0xbc: {  	_ =	swait.ge [sflag:s29], $0x1  }
0xbd: {  	[sflag:s29] =	ssyncadd.s32 $0xFFFFFFFF  }
0xbe: {  	_ =	strace $0x90000048  }
0xbf: {  	_ =	sfence  }
0xc0: {  	s30 =	sld [smem:$0x0];
	_ =	sdelay $0x2  }
0xc1: {  	s31 =	sshll.u32 s1, $0xD;
	s1 =	sshrl.u32 s1, $0x2  }
0xc2: {  	s3 =	sand.u32 $0x4000, s31;
	s1 =	sadd.s32 s1, s30  }
0xc3: {  	s0 =	sor.u32 s3, s0;
	s1 =	sshll.u32 s1, $0x11  }
0xc4: {  	s0 =	sor.u32 s1, s0  }
0xc5: {  	s0 =	sadd.s32 $0x8F2B, s0  }
0xc6: {  	[sflag:s0] =	ssyncadd.remote.s32 $0x1  }
0xc7: {  	_ =	sfence.sel $0xFFFF  }
0xc8: {  	[dreg:$0x0] =	wrdreg $0xFFFFFFFF;
	(pc) =	sbr.abs _section_cstart, $3  }
0xc9: {  	[dreg:$0x1] =	wrdreg $0xFFFFFFFF  }
0xca: {  	_ =	task.clear_ibuf [dreg:s9], $0x2FFFF;
	_ =	strace $0x9FFFFFFF  }
0xcb: {  	(tm) =	ssettm $0x7FFFFFFF  }
tec
execute0_lowered:
.L_overlay_start_1:
0x0: {  	(tag) =	ssettag $0x1  }
0x1: {  	s4 =	rddreg [dreg:$0x0]  }
0x2: {  	s5 =	rddreg [dreg:$0x1]  }
0x3: {  	s6 =	rddreg [dreg:$0x2]  }
0x4: {  	s7 =	rddreg [dreg:$0x3]  }
0x5: {  	s0 =	rddreg [dreg:$0x4]  }
0x6: {  	s2 =	simm.s32 $0x0;
	s1 =	stileid.u32;
	s3 =	srdreg.scid  }
0x7: {  	[smem:$0x7FF] =	sst s2;
	s8 =	sshll.u32 s1, $0x1;
	s9 =	sshrl.u32 s1, $0x1  }
0x8: {  	s10 =	sand.u32 $0x1, s3;
	s3 =	sadd.s32 $0xC00, s6;
	s17 =	sadd.s32 $0x80, s7  }
0x9: {  	_ =	strace $0x80000047;
	s8 =	sand.u32 $0x2, s8;
	s11 =	sshll.u32 s9, $0xA  }
0xa: {  	s21 =	ssub.s32 $0x2, s10;
	s12 =	sshll.u32 s9, $0x12;
	s9 =	sshll.u32 s9, $0x4  }
0xb: {  	s8 =	sor.u32 s10, s8;
	s11 =	sadd.s32 s11, s6;
	s15 =	sshrl.u32 s21, $0x1  }
0xc: {  	s4 =	sadd.s32 s4, s9;
	s5 =	sadd.s32 s5, s9;
	s10 =	sshll.u32 s8, $0x4  }
0xd: {  	s13 =	sshll.u32 s8, $0x10;
	s24 =	sadd.s32 $0x80, s4;
	s15 =	ssub.s32 s21, s15  }
0xe: {  	s25 =	sadd.s32 $0x1000, s5;
	s14 =	sor.u32 $0x8, s10;
	[dreg:$0x7] =	wrdreg s24  }
0xf: {  	s13 =	sor.u32 s12, s13;
	[dreg:$0x8] =	wrdreg s25;
	s26 =	sor.u32 $0x1, s10  }
0x10: {  	s30 =	sor.u32 $0x2, s10;
	s31 =	sor.u32 $0x3, s10;
	s18 =	sor.u32 $0x4, s10  }
0x11: {  	s19 =	sor.u32 $0x5, s10;
	s20 =	sor.u32 $0x6, s10;
	s21 =	sor.u32 $0x7, s10  }
0x12: {  	s28 =	sor.u32 $0x9, s10;
	s24 =	sor.u32 $0xB, s10;
	s29 =	sor.u32 $0xC, s10  }
0x13: {  	s25 =	sor.u32 $0xE, s10;
	s9 =	smax.u32 s15, $0x1;
	s15 =	simm.s32 $0x2100  }
0x14: {  	s16 =	sshll.u32 s14, $0xC;
	s13 =	sshrl.u32 s13, $0x3;
	v2 =	vmov s30;
	s30 =	sor.u32 $0xD, s10  }
0x15: {  	v0 =	vmov s26;
	s26 =	sshllo.u32 s8, $0x4;
	v3 =	vmov s31;
	v4 =	vmov s18;
	s31 =	sshll.u32 s1, $0x6;
	s18 =	simm.s32 $0x2200  }
0x16: {  	v5 =	vmov s19;
	v6 =	vmov s20;
	v7 =	vmov s21;
	s19 =	simm.s32 $0x2600;
	s20 =	simm.s32 $0x2180;
	s21 =	simm.s32 $0x2A00  }
0x17: {  	s12 =	sor.u32 s12, s16;
	s22 =	sadd.s32 s13, s17;
	s6 =	sadd.s32 s7, s13  }
0x18: {  	v8 =	vmov s14;
	s13 =	simm.s32 $0x400;
	s14 =	sor.u32 $0x1C01, s31;
	s16 =	simm.s32 $0x1100  }
0x19: {  	v17 =	vlaneseq.u32;
	s12 =	sshrl.u32 s12, $0x3;
	[dreg:$0x5] =	wrdreg s22;
	s22 =	sor.u32 $0xA, s10  }
0x1a: {  	v16 =	vimm.f32 $0.0e+00;
	v18 =	vor.u32 $0x10, v17;
	v1 =	vmov s10;
	s10 =	simm.s32 $0x1000;
	s23 =	sadd.s32 s12, s17;
	s7 =	sadd.s32 s7, s12  }
0x1b: {  	v19 =	vor.u32 $0x20, v17;
	v20 =	vor.u32 $0x30, v17;
	v9 =	vmov s28;
	s12 =	simm.s32 $0x80;
	[dreg:$0x6] =	wrdreg s23;
	s23 =	sshll.u32 s8, $0x8  }
0x1c: {  	v11 =	vmov s24;
	v12 =	vmov s29;
	v10 =	vmov s22;
	s17 =	simm.s32 $0x1080;
	s22 =	simm.s32 $0x2;
	s11 =	sadd.s32 s23, s11  }
0x1d: {  	v14 =	vmov s25;
	v13 =	vmov s30;
	v15 =	vmov s26;
	s23 =	simm.s32 $0x1;
	s8 =	sadd.s32 $0x1C00, s11;
	s11 =	simm.s32 $0x3  }
.LBB2_1:
0x1e: {  	[tilespmem:s10], [sflag:$0x3] =	stream.linear.gather [hbm4b:s4+s2], $0x80, $0x38;
	[tilespmem:$0x3200] =	vst v63  }
0x1f: {  	_ =	swait.ge [sflag:s11], $0x80  }
0x20: {  	[sflag:s11] =	ssyncset.done $0x0  }
0x21: {  	[sflag:s11] =	ssyncadd.s32 $0xFFFFFF80  }
0x22: {  	[tilespmem:s2], [sflag:$0x3] =	stream.strided.gather [hbm4b:s5+s12], $0x1000, s13, s12, $0x38;
	[tilespmem:$0x3200] =	vst v63  }
0x23: {  	_ =	swait.ge [sflag:s11], $0x1000  }
0x24: {  	[sflag:s11] =	ssyncset.done $0x0  }
0x25: {  	s24 =	rddreg [dreg:$0x5];
	[sflag:s11] =	ssyncadd.s32 $0xFFFFF000  }
0x26: {  	[hbm:s24], [sflag:s14] =	dma.local [hbm:s3], $0xF80  }
0x27: {  	s24 =	rddreg [dreg:$0x6]  }
0x28: {  	[hbm:s24], [sflag:s14] =	dma.local [hbm:s3], $0xF80  }
0x29: {  	s24 =	rddreg [dreg:$0x7]  }
0x2a: {  	[tilespmem:s15], [sflag:$0x3] =	stream.linear.gather [hbm4b:s24+s2], $0x80, $0x38;
	[tilespmem:$0x3200] =	vst v63  }
0x2b: {  	_ =	swait.ge [sflag:s11], $0x80  }
0x2c: {  	[sflag:s11] =	ssyncset.done $0x0  }
0x2d: {  	s25 =	rddreg [dreg:$0x8];
	[sflag:s11] =	ssyncadd.s32 $0xFFFFFF80  }
0x2e: {  	[tilespmem:s16], [sflag:$0x3] =	stream.strided.gather [hbm4b:s25+s12], $0x1000, s13, s12, $0x38;
	[tilespmem:$0x3200] =	vst v63  }
0x2f: {  	_ =	swait.ge [sflag:s11], $0x1000  }
0x30: {  	[sflag:s11] =	ssyncset.done $0x0  }
0x31: {  	[sflag:s11] =	ssyncadd.s32 $0xFFFFF000  }
0x32: {  	[tilespmem:$0x2240] =	vst v16  }
0x33: {  	[tilespmem:$0x2250] =	vst v16  }
0x34: {  	[tilespmem:$0x2260] =	vst v16  }
0x35: {  	[tilespmem:$0x2270] =	vst v16  }
0x36: {  	[tilespmem:$0x22C0] =	vst v16  }
0x37: {  	[tilespmem:$0x22D0] =	vst v16  }
0x38: {  	[tilespmem:$0x22E0] =	vst v16  }
0x39: {  	[tilespmem:$0x22F0] =	vst v16  }
0x3a: {  	[tilespmem:$0x2340] =	vst v16  }
0x3b: {  	[tilespmem:$0x2350] =	vst v16  }
0x3c: {  	[tilespmem:$0x2360] =	vst v16  }
0x3d: {  	[tilespmem:$0x2370] =	vst v16  }
0x3e: {  	[tilespmem:$0x23C0] =	vst v16  }
0x3f: {  	[tilespmem:$0x23D0] =	vst v16  }
0x40: {  	[tilespmem:$0x23E0] =	vst v16  }
0x41: {  	[tilespmem:$0x23F0] =	vst v16  }
0x42: {  	[tilespmem:$0x2440] =	vst v16  }
0x43: {  	[tilespmem:$0x2450] =	vst v16  }
0x44: {  	[tilespmem:$0x2460] =	vst v16  }
0x45: {  	[tilespmem:$0x2470] =	vst v16  }
0x46: {  	[tilespmem:$0x24C0] =	vst v16  }
0x47: {  	[tilespmem:$0x24D0] =	vst v16  }
0x48: {  	[tilespmem:$0x24E0] =	vst v16  }
0x49: {  	[tilespmem:$0x24F0] =	vst v16  }
0x4a: {  	[tilespmem:$0x2540] =	vst v16  }
0x4b: {  	[tilespmem:$0x2550] =	vst v16  }
0x4c: {  	[tilespmem:$0x2560] =	vst v16  }
0x4d: {  	[tilespmem:$0x2570] =	vst v16  }
0x4e: {  	[tilespmem:$0x25C0] =	vst v16  }
0x4f: {  	[tilespmem:$0x25D0] =	vst v16  }
0x50: {  	[tilespmem:$0x25E0] =	vst v16  }
0x51: {  	[tilespmem:$0x25F0] =	vst v16  }
0x52: {  	[tilespmem:$0x2640] =	vst v16  }
0x53: {  	[tilespmem:$0x2650] =	vst v16  }
0x54: {  	[tilespmem:$0x2660] =	vst v16  }
0x55: {  	[tilespmem:$0x2670] =	vst v16  }
0x56: {  	[tilespmem:$0x26C0] =	vst v16  }
0x57: {  	[tilespmem:$0x26D0] =	vst v16  }
0x58: {  	[tilespmem:$0x26E0] =	vst v16  }
0x59: {  	[tilespmem:$0x26F0] =	vst v16  }
0x5a: {  	[tilespmem:$0x2740] =	vst v16  }
0x5b: {  	[tilespmem:$0x2750] =	vst v16  }
0x5c: {  	[tilespmem:$0x2760] =	vst v16  }
0x5d: {  	[tilespmem:$0x2770] =	vst v16  }
0x5e: {  	[tilespmem:$0x27C0] =	vst v16  }
0x5f: {  	[tilespmem:$0x27D0] =	vst v16  }
0x60: {  	[tilespmem:$0x27E0] =	vst v16  }
0x61: {  	[tilespmem:$0x27F0] =	vst v16  }
0x62: {  	[tilespmem:$0x2840] =	vst v16  }
0x63: {  	[tilespmem:$0x2850] =	vst v16  }
0x64: {  	[tilespmem:$0x2860] =	vst v16  }
0x65: {  	[tilespmem:$0x2870] =	vst v16  }
0x66: {  	[tilespmem:$0x28C0] =	vst v16  }
0x67: {  	[tilespmem:$0x28D0] =	vst v16  }
0x68: {  	[tilespmem:$0x28E0] =	vst v16  }
0x69: {  	[tilespmem:$0x28F0] =	vst v16  }
0x6a: {  	[tilespmem:$0x2940] =	vst v16  }
0x6b: {  	[tilespmem:$0x2950] =	vst v16  }
0x6c: {  	[tilespmem:$0x2960] =	vst v16  }
0x6d: {  	[tilespmem:$0x2970] =	vst v16  }
0x6e: {  	[tilespmem:$0x29C0] =	vst v16  }
0x6f: {  	[tilespmem:$0x29D0] =	vst v16  }
0x70: {  	[tilespmem:$0x29E0] =	vst v16  }
0x71: {  	[tilespmem:$0x29F0] =	vst v16  }
0x72: {  	[tilespmem:$0x2A40] =	vst v16  }
0x73: {  	[tilespmem:$0x2A50] =	vst v16  }
0x74: {  	[tilespmem:$0x2A60] =	vst v16  }
0x75: {  	[tilespmem:$0x2A70] =	vst v16  }
0x76: {  	[tilespmem:$0x2AC0] =	vst v16  }
0x77: {  	[tilespmem:$0x2AD0] =	vst v16  }
0x78: {  	[tilespmem:$0x2AE0] =	vst v16  }
0x79: {  	[tilespmem:$0x2AF0] =	vst v16  }
0x7a: {  	[tilespmem:$0x2B40] =	vst v16  }
0x7b: {  	[tilespmem:$0x2B50] =	vst v16  }
0x7c: {  	[tilespmem:$0x2B60] =	vst v16  }
0x7d: {  	[tilespmem:$0x2B70] =	vst v16  }
0x7e: {  	[tilespmem:$0x2BC0] =	vst v16  }
0x7f: {  	[tilespmem:$0x2BD0] =	vst v16  }
0x80: {  	[tilespmem:$0x2BE0] =	vst v16  }
0x81: {  	[tilespmem:$0x2BF0] =	vst v16  }
0x82: {  	[tilespmem:$0x2C40] =	vst v16  }
0x83: {  	[tilespmem:$0x2C50] =	vst v16;
	v21 =	vld [tilespmem:$0x1000]  }
0x84: {  	[tilespmem:$0x2C60] =	vst v16;
	v22 =	vld [tilespmem:$0x1010]  }
0x85: {  	[tilespmem:$0x2C70] =	vst v16  }
0x86: {  	[tilespmem:$0x2CC0] =	vst v16;
	v23 =	vld [tilespmem:$0x1020]  }
0x87: {  	[tilespmem:$0x2CD0] =	vst v16  }
0x88: {  	[tilespmem:$0x2CE0] =	vst v16;
	(xrf0) =	vadd.scan.msk.s32 $0xffff, v21  }
0x89: {  	[tilespmem:$0x2CF0] =	vst v16;
	(xrf0) =	vadd.scan.msk.s32 $0xffff, v22  }
0x8a: {  	[tilespmem:$0x2D40] =	vst v16  }
0x8b: {  	[tilespmem:$0x2D50] =	vst v16;
	(xrf0) =	vadd.scan.msk.s32 $0xffff, v23  }
0x8c: {  	[tilespmem:$0x2D60] =	vst v16  }
0x8d: {  	[tilespmem:$0x2D70] =	vst v16  }
0x8e: {  	[tilespmem:$0x2DC0] =	vst v16;
	v24, _, _ =	vpop (xrf0)  }
0x8f: {  	[tilespmem:$0x2DD0] =	vst v16;
	(v2sf) =	vpush v24, $0xF;
	v25, _, _ =	vpop (xrf0)  }
0x90: {  	[tilespmem:$0x2DE0] =	vst v16;
	(v2sf) =	vpush v25, $0xF  }
0x91: {  	[tilespmem:$0x2DF0] =	vst v16;
	v26, _, _ =	vpop (xrf0)  }
0x92: {  	[tilespmem:$0x2E40] =	vst v16;
	(v2sf) =	vpush v26, $0xF  }
0x93: {  	[tilespmem:$0x2E50] =	vst v16  }
0x94: {  	[tilespmem:$0x2E60] =	vst v16  }
0x95: {  	[tilespmem:$0x2E70] =	vst v16  }
0x96: {  	[tilespmem:$0x2EC0] =	vst v16;
	v27 =	vld [tilespmem:$0x1030]  }
0x97: {  	[tilespmem:$0x2ED0] =	vst v16  }
0x98: {  	[tilespmem:$0x2EE0] =	vst v16  }
0x99: {  	[tilespmem:$0x2EF0] =	vst v16;
	v28 =	vld [tilespmem:$0x2100]  }
0x9a: {  	[tilespmem:$0x2F40] =	vst v16;
	v29 =	vld [tilespmem:$0x2110];
	v21 =	vsub.s32 v24, v21  }
0x9b: {  	(xrf0) =	vadd.scan.msk.s32 $0xffff, v27;
	[tilespmem:$0x1080] =	vst v21;
	v21 =	vld [tilespmem:$0x2120]  }
0x9c: {  	[tilespmem:$0x2F50] =	vst v16  }
0x9d: {  	[tilespmem:$0x2F60] =	vst v16;
	v24 =	vbroadcast v24, $0xF  }
0x9e: {  	[tilespmem:$0x2F70] =	vst v16;
	(xrf0) =	vadd.scan.msk.s32 $0xffff, v28;
	v23 =	vsub.s32 v26, v23;
	s26 =	spop (v2sf)  }
0x9f: {  	[tilespmem:$0x2FC0] =	vst v16;
	(xrf0) =	vadd.scan.msk.s32 $0xffff, v29;
	v22 =	vsub.s32 v24, v22;
	s25 =	spop (v2sf)  }
0xa0: {  	[tilespmem:$0x2FD0] =	vst v16;
	v22 =	vadd.s32 v25, v22;
	(xrf0) =	vadd.scan.msk.s32 $0xffff, v21;
	s24 =	sadd.s32 s26, s25  }
0xa1: {  	[tilespmem:$0x1090] =	vst v22;
	s28 =	spop (v2sf);
	v22 =	vadd.s32 s24, v23;
	v23, _, _ =	vpop (xrf0)  }
0xa2: {  	[tilespmem:$0x2FE0] =	vst v16;
	s24 =	sadd.s32 s24, s28;
	v23 =	vsub.s32 v23, v27  }
0xa3: {  	[tilespmem:$0x2FF0] =	vst v16;
	v23 =	vadd.s32 s24, v23  }
0xa4: {  	[tilespmem:$0x10A0] =	vst v22;
	v22, _, _ =	vpop (xrf0)  }
0xa5: {  	[tilespmem:$0x3040] =	vst v16;
	v37, _, _ =	vpop (xrf0);
	(v2sf) =	vpush v22, $0xF  }
0xa6: {  	[tilespmem:$0x10B0] =	vst v23;
	(v2sf) =	vpush v37, $0xF;
	v23, _, _ =	vpop (xrf0)  }
0xa7: {  	[tilespmem:$0x3050] =	vst v16;
	(v2sf) =	vpush v23, $0xF  }
0xa8: {  	[tilespmem:$0x3060] =	vst v16  }
0xa9: {  	[tilespmem:$0x3070] =	vst v16  }
0xaa: {  	[tilespmem:$0x30C0] =	vst v16  }
0xab: {  	[tilespmem:$0x30D0] =	vst v16;
	v39 =	vld [tilespmem:$0x2130]  }
0xac: {  	[tilespmem:$0x30E0] =	vst v16  }
0xad: {  	[tilespmem:$0x30F0] =	vst v16  }
0xae: {  	[tilespmem:$0x3140] =	vst v16  }
0xaf: {  	[tilespmem:$0x3150] =	vst v16  }
0xb0: {  	[tilespmem:$0x3160] =	vst v16;
	(xrf0) =	vadd.scan.msk.s32 $0xffff, v39  }
0xb1: {  	[tilespmem:$0x3170] =	vst v16  }
0xb2: {  	[tilespmem:$0x31C0] =	vst v16  }
0xb3: {  	[tilespmem:$0x31D0] =	vst v16;
	v38 =	vsub.s32 v22, v28;
	v22 =	vbroadcast v22, $0xF  }
0xb4: {  	[tilespmem:$0x31E0] =	vst v16;
	s29 =	spop (v2sf)  }
0xb5: {  	[tilespmem:$0x31F0] =	vst v16;
	v22 =	vsub.s32 v22, v29;
	s30 =	spop (v2sf)  }
0xb6: {  	[tilespmem:$0x2180] =	vst v38;
	v21 =	vsub.s32 v23, v21;
	v23, _, _ =	vpop (xrf0);
	v22 =	vadd.s32 v37, v22;
	s24 =	sadd.s32 s29, s30;
	s31 =	spop (v2sf)  }
0xb7: {  	[tilespmem:$0x2190] =	vst v22;
	v22 =	vsub.s32 v23, v39;
	v21 =	vadd.s32 s24, v21;
	s24 =	sadd.s32 s24, s31  }
0xb8: {  	[tilespmem:$0x21A0] =	vst v21;
	v21 =	vadd.s32 s24, v22  }
0xb9: {  	[tilespmem:$0x21B0] =	vst v21  }
0xba: {  	v21 =	vld.idx.msk [tilespmem:v1+s10+$0x0], $0xffff  }
0xbb: {  	v22 =	vld.idx.msk [tilespmem:v1+s17+$0x0], $0xffff;
	_ =	sdelay $0x4  }
0xbc: {  	vm0 =	vgt.s32 v21, v17;
	v23 =	vadd.s32 v17, v22;
	vm1 =	vgt.s32 v21, v18  }
0xbd: {  	v40 =	vadd.s32 v18, v22;
	vm2 =	vgt.s32 v21, v19;
	v23 =	vnsel vm0, $0x0, v23  }
0xbe: {  	vm3 =	vgt.s32 v21, v20;
	v21 =	vadd.s32 v20, v22;
	v24 =	vnsel vm1, $0x0, v40  }
0xbf: {  	v41 =	vadd.s32 v19, v22;
	v21 =	vnsel vm3, $0x0, v21  }
0xc0: {  	v25 =	vnsel vm2, $0x0, v41;
	_ =	sdelay $0x1  }
0xc1: {  	v22 =	vld.idx.msk [tilespmem:v23+s2+$0x0], $0xffff  }
0xc2: {  	v23 =	vld.idx.msk [tilespmem:v24+s2+$0x0], $0xffff  }
0xc3: {  	v21 =	vld.idx.msk [tilespmem:v21+s2+$0x0], $0xffff  }
0xc4: {  	v42 =	vld.idx.msk [tilespmem:v25+s2+$0x0], $0xffff;
	_ =	sdelay $0x1  }
0xc5: {  	v22 =	vnsel vm0, $0x0, v22  }
0xc6: {  	v23 =	vnsel vm1, $0x0, v23;
	[tilespmem:$0x2200] =	vst v22  }
0xc7: {  	v21 =	vnsel vm3, $0x0, v21;
	[tilespmem:$0x2210] =	vst v23  }
0xc8: {  	v22 =	vnsel vm2, $0x0, v42;
	[tilespmem:$0x2230] =	vst v21  }
0xc9: {  	[tilespmem:$0x2220] =	vst v22  }
0xca: {  	v21 =	vld.idx.msk [tilespmem:v0+s10+$0x0], $0xffff  }
0xcb: {  	v22 =	vld.idx.msk [tilespmem:v0+s17+$0x0], $0xffff;
	_ =	sdelay $0x4  }
0xcc: {  	vm12 =	vgt.s32 v21, v17;
	v23 =	vadd.s32 v17, v22;
	vm13 =	vgt.s32 v21, v18  }
0xcd: {  	v43 =	vadd.s32 v18, v22;
	vm14 =	vgt.s32 v21, v19;
	v23 =	vnsel vm12, $0x0, v23  }
0xce: {  	vm15 =	vgt.s32 v21, v20;
	v21 =	vadd.s32 v20, v22;
	v24 =	vnsel vm13, $0x0, v43  }
0xcf: {  	v44 =	vadd.s32 v19, v22;
	v21 =	vnsel vm15, $0x0, v21  }
0xd0: {  	v25 =	vnsel vm14, $0x0, v44;
	_ =	sdelay $0x1  }
0xd1: {  	v22 =	vld.idx.msk [tilespmem:v23+s2+$0x0], $0xffff  }
0xd2: {  	v23 =	vld.idx.msk [tilespmem:v24+s2+$0x0], $0xffff  }
0xd3: {  	v21 =	vld.idx.msk [tilespmem:v21+s2+$0x0], $0xffff  }
0xd4: {  	v45 =	vld.idx.msk [tilespmem:v25+s2+$0x0], $0xffff;
	_ =	sdelay $0x1  }
0xd5: {  	v22 =	vnsel vm12, $0x0, v22  }
0xd6: {  	v23 =	vnsel vm13, $0x0, v23;
	[tilespmem:$0x2280] =	vst v22  }
0xd7: {  	v21 =	vnsel vm15, $0x0, v21;
	[tilespmem:$0x2290] =	vst v23  }
0xd8: {  	v22 =	vnsel vm14, $0x0, v45;
	[tilespmem:$0x22B0] =	vst v21  }
0xd9: {  	[tilespmem:$0x22A0] =	vst v22  }
0xda: {  	v21 =	vld.idx.msk [tilespmem:v2+s10+$0x0], $0xffff  }
0xdb: {  	v22 =	vld.idx.msk [tilespmem:v2+s17+$0x0], $0xffff;
	_ =	sdelay $0x4  }
0xdc: {  	vm6 =	vgt.s32 v21, v17;
	v23 =	vadd.s32 v17, v22;
	vm7 =	vgt.s32 v21, v18  }
0xdd: {  	v46 =	vadd.s32 v18, v22;
	vm8 =	vgt.s32 v21, v19;
	v23 =	vnsel vm6, $0x0, v23  }
0xde: {  	vm9 =	vgt.s32 v21, v20;
	v21 =	vadd.s32 v20, v22;
	v24 =	vnsel vm7, $0x0, v46  }
0xdf: {  	v47 =	vadd.s32 v19, v22;
	v21 =	vnsel vm9, $0x0, v21  }
0xe0: {  	v25 =	vnsel vm8, $0x0, v47;
	_ =	sdelay $0x1  }
0xe1: {  	v22 =	vld.idx.msk [tilespmem:v23+s2+$0x0], $0xffff  }
0xe2: {  	v23 =	vld.idx.msk [tilespmem:v24+s2+$0x0], $0xffff  }
0xe3: {  	v21 =	vld.idx.msk [tilespmem:v21+s2+$0x0], $0xffff  }
0xe4: {  	v48 =	vld.idx.msk [tilespmem:v25+s2+$0x0], $0xffff;
	_ =	sdelay $0x1  }
0xe5: {  	v22 =	vnsel vm6, $0x0, v22  }
0xe6: {  	v23 =	vnsel vm7, $0x0, v23;
	[tilespmem:$0x2300] =	vst v22  }
0xe7: {  	v21 =	vnsel vm9, $0x0, v21;
	[tilespmem:$0x2310] =	vst v23  }
0xe8: {  	v22 =	vnsel vm8, $0x0, v48;
	[tilespmem:$0x2330] =	vst v21  }
0xe9: {  	[tilespmem:$0x2320] =	vst v22  }
0xea: {  	v21 =	vld.idx.msk [tilespmem:v3+s10+$0x0], $0xffff  }
0xeb: {  	v22 =	vld.idx.msk [tilespmem:v3+s17+$0x0], $0xffff;
	_ =	sdelay $0x4  }
0xec: {  	vm10 =	vgt.s32 v21, v17;
	v23 =	vadd.s32 v17, v22;
	vm11 =	vgt.s32 v21, v18  }
0xed: {  	v49 =	vadd.s32 v18, v22;
	vm12 =	vgt.s32 v21, v19;
	v23 =	vnsel vm10, $0x0, v23  }
0xee: {  	vm13 =	vgt.s32 v21, v20;
	v21 =	vadd.s32 v20, v22;
	v24 =	vnsel vm11, $0x0, v49  }
0xef: {  	v50 =	vadd.s32 v19, v22;
	v21 =	vnsel vm13, $0x0, v21  }
0xf0: {  	v25 =	vnsel vm12, $0x0, v50;
	_ =	sdelay $0x1  }
0xf1: {  	v22 =	vld.idx.msk [tilespmem:v23+s2+$0x0], $0xffff  }
0xf2: {  	v23 =	vld.idx.msk [tilespmem:v24+s2+$0x0], $0xffff  }
0xf3: {  	v21 =	vld.idx.msk [tilespmem:v21+s2+$0x0], $0xffff  }
0xf4: {  	v51 =	vld.idx.msk [tilespmem:v25+s2+$0x0], $0xffff;
	_ =	sdelay $0x1  }
0xf5: {  	v22 =	vnsel vm10, $0x0, v22  }
0xf6: {  	v23 =	vnsel vm11, $0x0, v23;
	[tilespmem:$0x2380] =	vst v22  }
0xf7: {  	v21 =	vnsel vm13, $0x0, v21;
	[tilespmem:$0x2390] =	vst v23  }
0xf8: {  	v22 =	vnsel vm12, $0x0, v51;
	[tilespmem:$0x23B0] =	vst v21  }
0xf9: {  	[tilespmem:$0x23A0] =	vst v22  }
0xfa: {  	v21 =	vld.idx.msk [tilespmem:v4+s10+$0x0], $0xffff  }
0xfb: {  	v22 =	vld.idx.msk [tilespmem:v4+s17+$0x0], $0xffff;
	_ =	sdelay $0x4  }
0xfc: {  	vm14 =	vgt.s32 v21, v17;
	v23 =	vadd.s32 v17, v22;
	vm15 =	vgt.s32 v21, v18  }
0xfd: {  	v52 =	vadd.s32 v18, v22;
	vm6 =	vgt.s32 v21, v19;
	v23 =	vnsel vm14, $0x0, v23  }
0xfe: {  	vm7 =	vgt.s32 v21, v20;
	v21 =	vadd.s32 v20, v22;
	v24 =	vnsel vm15, $0x0, v52  }
0xff: {  	v53 =	vadd.s32 v19, v22;
	v21 =	vnsel vm7, $0x0, v21  }
0x100: {  	v25 =	vnsel vm6, $0x0, v53;
	_ =	sdelay $0x1  }
0x101: {  	v22 =	vld.idx.msk [tilespmem:v23+s2+$0x0], $0xffff  }
0x102: {  	v23 =	vld.idx.msk [tilespmem:v24+s2+$0x0], $0xffff  }
0x103: {  	v21 =	vld.idx.msk [tilespmem:v21+s2+$0x0], $0xffff  }
0x104: {  	v54 =	vld.idx.msk [tilespmem:v25+s2+$0x0], $0xffff;
	_ =	sdelay $0x1  }
0x105: {  	v22 =	vnsel vm14, $0x0, v22  }
0x106: {  	v23 =	vnsel vm15, $0x0, v23;
	[tilespmem:$0x2400] =	vst v22  }
0x107: {  	v21 =	vnsel vm7, $0x0, v21;
	[tilespmem:$0x2410] =	vst v23  }
0x108: {  	v22 =	vnsel vm6, $0x0, v54;
	[tilespmem:$0x2430] =	vst v21  }
0x109: {  	[tilespmem:$0x2420] =	vst v22  }
0x10a: {  	v21 =	vld.idx.msk [tilespmem:v5+s10+$0x0], $0xffff  }
0x10b: {  	v22 =	vld.idx.msk [tilespmem:v5+s17+$0x0], $0xffff;
	_ =	sdelay $0x4  }
0x10c: {  	vm8 =	vgt.s32 v21, v17;
	v23 =	vadd.s32 v17, v22;
	vm9 =	vgt.s32 v21, v18  }
0x10d: {  	v55 =	vadd.s32 v18, v22;
	vm10 =	vgt.s32 v21, v19;
	v23 =	vnsel vm8, $0x0, v23  }
0x10e: {  	vm11 =	vgt.s32 v21, v20;
	v21 =	vadd.s32 v20, v22;
	v24 =	vnsel vm9, $0x0, v55  }
0x10f: {  	v56 =	vadd.s32 v19, v22;
	v21 =	vnsel vm11, $0x0, v21  }
0x110: {  	v25 =	vnsel vm10, $0x0, v56;
	_ =	sdelay $0x1  }
0x111: {  	v22 =	vld.idx.msk [tilespmem:v23+s2+$0x0], $0xffff  }
0x112: {  	v23 =	vld.idx.msk [tilespmem:v24+s2+$0x0], $0xffff  }
0x113: {  	v21 =	vld.idx.msk [tilespmem:v21+s2+$0x0], $0xffff  }
0x114: {  	v57 =	vld.idx.msk [tilespmem:v25+s2+$0x0], $0xffff;
	_ =	sdelay $0x1  }
0x115: {  	v22 =	vnsel vm8, $0x0, v22  }
0x116: {  	v23 =	vnsel vm9, $0x0, v23;
	[tilespmem:$0x2480] =	vst v22  }
0x117: {  	v21 =	vnsel vm11, $0x0, v21;
	[tilespmem:$0x2490] =	vst v23  }
0x118: {  	v22 =	vnsel vm10, $0x0, v57;
	[tilespmem:$0x24B0] =	vst v21  }
0x119: {  	[tilespmem:$0x24A0] =	vst v22  }
0x11a: {  	v21 =	vld.idx.msk [tilespmem:v6+s10+$0x0], $0xffff  }
0x11b: {  	v22 =	vld.idx.msk [tilespmem:v6+s17+$0x0], $0xffff;
	_ =	sdelay $0x4  }
0x11c: {  	vm12 =	vgt.s32 v21, v17;
	v23 =	vadd.s32 v17, v22;
	vm13 =	vgt.s32 v21, v18  }
0x11d: {  	v58 =	vadd.s32 v18, v22;
	vm14 =	vgt.s32 v21, v19;
	v23 =	vnsel vm12, $0x0, v23  }
0x11e: {  	vm15 =	vgt.s32 v21, v20;
	v21 =	vadd.s32 v20, v22;
	v24 =	vnsel vm13, $0x0, v58  }
0x11f: {  	v59 =	vadd.s32 v19, v22;
	v21 =	vnsel vm15, $0x0, v21  }
0x120: {  	v25 =	vnsel vm14, $0x0, v59;
	_ =	sdelay $0x1  }
0x121: {  	v22 =	vld.idx.msk [tilespmem:v23+s2+$0x0], $0xffff  }
0x122: {  	v23 =	vld.idx.msk [tilespmem:v24+s2+$0x0], $0xffff  }
0x123: {  	v21 =	vld.idx.msk [tilespmem:v21+s2+$0x0], $0xffff  }
0x124: {  	v60 =	vld.idx.msk [tilespmem:v25+s2+$0x0], $0xffff;
	_ =	sdelay $0x1  }
0x125: {  	v22 =	vnsel vm12, $0x0, v22  }
0x126: {  	v23 =	vnsel vm13, $0x0, v23;
	[tilespmem:$0x2500] =	vst v22  }
0x127: {  	v21 =	vnsel vm15, $0x0, v21;
	[tilespmem:$0x2510] =	vst v23  }
0x128: {  	v22 =	vnsel vm14, $0x0, v60;
	[tilespmem:$0x2530] =	vst v21  }
0x129: {  	[tilespmem:$0x2520] =	vst v22  }
0x12a: {  	v21 =	vld.idx.msk [tilespmem:v7+s10+$0x0], $0xffff  }
0x12b: {  	v22 =	vld.idx.msk [tilespmem:v7+s17+$0x0], $0xffff;
	_ =	sdelay $0x4  }
0x12c: {  	vm6 =	vgt.s32 v21, v17;
	v23 =	vadd.s32 v17, v22;
	vm7 =	vgt.s32 v21, v18  }
0x12d: {  	v61 =	vadd.s32 v18, v22;
	vm8 =	vgt.s32 v21, v19;
	v23 =	vnsel vm6, $0x0, v23  }
0x12e: {  	vm9 =	vgt.s32 v21, v20;
	v21 =	vadd.s32 v20, v22;
	v24 =	vnsel vm7, $0x0, v61  }
0x12f: {  	v62 =	vadd.s32 v19, v22;
	v21 =	vnsel vm9, $0x0, v21  }
0x130: {  	v25 =	vnsel vm8, $0x0, v62;
	_ =	sdelay $0x1  }
0x131: {  	v22 =	vld.idx.msk [tilespmem:v23+s2+$0x0], $0xffff  }
0x132: {  	v23 =	vld.idx.msk [tilespmem:v24+s2+$0x0], $0xffff  }
0x133: {  	v21 =	vld.idx.msk [tilespmem:v21+s2+$0x0], $0xffff  }
0x134: {  	v63 =	vld.idx.msk [tilespmem:v25+s2+$0x0], $0xffff;
	_ =	sdelay $0x1  }
0x135: {  	v22 =	vnsel vm6, $0x0, v22  }
0x136: {  	v23 =	vnsel vm7, $0x0, v23;
	[tilespmem:$0x2580] =	vst v22  }
0x137: {  	v21 =	vnsel vm9, $0x0, v21;
	[tilespmem:$0x2590] =	vst v23  }
0x138: {  	v22 =	vnsel vm8, $0x0, v63;
	[tilespmem:$0x25B0] =	vst v21  }
0x139: {  	[tilespmem:$0x25A0] =	vst v22  }
0x13a: {  	[hbm4b:s6+s2] =	stream.linear.scatter [tilespmem:s18], [sflag:$0x2], $0x400, $0x38;
	[tilespmem:$0x3200] =	vst v63  }
0x13b: {  	v21 =	vld.idx.msk [tilespmem:v8+s10+$0x0], $0xffff  }
0x13c: {  	v22 =	vld.idx.msk [tilespmem:v8+s17+$0x0], $0xffff;
	_ =	sdelay $0x4  }
0x13d: {  	vm10 =	vgt.s32 v21, v17;
	v23 =	vadd.s32 v17, v22;
	vm11 =	vgt.s32 v21, v18  }
0x13e: {  	v28 =	vadd.s32 v18, v22;
	vm12 =	vgt.s32 v21, v19;
	v23 =	vnsel vm10, $0x0, v23  }
0x13f: {  	vm13 =	vgt.s32 v21, v20;
	v21 =	vadd.s32 v20, v22;
	v24 =	vnsel vm11, $0x0, v28  }
0x140: {  	v29 =	vadd.s32 v19, v22;
	v21 =	vnsel vm13, $0x0, v21  }
0x141: {  	v25 =	vnsel vm12, $0x0, v29;
	_ =	sdelay $0x1  }
0x142: {  	v22 =	vld.idx.msk [tilespmem:v23+s2+$0x0], $0xffff  }
0x143: {  	v23 =	vld.idx.msk [tilespmem:v24+s2+$0x0], $0xffff  }
0x144: {  	v21 =	vld.idx.msk [tilespmem:v21+s2+$0x0], $0xffff  }
0x145: {  	v30 =	vld.idx.msk [tilespmem:v25+s2+$0x0], $0xffff;
	_ =	sdelay $0x1  }
0x146: {  	v22 =	vnsel vm10, $0x0, v22  }
0x147: {  	v23 =	vnsel vm11, $0x0, v23;
	[tilespmem:$0x2600] =	vst v22  }
0x148: {  	v21 =	vnsel vm13, $0x0, v21;
	[tilespmem:$0x2610] =	vst v23  }
0x149: {  	v22 =	vnsel vm12, $0x0, v30;
	[tilespmem:$0x2630] =	vst v21  }
0x14a: {  	[tilespmem:$0x2620] =	vst v22  }
0x14b: {  	v21 =	vld.idx.msk [tilespmem:v9+s10+$0x0], $0xffff  }
0x14c: {  	v22 =	vld.idx.msk [tilespmem:v9+s17+$0x0], $0xffff;
	_ =	sdelay $0x4  }
0x14d: {  	vm14 =	vgt.s32 v21, v17;
	v23 =	vadd.s32 v17, v22;
	vm15 =	vgt.s32 v21, v18  }
0x14e: {  	v31 =	vadd.s32 v18, v22;
	vm6 =	vgt.s32 v21, v19;
	v23 =	vnsel vm14, $0x0, v23  }
0x14f: {  	vm7 =	vgt.s32 v21, v20;
	v21 =	vadd.s32 v20, v22;
	v24 =	vnsel vm15, $0x0, v31  }
0x150: {  	v32 =	vadd.s32 v19, v22;
	v21 =	vnsel vm7, $0x0, v21  }
0x151: {  	v25 =	vnsel vm6, $0x0, v32;
	_ =	sdelay $0x1  }
0x152: {  	v22 =	vld.idx.msk [tilespmem:v23+s2+$0x0], $0xffff  }
0x153: {  	v23 =	vld.idx.msk [tilespmem:v24+s2+$0x0], $0xffff  }
0x154: {  	v21 =	vld.idx.msk [tilespmem:v21+s2+$0x0], $0xffff  }
0x155: {  	v33 =	vld.idx.msk [tilespmem:v25+s2+$0x0], $0xffff;
	_ =	sdelay $0x1  }
0x156: {  	v22 =	vnsel vm14, $0x0, v22  }
0x157: {  	v23 =	vnsel vm15, $0x0, v23;
	[tilespmem:$0x2680] =	vst v22  }
0x158: {  	v21 =	vnsel vm7, $0x0, v21;
	[tilespmem:$0x2690] =	vst v23  }
0x159: {  	v22 =	vnsel vm6, $0x0, v33;
	[tilespmem:$0x26B0] =	vst v21  }
0x15a: {  	[tilespmem:$0x26A0] =	vst v22  }
0x15b: {  	v21 =	vld.idx.msk [tilespmem:v10+s10+$0x0], $0xffff  }
0x15c: {  	v22 =	vld.idx.msk [tilespmem:v10+s17+$0x0], $0xffff;
	_ =	sdelay $0x4  }
0x15d: {  	vm8 =	vgt.s32 v21, v17;
	v23 =	vadd.s32 v17, v22;
	vm9 =	vgt.s32 v21, v18  }
0x15e: {  	v34 =	vadd.s32 v18, v22;
	vm10 =	vgt.s32 v21, v19;
	v23 =	vnsel vm8, $0x0, v23  }
0x15f: {  	vm11 =	vgt.s32 v21, v20;
	v21 =	vadd.s32 v20, v22;
	v24 =	vnsel vm9, $0x0, v34  }
0x160: {  	v35 =	vadd.s32 v19, v22;
	v21 =	vnsel vm11, $0x0, v21  }
0x161: {  	v25 =	vnsel vm10, $0x0, v35;
	_ =	sdelay $0x1  }
0x162: {  	v22 =	vld.idx.msk [tilespmem:v23+s2+$0x0], $0xffff  }
0x163: {  	v23 =	vld.idx.msk [tilespmem:v24+s2+$0x0], $0xffff  }
0x164: {  	v21 =	vld.idx.msk [tilespmem:v21+s2+$0x0], $0xffff  }
0x165: {  	v36 =	vld.idx.msk [tilespmem:v25+s2+$0x0], $0xffff;
	_ =	sdelay $0x1  }
0x166: {  	v22 =	vnsel vm8, $0x0, v22  }
0x167: {  	v23 =	vnsel vm9, $0x0, v23;
	[tilespmem:$0x2700] =	vst v22  }
0x168: {  	v21 =	vnsel vm11, $0x0, v21;
	[tilespmem:$0x2710] =	vst v23  }
0x169: {  	v22 =	vnsel vm10, $0x0, v36;
	[tilespmem:$0x2730] =	vst v21  }
0x16a: {  	[tilespmem:$0x2720] =	vst v22  }
0x16b: {  	v21 =	vld.idx.msk [tilespmem:v11+s10+$0x0], $0xffff  }
0x16c: {  	v22 =	vld.idx.msk [tilespmem:v11+s17+$0x0], $0xffff;
	_ =	sdelay $0x4  }
0x16d: {  	vm12 =	vgt.s32 v21, v17;
	v23 =	vadd.s32 v17, v22;
	vm13 =	vgt.s32 v21, v18  }
0x16e: {  	v37 =	vadd.s32 v18, v22;
	vm14 =	vgt.s32 v21, v19;
	v23 =	vnsel vm12, $0x0, v23  }
0x16f: {  	vm15 =	vgt.s32 v21, v20;
	v21 =	vadd.s32 v20, v22;
	v24 =	vnsel vm13, $0x0, v37  }
0x170: {  	v38 =	vadd.s32 v19, v22;
	v21 =	vnsel vm15, $0x0, v21  }
0x171: {  	v25 =	vnsel vm14, $0x0, v38;
	_ =	sdelay $0x1  }
0x172: {  	v22 =	vld.idx.msk [tilespmem:v23+s2+$0x0], $0xffff  }
0x173: {  	v23 =	vld.idx.msk [tilespmem:v24+s2+$0x0], $0xffff  }
0x174: {  	v21 =	vld.idx.msk [tilespmem:v21+s2+$0x0], $0xffff  }
0x175: {  	v39 =	vld.idx.msk [tilespmem:v25+s2+$0x0], $0xffff;
	_ =	sdelay $0x1  }
0x176: {  	v22 =	vnsel vm12, $0x0, v22  }
0x177: {  	v23 =	vnsel vm13, $0x0, v23;
	[tilespmem:$0x2780] =	vst v22  }
0x178: {  	v21 =	vnsel vm15, $0x0, v21;
	[tilespmem:$0x2790] =	vst v23  }
0x179: {  	v22 =	vnsel vm14, $0x0, v39;
	[tilespmem:$0x27B0] =	vst v21  }
0x17a: {  	[tilespmem:$0x27A0] =	vst v22  }
0x17b: {  	v21 =	vld.idx.msk [tilespmem:v12+s10+$0x0], $0xffff  }
0x17c: {  	v22 =	vld.idx.msk [tilespmem:v12+s17+$0x0], $0xffff;
	_ =	sdelay $0x4  }
0x17d: {  	vm6 =	vgt.s32 v21, v17;
	v23 =	vadd.s32 v17, v22;
	vm7 =	vgt.s32 v21, v18  }
0x17e: {  	v40 =	vadd.s32 v18, v22;
	vm8 =	vgt.s32 v21, v19;
	v23 =	vnsel vm6, $0x0, v23  }
0x17f: {  	vm9 =	vgt.s32 v21, v20;
	v21 =	vadd.s32 v20, v22;
	v24 =	vnsel vm7, $0x0, v40  }
0x180: {  	v41 =	vadd.s32 v19, v22;
	v21 =	vnsel vm9, $0x0, v21  }
0x181: {  	v25 =	vnsel vm8, $0x0, v41;
	_ =	sdelay $0x1  }
0x182: {  	v22 =	vld.idx.msk [tilespmem:v23+s2+$0x0], $0xffff  }
0x183: {  	v23 =	vld.idx.msk [tilespmem:v24+s2+$0x0], $0xffff  }
0x184: {  	v21 =	vld.idx.msk [tilespmem:v21+s2+$0x0], $0xffff  }
0x185: {  	v42 =	vld.idx.msk [tilespmem:v25+s2+$0x0], $0xffff;
	_ =	sdelay $0x1  }
0x186: {  	v22 =	vnsel vm6, $0x0, v22  }
0x187: {  	v23 =	vnsel vm7, $0x0, v23;
	[tilespmem:$0x2800] =	vst v22  }
0x188: {  	v21 =	vnsel vm9, $0x0, v21;
	[tilespmem:$0x2810] =	vst v23  }
0x189: {  	v22 =	vnsel vm8, $0x0, v42;
	[tilespmem:$0x2830] =	vst v21  }
0x18a: {  	[tilespmem:$0x2820] =	vst v22  }
0x18b: {  	v21 =	vld.idx.msk [tilespmem:v13+s10+$0x0], $0xffff  }
0x18c: {  	v22 =	vld.idx.msk [tilespmem:v13+s17+$0x0], $0xffff;
	_ =	sdelay $0x4  }
0x18d: {  	vm10 =	vgt.s32 v21, v17;
	v23 =	vadd.s32 v17, v22;
	vm11 =	vgt.s32 v21, v18  }
0x18e: {  	v43 =	vadd.s32 v18, v22;
	vm12 =	vgt.s32 v21, v19;
	v23 =	vnsel vm10, $0x0, v23  }
0x18f: {  	vm13 =	vgt.s32 v21, v20;
	v21 =	vadd.s32 v20, v22;
	v24 =	vnsel vm11, $0x0, v43  }
0x190: {  	v44 =	vadd.s32 v19, v22;
	v21 =	vnsel vm13, $0x0, v21  }
0x191: {  	v25 =	vnsel vm12, $0x0, v44;
	_ =	sdelay $0x1  }
0x192: {  	v22 =	vld.idx.msk [tilespmem:v23+s2+$0x0], $0xffff  }
0x193: {  	v23 =	vld.idx.msk [tilespmem:v24+s2+$0x0], $0xffff  }
0x194: {  	v21 =	vld.idx.msk [tilespmem:v21+s2+$0x0], $0xffff  }
0x195: {  	v45 =	vld.idx.msk [tilespmem:v25+s2+$0x0], $0xffff;
	_ =	sdelay $0x1  }
0x196: {  	v22 =	vnsel vm10, $0x0, v22  }
0x197: {  	v23 =	vnsel vm11, $0x0, v23;
	[tilespmem:$0x2880] =	vst v22  }
0x198: {  	v21 =	vnsel vm13, $0x0, v21;
	[tilespmem:$0x2890] =	vst v23  }
0x199: {  	v22 =	vnsel vm12, $0x0, v45;
	[tilespmem:$0x28B0] =	vst v21  }
0x19a: {  	[tilespmem:$0x28A0] =	vst v22  }
0x19b: {  	v21 =	vld.idx.msk [tilespmem:v14+s10+$0x0], $0xffff  }
0x19c: {  	v22 =	vld.idx.msk [tilespmem:v14+s17+$0x0], $0xffff;
	_ =	sdelay $0x4  }
0x19d: {  	vm14 =	vgt.s32 v21, v17;
	v23 =	vadd.s32 v17, v22;
	vm15 =	vgt.s32 v21, v18  }
0x19e: {  	v46 =	vadd.s32 v18, v22;
	vm6 =	vgt.s32 v21, v19;
	v23 =	vnsel vm14, $0x0, v23  }
0x19f: {  	vm7 =	vgt.s32 v21, v20;
	v21 =	vadd.s32 v20, v22;
	v24 =	vnsel vm15, $0x0, v46  }
0x1a0: {  	v47 =	vadd.s32 v19, v22;
	v21 =	vnsel vm7, $0x0, v21  }
0x1a1: {  	v25 =	vnsel vm6, $0x0, v47;
	_ =	sdelay $0x1  }
0x1a2: {  	v22 =	vld.idx.msk [tilespmem:v23+s2+$0x0], $0xffff  }
0x1a3: {  	v23 =	vld.idx.msk [tilespmem:v24+s2+$0x0], $0xffff  }
0x1a4: {  	v21 =	vld.idx.msk [tilespmem:v21+s2+$0x0], $0xffff  }
0x1a5: {  	v48 =	vld.idx.msk [tilespmem:v25+s2+$0x0], $0xffff;
	_ =	sdelay $0x1  }
0x1a6: {  	v22 =	vnsel vm14, $0x0, v22  }
0x1a7: {  	v23 =	vnsel vm15, $0x0, v23;
	[tilespmem:$0x2900] =	vst v22  }
0x1a8: {  	v21 =	vnsel vm7, $0x0, v21;
	[tilespmem:$0x2910] =	vst v23  }
0x1a9: {  	v22 =	vnsel vm6, $0x0, v48;
	[tilespmem:$0x2930] =	vst v21  }
0x1aa: {  	[tilespmem:$0x2920] =	vst v22  }
0x1ab: {  	v21 =	vld.idx.msk [tilespmem:v15+s10+$0x0], $0xffff  }
0x1ac: {  	v22 =	vld.idx.msk [tilespmem:v15+s17+$0x0], $0xffff;
	_ =	sdelay $0x4  }
0x1ad: {  	vm8 =	vgt.s32 v21, v17;
	v23 =	vadd.s32 v17, v22;
	vm9 =	vgt.s32 v21, v18  }
0x1ae: {  	v49 =	vadd.s32 v18, v22;
	vm10 =	vgt.s32 v21, v19;
	v23 =	vnsel vm8, $0x0, v23  }
0x1af: {  	vm11 =	vgt.s32 v21, v20;
	v21 =	vadd.s32 v20, v22;
	v24 =	vnsel vm9, $0x0, v49  }
0x1b0: {  	v50 =	vadd.s32 v19, v22;
	v21 =	vnsel vm11, $0x0, v21  }
0x1b1: {  	v25 =	vnsel vm10, $0x0, v50;
	_ =	sdelay $0x1  }
0x1b2: {  	v22 =	vld.idx.msk [tilespmem:v23+s2+$0x0], $0xffff  }
0x1b3: {  	v23 =	vld.idx.msk [tilespmem:v24+s2+$0x0], $0xffff  }
0x1b4: {  	v21 =	vld.idx.msk [tilespmem:v21+s2+$0x0], $0xffff  }
0x1b5: {  	v51 =	vld.idx.msk [tilespmem:v25+s2+$0x0], $0xffff;
	_ =	sdelay $0x1  }
0x1b6: {  	v22 =	vnsel vm8, $0x0, v22  }
0x1b7: {  	v23 =	vnsel vm9, $0x0, v23;
	[tilespmem:$0x2980] =	vst v22  }
0x1b8: {  	v21 =	vnsel vm11, $0x0, v21;
	[tilespmem:$0x2990] =	vst v23  }
0x1b9: {  	v22 =	vnsel vm10, $0x0, v51;
	[tilespmem:$0x29B0] =	vst v21  }
0x1ba: {  	[tilespmem:$0x29A0] =	vst v22  }
0x1bb: {  	[hbm4b:s7+s2] =	stream.linear.scatter [tilespmem:s19], [sflag:$0x2], $0x400, $0x38;
	[tilespmem:$0x3200] =	vst v63  }
0x1bc: {  	v21 =	vld.idx.msk [tilespmem:v1+s15+$0x0], $0xffff  }
0x1bd: {  	v22 =	vld.idx.msk [tilespmem:v1+s20+$0x0], $0xffff;
	_ =	sdelay $0x4  }
0x1be: {  	vm12 =	vgt.s32 v21, v17;
	v23 =	vadd.s32 v17, v22;
	vm13 =	vgt.s32 v21, v18  }
0x1bf: {  	v52 =	vadd.s32 v18, v22;
	vm14 =	vgt.s32 v21, v19;
	v23 =	vnsel vm12, $0x0, v23  }
0x1c0: {  	vm15 =	vgt.s32 v21, v20;
	v21 =	vadd.s32 v20, v22;
	v24 =	vnsel vm13, $0x0, v52  }
0x1c1: {  	v53 =	vadd.s32 v19, v22;
	v21 =	vnsel vm15, $0x0, v21  }
0x1c2: {  	v25 =	vnsel vm14, $0x0, v53;
	_ =	sdelay $0x1  }
0x1c3: {  	v22 =	vld.idx.msk [tilespmem:v23+s16+$0x0], $0xffff  }
0x1c4: {  	v23 =	vld.idx.msk [tilespmem:v24+s16+$0x0], $0xffff  }
0x1c5: {  	v21 =	vld.idx.msk [tilespmem:v21+s16+$0x0], $0xffff  }
0x1c6: {  	v54 =	vld.idx.msk [tilespmem:v25+s16+$0x0], $0xffff;
	_ =	sdelay $0x1  }
0x1c7: {  	v22 =	vnsel vm12, $0x0, v22  }
0x1c8: {  	v23 =	vnsel vm13, $0x0, v23;
	[tilespmem:$0x2A00] =	vst v22  }
0x1c9: {  	v21 =	vnsel vm15, $0x0, v21;
	[tilespmem:$0x2A10] =	vst v23  }
0x1ca: {  	v22 =	vnsel vm14, $0x0, v54;
	[tilespmem:$0x2A30] =	vst v21  }
0x1cb: {  	[tilespmem:$0x2A20] =	vst v22  }
0x1cc: {  	v21 =	vld.idx.msk [tilespmem:v0+s15+$0x0], $0xffff  }
0x1cd: {  	v22 =	vld.idx.msk [tilespmem:v0+s20+$0x0], $0xffff;
	_ =	sdelay $0x4  }
0x1ce: {  	vm6 =	vgt.s32 v21, v17;
	v23 =	vadd.s32 v17, v22;
	vm7 =	vgt.s32 v21, v18  }
0x1cf: {  	v55 =	vadd.s32 v18, v22;
	vm8 =	vgt.s32 v21, v19;
	v23 =	vnsel vm6, $0x0, v23  }
0x1d0: {  	vm9 =	vgt.s32 v21, v20;
	v21 =	vadd.s32 v20, v22;
	v24 =	vnsel vm7, $0x0, v55  }
0x1d1: {  	v56 =	vadd.s32 v19, v22;
	v21 =	vnsel vm9, $0x0, v21  }
0x1d2: {  	v25 =	vnsel vm8, $0x0, v56;
	_ =	sdelay $0x1  }
0x1d3: {  	v22 =	vld.idx.msk [tilespmem:v23+s16+$0x0], $0xffff  }
0x1d4: {  	v23 =	vld.idx.msk [tilespmem:v24+s16+$0x0], $0xffff  }
0x1d5: {  	v21 =	vld.idx.msk [tilespmem:v21+s16+$0x0], $0xffff  }
0x1d6: {  	v57 =	vld.idx.msk [tilespmem:v25+s16+$0x0], $0xffff;
	_ =	sdelay $0x1  }
0x1d7: {  	v22 =	vnsel vm6, $0x0, v22  }
0x1d8: {  	v23 =	vnsel vm7, $0x0, v23;
	[tilespmem:$0x2A80] =	vst v22  }
0x1d9: {  	v21 =	vnsel vm9, $0x0, v21;
	[tilespmem:$0x2A90] =	vst v23  }
0x1da: {  	v22 =	vnsel vm8, $0x0, v57;
	[tilespmem:$0x2AB0] =	vst v21  }
0x1db: {  	[tilespmem:$0x2AA0] =	vst v22  }
0x1dc: {  	v21 =	vld.idx.msk [tilespmem:v2+s15+$0x0], $0xffff  }
0x1dd: {  	v22 =	vld.idx.msk [tilespmem:v2+s20+$0x0], $0xffff;
	_ =	sdelay $0x4  }
0x1de: {  	vm10 =	vgt.s32 v21, v17;
	v23 =	vadd.s32 v17, v22;
	vm11 =	vgt.s32 v21, v18  }
0x1df: {  	v58 =	vadd.s32 v18, v22;
	vm12 =	vgt.s32 v21, v19;
	v23 =	vnsel vm10, $0x0, v23  }
0x1e0: {  	vm13 =	vgt.s32 v21, v20;
	v21 =	vadd.s32 v20, v22;
	v24 =	vnsel vm11, $0x0, v58  }
0x1e1: {  	v59 =	vadd.s32 v19, v22;
	v21 =	vnsel vm13, $0x0, v21  }
0x1e2: {  	v25 =	vnsel vm12, $0x0, v59;
	_ =	sdelay $0x1  }
0x1e3: {  	v22 =	vld.idx.msk [tilespmem:v23+s16+$0x0], $0xffff  }
0x1e4: {  	v23 =	vld.idx.msk [tilespmem:v24+s16+$0x0], $0xffff  }
0x1e5: {  	v21 =	vld.idx.msk [tilespmem:v21+s16+$0x0], $0xffff  }
0x1e6: {  	v60 =	vld.idx.msk [tilespmem:v25+s16+$0x0], $0xffff;
	_ =	sdelay $0x1  }
0x1e7: {  	v22 =	vnsel vm10, $0x0, v22  }
0x1e8: {  	v23 =	vnsel vm11, $0x0, v23;
	[tilespmem:$0x2B00] =	vst v22  }
0x1e9: {  	v21 =	vnsel vm13, $0x0, v21;
	[tilespmem:$0x2B10] =	vst v23  }
0x1ea: {  	v22 =	vnsel vm12, $0x0, v60;
	[tilespmem:$0x2B30] =	vst v21  }
0x1eb: {  	[tilespmem:$0x2B20] =	vst v22  }
0x1ec: {  	v21 =	vld.idx.msk [tilespmem:v3+s15+$0x0], $0xffff  }
0x1ed: {  	v22 =	vld.idx.msk [tilespmem:v3+s20+$0x0], $0xffff;
	_ =	sdelay $0x4  }
0x1ee: {  	vm14 =	vgt.s32 v21, v17;
	v23 =	vadd.s32 v17, v22;
	vm15 =	vgt.s32 v21, v18  }
0x1ef: {  	v61 =	vadd.s32 v18, v22;
	vm6 =	vgt.s32 v21, v19;
	v23 =	vnsel vm14, $0x0, v23  }
0x1f0: {  	vm7 =	vgt.s32 v21, v20;
	v21 =	vadd.s32 v20, v22;
	v24 =	vnsel vm15, $0x0, v61  }
0x1f1: {  	v62 =	vadd.s32 v19, v22;
	v21 =	vnsel vm7, $0x0, v21  }
0x1f2: {  	v25 =	vnsel vm6, $0x0, v62;
	_ =	sdelay $0x1  }
0x1f3: {  	v22 =	vld.idx.msk [tilespmem:v23+s16+$0x0], $0xffff  }
0x1f4: {  	v23 =	vld.idx.msk [tilespmem:v24+s16+$0x0], $0xffff  }
0x1f5: {  	v21 =	vld.idx.msk [tilespmem:v21+s16+$0x0], $0xffff  }
0x1f6: {  	v63 =	vld.idx.msk [tilespmem:v25+s16+$0x0], $0xffff;
	_ =	sdelay $0x1  }
0x1f7: {  	v22 =	vnsel vm14, $0x0, v22  }
0x1f8: {  	v23 =	vnsel vm15, $0x0, v23;
	[tilespmem:$0x2B80] =	vst v22  }
0x1f9: {  	v21 =	vnsel vm7, $0x0, v21;
	[tilespmem:$0x2B90] =	vst v23  }
0x1fa: {  	v22 =	vnsel vm6, $0x0, v63;
	[tilespmem:$0x2BB0] =	vst v21  }
0x1fb: {  	[tilespmem:$0x2BA0] =	vst v22  }
0x1fc: {  	v21 =	vld.idx.msk [tilespmem:v4+s15+$0x0], $0xffff  }
0x1fd: {  	v22 =	vld.idx.msk [tilespmem:v4+s20+$0x0], $0xffff;
	_ =	sdelay $0x4  }
0x1fe: {  	vm8 =	vgt.s32 v21, v17;
	v23 =	vadd.s32 v17, v22;
	vm9 =	vgt.s32 v21, v18  }
0x1ff: {  	v28 =	vadd.s32 v18, v22;
	vm10 =	vgt.s32 v21, v19;
	v23 =	vnsel vm8, $0x0, v23  }
0x200: {  	vm11 =	vgt.s32 v21, v20;
	v21 =	vadd.s32 v20, v22;
	v24 =	vnsel vm9, $0x0, v28  }
0x201: {  	v29 =	vadd.s32 v19, v22;
	v21 =	vnsel vm11, $0x0, v21  }
0x202: {  	v25 =	vnsel vm10, $0x0, v29;
	_ =	sdelay $0x1  }
0x203: {  	v22 =	vld.idx.msk [tilespmem:v23+s16+$0x0], $0xffff  }
0x204: {  	v23 =	vld.idx.msk [tilespmem:v24+s16+$0x0], $0xffff  }
0x205: {  	v21 =	vld.idx.msk [tilespmem:v21+s16+$0x0], $0xffff  }
0x206: {  	v30 =	vld.idx.msk [tilespmem:v25+s16+$0x0], $0xffff;
	_ =	sdelay $0x1  }
0x207: {  	v22 =	vnsel vm8, $0x0, v22  }
0x208: {  	v23 =	vnsel vm9, $0x0, v23;
	[tilespmem:$0x2C00] =	vst v22  }
0x209: {  	v21 =	vnsel vm11, $0x0, v21;
	[tilespmem:$0x2C10] =	vst v23  }
0x20a: {  	v22 =	vnsel vm10, $0x0, v30;
	[tilespmem:$0x2C30] =	vst v21  }
0x20b: {  	[tilespmem:$0x2C20] =	vst v22  }
0x20c: {  	v21 =	vld.idx.msk [tilespmem:v5+s15+$0x0], $0xffff  }
0x20d: {  	v22 =	vld.idx.msk [tilespmem:v5+s20+$0x0], $0xffff;
	_ =	sdelay $0x4  }
0x20e: {  	vm12 =	vgt.s32 v21, v17;
	v23 =	vadd.s32 v17, v22;
	vm13 =	vgt.s32 v21, v18  }
0x20f: {  	v31 =	vadd.s32 v18, v22;
	vm14 =	vgt.s32 v21, v19;
	v23 =	vnsel vm12, $0x0, v23  }
0x210: {  	vm15 =	vgt.s32 v21, v20;
	v21 =	vadd.s32 v20, v22;
	v24 =	vnsel vm13, $0x0, v31  }
0x211: {  	v32 =	vadd.s32 v19, v22;
	v21 =	vnsel vm15, $0x0, v21  }
0x212: {  	v25 =	vnsel vm14, $0x0, v32;
	_ =	sdelay $0x1  }
0x213: {  	v22 =	vld.idx.msk [tilespmem:v23+s16+$0x0], $0xffff  }
0x214: {  	v23 =	vld.idx.msk [tilespmem:v24+s16+$0x0], $0xffff  }
0x215: {  	v21 =	vld.idx.msk [tilespmem:v21+s16+$0x0], $0xffff  }
0x216: {  	v33 =	vld.idx.msk [tilespmem:v25+s16+$0x0], $0xffff;
	_ =	sdelay $0x1  }
0x217: {  	v22 =	vnsel vm12, $0x0, v22  }
0x218: {  	v23 =	vnsel vm13, $0x0, v23;
	[tilespmem:$0x2C80] =	vst v22  }
0x219: {  	v21 =	vnsel vm15, $0x0, v21;
	[tilespmem:$0x2C90] =	vst v23  }
0x21a: {  	v22 =	vnsel vm14, $0x0, v33;
	[tilespmem:$0x2CB0] =	vst v21  }
0x21b: {  	[tilespmem:$0x2CA0] =	vst v22  }
0x21c: {  	v21 =	vld.idx.msk [tilespmem:v6+s15+$0x0], $0xffff  }
0x21d: {  	v22 =	vld.idx.msk [tilespmem:v6+s20+$0x0], $0xffff;
	_ =	sdelay $0x4  }
0x21e: {  	vm6 =	vgt.s32 v21, v17;
	v23 =	vadd.s32 v17, v22;
	vm7 =	vgt.s32 v21, v18  }
0x21f: {  	v34 =	vadd.s32 v18, v22;
	vm8 =	vgt.s32 v21, v19;
	v23 =	vnsel vm6, $0x0, v23  }
0x220: {  	vm9 =	vgt.s32 v21, v20;
	v21 =	vadd.s32 v20, v22;
	v24 =	vnsel vm7, $0x0, v34  }
0x221: {  	v35 =	vadd.s32 v19, v22;
	v21 =	vnsel vm9, $0x0, v21  }
0x222: {  	v25 =	vnsel vm8, $0x0, v35;
	_ =	sdelay $0x1  }
0x223: {  	v22 =	vld.idx.msk [tilespmem:v23+s16+$0x0], $0xffff  }
0x224: {  	v23 =	vld.idx.msk [tilespmem:v24+s16+$0x0], $0xffff  }
0x225: {  	v21 =	vld.idx.msk [tilespmem:v21+s16+$0x0], $0xffff  }
0x226: {  	v36 =	vld.idx.msk [tilespmem:v25+s16+$0x0], $0xffff;
	_ =	sdelay $0x1  }
0x227: {  	v22 =	vnsel vm6, $0x0, v22  }
0x228: {  	v23 =	vnsel vm7, $0x0, v23;
	[tilespmem:$0x2D00] =	vst v22  }
0x229: {  	v21 =	vnsel vm9, $0x0, v21;
	[tilespmem:$0x2D10] =	vst v23  }
0x22a: {  	v22 =	vnsel vm8, $0x0, v36;
	[tilespmem:$0x2D30] =	vst v21  }
0x22b: {  	[tilespmem:$0x2D20] =	vst v22  }
0x22c: {  	v21 =	vld.idx.msk [tilespmem:v7+s15+$0x0], $0xffff  }
0x22d: {  	v22 =	vld.idx.msk [tilespmem:v7+s20+$0x0], $0xffff;
	_ =	sdelay $0x4  }
0x22e: {  	vm10 =	vgt.s32 v21, v17;
	v23 =	vadd.s32 v17, v22;
	vm11 =	vgt.s32 v21, v18  }
0x22f: {  	v37 =	vadd.s32 v18, v22;
	vm12 =	vgt.s32 v21, v19;
	v23 =	vnsel vm10, $0x0, v23  }
0x230: {  	vm13 =	vgt.s32 v21, v20;
	v21 =	vadd.s32 v20, v22;
	v24 =	vnsel vm11, $0x0, v37  }
0x231: {  	v38 =	vadd.s32 v19, v22;
	v21 =	vnsel vm13, $0x0, v21  }
0x232: {  	v25 =	vnsel vm12, $0x0, v38;
	_ =	sdelay $0x1  }
0x233: {  	v22 =	vld.idx.msk [tilespmem:v23+s16+$0x0], $0xffff  }
0x234: {  	v23 =	vld.idx.msk [tilespmem:v24+s16+$0x0], $0xffff  }
0x235: {  	v21 =	vld.idx.msk [tilespmem:v21+s16+$0x0], $0xffff  }
0x236: {  	v39 =	vld.idx.msk [tilespmem:v25+s16+$0x0], $0xffff;
	_ =	sdelay $0x1  }
0x237: {  	v22 =	vnsel vm10, $0x0, v22  }
0x238: {  	v23 =	vnsel vm11, $0x0, v23;
	[tilespmem:$0x2D80] =	vst v22  }
0x239: {  	v21 =	vnsel vm13, $0x0, v21;
	[tilespmem:$0x2D90] =	vst v23  }
0x23a: {  	v22 =	vnsel vm12, $0x0, v39;
	[tilespmem:$0x2DB0] =	vst v21  }
0x23b: {  	[tilespmem:$0x2DA0] =	vst v22  }
0x23c: {  	v21 =	vld.idx.msk [tilespmem:v8+s15+$0x0], $0xffff  }
0x23d: {  	v22 =	vld.idx.msk [tilespmem:v8+s20+$0x0], $0xffff;
	_ =	sdelay $0x4  }
0x23e: {  	vm14 =	vgt.s32 v21, v17;
	v23 =	vadd.s32 v17, v22;
	vm15 =	vgt.s32 v21, v18  }
0x23f: {  	v40 =	vadd.s32 v18, v22;
	vm6 =	vgt.s32 v21, v19;
	v23 =	vnsel vm14, $0x0, v23  }
0x240: {  	vm7 =	vgt.s32 v21, v20;
	v21 =	vadd.s32 v20, v22;
	v24 =	vnsel vm15, $0x0, v40  }
0x241: {  	v41 =	vadd.s32 v19, v22;
	v21 =	vnsel vm7, $0x0, v21  }
0x242: {  	v25 =	vnsel vm6, $0x0, v41;
	_ =	sdelay $0x1  }
0x243: {  	v22 =	vld.idx.msk [tilespmem:v23+s16+$0x0], $0xffff  }
0x244: {  	v23 =	vld.idx.msk [tilespmem:v24+s16+$0x0], $0xffff  }
0x245: {  	v21 =	vld.idx.msk [tilespmem:v21+s16+$0x0], $0xffff  }
0x246: {  	v42 =	vld.idx.msk [tilespmem:v25+s16+$0x0], $0xffff;
	_ =	sdelay $0x1  }
0x247: {  	v22 =	vnsel vm14, $0x0, v22  }
0x248: {  	v23 =	vnsel vm15, $0x0, v23;
	[tilespmem:$0x2E00] =	vst v22  }
0x249: {  	v21 =	vnsel vm7, $0x0, v21;
	[tilespmem:$0x2E10] =	vst v23  }
0x24a: {  	v22 =	vnsel vm6, $0x0, v42;
	[tilespmem:$0x2E30] =	vst v21  }
0x24b: {  	[tilespmem:$0x2E20] =	vst v22  }
0x24c: {  	v21 =	vld.idx.msk [tilespmem:v9+s15+$0x0], $0xffff  }
0x24d: {  	v22 =	vld.idx.msk [tilespmem:v9+s20+$0x0], $0xffff;
	_ =	sdelay $0x4  }
0x24e: {  	vm8 =	vgt.s32 v21, v17;
	v23 =	vadd.s32 v17, v22;
	vm9 =	vgt.s32 v21, v18  }
0x24f: {  	v43 =	vadd.s32 v18, v22;
	vm10 =	vgt.s32 v21, v19;
	v23 =	vnsel vm8, $0x0, v23  }
0x250: {  	vm11 =	vgt.s32 v21, v20;
	v21 =	vadd.s32 v20, v22;
	v24 =	vnsel vm9, $0x0, v43  }
0x251: {  	v44 =	vadd.s32 v19, v22;
	v21 =	vnsel vm11, $0x0, v21  }
0x252: {  	v25 =	vnsel vm10, $0x0, v44;
	_ =	sdelay $0x1  }
0x253: {  	v22 =	vld.idx.msk [tilespmem:v23+s16+$0x0], $0xffff  }
0x254: {  	v23 =	vld.idx.msk [tilespmem:v24+s16+$0x0], $0xffff  }
0x255: {  	v21 =	vld.idx.msk [tilespmem:v21+s16+$0x0], $0xffff  }
0x256: {  	v45 =	vld.idx.msk [tilespmem:v25+s16+$0x0], $0xffff;
	_ =	sdelay $0x1  }
0x257: {  	v22 =	vnsel vm8, $0x0, v22  }
0x258: {  	v23 =	vnsel vm9, $0x0, v23;
	[tilespmem:$0x2E80] =	vst v22  }
0x259: {  	v21 =	vnsel vm11, $0x0, v21;
	[tilespmem:$0x2E90] =	vst v23  }
0x25a: {  	v22 =	vnsel vm10, $0x0, v45;
	[tilespmem:$0x2EB0] =	vst v21  }
0x25b: {  	[tilespmem:$0x2EA0] =	vst v22  }
0x25c: {  	v21 =	vld.idx.msk [tilespmem:v10+s15+$0x0], $0xffff  }
0x25d: {  	v22 =	vld.idx.msk [tilespmem:v10+s20+$0x0], $0xffff;
	_ =	sdelay $0x4  }
0x25e: {  	vm12 =	vgt.s32 v21, v17;
	v23 =	vadd.s32 v17, v22;
	vm13 =	vgt.s32 v21, v18  }
0x25f: {  	v46 =	vadd.s32 v18, v22;
	vm14 =	vgt.s32 v21, v19;
	v23 =	vnsel vm12, $0x0, v23  }
0x260: {  	vm15 =	vgt.s32 v21, v20;
	v21 =	vadd.s32 v20, v22;
	v24 =	vnsel vm13, $0x0, v46  }
0x261: {  	v47 =	vadd.s32 v19, v22;
	v21 =	vnsel vm15, $0x0, v21  }
0x262: {  	v25 =	vnsel vm14, $0x0, v47;
	_ =	sdelay $0x1  }
0x263: {  	v22 =	vld.idx.msk [tilespmem:v23+s16+$0x0], $0xffff  }
0x264: {  	v23 =	vld.idx.msk [tilespmem:v24+s16+$0x0], $0xffff  }
0x265: {  	v21 =	vld.idx.msk [tilespmem:v21+s16+$0x0], $0xffff  }
0x266: {  	v48 =	vld.idx.msk [tilespmem:v25+s16+$0x0], $0xffff;
	_ =	sdelay $0x1  }
0x267: {  	v22 =	vnsel vm12, $0x0, v22  }
0x268: {  	v23 =	vnsel vm13, $0x0, v23;
	[tilespmem:$0x2F00] =	vst v22  }
0x269: {  	v21 =	vnsel vm15, $0x0, v21;
	[tilespmem:$0x2F10] =	vst v23  }
0x26a: {  	v22 =	vnsel vm14, $0x0, v48;
	[tilespmem:$0x2F30] =	vst v21  }
0x26b: {  	[tilespmem:$0x2F20] =	vst v22  }
0x26c: {  	v21 =	vld.idx.msk [tilespmem:v11+s15+$0x0], $0xffff  }
0x26d: {  	v22 =	vld.idx.msk [tilespmem:v11+s20+$0x0], $0xffff;
	_ =	sdelay $0x4  }
0x26e: {  	vm6 =	vgt.s32 v21, v17;
	v23 =	vadd.s32 v17, v22;
	vm7 =	vgt.s32 v21, v18  }
0x26f: {  	v49 =	vadd.s32 v18, v22;
	vm8 =	vgt.s32 v21, v19;
	v23 =	vnsel vm6, $0x0, v23  }
0x270: {  	vm9 =	vgt.s32 v21, v20;
	v21 =	vadd.s32 v20, v22;
	v24 =	vnsel vm7, $0x0, v49  }
0x271: {  	v50 =	vadd.s32 v19, v22;
	v21 =	vnsel vm9, $0x0, v21  }
0x272: {  	v25 =	vnsel vm8, $0x0, v50;
	_ =	sdelay $0x1  }
0x273: {  	v22 =	vld.idx.msk [tilespmem:v23+s16+$0x0], $0xffff  }
0x274: {  	v23 =	vld.idx.msk [tilespmem:v24+s16+$0x0], $0xffff  }
0x275: {  	v21 =	vld.idx.msk [tilespmem:v21+s16+$0x0], $0xffff  }
0x276: {  	v51 =	vld.idx.msk [tilespmem:v25+s16+$0x0], $0xffff;
	_ =	sdelay $0x1  }
0x277: {  	v22 =	vnsel vm6, $0x0, v22  }
0x278: {  	v23 =	vnsel vm7, $0x0, v23;
	[tilespmem:$0x2F80] =	vst v22  }
0x279: {  	v21 =	vnsel vm9, $0x0, v21;
	[tilespmem:$0x2F90] =	vst v23  }
0x27a: {  	v22 =	vnsel vm8, $0x0, v51;
	[tilespmem:$0x2FB0] =	vst v21  }
0x27b: {  	[tilespmem:$0x2FA0] =	vst v22  }
0x27c: {  	v21 =	vld.idx.msk [tilespmem:v12+s15+$0x0], $0xffff  }
0x27d: {  	v22 =	vld.idx.msk [tilespmem:v12+s20+$0x0], $0xffff;
	_ =	sdelay $0x4  }
0x27e: {  	vm10 =	vgt.s32 v21, v17;
	v23 =	vadd.s32 v17, v22;
	vm11 =	vgt.s32 v21, v18  }
0x27f: {  	v52 =	vadd.s32 v18, v22;
	vm12 =	vgt.s32 v21, v19;
	v23 =	vnsel vm10, $0x0, v23  }
0x280: {  	vm13 =	vgt.s32 v21, v20;
	v21 =	vadd.s32 v20, v22;
	v24 =	vnsel vm11, $0x0, v52  }
0x281: {  	v53 =	vadd.s32 v19, v22;
	v21 =	vnsel vm13, $0x0, v21  }
0x282: {  	v25 =	vnsel vm12, $0x0, v53;
	_ =	sdelay $0x1  }
0x283: {  	v22 =	vld.idx.msk [tilespmem:v23+s16+$0x0], $0xffff  }
0x284: {  	v23 =	vld.idx.msk [tilespmem:v24+s16+$0x0], $0xffff  }
0x285: {  	v21 =	vld.idx.msk [tilespmem:v21+s16+$0x0], $0xffff  }
0x286: {  	v54 =	vld.idx.msk [tilespmem:v25+s16+$0x0], $0xffff;
	_ =	sdelay $0x1  }
0x287: {  	v22 =	vnsel vm10, $0x0, v22  }
0x288: {  	v23 =	vnsel vm11, $0x0, v23;
	[tilespmem:$0x3000] =	vst v22  }
0x289: {  	v21 =	vnsel vm13, $0x0, v21;
	[tilespmem:$0x3010] =	vst v23  }
0x28a: {  	v22 =	vnsel vm12, $0x0, v54;
	[tilespmem:$0x3030] =	vst v21  }
0x28b: {  	[tilespmem:$0x3020] =	vst v22  }
0x28c: {  	v21 =	vld.idx.msk [tilespmem:v13+s15+$0x0], $0xffff  }
0x28d: {  	v22 =	vld.idx.msk [tilespmem:v13+s20+$0x0], $0xffff;
	_ =	sdelay $0x4  }
0x28e: {  	vm14 =	vgt.s32 v21, v17;
	v23 =	vadd.s32 v17, v22;
	vm15 =	vgt.s32 v21, v18  }
0x28f: {  	v55 =	vadd.s32 v18, v22;
	vm6 =	vgt.s32 v21, v19;
	v23 =	vnsel vm14, $0x0, v23  }
0x290: {  	vm7 =	vgt.s32 v21, v20;
	v21 =	vadd.s32 v20, v22;
	v24 =	vnsel vm15, $0x0, v55  }
0x291: {  	v56 =	vadd.s32 v19, v22;
	v21 =	vnsel vm7, $0x0, v21  }
0x292: {  	v25 =	vnsel vm6, $0x0, v56;
	_ =	sdelay $0x1  }
0x293: {  	v22 =	vld.idx.msk [tilespmem:v23+s16+$0x0], $0xffff  }
0x294: {  	v23 =	vld.idx.msk [tilespmem:v24+s16+$0x0], $0xffff  }
0x295: {  	v21 =	vld.idx.msk [tilespmem:v21+s16+$0x0], $0xffff  }
0x296: {  	v57 =	vld.idx.msk [tilespmem:v25+s16+$0x0], $0xffff;
	_ =	sdelay $0x1  }
0x297: {  	v22 =	vnsel vm14, $0x0, v22  }
0x298: {  	v23 =	vnsel vm15, $0x0, v23;
	[tilespmem:$0x3080] =	vst v22  }
0x299: {  	v21 =	vnsel vm7, $0x0, v21;
	[tilespmem:$0x3090] =	vst v23  }
0x29a: {  	v22 =	vnsel vm6, $0x0, v57;
	[tilespmem:$0x30B0] =	vst v21  }
0x29b: {  	[tilespmem:$0x30A0] =	vst v22  }
0x29c: {  	v21 =	vld.idx.msk [tilespmem:v14+s15+$0x0], $0xffff  }
0x29d: {  	v22 =	vld.idx.msk [tilespmem:v14+s20+$0x0], $0xffff;
	_ =	sdelay $0x4  }
0x29e: {  	vm8 =	vgt.s32 v21, v17;
	v23 =	vadd.s32 v17, v22;
	vm9 =	vgt.s32 v21, v18  }
0x29f: {  	v58 =	vadd.s32 v18, v22;
	vm10 =	vgt.s32 v21, v19;
	v23 =	vnsel vm8, $0x0, v23  }
0x2a0: {  	vm11 =	vgt.s32 v21, v20;
	v21 =	vadd.s32 v20, v22;
	v24 =	vnsel vm9, $0x0, v58  }
0x2a1: {  	v59 =	vadd.s32 v19, v22;
	v21 =	vnsel vm11, $0x0, v21  }
0x2a2: {  	v25 =	vnsel vm10, $0x0, v59;
	_ =	sdelay $0x1  }
0x2a3: {  	v22 =	vld.idx.msk [tilespmem:v23+s16+$0x0], $0xffff  }
0x2a4: {  	v23 =	vld.idx.msk [tilespmem:v24+s16+$0x0], $0xffff  }
0x2a5: {  	v21 =	vld.idx.msk [tilespmem:v21+s16+$0x0], $0xffff  }
0x2a6: {  	v60 =	vld.idx.msk [tilespmem:v25+s16+$0x0], $0xffff;
	_ =	sdelay $0x1  }
0x2a7: {  	v22 =	vnsel vm8, $0x0, v22  }
0x2a8: {  	v23 =	vnsel vm9, $0x0, v23;
	[tilespmem:$0x3100] =	vst v22  }
0x2a9: {  	v21 =	vnsel vm11, $0x0, v21;
	[tilespmem:$0x3110] =	vst v23  }
0x2aa: {  	v22 =	vnsel vm10, $0x0, v60;
	[tilespmem:$0x3130] =	vst v21  }
0x2ab: {  	[tilespmem:$0x3120] =	vst v22  }
0x2ac: {  	v21 =	vld.idx.msk [tilespmem:v15+s15+$0x0], $0xffff  }
0x2ad: {  	v22 =	vld.idx.msk [tilespmem:v15+s20+$0x0], $0xffff;
	_ =	sdelay $0x4  }
0x2ae: {  	vm12 =	vgt.s32 v21, v17;
	v23 =	vadd.s32 v17, v22;
	vm13 =	vgt.s32 v21, v18  }
0x2af: {  	v61 =	vadd.s32 v18, v22;
	vm14 =	vgt.s32 v21, v19;
	v23 =	vnsel vm12, $0x0, v23  }
0x2b0: {  	vm15 =	vgt.s32 v21, v20;
	v21 =	vadd.s32 v20, v22;
	v24 =	vnsel vm13, $0x0, v61  }
0x2b1: {  	v62 =	vadd.s32 v19, v22;
	v21 =	vnsel vm15, $0x0, v21  }
0x2b2: {  	v25 =	vnsel vm14, $0x0, v62;
	_ =	sdelay $0x1  }
0x2b3: {  	v22 =	vld.idx.msk [tilespmem:v23+s16+$0x0], $0xffff  }
0x2b4: {  	v23 =	vld.idx.msk [tilespmem:v24+s16+$0x0], $0xffff  }
0x2b5: {  	v21 =	vld.idx.msk [tilespmem:v21+s16+$0x0], $0xffff  }
0x2b6: {  	v63 =	vld.idx.msk [tilespmem:v25+s16+$0x0], $0xffff;
	_ =	sdelay $0x1  }
0x2b7: {  	v22 =	vnsel vm12, $0x0, v22  }
0x2b8: {  	v23 =	vnsel vm13, $0x0, v23;
	[tilespmem:$0x3180] =	vst v22  }
0x2b9: {  	v21 =	vnsel vm15, $0x0, v21;
	[tilespmem:$0x3190] =	vst v23  }
0x2ba: {  	v22 =	vnsel vm14, $0x0, v63;
	[tilespmem:$0x31B0] =	vst v21  }
0x2bb: {  	[tilespmem:$0x31A0] =	vst v22  }
0x2bc: {  	[hbm4b:s8+s2] =	stream.linear.scatter [tilespmem:s21], [sflag:$0x3], $0x800, $0x38;
	[tilespmem:$0x3200] =	vst v63  }
0x2bd: {  	_ =	swait.ge [sflag:s11], $0x800  }
0x2be: {  	[sflag:s11] =	ssyncset.done $0x0  }
0x2bf: {  	[sflag:s11] =	ssyncadd.s32 $0xFFFFF800  }
0x2c0: {  	_ =	swait.ge [sflag:s22], $0x400  }
0x2c1: {  	[sflag:s22] =	ssyncset.done $0x0  }
0x2c2: {  	[sflag:s22] =	ssyncadd.s32 $0xFFFFFC00  }
0x2c3: {  	_ =	swait.ge [sflag:s22], $0x400  }
0x2c4: {  	[sflag:s22] =	ssyncset.done $0x0  }
0x2c5: {  	[sflag:s22] =	ssyncadd.s32 $0xFFFFFC00  }
0x2c6: {  	p0 =	sne.s32 s9, $0x1;
	_ =	swait.ge [sflag:s23], $0xF80  }
.Ltmp0:
0x2c7: {  	[sflag:s23] =	ssyncset.done $0x0;
	(pc) =	sbr.rel @p0 .LBB2_1-.Ltmp0, $4  }
0x2c8: {  	[sflag:s23] =	ssyncadd.s32 $0xFFFFF080  }
0x2c9: {  	_ =	swait.ge [sflag:s23], $0xF80  }
0x2ca: {  	[sflag:s23] =	ssyncset.done $0x0  }
0x2cb: {  	s9 =	sadd.s32 $0xFFFFFFFF, s9;
	[sflag:s23] =	ssyncadd.s32 $0xFFFFF080  }
0x2cc: {  	_ =	sfence.sel $0x180000  }
0x2cd: {  	[bflag:$0x0] =	sbarrier.arrive $0xFFFF  }
0x2ce: {  	p0 =	sne.s32 s1, $0x0;
	_ =	strace $0x90000047  }
0x2cf: {  	s0 =	sadd.s32 @!p0 $0x100000, s0;
	[bflag:$0x2] =	sbarrier.arrive $0xFFFF  }
0x2d0: {  	[sflag:s0] =	ssyncadd.tile.s32 @!p0 $0x1;
	_ =	shalt  }
.Lfunc_end2:
_tile_overlayer_lowered:
.L_overlay_start_2:
0x2d1: {  	(tag) =	ssettag $0x2  }
0x2d2: {  	s0 =	rddreg [dreg:$0x0];
	s2 =	stileid.u32  }
0x2d3: {  	s1 =	rddreg [dreg:$0x1];
	p0 =	sne.s32 s2, $0x0  }
0x2d4: {  	s3 =	rddreg [dreg:$0x2];
	[bflag:$0x3] =	sbarrier.arrive $0xFFFF;
	s2 =	simm.s32 @!p0 $0x1C03  }
0x2d5: {  	[timem:s3], [sflag:s2] =	dma.local @!p0 [hbm:s0], s1  }
0x2d6: {  	s0 =	simm.s32 @!p0 $0x3  }
0x2d7: {  	_ =	swait.ge @!p0 [sflag:s0], s1  }
0x2d8: {  	s1 =	ssub.s32 @!p0 $0x0, s1;
	[sflag:s0] =	ssyncset.done @!p0 $0x0  }
0x2d9: {  	[sflag:s0] =	ssyncadd.s32 @!p0 s1  }
0x2da: {  	[bflag:$0x3] =	sbarrier.arrive $0xFFFF  }
0x2db: {  	_ =	shalt  }

</sc_bundles>
